<compile_context>
chip_gen: v7x
topology: tpu7x:2x2x1
jax: 0.10.2.dev20260603
libtpu: 0.0.44.dev20260713+nightly
codegen_flags: <defaults>
</compile_context>

<pallas_src>
import jax
import jax.numpy as jnp
from jax import lax
from jax.experimental import pallas as pl
from jax.experimental.pallas import tpu as pltpu
from jax.experimental.pallas import tpu_sc as plsc

DIM = 128
L = 20
B = 1024
SB = 8
SBL = SB * L
BB = 256
NSUB = BB // SB

_NEG = -9e15

NC = 2
NS = 16
NW = NC * NS
PW = 2 * B * L // NW
CH = 128

PWH = (B * L) // NW
NCHH = PWH // CH
SPW = B // NW


def _sc_gather_body(table_hbm, idx_hbm, mask_hbm, out_h, out_s,
                    idx_v, rows_a, rows_b, big_i, mask_v, sums_v,
                    sem_a, sem_b, sem_i, sem_oa, sem_ob):
    wid = lax.axis_index("s") * NC + lax.axis_index("c")
    base = wid * PWH
    pltpu.sync_copy(idx_hbm.at[pl.ds(base, PWH)], idx_v.at[pl.ds(0, PWH)])
    pltpu.sync_copy(idx_hbm.at[pl.ds(B * L + base, PWH)],
                    idx_v.at[pl.ds(PWH, PWH)])
    pltpu.sync_copy(mask_hbm.at[pl.ds(wid * SPW, SPW)], mask_v)

    def item_copy(c):
        return pltpu.make_async_copy(
            table_hbm.at[idx_v.at[pl.ds(PWH + c * CH, CH)]],
            big_i.at[pl.ds(c * CH, CH)], sem_i)

    for c in range(NCHH):
        pltpu.async_copy(
            table_hbm.at[idx_v.at[pl.ds(PWH + c * CH, CH)]],
            big_i.at[pl.ds(c * CH, CH)], sem_i)

    bufs = (rows_a, rows_b)
    sems = (sem_a, sem_b)

    def start(c):
        pltpu.async_copy(
            table_hbm.at[idx_v.at[pl.ds(c * CH, CH)]], bufs[c % 2],
            sems[c % 2])

    osems = (sem_oa, sem_ob)

    def store_copy(c):
        return pltpu.make_async_copy(
            bufs[c % 2], out_h.at[pl.ds(base + c * CH, CH)], osems[c % 2])

    start(0)
    for c in range(NCHH):
        pltpu.make_async_copy(
            table_hbm.at[idx_v.at[pl.ds(c * CH, CH)]], bufs[c % 2],
            sems[c % 2]).wait()
        pltpu.async_copy(bufs[c % 2],
                         out_h.at[pl.ds(base + c * CH, CH)], osems[c % 2])
        if c + 1 < NCHH:
            if c >= 1:
                store_copy(c - 1).wait()
            start(c + 1)
    for c in range(max(0, NCHH - 2), NCHH):
        store_copy(c).wait()

    for c in range(NCHH):
        item_copy(c).wait()

    def session(j, _):
        ma = mask_v[j, pl.ds(0, 16)]
        mb = mask_v[j, pl.ds(16, 16)]
        accs = [jnp.zeros((16,), jnp.float32) for _ in range(DIM // 16)]
        for r in range(L):
            mv = ma[r] if r < 16 else mb[r - 16]
            for cc in range(DIM // 16):
                accs[cc] = accs[cc] + mv * big_i[j * L + r,
                                                 pl.ds(cc * 16, 16)]
        for cc in range(DIM // 16):
            sums_v[j, pl.ds(cc * 16, 16)] = accs[cc]
        return 0

    jax.lax.fori_loop(0, SPW, session, 0)
    pltpu.sync_copy(sums_v, out_s.at[pl.ds(wid * SPW, SPW)])


def _sc_gather(embedding, flat_idx, mask_item):
    mesh = plsc.VectorSubcoreMesh(core_axis_name="c", subcore_axis_name="s")
    return pl.kernel(
        _sc_gather_body,
        mesh=mesh,
        out_type=[
            jax.ShapeDtypeStruct((B * L, DIM), jnp.float32),
            jax.ShapeDtypeStruct((B, DIM), jnp.float32),
        ],
        scratch_types=[
            pltpu.VMEM((PW,), jnp.int32),
            pltpu.VMEM((CH, DIM), jnp.float32),
            pltpu.VMEM((CH, DIM), jnp.float32),
            pltpu.VMEM((PWH, DIM), jnp.float32),
            pltpu.VMEM((SPW, 32), jnp.float32),
            pltpu.VMEM((SPW, DIM), jnp.float32),
            pltpu.SemaphoreType.DMA,
            pltpu.SemaphoreType.DMA,
            pltpu.SemaphoreType.DMA,
            pltpu.SemaphoreType.DMA,
            pltpu.SemaphoreType.DMA,
        ],
    )(embedding, flat_idx, mask_item)


def _leaky(x):
    return jnp.where(x >= 0, x, 0.2 * x)


def _tc_body(h_ref, adj_ref, amat_ref, sums_ref, maskf_ref,
             w1_ref, b1_ref, w2_ref, b2_ref, out_ref, anchor_ref):
    hload = h_ref[...]
    amat = amat_ref[...]
    adjload = adj_ref[...]
    rg = jax.lax.broadcasted_iota(jnp.int32, (SBL, SBL), 0) % SB
    cg = jax.lax.broadcasted_iota(jnp.int32, (SBL, SBL), 1) % SB
    bd = rg == cg
    selc = jax.lax.broadcasted_iota(jnp.int32, (L, SBL), 0)
    selj = jax.lax.broadcasted_iota(jnp.int32, (L, SBL), 1) // SB
    sel = (selc == selj).astype(jnp.float32)

    hss, e_alls, mrs = [], [], []
    for s in range(NSUB):
        hs = hload[:, s * SB:(s + 1) * SB, :].reshape(SBL, DIM)
        u = jnp.concatenate(
            [hs * amat[k:k + 1, :] for k in range(4)], axis=0)
        e_all = jax.lax.dot_general(
            u, hs, (((1,), (1,)), ((), ())),
            preferred_element_type=jnp.float32)
        adjs = adjload[:, s * SB:(s + 1) * SB, :].reshape(SBL, L)
        rep = jax.lax.dot_general(
            adjs.astype(jnp.float32), sel, (((1,), (0,)), ((), ())),
            preferred_element_type=jnp.float32)
        hss.append(hs)
        e_alls.append(e_all)
        mrs.append(jnp.where(bd, rep, 5.0))

    for s in range(NSUB):
        e_all, mr = e_alls[s], mrs[s]
        alpha = jnp.where(
            mr == 1.0, e_all[0:SBL, :],
            jnp.where(mr == 2.0, e_all[SBL:2 * SBL, :],
                      jnp.where(mr == 3.0, e_all[2 * SBL:3 * SBL, :],
                                jnp.where(mr == 4.0, e_all[3 * SBL:, :],
                                          jnp.where(mr == 5.0, -jnp.inf,
                                                    _NEG)))))
        alpha = _leaky(alpha)
        m = jnp.max(alpha, axis=1, keepdims=True)
        p = jnp.exp(alpha - m)
        p = p / jnp.sum(p, axis=1, keepdims=True)
        out_s = jax.lax.dot_general(
            p, hss[s], (((1,), (0,)), ((), ())),
            preferred_element_type=jnp.float32)
        out_ref[:, s * SB:(s + 1) * SB, :] = out_s.reshape(L, SB, DIM)

    maskf = maskf_ref[...].astype(jnp.float32)
    s_emb = sums_ref[...]
    cnt = jnp.sum(maskf, axis=1, keepdims=True)
    mean = s_emb / cnt
    hidden = jnp.maximum(
        jax.lax.dot_general(mean, w1_ref[...], (((1,), (0,)), ((), ())),
                            preferred_element_type=jnp.float32)
        + b1_ref[0:1, :], 0.0)
    anchor_ref[...] = (
        jax.lax.dot_general(hidden, w2_ref[...], (((1,), (0,)), ((), ())),
                            preferred_element_type=jnp.float32)
        + b2_ref[0:1, :])


def _tc_call(ht, item_sums, adj_t, amat, mask_item, w1, b1, w2, b2):
    grid = (B // BB,)
    return pl.pallas_call(
        _tc_body,
        grid=grid,
        in_specs=[
            pl.BlockSpec((L, BB, DIM), lambda i: (0, i, 0)),
            pl.BlockSpec((L, BB, L), lambda i: (0, i, 0)),
            pl.BlockSpec((8, DIM), lambda i: (0, 0)),
            pl.BlockSpec((BB, DIM), lambda i: (i, 0)),
            pl.BlockSpec((BB, L), lambda i: (i, 0)),
            pl.BlockSpec((DIM, DIM), lambda i: (0, 0)),
            pl.BlockSpec((8, DIM), lambda i: (0, 0)),
            pl.BlockSpec((DIM, DIM), lambda i: (0, 0)),
            pl.BlockSpec((8, DIM), lambda i: (0, 0)),
        ],
        out_specs=[
            pl.BlockSpec((L, BB, DIM), lambda i: (0, i, 0)),
            pl.BlockSpec((BB, DIM), lambda i: (i, 0)),
        ],
        out_shape=[
            jax.ShapeDtypeStruct((L, B, DIM), jnp.float32),
            jax.ShapeDtypeStruct((B, DIM), jnp.float32),
        ],
    )(ht, adj_t, amat, item_sums, mask_item, w1, b1, w2, b2)


def kernel(inputs, adj, mask_item, item, data, hg_adj, embedding, adj_all,
           num, a_0, a_1, a_2, a_3, mlp_w1, mlp_b1, mlp_w2, mlp_b2):
    flat_idx = jnp.concatenate([inputs.T.reshape(-1), item.reshape(-1)])
    maskp = jnp.pad(mask_item.astype(jnp.float32), ((0, 0), (0, 32 - L)))
    h_flat, item_sums = _sc_gather(embedding, flat_idx, maskp)
    ht = h_flat.reshape(L, B, DIM)
    adj_t = adj.transpose(1, 0, 2)
    amat = jnp.concatenate(
        [a_0.T, a_1.T, a_2.T, a_3.T,
         jnp.zeros((4, DIM), jnp.float32)], axis=0)
    b1 = jnp.broadcast_to(mlp_b1[None, :], (8, DIM))
    b2 = jnp.broadcast_to(mlp_b2[None, :], (8, DIM))
    out_t, anchor = _tc_call(ht, item_sums, adj_t, amat, mask_item,
                             mlp_w1, b1, mlp_w2, b2)
    return (out_t.transpose(1, 0, 2), anchor)

# --- scband reference (transcript-rebuilt; emitter-appended) ---
"""Pipeline reference for scband-combine-graph-81475529605832 (READ-ONLY COPY).

The authoritative reference and input builder live on the scoring server;
editing this copy changes nothing except your own understanding.
"""

import jax, jax.numpy as jnp
import numpy as np

DIM = 128
NUM_NODE = 100000
N_SAMPLE = 12
ALPHA = 0.2
B, L = 1024, 20


def _leaky_relu(x):
    return jnp.where(x >= 0, x, ALPHA * x)


def setup_inputs(seed: int = 0) -> dict:
    key = jax.random.key(seed)
    ks = jax.random.split(key, 16)
    stdv = 1.0 / np.sqrt(DIM)

    def unif(k, shape):
        return jax.random.uniform(k, shape, minval=-stdv, maxval=stdv, dtype=jnp.float32)

    inputs = jax.random.randint(ks[0], (B, L), 0, NUM_NODE)
    adj = jax.random.randint(ks[1], (B, L, L), 0, 5)
    mask_item = jax.random.randint(ks[2], (B, L), 0, 2).at[:, 0].set(1)
    item = jax.random.randint(ks[3], (B, L), 0, NUM_NODE)
    data = jnp.zeros((1,), jnp.float32)
    hg_adj = jnp.zeros((1,), jnp.float32)
    embedding = unif(ks[4], (NUM_NODE, DIM))
    adj_all = jax.random.randint(ks[5], (NUM_NODE, N_SAMPLE), 0, NUM_NODE)
    num = jax.random.uniform(ks[6], (NUM_NODE, N_SAMPLE), dtype=jnp.float32)
    a_0 = unif(ks[7], (DIM, 1))
    a_1 = unif(ks[8], (DIM, 1))
    a_2 = unif(ks[9], (DIM, 1))
    a_3 = unif(ks[10], (DIM, 1))
    mlp_w1 = unif(ks[11], (DIM, DIM))
    mlp_b1 = unif(ks[12], (DIM,))
    mlp_w2 = unif(ks[13], (DIM, DIM))
    mlp_b2 = unif(ks[14], (DIM,))
    return {"inputs": inputs, "adj": adj, "mask_item": mask_item, "item": item,
            "data": data, "hg_adj": hg_adj, "embedding": embedding,
            "adj_all": adj_all, "num": num,
            "a_0": a_0, "a_1": a_1, "a_2": a_2, "a_3": a_3,
            "mlp_w1": mlp_w1, "mlp_b1": mlp_b1, "mlp_w2": mlp_w2, "mlp_b2": mlp_b2}


def _local_agg(hidden, adj, a0, a1, a2, a3):
    # a_input[b, j, m, :] = hidden[b, j, :] * hidden[b, m, :]
    a_input = hidden[:, :, None, :] * hidden[:, None, :, :]
    e_0 = _leaky_relu(jnp.matmul(a_input, a0)[..., 0])
    e_1 = _leaky_relu(jnp.matmul(a_input, a1)[..., 0])
    e_2 = _leaky_relu(jnp.matmul(a_input, a2)[..., 0])
    e_3 = _leaky_relu(jnp.matmul(a_input, a3)[..., 0])
    neg = jnp.full_like(e_0, -9e15)
    alpha = jnp.where(adj == 1, e_0, neg)
    alpha = jnp.where(adj == 2, e_1, alpha)
    alpha = jnp.where(adj == 3, e_2, alpha)
    alpha = jnp.where(adj == 4, e_3, alpha)
    alpha = jax.nn.softmax(alpha, axis=-1)
    return jnp.matmul(alpha, hidden)


def reference(inputs, adj, mask_item, item, data, hg_adj, embedding, adj_all, num,
              a_0, a_1, a_2, a_3, mlp_w1, mlp_b1, mlp_w2, mlp_b2):
    # hop = 1 local aggregation
    h = jnp.take(embedding, inputs, axis=0)
    h_local = _local_agg(h, adj, a_0, a_1, a_2, a_3)
    # neighbor sampling self.sample(): gathers from adj_all / num
    flat = inputs.reshape(-1)
    item_sample = jnp.take(adj_all, flat, axis=0)
    weight_sample = jnp.take(num, flat, axis=0)
    item_neighbors = item_sample.reshape(inputs.shape[0], inputs.shape[1] * N_SAMPLE)
    # anchor branch
    mask_f = mask_item.astype(jnp.float32)
    item_emb = jnp.take(embedding, item, axis=0) * mask_f[..., None]
    sum_item_emb = jnp.sum(item_emb, axis=1) / jnp.sum(mask_f, axis=-1)[..., None]
    hidden_mlp = jax.nn.relu(jnp.matmul(sum_item_emb, mlp_w1) + mlp_b1)
    anchor = jnp.matmul(hidden_mlp, mlp_w2) + mlp_b2
    output = h_local  # F.dropout is identity at inference
    _ = (item_neighbors, weight_sample, data, hg_adj)
    return (output, anchor)

if __name__ == "__main__":
    import jax
    _d = setup_inputs()
    print(jax.jit(kernel)(*tuple(_d.values())))

</pallas_src>

<mosaic_0001>
#map = affine_map<(d0, d1) -> (0, 0)>
#map1 = affine_map<(d0, d1) -> (0)>
module attributes {stable_mosaic.version = 14 : i64} {
  func.func @_sc_gather_body(%arg0: i32, %arg1: i32, %arg2: memref<100000x128xf32, #tpu.memory_space<hbm>>, %arg3: memref<40960xi32, #tpu.memory_space<hbm>>, %arg4: memref<1024x32xf32, #tpu.memory_space<hbm>>, %arg5: memref<20480x128xf32, #tpu.memory_space<hbm>>, %arg6: memref<1024x128xf32, #tpu.memory_space<hbm>>, %arg7: memref<1280xi32, #tpu.memory_space<vmem>>, %arg8: memref<128x128xf32, #tpu.memory_space<vmem>>, %arg9: memref<128x128xf32, #tpu.memory_space<vmem>>, %arg10: memref<640x128xf32, #tpu.memory_space<vmem>>, %arg11: memref<32x32xf32, #tpu.memory_space<vmem>>, %arg12: memref<32x128xf32, #tpu.memory_space<vmem>>, %arg13: memref<!tpu.dma_semaphore, #tpu.memory_space<semaphore_mem>>, %arg14: memref<!tpu.dma_semaphore, #tpu.memory_space<semaphore_mem>>, %arg15: memref<!tpu.dma_semaphore, #tpu.memory_space<semaphore_mem>>, %arg16: memref<!tpu.dma_semaphore, #tpu.memory_space<semaphore_mem>>, %arg17: memref<!tpu.dma_semaphore, #tpu.memory_space<semaphore_mem>>) attributes {dimension_semantics = [#tpu.dimension_semantics<core_parallel>, #tpu.dimension_semantics<subcore_parallel>], iteration_bounds = array<i64: 2, 16>, scalar_prefetch = 0 : i64, scratch_operands = 11 : i64, tpu.core_type = #tpu.core_type<sc_vector_subcore>, window_params = [{transform_indices = #map}, {transform_indices = #map1}, {transform_indices = #map}, {transform_indices = #map}, {transform_indices = #map}]} {
    %mul3A = arith.constant 2 : i32
    %mul3A_0 = arith.muli %arg1, %mul3A : i32
    %add3A = arith.addi %mul3A_0, %arg0 : i32
    %mul3A_1 = arith.constant 640 : i32
    %mul3A_2 = arith.muli %add3A, %mul3A_1 : i32
    "tpu.region"() ({
      %run_scoped3A = tpu.sem_alloc : memref<!tpu.dma_semaphore, #tpu.memory_space<semaphore_mem>>
      %dma_start3A_203 = arith.constant 0 : i32
      %dma_start3A_204 = tpu.memref_slice %arg7[%dma_start3A_203] : memref<1280xi32, #tpu.memory_space<vmem>> -> memref<640xi32, #tpu.memory_space<vmem>>
      %dma_start3A_205 = tpu.memref_slice %arg3[%mul3A_2] : memref<40960xi32, #tpu.memory_space<hbm>> -> memref<640xi32, #tpu.memory_space<hbm>>
      %dma_start3A_206 = arith.constant 0 : i32
      %dma_start3A_207 = tpu.memref_slice %arg7[%dma_start3A_206] : memref<1280xi32, #tpu.memory_space<vmem>> -> memref<640xi32, #tpu.memory_space<vmem>>
      %dma_start3A_208 = tpu.memref_slice %arg3[%mul3A_2] : memref<40960xi32, #tpu.memory_space<hbm>> -> memref<640xi32, #tpu.memory_space<hbm>>
      tpu.enqueue_dma source(%dma_start3A_208 : memref<640xi32, #tpu.memory_space<hbm>>) target(%dma_start3A_207 : memref<640xi32, #tpu.memory_space<vmem>>) target_semaphore(%run_scoped3A : memref<!tpu.dma_semaphore, #tpu.memory_space<semaphore_mem>>)
      %dma_wait3A_209 = arith.constant 0 : i32
      %dma_wait3A_210 = tpu.memref_slice %arg7[%dma_wait3A_209] : memref<1280xi32, #tpu.memory_space<vmem>> -> memref<640xi32, #tpu.memory_space<vmem>>
      %dma_wait3A_211 = tpu.memref_slice %arg3[%mul3A_2] : memref<40960xi32, #tpu.memory_space<hbm>> -> memref<640xi32, #tpu.memory_space<hbm>>
      %dma_wait3A_212 = arith.constant 0 : i32
      %dma_wait3A_213 = tpu.memref_slice %arg7[%dma_wait3A_212] : memref<1280xi32, #tpu.memory_space<vmem>> -> memref<640xi32, #tpu.memory_space<vmem>>
      %dma_wait3A_214 = tpu.memref_slice %arg3[%mul3A_2] : memref<40960xi32, #tpu.memory_space<hbm>> -> memref<640xi32, #tpu.memory_space<hbm>>
      tpu.wait_dma2 semaphore(%run_scoped3A : memref<!tpu.dma_semaphore, #tpu.memory_space<semaphore_mem>>) src(%dma_wait3A_214 : memref<640xi32, #tpu.memory_space<hbm>>) dst(%dma_wait3A_213 : memref<640xi32, #tpu.memory_space<vmem>>)
      tpu.yield
    }) : () -> ()
    %add3A_3 = arith.constant 20480 : i32
    %add3A_4 = arith.addi %add3A_3, %mul3A_2 : i32
    "tpu.region"() ({
      %run_scoped3A = tpu.sem_alloc : memref<!tpu.dma_semaphore, #tpu.memory_space<semaphore_mem>>
      %dma_start3A_203 = arith.constant 640 : i32
      %dma_start3A_204 = tpu.memref_slice %arg7[%dma_start3A_203] : memref<1280xi32, #tpu.memory_space<vmem>> -> memref<640xi32, #tpu.memory_space<vmem>>
      %dma_start3A_205 = tpu.memref_slice %arg3[%add3A_4] : memref<40960xi32, #tpu.memory_space<hbm>> -> memref<640xi32, #tpu.memory_space<hbm>>
      %dma_start3A_206 = arith.constant 640 : i32
      %dma_start3A_207 = tpu.memref_slice %arg7[%dma_start3A_206] : memref<1280xi32, #tpu.memory_space<vmem>> -> memref<640xi32, #tpu.memory_space<vmem>>
      %dma_start3A_208 = tpu.memref_slice %arg3[%add3A_4] : memref<40960xi32, #tpu.memory_space<hbm>> -> memref<640xi32, #tpu.memory_space<hbm>>
      tpu.enqueue_dma source(%dma_start3A_208 : memref<640xi32, #tpu.memory_space<hbm>>) target(%dma_start3A_207 : memref<640xi32, #tpu.memory_space<vmem>>) target_semaphore(%run_scoped3A : memref<!tpu.dma_semaphore, #tpu.memory_space<semaphore_mem>>)
      %dma_wait3A_209 = arith.constant 640 : i32
      %dma_wait3A_210 = tpu.memref_slice %arg7[%dma_wait3A_209] : memref<1280xi32, #tpu.memory_space<vmem>> -> memref<640xi32, #tpu.memory_space<vmem>>
      %dma_wait3A_211 = tpu.memref_slice %arg3[%add3A_4] : memref<40960xi32, #tpu.memory_space<hbm>> -> memref<640xi32, #tpu.memory_space<hbm>>
      %dma_wait3A_212 = arith.constant 640 : i32
      %dma_wait3A_213 = tpu.memref_slice %arg7[%dma_wait3A_212] : memref<1280xi32, #tpu.memory_space<vmem>> -> memref<640xi32, #tpu.memory_space<vmem>>
      %dma_wait3A_214 = tpu.memref_slice %arg3[%add3A_4] : memref<40960xi32, #tpu.memory_space<hbm>> -> memref<640xi32, #tpu.memory_space<hbm>>
      tpu.wait_dma2 semaphore(%run_scoped3A : memref<!tpu.dma_semaphore, #tpu.memory_space<semaphore_mem>>) src(%dma_wait3A_214 : memref<640xi32, #tpu.memory_space<hbm>>) dst(%dma_wait3A_213 : memref<640xi32, #tpu.memory_space<vmem>>)
      tpu.yield
    }) : () -> ()
    %mul3A_5 = arith.constant 32 : i32
    %mul3A_6 = arith.muli %add3A, %mul3A_5 : i32
    "tpu.region"() ({
      %run_scoped3A = tpu.sem_alloc : memref<!tpu.dma_semaphore, #tpu.memory_space<semaphore_mem>>
      %dma_start3A_203 = arith.constant 0 : i32
      %dma_start3A_204 = tpu.memref_slice %arg4[%mul3A_6, %dma_start3A_203] : memref<1024x32xf32, #tpu.memory_space<hbm>> -> memref<32x32xf32, #tpu.memory_space<hbm>>
      %dma_start3A_205 = arith.constant 0 : i32
      %dma_start3A_206 = tpu.memref_slice %arg4[%mul3A_6, %dma_start3A_205] : memref<1024x32xf32, #tpu.memory_space<hbm>> -> memref<32x32xf32, #tpu.memory_space<hbm>>
      tpu.enqueue_dma source(%dma_start3A_206 : memref<32x32xf32, #tpu.memory_space<hbm>>) target(%arg11 : memref<32x32xf32, #tpu.memory_space<vmem>>) target_semaphore(%run_scoped3A : memref<!tpu.dma_semaphore, #tpu.memory_space<semaphore_mem>>)
      %dma_wait3A_207 = arith.constant 0 : i32
      %dma_wait3A_208 = tpu.memref_slice %arg4[%mul3A_6, %dma_wait3A_207] : memref<1024x32xf32, #tpu.memory_space<hbm>> -> memref<32x32xf32, #tpu.memory_space<hbm>>
      %dma_wait3A_209 = arith.constant 0 : i32
      %dma_wait3A_210 = tpu.memref_slice %arg4[%mul3A_6, %dma_wait3A_209] : memref<1024x32xf32, #tpu.memory_space<hbm>> -> memref<32x32xf32, #tpu.memory_space<hbm>>
      tpu.wait_dma2 semaphore(%run_scoped3A : memref<!tpu.dma_semaphore, #tpu.memory_space<semaphore_mem>>) src(%dma_wait3A_210 : memref<32x32xf32, #tpu.memory_space<hbm>>) dst(%arg11 : memref<32x32xf32, #tpu.memory_space<vmem>>)
      tpu.yield
    }) : () -> ()
    %dma_start3A = arith.constant 0 : i32
    %dma_start3A_7 = arith.constant 0 : i32
    %dma_start3A_8 = tpu.memref_slice %arg10[%dma_start3A, %dma_start3A_7] : memref<640x128xf32, #tpu.memory_space<vmem>> -> memref<128x128xf32, #tpu.memory_space<vmem>>
    %dma_start3A_9 = arith.constant 640 : i32
    %dma_start3A_10 = tpu.memref_slice %arg7[%dma_start3A_9] : memref<1280xi32, #tpu.memory_space<vmem>> -> memref<128xi32, #tpu.memory_space<vmem>>
    %dma_start3A_11 = arith.constant 0 : i32
    %dma_start3A_12 = arith.constant 0 : i32
    %dma_start3A_13 = tpu.memref_slice %arg2[%dma_start3A_11, %dma_start3A_12] : memref<100000x128xf32, #tpu.memory_space<hbm>> -> memref<100000x128xf32, #tpu.memory_space<hbm>>
    tpu.enqueue_indirect_dma source(%dma_start3A_13 : memref<100000x128xf32, #tpu.memory_space<hbm>>) target(%dma_start3A_8 : memref<128x128xf32, #tpu.memory_space<vmem>>) offsets(%dma_start3A_10 : memref<128xi32, #tpu.memory_space<vmem>>) semaphore(%arg15 : memref<!tpu.dma_semaphore, #tpu.memory_space<semaphore_mem>>)
    %dma_start3A_14 = arith.constant 128 : i32
    %dma_start3A_15 = arith.constant 0 : i32
    %dma_start3A_16 = tpu.memref_slice %arg10[%dma_start3A_14, %dma_start3A_15] : memref<640x128xf32, #tpu.memory_space<vmem>> -> memref<128x128xf32, #tpu.memory_space<vmem>>
    %dma_start3A_17 = arith.constant 768 : i32
    %dma_start3A_18 = tpu.memref_slice %arg7[%dma_start3A_17] : memref<1280xi32, #tpu.memory_space<vmem>> -> memref<128xi32, #tpu.memory_space<vmem>>
    %dma_start3A_19 = arith.constant 0 : i32
    %dma_start3A_20 = arith.constant 0 : i32
    %dma_start3A_21 = tpu.memref_slice %arg2[%dma_start3A_19, %dma_start3A_20] : memref<100000x128xf32, #tpu.memory_space<hbm>> -> memref<100000x128xf32, #tpu.memory_space<hbm>>
    tpu.enqueue_indirect_dma source(%dma_start3A_21 : memref<100000x128xf32, #tpu.memory_space<hbm>>) target(%dma_start3A_16 : memref<128x128xf32, #tpu.memory_space<vmem>>) offsets(%dma_start3A_18 : memref<128xi32, #tpu.memory_space<vmem>>) semaphore(%arg15 : memref<!tpu.dma_semaphore, #tpu.memory_space<semaphore_mem>>)
    %dma_start3A_22 = arith.constant 256 : i32
    %dma_start3A_23 = arith.constant 0 : i32
    %dma_start3A_24 = tpu.memref_slice %arg10[%dma_start3A_22, %dma_start3A_23] : memref<640x128xf32, #tpu.memory_space<vmem>> -> memref<128x128xf32, #tpu.memory_space<vmem>>
    %dma_start3A_25 = arith.constant 896 : i32
    %dma_start3A_26 = tpu.memref_slice %arg7[%dma_start3A_25] : memref<1280xi32, #tpu.memory_space<vmem>> -> memref<128xi32, #tpu.memory_space<vmem>>
    %dma_start3A_27 = arith.constant 0 : i32
    %dma_start3A_28 = arith.constant 0 : i32
    %dma_start3A_29 = tpu.memref_slice %arg2[%dma_start3A_27, %dma_start3A_28] : memref<100000x128xf32, #tpu.memory_space<hbm>> -> memref<100000x128xf32, #tpu.memory_space<hbm>>
    tpu.enqueue_indirect_dma source(%dma_start3A_29 : memref<100000x128xf32, #tpu.memory_space<hbm>>) target(%dma_start3A_24 : memref<128x128xf32, #tpu.memory_space<vmem>>) offsets(%dma_start3A_26 : memref<128xi32, #tpu.memory_space<vmem>>) semaphore(%arg15 : memref<!tpu.dma_semaphore, #tpu.memory_space<semaphore_mem>>)
    %dma_start3A_30 = arith.constant 384 : i32
    %dma_start3A_31 = arith.constant 0 : i32
    %dma_start3A_32 = tpu.memref_slice %arg10[%dma_start3A_30, %dma_start3A_31] : memref<640x128xf32, #tpu.memory_space<vmem>> -> memref<128x128xf32, #tpu.memory_space<vmem>>
    %dma_start3A_33 = arith.constant 1024 : i32
    %dma_start3A_34 = tpu.memref_slice %arg7[%dma_start3A_33] : memref<1280xi32, #tpu.memory_space<vmem>> -> memref<128xi32, #tpu.memory_space<vmem>>
    %dma_start3A_35 = arith.constant 0 : i32
    %dma_start3A_36 = arith.constant 0 : i32
    %dma_start3A_37 = tpu.memref_slice %arg2[%dma_start3A_35, %dma_start3A_36] : memref<100000x128xf32, #tpu.memory_space<hbm>> -> memref<100000x128xf32, #tpu.memory_space<hbm>>
    tpu.enqueue_indirect_dma source(%dma_start3A_37 : memref<100000x128xf32, #tpu.memory_space<hbm>>) target(%dma_start3A_32 : memref<128x128xf32, #tpu.memory_space<vmem>>) offsets(%dma_start3A_34 : memref<128xi32, #tpu.memory_space<vmem>>) semaphore(%arg15 : memref<!tpu.dma_semaphore, #tpu.memory_space<semaphore_mem>>)
    %dma_start3A_38 = arith.constant 512 : i32
    %dma_start3A_39 = arith.constant 0 : i32
    %dma_start3A_40 = tpu.memref_slice %arg10[%dma_start3A_38, %dma_start3A_39] : memref<640x128xf32, #tpu.memory_space<vmem>> -> memref<128x128xf32, #tpu.memory_space<vmem>>
    %dma_start3A_41 = arith.constant 1152 : i32
    %dma_start3A_42 = tpu.memref_slice %arg7[%dma_start3A_41] : memref<1280xi32, #tpu.memory_space<vmem>> -> memref<128xi32, #tpu.memory_space<vmem>>
    %dma_start3A_43 = arith.constant 0 : i32
    %dma_start3A_44 = arith.constant 0 : i32
    %dma_start3A_45 = tpu.memref_slice %arg2[%dma_start3A_43, %dma_start3A_44] : memref<100000x128xf32, #tpu.memory_space<hbm>> -> memref<100000x128xf32, #tpu.memory_space<hbm>>
    tpu.enqueue_indirect_dma source(%dma_start3A_45 : memref<100000x128xf32, #tpu.memory_space<hbm>>) target(%dma_start3A_40 : memref<128x128xf32, #tpu.memory_space<vmem>>) offsets(%dma_start3A_42 : memref<128xi32, #tpu.memory_space<vmem>>) semaphore(%arg15 : memref<!tpu.dma_semaphore, #tpu.memory_space<semaphore_mem>>)
    %dma_start3A_46 = arith.constant 0 : i32
    %dma_start3A_47 = tpu.memref_slice %arg7[%dma_start3A_46] : memref<1280xi32, #tpu.memory_space<vmem>> -> memref<128xi32, #tpu.memory_space<vmem>>
    %dma_start3A_48 = arith.constant 0 : i32
    %dma_start3A_49 = arith.constant 0 : i32
    %dma_start3A_50 = tpu.memref_slice %arg2[%dma_start3A_48, %dma_start3A_49] : memref<100000x128xf32, #tpu.memory_space<hbm>> -> memref<100000x128xf32, #tpu.memory_space<hbm>>
    tpu.enqueue_indirect_dma source(%dma_start3A_50 : memref<100000x128xf32, #tpu.memory_space<hbm>>) target(%arg8 : memref<128x128xf32, #tpu.memory_space<vmem>>) offsets(%dma_start3A_47 : memref<128xi32, #tpu.memory_space<vmem>>) semaphore(%arg13 : memref<!tpu.dma_semaphore, #tpu.memory_space<semaphore_mem>>)
    %dma_wait3A = arith.constant 0 : i32
    %dma_wait3A_51 = tpu.memref_slice %arg7[%dma_wait3A] : memref<1280xi32, #tpu.memory_space<vmem>> -> memref<128xi32, #tpu.memory_space<vmem>>
    %dma_wait3A_52 = arith.constant 0 : i32
    %dma_wait3A_53 = arith.constant 0 : i32
    %dma_wait3A_54 = tpu.memref_slice %arg2[%dma_wait3A_52, %dma_wait3A_53] : memref<100000x128xf32, #tpu.memory_space<hbm>> -> memref<100000x128xf32, #tpu.memory_space<hbm>>
    tpu.wait_indirect_dma semaphore(%arg13 : memref<!tpu.dma_semaphore, #tpu.memory_space<semaphore_mem>>) src(%dma_wait3A_54 : memref<100000x128xf32, #tpu.memory_space<hbm>>) dst(%arg8 : memref<128x128xf32, #tpu.memory_space<vmem>>)
    %add3A_55 = arith.constant 0 : i32
    %add3A_56 = arith.addi %mul3A_2, %add3A_55 : i32
    %dma_start3A_57 = arith.constant 0 : i32
    %dma_start3A_58 = tpu.memref_slice %arg5[%add3A_56, %dma_start3A_57] : memref<20480x128xf32, #tpu.memory_space<hbm>> -> memref<128x128xf32, #tpu.memory_space<hbm>>
    %dma_start3A_59 = arith.constant 0 : i32
    %dma_start3A_60 = tpu.memref_slice %arg5[%add3A_56, %dma_start3A_59] : memref<20480x128xf32, #tpu.memory_space<hbm>> -> memref<128x128xf32, #tpu.memory_space<hbm>>
    tpu.enqueue_dma source(%arg8 : memref<128x128xf32, #tpu.memory_space<vmem>>) target(%dma_start3A_60 : memref<128x128xf32, #tpu.memory_space<hbm>>) target_semaphore(%arg16 : memref<!tpu.dma_semaphore, #tpu.memory_space<semaphore_mem>>)
    %dma_start3A_61 = arith.constant 128 : i32
    %dma_start3A_62 = tpu.memref_slice %arg7[%dma_start3A_61] : memref<1280xi32, #tpu.memory_space<vmem>> -> memref<128xi32, #tpu.memory_space<vmem>>
    %dma_start3A_63 = arith.constant 0 : i32
    %dma_start3A_64 = arith.constant 0 : i32
    %dma_start3A_65 = tpu.memref_slice %arg2[%dma_start3A_63, %dma_start3A_64] : memref<100000x128xf32, #tpu.memory_space<hbm>> -> memref<100000x128xf32, #tpu.memory_space<hbm>>
    tpu.enqueue_indirect_dma source(%dma_start3A_65 : memref<100000x128xf32, #tpu.memory_space<hbm>>) target(%arg9 : memref<128x128xf32, #tpu.memory_space<vmem>>) offsets(%dma_start3A_62 : memref<128xi32, #tpu.memory_space<vmem>>) semaphore(%arg14 : memref<!tpu.dma_semaphore, #tpu.memory_space<semaphore_mem>>)
    %dma_wait3A_66 = arith.constant 128 : i32
    %dma_wait3A_67 = tpu.memref_slice %arg7[%dma_wait3A_66] : memref<1280xi32, #tpu.memory_space<vmem>> -> memref<128xi32, #tpu.memory_space<vmem>>
    %dma_wait3A_68 = arith.constant 0 : i32
    %dma_wait3A_69 = arith.constant 0 : i32
    %dma_wait3A_70 = tpu.memref_slice %arg2[%dma_wait3A_68, %dma_wait3A_69] : memref<100000x128xf32, #tpu.memory_space<hbm>> -> memref<100000x128xf32, #tpu.memory_space<hbm>>
    tpu.wait_indirect_dma semaphore(%arg14 : memref<!tpu.dma_semaphore, #tpu.memory_space<semaphore_mem>>) src(%dma_wait3A_70 : memref<100000x128xf32, #tpu.memory_space<hbm>>) dst(%arg9 : memref<128x128xf32, #tpu.memory_space<vmem>>)
    %add3A_71 = arith.constant 128 : i32
    %add3A_72 = arith.addi %mul3A_2, %add3A_71 : i32
    %dma_start3A_73 = arith.constant 0 : i32
    %dma_start3A_74 = tpu.memref_slice %arg5[%add3A_72, %dma_start3A_73] : memref<20480x128xf32, #tpu.memory_space<hbm>> -> memref<128x128xf32, #tpu.memory_space<hbm>>
    %dma_start3A_75 = arith.constant 0 : i32
    %dma_start3A_76 = tpu.memref_slice %arg5[%add3A_72, %dma_start3A_75] : memref<20480x128xf32, #tpu.memory_space<hbm>> -> memref<128x128xf32, #tpu.memory_space<hbm>>
    tpu.enqueue_dma source(%arg9 : memref<128x128xf32, #tpu.memory_space<vmem>>) target(%dma_start3A_76 : memref<128x128xf32, #tpu.memory_space<hbm>>) target_semaphore(%arg17 : memref<!tpu.dma_semaphore, #tpu.memory_space<semaphore_mem>>)
    %add3A_77 = arith.constant 0 : i32
    %add3A_78 = arith.addi %mul3A_2, %add3A_77 : i32
    %dma_wait3A_79 = arith.constant 0 : i32
    %dma_wait3A_80 = tpu.memref_slice %arg5[%add3A_78, %dma_wait3A_79] : memref<20480x128xf32, #tpu.memory_space<hbm>> -> memref<128x128xf32, #tpu.memory_space<hbm>>
    %dma_wait3A_81 = arith.constant 0 : i32
    %dma_wait3A_82 = tpu.memref_slice %arg5[%add3A_78, %dma_wait3A_81] : memref<20480x128xf32, #tpu.memory_space<hbm>> -> memref<128x128xf32, #tpu.memory_space<hbm>>
    tpu.wait_dma2 semaphore(%arg16 : memref<!tpu.dma_semaphore, #tpu.memory_space<semaphore_mem>>) src(%arg8 : memref<128x128xf32, #tpu.memory_space<vmem>>) dst(%dma_wait3A_82 : memref<128x128xf32, #tpu.memory_space<hbm>>)
    %dma_start3A_83 = arith.constant 256 : i32
    %dma_start3A_84 = tpu.memref_slice %arg7[%dma_start3A_83] : memref<1280xi32, #tpu.memory_space<vmem>> -> memref<128xi32, #tpu.memory_space<vmem>>
    %dma_start3A_85 = arith.constant 0 : i32
    %dma_start3A_86 = arith.constant 0 : i32
    %dma_start3A_87 = tpu.memref_slice %arg2[%dma_start3A_85, %dma_start3A_86] : memref<100000x128xf32, #tpu.memory_space<hbm>> -> memref<100000x128xf32, #tpu.memory_space<hbm>>
    tpu.enqueue_indirect_dma source(%dma_start3A_87 : memref<100000x128xf32, #tpu.memory_space<hbm>>) target(%arg8 : memref<128x128xf32, #tpu.memory_space<vmem>>) offsets(%dma_start3A_84 : memref<128xi32, #tpu.memory_space<vmem>>) semaphore(%arg13 : memref<!tpu.dma_semaphore, #tpu.memory_space<semaphore_mem>>)
    %dma_wait3A_88 = arith.constant 256 : i32
    %dma_wait3A_89 = tpu.memref_slice %arg7[%dma_wait3A_88] : memref<1280xi32, #tpu.memory_space<vmem>> -> memref<128xi32, #tpu.memory_space<vmem>>
    %dma_wait3A_90 = arith.constant 0 : i32
    %dma_wait3A_91 = arith.constant 0 : i32
    %dma_wait3A_92 = tpu.memref_slice %arg2[%dma_wait3A_90, %dma_wait3A_91] : memref<100000x128xf32, #tpu.memory_space<hbm>> -> memref<100000x128xf32, #tpu.memory_space<hbm>>
    tpu.wait_indirect_dma semaphore(%arg13 : memref<!tpu.dma_semaphore, #tpu.memory_space<semaphore_mem>>) src(%dma_wait3A_92 : memref<100000x128xf32, #tpu.memory_space<hbm>>) dst(%arg8 : memref<128x128xf32, #tpu.memory_space<vmem>>)
    %add3A_93 = arith.constant 256 : i32
    %add3A_94 = arith.addi %mul3A_2, %add3A_93 : i32
    %dma_start3A_95 = arith.constant 0 : i32
    %dma_start3A_96 = tpu.memref_slice %arg5[%add3A_94, %dma_start3A_95] : memref<20480x128xf32, #tpu.memory_space<hbm>> -> memref<128x128xf32, #tpu.memory_space<hbm>>
    %dma_start3A_97 = arith.constant 0 : i32
    %dma_start3A_98 = tpu.memref_slice %arg5[%add3A_94, %dma_start3A_97] : memref<20480x128xf32, #tpu.memory_space<hbm>> -> memref<128x128xf32, #tpu.memory_space<hbm>>
    tpu.enqueue_dma source(%arg8 : memref<128x128xf32, #tpu.memory_space<vmem>>) target(%dma_start3A_98 : memref<128x128xf32, #tpu.memory_space<hbm>>) target_semaphore(%arg16 : memref<!tpu.dma_semaphore, #tpu.memory_space<semaphore_mem>>)
    %add3A_99 = arith.constant 128 : i32
    %add3A_100 = arith.addi %mul3A_2, %add3A_99 : i32
    %dma_wait3A_101 = arith.constant 0 : i32
    %dma_wait3A_102 = tpu.memref_slice %arg5[%add3A_100, %dma_wait3A_101] : memref<20480x128xf32, #tpu.memory_space<hbm>> -> memref<128x128xf32, #tpu.memory_space<hbm>>
    %dma_wait3A_103 = arith.constant 0 : i32
    %dma_wait3A_104 = tpu.memref_slice %arg5[%add3A_100, %dma_wait3A_103] : memref<20480x128xf32, #tpu.memory_space<hbm>> -> memref<128x128xf32, #tpu.memory_space<hbm>>
    tpu.wait_dma2 semaphore(%arg17 : memref<!tpu.dma_semaphore, #tpu.memory_space<semaphore_mem>>) src(%arg9 : memref<128x128xf32, #tpu.memory_space<vmem>>) dst(%dma_wait3A_104 : memref<128x128xf32, #tpu.memory_space<hbm>>)
    %dma_start3A_105 = arith.constant 384 : i32
    %dma_start3A_106 = tpu.memref_slice %arg7[%dma_start3A_105] : memref<1280xi32, #tpu.memory_space<vmem>> -> memref<128xi32, #tpu.memory_space<vmem>>
    %dma_start3A_107 = arith.constant 0 : i32
    %dma_start3A_108 = arith.constant 0 : i32
    %dma_start3A_109 = tpu.memref_slice %arg2[%dma_start3A_107, %dma_start3A_108] : memref<100000x128xf32, #tpu.memory_space<hbm>> -> memref<100000x128xf32, #tpu.memory_space<hbm>>
    tpu.enqueue_indirect_dma source(%dma_start3A_109 : memref<100000x128xf32, #tpu.memory_space<hbm>>) target(%arg9 : memref<128x128xf32, #tpu.memory_space<vmem>>) offsets(%dma_start3A_106 : memref<128xi32, #tpu.memory_space<vmem>>) semaphore(%arg14 : memref<!tpu.dma_semaphore, #tpu.memory_space<semaphore_mem>>)
    %dma_wait3A_110 = arith.constant 384 : i32
    %dma_wait3A_111 = tpu.memref_slice %arg7[%dma_wait3A_110] : memref<1280xi32, #tpu.memory_space<vmem>> -> memref<128xi32, #tpu.memory_space<vmem>>
    %dma_wait3A_112 = arith.constant 0 : i32
    %dma_wait3A_113 = arith.constant 0 : i32
    %dma_wait3A_114 = tpu.memref_slice %arg2[%dma_wait3A_112, %dma_wait3A_113] : memref<100000x128xf32, #tpu.memory_space<hbm>> -> memref<100000x128xf32, #tpu.memory_space<hbm>>
    tpu.wait_indirect_dma semaphore(%arg14 : memref<!tpu.dma_semaphore, #tpu.memory_space<semaphore_mem>>) src(%dma_wait3A_114 : memref<100000x128xf32, #tpu.memory_space<hbm>>) dst(%arg9 : memref<128x128xf32, #tpu.memory_space<vmem>>)
    %add3A_115 = arith.constant 384 : i32
    %add3A_116 = arith.addi %mul3A_2, %add3A_115 : i32
    %dma_start3A_117 = arith.constant 0 : i32
    %dma_start3A_118 = tpu.memref_slice %arg5[%add3A_116, %dma_start3A_117] : memref<20480x128xf32, #tpu.memory_space<hbm>> -> memref<128x128xf32, #tpu.memory_space<hbm>>
    %dma_start3A_119 = arith.constant 0 : i32
    %dma_start3A_120 = tpu.memref_slice %arg5[%add3A_116, %dma_start3A_119] : memref<20480x128xf32, #tpu.memory_space<hbm>> -> memref<128x128xf32, #tpu.memory_space<hbm>>
    tpu.enqueue_dma source(%arg9 : memref<128x128xf32, #tpu.memory_space<vmem>>) target(%dma_start3A_120 : memref<128x128xf32, #tpu.memory_space<hbm>>) target_semaphore(%arg17 : memref<!tpu.dma_semaphore, #tpu.memory_space<semaphore_mem>>)
    %add3A_121 = arith.constant 256 : i32
    %add3A_122 = arith.addi %mul3A_2, %add3A_121 : i32
    %dma_wait3A_123 = arith.constant 0 : i32
    %dma_wait3A_124 = tpu.memref_slice %arg5[%add3A_122, %dma_wait3A_123] : memref<20480x128xf32, #tpu.memory_space<hbm>> -> memref<128x128xf32, #tpu.memory_space<hbm>>
    %dma_wait3A_125 = arith.constant 0 : i32
    %dma_wait3A_126 = tpu.memref_slice %arg5[%add3A_122, %dma_wait3A_125] : memref<20480x128xf32, #tpu.memory_space<hbm>> -> memref<128x128xf32, #tpu.memory_space<hbm>>
    tpu.wait_dma2 semaphore(%arg16 : memref<!tpu.dma_semaphore, #tpu.memory_space<semaphore_mem>>) src(%arg8 : memref<128x128xf32, #tpu.memory_space<vmem>>) dst(%dma_wait3A_126 : memref<128x128xf32, #tpu.memory_space<hbm>>)
    %dma_start3A_127 = arith.constant 512 : i32
    %dma_start3A_128 = tpu.memref_slice %arg7[%dma_start3A_127] : memref<1280xi32, #tpu.memory_space<vmem>> -> memref<128xi32, #tpu.memory_space<vmem>>
    %dma_start3A_129 = arith.constant 0 : i32
    %dma_start3A_130 = arith.constant 0 : i32
    %dma_start3A_131 = tpu.memref_slice %arg2[%dma_start3A_129, %dma_start3A_130] : memref<100000x128xf32, #tpu.memory_space<hbm>> -> memref<100000x128xf32, #tpu.memory_space<hbm>>
    tpu.enqueue_indirect_dma source(%dma_start3A_131 : memref<100000x128xf32, #tpu.memory_space<hbm>>) target(%arg8 : memref<128x128xf32, #tpu.memory_space<vmem>>) offsets(%dma_start3A_128 : memref<128xi32, #tpu.memory_space<vmem>>) semaphore(%arg13 : memref<!tpu.dma_semaphore, #tpu.memory_space<semaphore_mem>>)
    %dma_wait3A_132 = arith.constant 512 : i32
    %dma_wait3A_133 = tpu.memref_slice %arg7[%dma_wait3A_132] : memref<1280xi32, #tpu.memory_space<vmem>> -> memref<128xi32, #tpu.memory_space<vmem>>
    %dma_wait3A_134 = arith.constant 0 : i32
    %dma_wait3A_135 = arith.constant 0 : i32
    %dma_wait3A_136 = tpu.memref_slice %arg2[%dma_wait3A_134, %dma_wait3A_135] : memref<100000x128xf32, #tpu.memory_space<hbm>> -> memref<100000x128xf32, #tpu.memory_space<hbm>>
    tpu.wait_indirect_dma semaphore(%arg13 : memref<!tpu.dma_semaphore, #tpu.memory_space<semaphore_mem>>) src(%dma_wait3A_136 : memref<100000x128xf32, #tpu.memory_space<hbm>>) dst(%arg8 : memref<128x128xf32, #tpu.memory_space<vmem>>)
    %add3A_137 = arith.constant 512 : i32
    %add3A_138 = arith.addi %mul3A_2, %add3A_137 : i32
    %dma_start3A_139 = arith.constant 0 : i32
    %dma_start3A_140 = tpu.memref_slice %arg5[%add3A_138, %dma_start3A_139] : memref<20480x128xf32, #tpu.memory_space<hbm>> -> memref<128x128xf32, #tpu.memory_space<hbm>>
    %dma_start3A_141 = arith.constant 0 : i32
    %dma_start3A_142 = tpu.memref_slice %arg5[%add3A_138, %dma_start3A_141] : memref<20480x128xf32, #tpu.memory_space<hbm>> -> memref<128x128xf32, #tpu.memory_space<hbm>>
    tpu.enqueue_dma source(%arg8 : memref<128x128xf32, #tpu.memory_space<vmem>>) target(%dma_start3A_142 : memref<128x128xf32, #tpu.memory_space<hbm>>) target_semaphore(%arg16 : memref<!tpu.dma_semaphore, #tpu.memory_space<semaphore_mem>>)
    %add3A_143 = arith.constant 384 : i32
    %add3A_144 = arith.addi %mul3A_2, %add3A_143 : i32
    %dma_wait3A_145 = arith.constant 0 : i32
    %dma_wait3A_146 = tpu.memref_slice %arg5[%add3A_144, %dma_wait3A_145] : memref<20480x128xf32, #tpu.memory_space<hbm>> -> memref<128x128xf32, #tpu.memory_space<hbm>>
    %dma_wait3A_147 = arith.constant 0 : i32
    %dma_wait3A_148 = tpu.memref_slice %arg5[%add3A_144, %dma_wait3A_147] : memref<20480x128xf32, #tpu.memory_space<hbm>> -> memref<128x128xf32, #tpu.memory_space<hbm>>
    tpu.wait_dma2 semaphore(%arg17 : memref<!tpu.dma_semaphore, #tpu.memory_space<semaphore_mem>>) src(%arg9 : memref<128x128xf32, #tpu.memory_space<vmem>>) dst(%dma_wait3A_148 : memref<128x128xf32, #tpu.memory_space<hbm>>)
    %add3A_149 = arith.constant 512 : i32
    %add3A_150 = arith.addi %mul3A_2, %add3A_149 : i32
    %dma_wait3A_151 = arith.constant 0 : i32
    %dma_wait3A_152 = tpu.memref_slice %arg5[%add3A_150, %dma_wait3A_151] : memref<20480x128xf32, #tpu.memory_space<hbm>> -> memref<128x128xf32, #tpu.memory_space<hbm>>
    %dma_wait3A_153 = arith.constant 0 : i32
    %dma_wait3A_154 = tpu.memref_slice %arg5[%add3A_150, %dma_wait3A_153] : memref<20480x128xf32, #tpu.memory_space<hbm>> -> memref<128x128xf32, #tpu.memory_space<hbm>>
    tpu.wait_dma2 semaphore(%arg16 : memref<!tpu.dma_semaphore, #tpu.memory_space<semaphore_mem>>) src(%arg8 : memref<128x128xf32, #tpu.memory_space<vmem>>) dst(%dma_wait3A_154 : memref<128x128xf32, #tpu.memory_space<hbm>>)
    %dma_wait3A_155 = arith.constant 0 : i32
    %dma_wait3A_156 = arith.constant 0 : i32
    %dma_wait3A_157 = tpu.memref_slice %arg10[%dma_wait3A_155, %dma_wait3A_156] : memref<640x128xf32, #tpu.memory_space<vmem>> -> memref<128x128xf32, #tpu.memory_space<vmem>>
    %dma_wait3A_158 = arith.constant 640 : i32
    %dma_wait3A_159 = tpu.memref_slice %arg7[%dma_wait3A_158] : memref<1280xi32, #tpu.memory_space<vmem>> -> memref<128xi32, #tpu.memory_space<vmem>>
    %dma_wait3A_160 = arith.constant 0 : i32
    %dma_wait3A_161 = arith.constant 0 : i32
    %dma_wait3A_162 = tpu.memref_slice %arg2[%dma_wait3A_160, %dma_wait3A_161] : memref<100000x128xf32, #tpu.memory_space<hbm>> -> memref<100000x128xf32, #tpu.memory_space<hbm>>
    tpu.wait_indirect_dma semaphore(%arg15 : memref<!tpu.dma_semaphore, #tpu.memory_space<semaphore_mem>>) src(%dma_wait3A_162 : memref<100000x128xf32, #tpu.memory_space<hbm>>) dst(%dma_wait3A_157 : memref<128x128xf32, #tpu.memory_space<vmem>>)
    %dma_wait3A_163 = arith.constant 128 : i32
    %dma_wait3A_164 = arith.constant 0 : i32
    %dma_wait3A_165 = tpu.memref_slice %arg10[%dma_wait3A_163, %dma_wait3A_164] : memref<640x128xf32, #tpu.memory_space<vmem>> -> memref<128x128xf32, #tpu.memory_space<vmem>>
    %dma_wait3A_166 = arith.constant 768 : i32
    %dma_wait3A_167 = tpu.memref_slice %arg7[%dma_wait3A_166] : memref<1280xi32, #tpu.memory_space<vmem>> -> memref<128xi32, #tpu.memory_space<vmem>>
    %dma_wait3A_168 = arith.constant 0 : i32
    %dma_wait3A_169 = arith.constant 0 : i32
    %dma_wait3A_170 = tpu.memref_slice %arg2[%dma_wait3A_168, %dma_wait3A_169] : memref<100000x128xf32, #tpu.memory_space<hbm>> -> memref<100000x128xf32, #tpu.memory_space<hbm>>
    tpu.wait_indirect_dma semaphore(%arg15 : memref<!tpu.dma_semaphore, #tpu.memory_space<semaphore_mem>>) src(%dma_wait3A_170 : memref<100000x128xf32, #tpu.memory_space<hbm>>) dst(%dma_wait3A_165 : memref<128x128xf32, #tpu.memory_space<vmem>>)
    %dma_wait3A_171 = arith.constant 256 : i32
    %dma_wait3A_172 = arith.constant 0 : i32
    %dma_wait3A_173 = tpu.memref_slice %arg10[%dma_wait3A_171, %dma_wait3A_172] : memref<640x128xf32, #tpu.memory_space<vmem>> -> memref<128x128xf32, #tpu.memory_space<vmem>>
    %dma_wait3A_174 = arith.constant 896 : i32
    %dma_wait3A_175 = tpu.memref_slice %arg7[%dma_wait3A_174] : memref<1280xi32, #tpu.memory_space<vmem>> -> memref<128xi32, #tpu.memory_space<vmem>>
    %dma_wait3A_176 = arith.constant 0 : i32
    %dma_wait3A_177 = arith.constant 0 : i32
    %dma_wait3A_178 = tpu.memref_slice %arg2[%dma_wait3A_176, %dma_wait3A_177] : memref<100000x128xf32, #tpu.memory_space<hbm>> -> memref<100000x128xf32, #tpu.memory_space<hbm>>
    tpu.wait_indirect_dma semaphore(%arg15 : memref<!tpu.dma_semaphore, #tpu.memory_space<semaphore_mem>>) src(%dma_wait3A_178 : memref<100000x128xf32, #tpu.memory_space<hbm>>) dst(%dma_wait3A_173 : memref<128x128xf32, #tpu.memory_space<vmem>>)
    %dma_wait3A_179 = arith.constant 384 : i32
    %dma_wait3A_180 = arith.constant 0 : i32
    %dma_wait3A_181 = tpu.memref_slice %arg10[%dma_wait3A_179, %dma_wait3A_180] : memref<640x128xf32, #tpu.memory_space<vmem>> -> memref<128x128xf32, #tpu.memory_space<vmem>>
    %dma_wait3A_182 = arith.constant 1024 : i32
    %dma_wait3A_183 = tpu.memref_slice %arg7[%dma_wait3A_182] : memref<1280xi32, #tpu.memory_space<vmem>> -> memref<128xi32, #tpu.memory_space<vmem>>
    %dma_wait3A_184 = arith.constant 0 : i32
    %dma_wait3A_185 = arith.constant 0 : i32
    %dma_wait3A_186 = tpu.memref_slice %arg2[%dma_wait3A_184, %dma_wait3A_185] : memref<100000x128xf32, #tpu.memory_space<hbm>> -> memref<100000x128xf32, #tpu.memory_space<hbm>>
    tpu.wait_indirect_dma semaphore(%arg15 : memref<!tpu.dma_semaphore, #tpu.memory_space<semaphore_mem>>) src(%dma_wait3A_186 : memref<100000x128xf32, #tpu.memory_space<hbm>>) dst(%dma_wait3A_181 : memref<128x128xf32, #tpu.memory_space<vmem>>)
    %dma_wait3A_187 = arith.constant 512 : i32
    %dma_wait3A_188 = arith.constant 0 : i32
    %dma_wait3A_189 = tpu.memref_slice %arg10[%dma_wait3A_187, %dma_wait3A_188] : memref<640x128xf32, #tpu.memory_space<vmem>> -> memref<128x128xf32, #tpu.memory_space<vmem>>
    %dma_wait3A_190 = arith.constant 1152 : i32
    %dma_wait3A_191 = tpu.memref_slice %arg7[%dma_wait3A_190] : memref<1280xi32, #tpu.memory_space<vmem>> -> memref<128xi32, #tpu.memory_space<vmem>>
    %dma_wait3A_192 = arith.constant 0 : i32
    %dma_wait3A_193 = arith.constant 0 : i32
    %dma_wait3A_194 = tpu.memref_slice %arg2[%dma_wait3A_192, %dma_wait3A_193] : memref<100000x128xf32, #tpu.memory_space<hbm>> -> memref<100000x128xf32, #tpu.memory_space<hbm>>
    tpu.wait_indirect_dma semaphore(%arg15 : memref<!tpu.dma_semaphore, #tpu.memory_space<semaphore_mem>>) src(%dma_wait3A_194 : memref<100000x128xf32, #tpu.memory_space<hbm>>) dst(%dma_wait3A_189 : memref<128x128xf32, #tpu.memory_space<vmem>>)
    %scan3A = arith.constant 0 : i32
    %scan3A_195 = arith.constant 0 : i32
    %scan3A_196 = arith.constant 32 : i32
    %scan3A_197 = arith.addi %scan3A_195, %scan3A_196 : i32
    %scan3A_198 = arith.constant 1 : i32
    %scan3A_199 = scf.for %scan3A_203 = %scan3A_195 to %scan3A_197 step %scan3A_198 iter_args(%scan3A_204 = %scan3A) -> (i32)  : i32 {
      %get3A = arith.index_cast %scan3A_203 : i32 to index
      %get3A_205 = arith.constant 0 : index
      %get3A_206 = tpu.vector_load %arg11[%get3A, %get3A_205] {strides = array<i32>} : memref<32x32xf32, #tpu.memory_space<vmem>>, vector<1x16xf32>,
      %get3A_207 = vector.shape_cast %get3A_206 : vector<1x16xf32> to vector<16xf32>
      %get3A_208 = arith.index_cast %scan3A_203 : i32 to index
      %get3A_209 = arith.constant 16 : index
      %get3A_210 = tpu.vector_load %arg11[%get3A_208, %get3A_209] {strides = array<i32>} : memref<32x32xf32, #tpu.memory_space<vmem>>, vector<1x16xf32>,
      %get3A_211 = vector.shape_cast %get3A_210 : vector<1x16xf32> to vector<16xf32>
      %broadcast_in_dim3A = arith.constant 0.000000e+00 : f32
      %broadcast_in_dim3A_212 = vector.broadcast %broadcast_in_dim3A : f32 to vector<16xf32>
      %broadcast_in_dim3A_213 = arith.constant 0.000000e+00 : f32
      %broadcast_in_dim3A_214 = vector.broadcast %broadcast_in_dim3A_213 : f32 to vector<16xf32>
      %broadcast_in_dim3A_215 = arith.constant 0.000000e+00 : f32
      %broadcast_in_dim3A_216 = vector.broadcast %broadcast_in_dim3A_215 : f32 to vector<16xf32>
      %broadcast_in_dim3A_217 = arith.constant 0.000000e+00 : f32
      %broadcast_in_dim3A_218 = vector.broadcast %broadcast_in_dim3A_217 : f32 to vector<16xf32>
      %broadcast_in_dim3A_219 = arith.constant 0.000000e+00 : f32
      %broadcast_in_dim3A_220 = vector.broadcast %broadcast_in_dim3A_219 : f32 to vector<16xf32>
      %broadcast_in_dim3A_221 = arith.constant 0.000000e+00 : f32
      %broadcast_in_dim3A_222 = vector.broadcast %broadcast_in_dim3A_221 : f32 to vector<16xf32>
      %broadcast_in_dim3A_223 = arith.constant 0.000000e+00 : f32
      %broadcast_in_dim3A_224 = vector.broadcast %broadcast_in_dim3A_223 : f32 to vector<16xf32>
      %broadcast_in_dim3A_225 = arith.constant 0.000000e+00 : f32
      %broadcast_in_dim3A_226 = vector.broadcast %broadcast_in_dim3A_225 : f32 to vector<16xf32>
      %slice3A = vector.extract_strided_slice %get3A_207 {offsets = [0], sizes = [1], strides = [1]} : vector<16xf32> to vector<1xf32>
      %squeeze3A = vector.extract %slice3A[0] : f32 from vector<1xf32>
      %mul3A_227 = arith.constant 20 : i32
      %mul3A_228 = arith.muli %scan3A_203, %mul3A_227 : i32
      %add3A_229 = arith.constant 0 : i32
      %add3A_230 = arith.addi %mul3A_228, %add3A_229 : i32
      %get3A_231 = arith.index_cast %add3A_230 : i32 to index
      %get3A_232 = arith.constant 0 : index
      %get3A_233 = tpu.vector_load %arg10[%get3A_231, %get3A_232] {strides = array<i32>} : memref<640x128xf32, #tpu.memory_space<vmem>>, vector<1x16xf32>,
      %get3A_234 = vector.shape_cast %get3A_233 : vector<1x16xf32> to vector<16xf32>
      %mul3A_235 = vector.broadcast %squeeze3A : f32 to vector<16xf32>
      %mul3A_236 = arith.mulf %mul3A_235, %get3A_234 : vector<16xf32>
      %add3A_237 = arith.addf %broadcast_in_dim3A_212, %mul3A_236 : vector<16xf32>
      %mul3A_238 = arith.constant 20 : i32
      %mul3A_239 = arith.muli %scan3A_203, %mul3A_238 : i32
      %add3A_240 = arith.constant 0 : i32
      %add3A_241 = arith.addi %mul3A_239, %add3A_240 : i32
      %get3A_242 = arith.index_cast %add3A_241 : i32 to index
      %get3A_243 = arith.constant 16 : index
      %get3A_244 = tpu.vector_load %arg10[%get3A_242, %get3A_243] {strides = array<i32>} : memref<640x128xf32, #tpu.memory_space<vmem>>, vector<1x16xf32>,
      %get3A_245 = vector.shape_cast %get3A_244 : vector<1x16xf32> to vector<16xf32>
      %mul3A_246 = vector.broadcast %squeeze3A : f32 to vector<16xf32>
      %mul3A_247 = arith.mulf %mul3A_246, %get3A_245 : vector<16xf32>
      %add3A_248 = arith.addf %broadcast_in_dim3A_214, %mul3A_247 : vector<16xf32>
      %mul3A_249 = arith.constant 20 : i32
      %mul3A_250 = arith.muli %scan3A_203, %mul3A_249 : i32
      %add3A_251 = arith.constant 0 : i32
      %add3A_252 = arith.addi %mul3A_250, %add3A_251 : i32
      %get3A_253 = arith.index_cast %add3A_252 : i32 to index
      %get3A_254 = arith.constant 32 : index
      %get3A_255 = tpu.vector_load %arg10[%get3A_253, %get3A_254] {strides = array<i32>} : memref<640x128xf32, #tpu.memory_space<vmem>>, vector<1x16xf32>,
      %get3A_256 = vector.shape_cast %get3A_255 : vector<1x16xf32> to vector<16xf32>
      %mul3A_257 = vector.broadcast %squeeze3A : f32 to vector<16xf32>
      %mul3A_258 = arith.mulf %mul3A_257, %get3A_256 : vector<16xf32>
      %add3A_259 = arith.addf %broadcast_in_dim3A_216, %mul3A_258 : vector<16xf32>
      %mul3A_260 = arith.constant 20 : i32
      %mul3A_261 = arith.muli %scan3A_203, %mul3A_260 : i32
      %add3A_262 = arith.constant 0 : i32
      %add3A_263 = arith.addi %mul3A_261, %add3A_262 : i32
      %get3A_264 = arith.index_cast %add3A_263 : i32 to index
      %get3A_265 = arith.constant 48 : index
      %get3A_266 = tpu.vector_load %arg10[%get3A_264, %get3A_265] {strides = array<i32>} : memref<640x128xf32, #tpu.memory_space<vmem>>, vector<1x16xf32>,
      %get3A_267 = vector.shape_cast %get3A_266 : vector<1x16xf32> to vector<16xf32>
      %mul3A_268 = vector.broadcast %squeeze3A : f32 to vector<16xf32>
      %mul3A_269 = arith.mulf %mul3A_268, %get3A_267 : vector<16xf32>
      %add3A_270 = arith.addf %broadcast_in_dim3A_218, %mul3A_269 : vector<16xf32>
      %mul3A_271 = arith.constant 20 : i32
      %mul3A_272 = arith.muli %scan3A_203, %mul3A_271 : i32
      %add3A_273 = arith.constant 0 : i32
      %add3A_274 = arith.addi %mul3A_272, %add3A_273 : i32
      %get3A_275 = arith.index_cast %add3A_274 : i32 to index
      %get3A_276 = arith.constant 64 : index
      %get3A_277 = tpu.vector_load %arg10[%get3A_275, %get3A_276] {strides = array<i32>} : memref<640x128xf32, #tpu.memory_space<vmem>>, vector<1x16xf32>,
      %get3A_278 = vector.shape_cast %get3A_277 : vector<1x16xf32> to vector<16xf32>
      %mul3A_279 = vector.broadcast %squeeze3A : f32 to vector<16xf32>
      %mul3A_280 = arith.mulf %mul3A_279, %get3A_278 : vector<16xf32>
      %add3A_281 = arith.addf %broadcast_in_dim3A_220, %mul3A_280 : vector<16xf32>
      %mul3A_282 = arith.constant 20 : i32
      %mul3A_283 = arith.muli %scan3A_203, %mul3A_282 : i32
      %add3A_284 = arith.constant 0 : i32
      %add3A_285 = arith.addi %mul3A_283, %add3A_284 : i32
      %get3A_286 = arith.index_cast %add3A_285 : i32 to index
      %get3A_287 = arith.constant 80 : index
      %get3A_288 = tpu.vector_load %arg10[%get3A_286, %get3A_287] {strides = array<i32>} : memref<640x128xf32, #tpu.memory_space<vmem>>, vector<1x16xf32>,
      %get3A_289 = vector.shape_cast %get3A_288 : vector<1x16xf32> to vector<16xf32>
      %mul3A_290 = vector.broadcast %squeeze3A : f32 to vector<16xf32>
      %mul3A_291 = arith.mulf %mul3A_290, %get3A_289 : vector<16xf32>
      %add3A_292 = arith.addf %broadcast_in_dim3A_222, %mul3A_291 : vector<16xf32>
      %mul3A_293 = arith.constant 20 : i32
      %mul3A_294 = arith.muli %scan3A_203, %mul3A_293 : i32
      %add3A_295 = arith.constant 0 : i32
      %add3A_296 = arith.addi %mul3A_294, %add3A_295 : i32
      %get3A_297 = arith.index_cast %add3A_296 : i32 to index
      %get3A_298 = arith.constant 96 : index
      %get3A_299 = tpu.vector_load %arg10[%get3A_297, %get3A_298] {strides = array<i32>} : memref<640x128xf32, #tpu.memory_space<vmem>>, vector<1x16xf32>,
      %get3A_300 = vector.shape_cast %get3A_299 : vector<1x16xf32> to vector<16xf32>
      %mul3A_301 = vector.broadcast %squeeze3A : f32 to vector<16xf32>
      %mul3A_302 = arith.mulf %mul3A_301, %get3A_300 : vector<16xf32>
      %add3A_303 = arith.addf %broadcast_in_dim3A_224, %mul3A_302 : vector<16xf32>
      %mul3A_304 = arith.constant 20 : i32
      %mul3A_305 = arith.muli %scan3A_203, %mul3A_304 : i32
      %add3A_306 = arith.constant 0 : i32
      %add3A_307 = arith.addi %mul3A_305, %add3A_306 : i32
      %get3A_308 = arith.index_cast %add3A_307 : i32 to index
      %get3A_309 = arith.constant 112 : index
      %get3A_310 = tpu.vector_load %arg10[%get3A_308, %get3A_309] {strides = array<i32>} : memref<640x128xf32, #tpu.memory_space<vmem>>, vector<1x16xf32>,
      %get3A_311 = vector.shape_cast %get3A_310 : vector<1x16xf32> to vector<16xf32>
      %mul3A_312 = vector.broadcast %squeeze3A : f32 to vector<16xf32>
      %mul3A_313 = arith.mulf %mul3A_312, %get3A_311 : vector<16xf32>
      %add3A_314 = arith.addf %broadcast_in_dim3A_226, %mul3A_313 : vector<16xf32>
      %slice3A_315 = vector.extract_strided_slice %get3A_207 {offsets = [1], sizes = [1], strides = [1]} : vector<16xf32> to vector<1xf32>
      %squeeze3A_316 = vector.extract %slice3A_315[0] : f32 from vector<1xf32>
      %mul3A_317 = arith.constant 20 : i32
      %mul3A_318 = arith.muli %scan3A_203, %mul3A_317 : i32
      %add3A_319 = arith.constant 1 : i32
      %add3A_320 = arith.addi %mul3A_318, %add3A_319 : i32
      %get3A_321 = arith.index_cast %add3A_320 : i32 to index
      %get3A_322 = arith.constant 0 : index
      %get3A_323 = tpu.vector_load %arg10[%get3A_321, %get3A_322] {strides = array<i32>} : memref<640x128xf32, #tpu.memory_space<vmem>>, vector<1x16xf32>,
      %get3A_324 = vector.shape_cast %get3A_323 : vector<1x16xf32> to vector<16xf32>
      %mul3A_325 = vector.broadcast %squeeze3A_316 : f32 to vector<16xf32>
      %mul3A_326 = arith.mulf %mul3A_325, %get3A_324 : vector<16xf32>
      %add3A_327 = arith.addf %add3A_237, %mul3A_326 : vector<16xf32>
      %mul3A_328 = arith.constant 20 : i32
      %mul3A_329 = arith.muli %scan3A_203, %mul3A_328 : i32
      %add3A_330 = arith.constant 1 : i32
      %add3A_331 = arith.addi %mul3A_329, %add3A_330 : i32
      %get3A_332 = arith.index_cast %add3A_331 : i32 to index
      %get3A_333 = arith.constant 16 : index
      %get3A_334 = tpu.vector_load %arg10[%get3A_332, %get3A_333] {strides = array<i32>} : memref<640x128xf32, #tpu.memory_space<vmem>>, vector<1x16xf32>,
      %get3A_335 = vector.shape_cast %get3A_334 : vector<1x16xf32> to vector<16xf32>
      %mul3A_336 = vector.broadcast %squeeze3A_316 : f32 to vector<16xf32>
      %mul3A_337 = arith.mulf %mul3A_336, %get3A_335 : vector<16xf32>
      %add3A_338 = arith.addf %add3A_248, %mul3A_337 : vector<16xf32>
      %mul3A_339 = arith.constant 20 : i32
      %mul3A_340 = arith.muli %scan3A_203, %mul3A_339 : i32
      %add3A_341 = arith.constant 1 : i32
      %add3A_342 = arith.addi %mul3A_340, %add3A_341 : i32
      %get3A_343 = arith.index_cast %add3A_342 : i32 to index
      %get3A_344 = arith.constant 32 : index
      %get3A_345 = tpu.vector_load %arg10[%get3A_343, %get3A_344] {strides = array<i32>} : memref<640x128xf32, #tpu.memory_space<vmem>>, vector<1x16xf32>,
      %get3A_346 = vector.shape_cast %get3A_345 : vector<1x16xf32> to vector<16xf32>
      %mul3A_347 = vector.broadcast %squeeze3A_316 : f32 to vector<16xf32>
      %mul3A_348 = arith.mulf %mul3A_347, %get3A_346 : vector<16xf32>
      %add3A_349 = arith.addf %add3A_259, %mul3A_348 : vector<16xf32>
      %mul3A_350 = arith.constant 20 : i32
      %mul3A_351 = arith.muli %scan3A_203, %mul3A_350 : i32
      %add3A_352 = arith.constant 1 : i32
      %add3A_353 = arith.addi %mul3A_351, %add3A_352 : i32
      %get3A_354 = arith.index_cast %add3A_353 : i32 to index
      %get3A_355 = arith.constant 48 : index
      %get3A_356 = tpu.vector_load %arg10[%get3A_354, %get3A_355] {strides = array<i32>} : memref<640x128xf32, #tpu.memory_space<vmem>>, vector<1x16xf32>,
      %get3A_357 = vector.shape_cast %get3A_356 : vector<1x16xf32> to vector<16xf32>
      %mul3A_358 = vector.broadcast %squeeze3A_316 : f32 to vector<16xf32>
      %mul3A_359 = arith.mulf %mul3A_358, %get3A_357 : vector<16xf32>
      %add3A_360 = arith.addf %add3A_270, %mul3A_359 : vector<16xf32>
      %mul3A_361 = arith.constant 20 : i32
      %mul3A_362 = arith.muli %scan3A_203, %mul3A_361 : i32
      %add3A_363 = arith.constant 1 : i32
      %add3A_364 = arith.addi %mul3A_362, %add3A_363 : i32
      %get3A_365 = arith.index_cast %add3A_364 : i32 to index
      %get3A_366 = arith.constant 64 : index
      %get3A_367 = tpu.vector_load %arg10[%get3A_365, %get3A_366] {strides = array<i32>} : memref<640x128xf32, #tpu.memory_space<vmem>>, vector<1x16xf32>,
      %get3A_368 = vector.shape_cast %get3A_367 : vector<1x16xf32> to vector<16xf32>
      %mul3A_369 = vector.broadcast %squeeze3A_316 : f32 to vector<16xf32>
      %mul3A_370 = arith.mulf %mul3A_369, %get3A_368 : vector<16xf32>
      %add3A_371 = arith.addf %add3A_281, %mul3A_370 : vector<16xf32>
      %mul3A_372 = arith.constant 20 : i32
      %mul3A_373 = arith.muli %scan3A_203, %mul3A_372 : i32
      %add3A_374 = arith.constant 1 : i32
      %add3A_375 = arith.addi %mul3A_373, %add3A_374 : i32
      %get3A_376 = arith.index_cast %add3A_375 : i32 to index
      %get3A_377 = arith.constant 80 : index
      %get3A_378 = tpu.vector_load %arg10[%get3A_376, %get3A_377] {strides = array<i32>} : memref<640x128xf32, #tpu.memory_space<vmem>>, vector<1x16xf32>,
      %get3A_379 = vector.shape_cast %get3A_378 : vector<1x16xf32> to vector<16xf32>
      %mul3A_380 = vector.broadcast %squeeze3A_316 : f32 to vector<16xf32>
      %mul3A_381 = arith.mulf %mul3A_380, %get3A_379 : vector<16xf32>
      %add3A_382 = arith.addf %add3A_292, %mul3A_381 : vector<16xf32>
      %mul3A_383 = arith.constant 20 : i32
      %mul3A_384 = arith.muli %scan3A_203, %mul3A_383 : i32
      %add3A_385 = arith.constant 1 : i32
      %add3A_386 = arith.addi %mul3A_384, %add3A_385 : i32
      %get3A_387 = arith.index_cast %add3A_386 : i32 to index
      %get3A_388 = arith.constant 96 : index
      %get3A_389 = tpu.vector_load %arg10[%get3A_387, %get3A_388] {strides = array<i32>} : memref<640x128xf32, #tpu.memory_space<vmem>>, vector<1x16xf32>,
      %get3A_390 = vector.shape_cast %get3A_389 : vector<1x16xf32> to vector<16xf32>
      %mul3A_391 = vector.broadcast %squeeze3A_316 : f32 to vector<16xf32>
      %mul3A_392 = arith.mulf %mul3A_391, %get3A_390 : vector<16xf32>
      %add3A_393 = arith.addf %add3A_303, %mul3A_392 : vector<16xf32>
      %mul3A_394 = arith.constant 20 : i32
      %mul3A_395 = arith.muli %scan3A_203, %mul3A_394 : i32
      %add3A_396 = arith.constant 1 : i32
      %add3A_397 = arith.addi %mul3A_395, %add3A_396 : i32
      %get3A_398 = arith.index_cast %add3A_397 : i32 to index
      %get3A_399 = arith.constant 112 : index
      %get3A_400 = tpu.vector_load %arg10[%get3A_398, %get3A_399] {strides = array<i32>} : memref<640x128xf32, #tpu.memory_space<vmem>>, vector<1x16xf32>,
      %get3A_401 = vector.shape_cast %get3A_400 : vector<1x16xf32> to vector<16xf32>
      %mul3A_402 = vector.broadcast %squeeze3A_316 : f32 to vector<16xf32>
      %mul3A_403 = arith.mulf %mul3A_402, %get3A_401 : vector<16xf32>
      %add3A_404 = arith.addf %add3A_314, %mul3A_403 : vector<16xf32>
      %slice3A_405 = vector.extract_strided_slice %get3A_207 {offsets = [2], sizes = [1], strides = [1]} : vector<16xf32> to vector<1xf32>
      %squeeze3A_406 = vector.extract %slice3A_405[0] : f32 from vector<1xf32>
      %mul3A_407 = arith.constant 20 : i32
      %mul3A_408 = arith.muli %scan3A_203, %mul3A_407 : i32
      %add3A_409 = arith.constant 2 : i32
      %add3A_410 = arith.addi %mul3A_408, %add3A_409 : i32
      %get3A_411 = arith.index_cast %add3A_410 : i32 to index
      %get3A_412 = arith.constant 0 : index
      %get3A_413 = tpu.vector_load %arg10[%get3A_411, %get3A_412] {strides = array<i32>} : memref<640x128xf32, #tpu.memory_space<vmem>>, vector<1x16xf32>,
      %get3A_414 = vector.shape_cast %get3A_413 : vector<1x16xf32> to vector<16xf32>
      %mul3A_415 = vector.broadcast %squeeze3A_406 : f32 to vector<16xf32>
      %mul3A_416 = arith.mulf %mul3A_415, %get3A_414 : vector<16xf32>
      %add3A_417 = arith.addf %add3A_327, %mul3A_416 : vector<16xf32>
      %mul3A_418 = arith.constant 20 : i32
      %mul3A_419 = arith.muli %scan3A_203, %mul3A_418 : i32
      %add3A_420 = arith.constant 2 : i32
      %add3A_421 = arith.addi %mul3A_419, %add3A_420 : i32
      %get3A_422 = arith.index_cast %add3A_421 : i32 to index
      %get3A_423 = arith.constant 16 : index
      %get3A_424 = tpu.vector_load %arg10[%get3A_422, %get3A_423] {strides = array<i32>} : memref<640x128xf32, #tpu.memory_space<vmem>>, vector<1x16xf32>,
      %get3A_425 = vector.shape_cast %get3A_424 : vector<1x16xf32> to vector<16xf32>
      %mul3A_426 = vector.broadcast %squeeze3A_406 : f32 to vector<16xf32>
      %mul3A_427 = arith.mulf %mul3A_426, %get3A_425 : vector<16xf32>
      %add3A_428 = arith.addf %add3A_338, %mul3A_427 : vector<16xf32>
      %mul3A_429 = arith.constant 20 : i32
      %mul3A_430 = arith.muli %scan3A_203, %mul3A_429 : i32
      %add3A_431 = arith.constant 2 : i32
      %add3A_432 = arith.addi %mul3A_430, %add3A_431 : i32
      %get3A_433 = arith.index_cast %add3A_432 : i32 to index
      %get3A_434 = arith.constant 32 : index
      %get3A_435 = tpu.vector_load %arg10[%get3A_433, %get3A_434] {strides = array<i32>} : memref<640x128xf32, #tpu.memory_space<vmem>>, vector<1x16xf32>,
      %get3A_436 = vector.shape_cast %get3A_435 : vector<1x16xf32> to vector<16xf32>
      %mul3A_437 = vector.broadcast %squeeze3A_406 : f32 to vector<16xf32>
      %mul3A_438 = arith.mulf %mul3A_437, %get3A_436 : vector<16xf32>
      %add3A_439 = arith.addf %add3A_349, %mul3A_438 : vector<16xf32>
      %mul3A_440 = arith.constant 20 : i32
      %mul3A_441 = arith.muli %scan3A_203, %mul3A_440 : i32
      %add3A_442 = arith.constant 2 : i32
      %add3A_443 = arith.addi %mul3A_441, %add3A_442 : i32
      %get3A_444 = arith.index_cast %add3A_443 : i32 to index
      %get3A_445 = arith.constant 48 : index
      %get3A_446 = tpu.vector_load %arg10[%get3A_444, %get3A_445] {strides = array<i32>} : memref<640x128xf32, #tpu.memory_space<vmem>>, vector<1x16xf32>,
      %get3A_447 = vector.shape_cast %get3A_446 : vector<1x16xf32> to vector<16xf32>
      %mul3A_448 = vector.broadcast %squeeze3A_406 : f32 to vector<16xf32>
      %mul3A_449 = arith.mulf %mul3A_448, %get3A_447 : vector<16xf32>
      %add3A_450 = arith.addf %add3A_360, %mul3A_449 : vector<16xf32>
      %mul3A_451 = arith.constant 20 : i32
      %mul3A_452 = arith.muli %scan3A_203, %mul3A_451 : i32
      %add3A_453 = arith.constant 2 : i32
      %add3A_454 = arith.addi %mul3A_452, %add3A_453 : i32
      %get3A_455 = arith.index_cast %add3A_454 : i32 to index
      %get3A_456 = arith.constant 64 : index
      %get3A_457 = tpu.vector_load %arg10[%get3A_455, %get3A_456] {strides = array<i32>} : memref<640x128xf32, #tpu.memory_space<vmem>>, vector<1x16xf32>,
      %get3A_458 = vector.shape_cast %get3A_457 : vector<1x16xf32> to vector<16xf32>
      %mul3A_459 = vector.broadcast %squeeze3A_406 : f32 to vector<16xf32>
      %mul3A_460 = arith.mulf %mul3A_459, %get3A_458 : vector<16xf32>
      %add3A_461 = arith.addf %add3A_371, %mul3A_460 : vector<16xf32>
      %mul3A_462 = arith.constant 20 : i32
      %mul3A_463 = arith.muli %scan3A_203, %mul3A_462 : i32
      %add3A_464 = arith.constant 2 : i32
      %add3A_465 = arith.addi %mul3A_463, %add3A_464 : i32
      %get3A_466 = arith.index_cast %add3A_465 : i32 to index
      %get3A_467 = arith.constant 80 : index
      %get3A_468 = tpu.vector_load %arg10[%get3A_466, %get3A_467] {strides = array<i32>} : memref<640x128xf32, #tpu.memory_space<vmem>>, vector<1x16xf32>,
      %get3A_469 = vector.shape_cast %get3A_468 : vector<1x16xf32> to vector<16xf32>
      %mul3A_470 = vector.broadcast %squeeze3A_406 : f32 to vector<16xf32>
      %mul3A_471 = arith.mulf %mul3A_470, %get3A_469 : vector<16xf32>
      %add3A_472 = arith.addf %add3A_382, %mul3A_471 : vector<16xf32>
      %mul3A_473 = arith.constant 20 : i32
      %mul3A_474 = arith.muli %scan3A_203, %mul3A_473 : i32
      %add3A_475 = arith.constant 2 : i32
      %add3A_476 = arith.addi %mul3A_474, %add3A_475 : i32
      %get3A_477 = arith.index_cast %add3A_476 : i32 to index
      %get3A_478 = arith.constant 96 : index
      %get3A_479 = tpu.vector_load %arg10[%get3A_477, %get3A_478] {strides = array<i32>} : memref<640x128xf32, #tpu.memory_space<vmem>>, vector<1x16xf32>,
      %get3A_480 = vector.shape_cast %get3A_479 : vector<1x16xf32> to vector<16xf32>
      %mul3A_481 = vector.broadcast %squeeze3A_406 : f32 to vector<16xf32>
      %mul3A_482 = arith.mulf %mul3A_481, %get3A_480 : vector<16xf32>
      %add3A_483 = arith.addf %add3A_393, %mul3A_482 : vector<16xf32>
      %mul3A_484 = arith.constant 20 : i32
      %mul3A_485 = arith.muli %scan3A_203, %mul3A_484 : i32
      %add3A_486 = arith.constant 2 : i32
      %add3A_487 = arith.addi %mul3A_485, %add3A_486 : i32
      %get3A_488 = arith.index_cast %add3A_487 : i32 to index
      %get3A_489 = arith.constant 112 : index
      %get3A_490 = tpu.vector_load %arg10[%get3A_488, %get3A_489] {strides = array<i32>} : memref<640x128xf32, #tpu.memory_space<vmem>>, vector<1x16xf32>,
      %get3A_491 = vector.shape_cast %get3A_490 : vector<1x16xf32> to vector<16xf32>
      %mul3A_492 = vector.broadcast %squeeze3A_406 : f32 to vector<16xf32>
      %mul3A_493 = arith.mulf %mul3A_492, %get3A_491 : vector<16xf32>
      %add3A_494 = arith.addf %add3A_404, %mul3A_493 : vector<16xf32>
      %slice3A_495 = vector.extract_strided_slice %get3A_207 {offsets = [3], sizes = [1], strides = [1]} : vector<16xf32> to vector<1xf32>
      %squeeze3A_496 = vector.extract %slice3A_495[0] : f32 from vector<1xf32>
      %mul3A_497 = arith.constant 20 : i32
      %mul3A_498 = arith.muli %scan3A_203, %mul3A_497 : i32
      %add3A_499 = arith.constant 3 : i32
      %add3A_500 = arith.addi %mul3A_498, %add3A_499 : i32
      %get3A_501 = arith.index_cast %add3A_500 : i32 to index
      %get3A_502 = arith.constant 0 : index
      %get3A_503 = tpu.vector_load %arg10[%get3A_501, %get3A_502] {strides = array<i32>} : memref<640x128xf32, #tpu.memory_space<vmem>>, vector<1x16xf32>,
      %get3A_504 = vector.shape_cast %get3A_503 : vector<1x16xf32> to vector<16xf32>
      %mul3A_505 = vector.broadcast %squeeze3A_496 : f32 to vector<16xf32>
      %mul3A_506 = arith.mulf %mul3A_505, %get3A_504 : vector<16xf32>
      %add3A_507 = arith.addf %add3A_417, %mul3A_506 : vector<16xf32>
      %mul3A_508 = arith.constant 20 : i32
      %mul3A_509 = arith.muli %scan3A_203, %mul3A_508 : i32
      %add3A_510 = arith.constant 3 : i32
      %add3A_511 = arith.addi %mul3A_509, %add3A_510 : i32
      %get3A_512 = arith.index_cast %add3A_511 : i32 to index
      %get3A_513 = arith.constant 16 : index
      %get3A_514 = tpu.vector_load %arg10[%get3A_512, %get3A_513] {strides = array<i32>} : memref<640x128xf32, #tpu.memory_space<vmem>>, vector<1x16xf32>,
      %get3A_515 = vector.shape_cast %get3A_514 : vector<1x16xf32> to vector<16xf32>
      %mul3A_516 = vector.broadcast %squeeze3A_496 : f32 to vector<16xf32>
      %mul3A_517 = arith.mulf %mul3A_516, %get3A_515 : vector<16xf32>
      %add3A_518 = arith.addf %add3A_428, %mul3A_517 : vector<16xf32>
      %mul3A_519 = arith.constant 20 : i32
      %mul3A_520 = arith.muli %scan3A_203, %mul3A_519 : i32
      %add3A_521 = arith.constant 3 : i32
      %add3A_522 = arith.addi %mul3A_520, %add3A_521 : i32
      %get3A_523 = arith.index_cast %add3A_522 : i32 to index
      %get3A_524 = arith.constant 32 : index
      %get3A_525 = tpu.vector_load %arg10[%get3A_523, %get3A_524] {strides = array<i32>} : memref<640x128xf32, #tpu.memory_space<vmem>>, vector<1x16xf32>,
      %get3A_526 = vector.shape_cast %get3A_525 : vector<1x16xf32> to vector<16xf32>
      %mul3A_527 = vector.broadcast %squeeze3A_496 : f32 to vector<16xf32>
      %mul3A_528 = arith.mulf %mul3A_527, %get3A_526 : vector<16xf32>
      %add3A_529 = arith.addf %add3A_439, %mul3A_528 : vector<16xf32>
      %mul3A_530 = arith.constant 20 : i32
      %mul3A_531 = arith.muli %scan3A_203, %mul3A_530 : i32
      %add3A_532 = arith.constant 3 : i32
      %add3A_533 = arith.addi %mul3A_531, %add3A_532 : i32
      %get3A_534 = arith.index_cast %add3A_533 : i32 to index
      %get3A_535 = arith.constant 48 : index
      %get3A_536 = tpu.vector_load %arg10[%get3A_534, %get3A_535] {strides = array<i32>} : memref<640x128xf32, #tpu.memory_space<vmem>>, vector<1x16xf32>,
      %get3A_537 = vector.shape_cast %get3A_536 : vector<1x16xf32> to vector<16xf32>
      %mul3A_538 = vector.broadcast %squeeze3A_496 : f32 to vector<16xf32>
      %mul3A_539 = arith.mulf %mul3A_538, %get3A_537 : vector<16xf32>
      %add3A_540 = arith.addf %add3A_450, %mul3A_539 : vector<16xf32>
      %mul3A_541 = arith.constant 20 : i32
      %mul3A_542 = arith.muli %scan3A_203, %mul3A_541 : i32
      %add3A_543 = arith.constant 3 : i32
      %add3A_544 = arith.addi %mul3A_542, %add3A_543 : i32
      %get3A_545 = arith.index_cast %add3A_544 : i32 to index
      %get3A_546 = arith.constant 64 : index
      %get3A_547 = tpu.vector_load %arg10[%get3A_545, %get3A_546] {strides = array<i32>} : memref<640x128xf32, #tpu.memory_space<vmem>>, vector<1x16xf32>,
      %get3A_548 = vector.shape_cast %get3A_547 : vector<1x16xf32> to vector<16xf32>
      %mul3A_549 = vector.broadcast %squeeze3A_496 : f32 to vector<16xf32>
      %mul3A_550 = arith.mulf %mul3A_549, %get3A_548 : vector<16xf32>
      %add3A_551 = arith.addf %add3A_461, %mul3A_550 : vector<16xf32>
      %mul3A_552 = arith.constant 20 : i32
      %mul3A_553 = arith.muli %scan3A_203, %mul3A_552 : i32
      %add3A_554 = arith.constant 3 : i32
      %add3A_555 = arith.addi %mul3A_553, %add3A_554 : i32
      %get3A_556 = arith.index_cast %add3A_555 : i32 to index
      %get3A_557 = arith.constant 80 : index
      %get3A_558 = tpu.vector_load %arg10[%get3A_556, %get3A_557] {strides = array<i32>} : memref<640x128xf32, #tpu.memory_space<vmem>>, vector<1x16xf32>,
      %get3A_559 = vector.shape_cast %get3A_558 : vector<1x16xf32> to vector<16xf32>
      %mul3A_560 = vector.broadcast %squeeze3A_496 : f32 to vector<16xf32>
      %mul3A_561 = arith.mulf %mul3A_560, %get3A_559 : vector<16xf32>
      %add3A_562 = arith.addf %add3A_472, %mul3A_561 : vector<16xf32>
      %mul3A_563 = arith.constant 20 : i32
      %mul3A_564 = arith.muli %scan3A_203, %mul3A_563 : i32
      %add3A_565 = arith.constant 3 : i32
      %add3A_566 = arith.addi %mul3A_564, %add3A_565 : i32
      %get3A_567 = arith.index_cast %add3A_566 : i32 to index
      %get3A_568 = arith.constant 96 : index
      %get3A_569 = tpu.vector_load %arg10[%get3A_567, %get3A_568] {strides = array<i32>} : memref<640x128xf32, #tpu.memory_space<vmem>>, vector<1x16xf32>,
      %get3A_570 = vector.shape_cast %get3A_569 : vector<1x16xf32> to vector<16xf32>
      %mul3A_571 = vector.broadcast %squeeze3A_496 : f32 to vector<16xf32>
      %mul3A_572 = arith.mulf %mul3A_571, %get3A_570 : vector<16xf32>
      %add3A_573 = arith.addf %add3A_483, %mul3A_572 : vector<16xf32>
      %mul3A_574 = arith.constant 20 : i32
      %mul3A_575 = arith.muli %scan3A_203, %mul3A_574 : i32
      %add3A_576 = arith.constant 3 : i32
      %add3A_577 = arith.addi %mul3A_575, %add3A_576 : i32
      %get3A_578 = arith.index_cast %add3A_577 : i32 to index
      %get3A_579 = arith.constant 112 : index
      %get3A_580 = tpu.vector_load %arg10[%get3A_578, %get3A_579] {strides = array<i32>} : memref<640x128xf32, #tpu.memory_space<vmem>>, vector<1x16xf32>,
      %get3A_581 = vector.shape_cast %get3A_580 : vector<1x16xf32> to vector<16xf32>
      %mul3A_582 = vector.broadcast %squeeze3A_496 : f32 to vector<16xf32>
      %mul3A_583 = arith.mulf %mul3A_582, %get3A_581 : vector<16xf32>
      %add3A_584 = arith.addf %add3A_494, %mul3A_583 : vector<16xf32>
      %slice3A_585 = vector.extract_strided_slice %get3A_207 {offsets = [4], sizes = [1], strides = [1]} : vector<16xf32> to vector<1xf32>
      %squeeze3A_586 = vector.extract %slice3A_585[0] : f32 from vector<1xf32>
      %mul3A_587 = arith.constant 20 : i32
      %mul3A_588 = arith.muli %scan3A_203, %mul3A_587 : i32
      %add3A_589 = arith.constant 4 : i32
      %add3A_590 = arith.addi %mul3A_588, %add3A_589 : i32
      %get3A_591 = arith.index_cast %add3A_590 : i32 to index
      %get3A_592 = arith.constant 0 : index
      %get3A_593 = tpu.vector_load %arg10[%get3A_591, %get3A_592] {strides = array<i32>} : memref<640x128xf32, #tpu.memory_space<vmem>>, vector<1x16xf32>,
      %get3A_594 = vector.shape_cast %get3A_593 : vector<1x16xf32> to vector<16xf32>
      %mul3A_595 = vector.broadcast %squeeze3A_586 : f32 to vector<16xf32>
      %mul3A_596 = arith.mulf %mul3A_595, %get3A_594 : vector<16xf32>
      %add3A_597 = arith.addf %add3A_507, %mul3A_596 : vector<16xf32>
      %mul3A_598 = arith.constant 20 : i32
      %mul3A_599 = arith.muli %scan3A_203, %mul3A_598 : i32
      %add3A_600 = arith.constant 4 : i32
      %add3A_601 = arith.addi %mul3A_599, %add3A_600 : i32
      %get3A_602 = arith.index_cast %add3A_601 : i32 to index
      %get3A_603 = arith.constant 16 : index
      %get3A_604 = tpu.vector_load %arg10[%get3A_602, %get3A_603] {strides = array<i32>} : memref<640x128xf32, #tpu.memory_space<vmem>>, vector<1x16xf32>,
      %get3A_605 = vector.shape_cast %get3A_604 : vector<1x16xf32> to vector<16xf32>
      %mul3A_606 = vector.broadcast %squeeze3A_586 : f32 to vector<16xf32>
      %mul3A_607 = arith.mulf %mul3A_606, %get3A_605 : vector<16xf32>
      %add3A_608 = arith.addf %add3A_518, %mul3A_607 : vector<16xf32>
      %mul3A_609 = arith.constant 20 : i32
      %mul3A_610 = arith.muli %scan3A_203, %mul3A_609 : i32
      %add3A_611 = arith.constant 4 : i32
      %add3A_612 = arith.addi %mul3A_610, %add3A_611 : i32
      %get3A_613 = arith.index_cast %add3A_612 : i32 to index
      %get3A_614 = arith.constant 32 : index
      %get3A_615 = tpu.vector_load %arg10[%get3A_613, %get3A_614] {strides = array<i32>} : memref<640x128xf32, #tpu.memory_space<vmem>>, vector<1x16xf32>,
      %get3A_616 = vector.shape_cast %get3A_615 : vector<1x16xf32> to vector<16xf32>
      %mul3A_617 = vector.broadcast %squeeze3A_586 : f32 to vector<16xf32>
      %mul3A_618 = arith.mulf %mul3A_617, %get3A_616 : vector<16xf32>
      %add3A_619 = arith.addf %add3A_529, %mul3A_618 : vector<16xf32>
      %mul3A_620 = arith.constant 20 : i32
      %mul3A_621 = arith.muli %scan3A_203, %mul3A_620 : i32
      %add3A_622 = arith.constant 4 : i32
      %add3A_623 = arith.addi %mul3A_621, %add3A_622 : i32
      %get3A_624 = arith.index_cast %add3A_623 : i32 to index
      %get3A_625 = arith.constant 48 : index
      %get3A_626 = tpu.vector_load %arg10[%get3A_624, %get3A_625] {strides = array<i32>} : memref<640x128xf32, #tpu.memory_space<vmem>>, vector<1x16xf32>,
      %get3A_627 = vector.shape_cast %get3A_626 : vector<1x16xf32> to vector<16xf32>
      %mul3A_628 = vector.broadcast %squeeze3A_586 : f32 to vector<16xf32>
      %mul3A_629 = arith.mulf %mul3A_628, %get3A_627 : vector<16xf32>
      %add3A_630 = arith.addf %add3A_540, %mul3A_629 : vector<16xf32>
      %mul3A_631 = arith.constant 20 : i32
      %mul3A_632 = arith.muli %scan3A_203, %mul3A_631 : i32
      %add3A_633 = arith.constant 4 : i32
      %add3A_634 = arith.addi %mul3A_632, %add3A_633 : i32
      %get3A_635 = arith.index_cast %add3A_634 : i32 to index
      %get3A_636 = arith.constant 64 : index
      %get3A_637 = tpu.vector_load %arg10[%get3A_635, %get3A_636] {strides = array<i32>} : memref<640x128xf32, #tpu.memory_space<vmem>>, vector<1x16xf32>,
      %get3A_638 = vector.shape_cast %get3A_637 : vector<1x16xf32> to vector<16xf32>
      %mul3A_639 = vector.broadcast %squeeze3A_586 : f32 to vector<16xf32>
      %mul3A_640 = arith.mulf %mul3A_639, %get3A_638 : vector<16xf32>
      %add3A_641 = arith.addf %add3A_551, %mul3A_640 : vector<16xf32>
      %mul3A_642 = arith.constant 20 : i32
      %mul3A_643 = arith.muli %scan3A_203, %mul3A_642 : i32
      %add3A_644 = arith.constant 4 : i32
      %add3A_645 = arith.addi %mul3A_643, %add3A_644 : i32
      %get3A_646 = arith.index_cast %add3A_645 : i32 to index
      %get3A_647 = arith.constant 80 : index
      %get3A_648 = tpu.vector_load %arg10[%get3A_646, %get3A_647] {strides = array<i32>} : memref<640x128xf32, #tpu.memory_space<vmem>>, vector<1x16xf32>,
      %get3A_649 = vector.shape_cast %get3A_648 : vector<1x16xf32> to vector<16xf32>
      %mul3A_650 = vector.broadcast %squeeze3A_586 : f32 to vector<16xf32>
      %mul3A_651 = arith.mulf %mul3A_650, %get3A_649 : vector<16xf32>
      %add3A_652 = arith.addf %add3A_562, %mul3A_651 : vector<16xf32>
      %mul3A_653 = arith.constant 20 : i32
      %mul3A_654 = arith.muli %scan3A_203, %mul3A_653 : i32
      %add3A_655 = arith.constant 4 : i32
      %add3A_656 = arith.addi %mul3A_654, %add3A_655 : i32
      %get3A_657 = arith.index_cast %add3A_656 : i32 to index
      %get3A_658 = arith.constant 96 : index
      %get3A_659 = tpu.vector_load %arg10[%get3A_657, %get3A_658] {strides = array<i32>} : memref<640x128xf32, #tpu.memory_space<vmem>>, vector<1x16xf32>,
      %get3A_660 = vector.shape_cast %get3A_659 : vector<1x16xf32> to vector<16xf32>
      %mul3A_661 = vector.broadcast %squeeze3A_586 : f32 to vector<16xf32>
      %mul3A_662 = arith.mulf %mul3A_661, %get3A_660 : vector<16xf32>
      %add3A_663 = arith.addf %add3A_573, %mul3A_662 : vector<16xf32>
      %mul3A_664 = arith.constant 20 : i32
      %mul3A_665 = arith.muli %scan3A_203, %mul3A_664 : i32
      %add3A_666 = arith.constant 4 : i32
      %add3A_667 = arith.addi %mul3A_665, %add3A_666 : i32
      %get3A_668 = arith.index_cast %add3A_667 : i32 to index
      %get3A_669 = arith.constant 112 : index
      %get3A_670 = tpu.vector_load %arg10[%get3A_668, %get3A_669] {strides = array<i32>} : memref<640x128xf32, #tpu.memory_space<vmem>>, vector<1x16xf32>,
      %get3A_671 = vector.shape_cast %get3A_670 : vector<1x16xf32> to vector<16xf32>
      %mul3A_672 = vector.broadcast %squeeze3A_586 : f32 to vector<16xf32>
      %mul3A_673 = arith.mulf %mul3A_672, %get3A_671 : vector<16xf32>
      %add3A_674 = arith.addf %add3A_584, %mul3A_673 : vector<16xf32>
      %slice3A_675 = vector.extract_strided_slice %get3A_207 {offsets = [5], sizes = [1], strides = [1]} : vector<16xf32> to vector<1xf32>
      %squeeze3A_676 = vector.extract %slice3A_675[0] : f32 from vector<1xf32>
      %mul3A_677 = arith.constant 20 : i32
      %mul3A_678 = arith.muli %scan3A_203, %mul3A_677 : i32
      %add3A_679 = arith.constant 5 : i32
      %add3A_680 = arith.addi %mul3A_678, %add3A_679 : i32
      %get3A_681 = arith.index_cast %add3A_680 : i32 to index
      %get3A_682 = arith.constant 0 : index
      %get3A_683 = tpu.vector_load %arg10[%get3A_681, %get3A_682] {strides = array<i32>} : memref<640x128xf32, #tpu.memory_space<vmem>>, vector<1x16xf32>,
      %get3A_684 = vector.shape_cast %get3A_683 : vector<1x16xf32> to vector<16xf32>
      %mul3A_685 = vector.broadcast %squeeze3A_676 : f32 to vector<16xf32>
      %mul3A_686 = arith.mulf %mul3A_685, %get3A_684 : vector<16xf32>
      %add3A_687 = arith.addf %add3A_597, %mul3A_686 : vector<16xf32>
      %mul3A_688 = arith.constant 20 : i32
      %mul3A_689 = arith.muli %scan3A_203, %mul3A_688 : i32
      %add3A_690 = arith.constant 5 : i32
      %add3A_691 = arith.addi %mul3A_689, %add3A_690 : i32
      %get3A_692 = arith.index_cast %add3A_691 : i32 to index
      %get3A_693 = arith.constant 16 : index
      %get3A_694 = tpu.vector_load %arg10[%get3A_692, %get3A_693] {strides = array<i32>} : memref<640x128xf32, #tpu.memory_space<vmem>>, vector<1x16xf32>,
      %get3A_695 = vector.shape_cast %get3A_694 : vector<1x16xf32> to vector<16xf32>
      %mul3A_696 = vector.broadcast %squeeze3A_676 : f32 to vector<16xf32>
      %mul3A_697 = arith.mulf %mul3A_696, %get3A_695 : vector<16xf32>
      %add3A_698 = arith.addf %add3A_608, %mul3A_697 : vector<16xf32>
      %mul3A_699 = arith.constant 20 : i32
      %mul3A_700 = arith.muli %scan3A_203, %mul3A_699 : i32
      %add3A_701 = arith.constant 5 : i32
      %add3A_702 = arith.addi %mul3A_700, %add3A_701 : i32
      %get3A_703 = arith.index_cast %add3A_702 : i32 to index
      %get3A_704 = arith.constant 32 : index
      %get3A_705 = tpu.vector_load %arg10[%get3A_703, %get3A_704] {strides = array<i32>} : memref<640x128xf32, #tpu.memory_space<vmem>>, vector<1x16xf32>,
      %get3A_706 = vector.shape_cast %get3A_705 : vector<1x16xf32> to vector<16xf32>
      %mul3A_707 = vector.broadcast %squeeze3A_676 : f32 to vector<16xf32>
      %mul3A_708 = arith.mulf %mul3A_707, %get3A_706 : vector<16xf32>
      %add3A_709 = arith.addf %add3A_619, %mul3A_708 : vector<16xf32>
      %mul3A_710 = arith.constant 20 : i32
      %mul3A_711 = arith.muli %scan3A_203, %mul3A_710 : i32
      %add3A_712 = arith.constant 5 : i32
      %add3A_713 = arith.addi %mul3A_711, %add3A_712 : i32
      %get3A_714 = arith.index_cast %add3A_713 : i32 to index
      %get3A_715 = arith.constant 48 : index
      %get3A_716 = tpu.vector_load %arg10[%get3A_714, %get3A_715] {strides = array<i32>} : memref<640x128xf32, #tpu.memory_space<vmem>>, vector<1x16xf32>,
      %get3A_717 = vector.shape_cast %get3A_716 : vector<1x16xf32> to vector<16xf32>
      %mul3A_718 = vector.broadcast %squeeze3A_676 : f32 to vector<16xf32>
      %mul3A_719 = arith.mulf %mul3A_718, %get3A_717 : vector<16xf32>
      %add3A_720 = arith.addf %add3A_630, %mul3A_719 : vector<16xf32>
      %mul3A_721 = arith.constant 20 : i32
      %mul3A_722 = arith.muli %scan3A_203, %mul3A_721 : i32
      %add3A_723 = arith.constant 5 : i32
      %add3A_724 = arith.addi %mul3A_722, %add3A_723 : i32
      %get3A_725 = arith.index_cast %add3A_724 : i32 to index
      %get3A_726 = arith.constant 64 : index
      %get3A_727 = tpu.vector_load %arg10[%get3A_725, %get3A_726] {strides = array<i32>} : memref<640x128xf32, #tpu.memory_space<vmem>>, vector<1x16xf32>,
      %get3A_728 = vector.shape_cast %get3A_727 : vector<1x16xf32> to vector<16xf32>
      %mul3A_729 = vector.broadcast %squeeze3A_676 : f32 to vector<16xf32>
      %mul3A_730 = arith.mulf %mul3A_729, %get3A_728 : vector<16xf32>
      %add3A_731 = arith.addf %add3A_641, %mul3A_730 : vector<16xf32>
      %mul3A_732 = arith.constant 20 : i32
      %mul3A_733 = arith.muli %scan3A_203, %mul3A_732 : i32
      %add3A_734 = arith.constant 5 : i32
      %add3A_735 = arith.addi %mul3A_733, %add3A_734 : i32
      %get3A_736 = arith.index_cast %add3A_735 : i32 to index
      %get3A_737 = arith.constant 80 : index
      %get3A_738 = tpu.vector_load %arg10[%get3A_736, %get3A_737] {strides = array<i32>} : memref<640x128xf32, #tpu.memory_space<vmem>>, vector<1x16xf32>,
      %get3A_739 = vector.shape_cast %get3A_738 : vector<1x16xf32> to vector<16xf32>
      %mul3A_740 = vector.broadcast %squeeze3A_676 : f32 to vector<16xf32>
      %mul3A_741 = arith.mulf %mul3A_740, %get3A_739 : vector<16xf32>
      %add3A_742 = arith.addf %add3A_652, %mul3A_741 : vector<16xf32>
      %mul3A_743 = arith.constant 20 : i32
      %mul3A_744 = arith.muli %scan3A_203, %mul3A_743 : i32
      %add3A_745 = arith.constant 5 : i32
      %add3A_746 = arith.addi %mul3A_744, %add3A_745 : i32
      %get3A_747 = arith.index_cast %add3A_746 : i32 to index
      %get3A_748 = arith.constant 96 : index
      %get3A_749 = tpu.vector_load %arg10[%get3A_747, %get3A_748] {strides = array<i32>} : memref<640x128xf32, #tpu.memory_space<vmem>>, vector<1x16xf32>,
      %get3A_750 = vector.shape_cast %get3A_749 : vector<1x16xf32> to vector<16xf32>
      %mul3A_751 = vector.broadcast %squeeze3A_676 : f32 to vector<16xf32>
      %mul3A_752 = arith.mulf %mul3A_751, %get3A_750 : vector<16xf32>
      %add3A_753 = arith.addf %add3A_663, %mul3A_752 : vector<16xf32>
      %mul3A_754 = arith.constant 20 : i32
      %mul3A_755 = arith.muli %scan3A_203, %mul3A_754 : i32
      %add3A_756 = arith.constant 5 : i32
      %add3A_757 = arith.addi %mul3A_755, %add3A_756 : i32
      %get3A_758 = arith.index_cast %add3A_757 : i32 to index
      %get3A_759 = arith.constant 112 : index
      %get3A_760 = tpu.vector_load %arg10[%get3A_758, %get3A_759] {strides = array<i32>} : memref<640x128xf32, #tpu.memory_space<vmem>>, vector<1x16xf32>,
      %get3A_761 = vector.shape_cast %get3A_760 : vector<1x16xf32> to vector<16xf32>
      %mul3A_762 = vector.broadcast %squeeze3A_676 : f32 to vector<16xf32>
      %mul3A_763 = arith.mulf %mul3A_762, %get3A_761 : vector<16xf32>
      %add3A_764 = arith.addf %add3A_674, %mul3A_763 : vector<16xf32>
      %slice3A_765 = vector.extract_strided_slice %get3A_207 {offsets = [6], sizes = [1], strides = [1]} : vector<16xf32> to vector<1xf32>
      %squeeze3A_766 = vector.extract %slice3A_765[0] : f32 from vector<1xf32>
      %mul3A_767 = arith.constant 20 : i32
      %mul3A_768 = arith.muli %scan3A_203, %mul3A_767 : i32
      %add3A_769 = arith.constant 6 : i32
      %add3A_770 = arith.addi %mul3A_768, %add3A_769 : i32
      %get3A_771 = arith.index_cast %add3A_770 : i32 to index
      %get3A_772 = arith.constant 0 : index
      %get3A_773 = tpu.vector_load %arg10[%get3A_771, %get3A_772] {strides = array<i32>} : memref<640x128xf32, #tpu.memory_space<vmem>>, vector<1x16xf32>,
      %get3A_774 = vector.shape_cast %get3A_773 : vector<1x16xf32> to vector<16xf32>
      %mul3A_775 = vector.broadcast %squeeze3A_766 : f32 to vector<16xf32>
      %mul3A_776 = arith.mulf %mul3A_775, %get3A_774 : vector<16xf32>
      %add3A_777 = arith.addf %add3A_687, %mul3A_776 : vector<16xf32>
      %mul3A_778 = arith.constant 20 : i32
      %mul3A_779 = arith.muli %scan3A_203, %mul3A_778 : i32
      %add3A_780 = arith.constant 6 : i32
      %add3A_781 = arith.addi %mul3A_779, %add3A_780 : i32
      %get3A_782 = arith.index_cast %add3A_781 : i32 to index
      %get3A_783 = arith.constant 16 : index
      %get3A_784 = tpu.vector_load %arg10[%get3A_782, %get3A_783] {strides = array<i32>} : memref<640x128xf32, #tpu.memory_space<vmem>>, vector<1x16xf32>,
      %get3A_785 = vector.shape_cast %get3A_784 : vector<1x16xf32> to vector<16xf32>
      %mul3A_786 = vector.broadcast %squeeze3A_766 : f32 to vector<16xf32>
      %mul3A_787 = arith.mulf %mul3A_786, %get3A_785 : vector<16xf32>
      %add3A_788 = arith.addf %add3A_698, %mul3A_787 : vector<16xf32>
      %mul3A_789 = arith.constant 20 : i32
      %mul3A_790 = arith.muli %scan3A_203, %mul3A_789 : i32
      %add3A_791 = arith.constant 6 : i32
      %add3A_792 = arith.addi %mul3A_790, %add3A_791 : i32
      %get3A_793 = arith.index_cast %add3A_792 : i32 to index
      %get3A_794 = arith.constant 32 : index
      %get3A_795 = tpu.vector_load %arg10[%get3A_793, %get3A_794] {strides = array<i32>} : memref<640x128xf32, #tpu.memory_space<vmem>>, vector<1x16xf32>,
      %get3A_796 = vector.shape_cast %get3A_795 : vector<1x16xf32> to vector<16xf32>
      %mul3A_797 = vector.broadcast %squeeze3A_766 : f32 to vector<16xf32>
      %mul3A_798 = arith.mulf %mul3A_797, %get3A_796 : vector<16xf32>
      %add3A_799 = arith.addf %add3A_709, %mul3A_798 : vector<16xf32>
      %mul3A_800 = arith.constant 20 : i32
      %mul3A_801 = arith.muli %scan3A_203, %mul3A_800 : i32
      %add3A_802 = arith.constant 6 : i32
      %add3A_803 = arith.addi %mul3A_801, %add3A_802 : i32
      %get3A_804 = arith.index_cast %add3A_803 : i32 to index
      %get3A_805 = arith.constant 48 : index
      %get3A_806 = tpu.vector_load %arg10[%get3A_804, %get3A_805] {strides = array<i32>} : memref<640x128xf32, #tpu.memory_space<vmem>>, vector<1x16xf32>,
      %get3A_807 = vector.shape_cast %get3A_806 : vector<1x16xf32> to vector<16xf32>
      %mul3A_808 = vector.broadcast %squeeze3A_766 : f32 to vector<16xf32>
      %mul3A_809 = arith.mulf %mul3A_808, %get3A_807 : vector<16xf32>
      %add3A_810 = arith.addf %add3A_720, %mul3A_809 : vector<16xf32>
      %mul3A_811 = arith.constant 20 : i32
      %mul3A_812 = arith.muli %scan3A_203, %mul3A_811 : i32
      %add3A_813 = arith.constant 6 : i32
      %add3A_814 = arith.addi %mul3A_812, %add3A_813 : i32
      %get3A_815 = arith.index_cast %add3A_814 : i32 to index
      %get3A_816 = arith.constant 64 : index
      %get3A_817 = tpu.vector_load %arg10[%get3A_815, %get3A_816] {strides = array<i32>} : memref<640x128xf32, #tpu.memory_space<vmem>>, vector<1x16xf32>,
      %get3A_818 = vector.shape_cast %get3A_817 : vector<1x16xf32> to vector<16xf32>
      %mul3A_819 = vector.broadcast %squeeze3A_766 : f32 to vector<16xf32>
      %mul3A_820 = arith.mulf %mul3A_819, %get3A_818 : vector<16xf32>
      %add3A_821 = arith.addf %add3A_731, %mul3A_820 : vector<16xf32>
      %mul3A_822 = arith.constant 20 : i32
      %mul3A_823 = arith.muli %scan3A_203, %mul3A_822 : i32
      %add3A_824 = arith.constant 6 : i32
      %add3A_825 = arith.addi %mul3A_823, %add3A_824 : i32
      %get3A_826 = arith.index_cast %add3A_825 : i32 to index
      %get3A_827 = arith.constant 80 : index
      %get3A_828 = tpu.vector_load %arg10[%get3A_826, %get3A_827] {strides = array<i32>} : memref<640x128xf32, #tpu.memory_space<vmem>>, vector<1x16xf32>,
      %get3A_829 = vector.shape_cast %get3A_828 : vector<1x16xf32> to vector<16xf32>
      %mul3A_830 = vector.broadcast %squeeze3A_766 : f32 to vector<16xf32>
      %mul3A_831 = arith.mulf %mul3A_830, %get3A_829 : vector<16xf32>
      %add3A_832 = arith.addf %add3A_742, %mul3A_831 : vector<16xf32>
      %mul3A_833 = arith.constant 20 : i32
      %mul3A_834 = arith.muli %scan3A_203, %mul3A_833 : i32
      %add3A_835 = arith.constant 6 : i32
      %add3A_836 = arith.addi %mul3A_834, %add3A_835 : i32
      %get3A_837 = arith.index_cast %add3A_836 : i32 to index
      %get3A_838 = arith.constant 96 : index
      %get3A_839 = tpu.vector_load %arg10[%get3A_837, %get3A_838] {strides = array<i32>} : memref<640x128xf32, #tpu.memory_space<vmem>>, vector<1x16xf32>,
      %get3A_840 = vector.shape_cast %get3A_839 : vector<1x16xf32> to vector<16xf32>
      %mul3A_841 = vector.broadcast %squeeze3A_766 : f32 to vector<16xf32>
      %mul3A_842 = arith.mulf %mul3A_841, %get3A_840 : vector<16xf32>
      %add3A_843 = arith.addf %add3A_753, %mul3A_842 : vector<16xf32>
      %mul3A_844 = arith.constant 20 : i32
      %mul3A_845 = arith.muli %scan3A_203, %mul3A_844 : i32
      %add3A_846 = arith.constant 6 : i32
      %add3A_847 = arith.addi %mul3A_845, %add3A_846 : i32
      %get3A_848 = arith.index_cast %add3A_847 : i32 to index
      %get3A_849 = arith.constant 112 : index
      %get3A_850 = tpu.vector_load %arg10[%get3A_848, %get3A_849] {strides = array<i32>} : memref<640x128xf32, #tpu.memory_space<vmem>>, vector<1x16xf32>,
      %get3A_851 = vector.shape_cast %get3A_850 : vector<1x16xf32> to vector<16xf32>
      %mul3A_852 = vector.broadcast %squeeze3A_766 : f32 to vector<16xf32>
      %mul3A_853 = arith.mulf %mul3A_852, %get3A_851 : vector<16xf32>
      %add3A_854 = arith.addf %add3A_764, %mul3A_853 : vector<16xf32>
      %slice3A_855 = vector.extract_strided_slice %get3A_207 {offsets = [7], sizes = [1], strides = [1]} : vector<16xf32> to vector<1xf32>
      %squeeze3A_856 = vector.extract %slice3A_855[0] : f32 from vector<1xf32>
      %mul3A_857 = arith.constant 20 : i32
      %mul3A_858 = arith.muli %scan3A_203, %mul3A_857 : i32
      %add3A_859 = arith.constant 7 : i32
      %add3A_860 = arith.addi %mul3A_858, %add3A_859 : i32
      %get3A_861 = arith.index_cast %add3A_860 : i32 to index
      %get3A_862 = arith.constant 0 : index
      %get3A_863 = tpu.vector_load %arg10[%get3A_861, %get3A_862] {strides = array<i32>} : memref<640x128xf32, #tpu.memory_space<vmem>>, vector<1x16xf32>,
      %get3A_864 = vector.shape_cast %get3A_863 : vector<1x16xf32> to vector<16xf32>
      %mul3A_865 = vector.broadcast %squeeze3A_856 : f32 to vector<16xf32>
      %mul3A_866 = arith.mulf %mul3A_865, %get3A_864 : vector<16xf32>
      %add3A_867 = arith.addf %add3A_777, %mul3A_866 : vector<16xf32>
      %mul3A_868 = arith.constant 20 : i32
      %mul3A_869 = arith.muli %scan3A_203, %mul3A_868 : i32
      %add3A_870 = arith.constant 7 : i32
      %add3A_871 = arith.addi %mul3A_869, %add3A_870 : i32
      %get3A_872 = arith.index_cast %add3A_871 : i32 to index
      %get3A_873 = arith.constant 16 : index
      %get3A_874 = tpu.vector_load %arg10[%get3A_872, %get3A_873] {strides = array<i32>} : memref<640x128xf32, #tpu.memory_space<vmem>>, vector<1x16xf32>,
      %get3A_875 = vector.shape_cast %get3A_874 : vector<1x16xf32> to vector<16xf32>
      %mul3A_876 = vector.broadcast %squeeze3A_856 : f32 to vector<16xf32>
      %mul3A_877 = arith.mulf %mul3A_876, %get3A_875 : vector<16xf32>
      %add3A_878 = arith.addf %add3A_788, %mul3A_877 : vector<16xf32>
      %mul3A_879 = arith.constant 20 : i32
      %mul3A_880 = arith.muli %scan3A_203, %mul3A_879 : i32
      %add3A_881 = arith.constant 7 : i32
      %add3A_882 = arith.addi %mul3A_880, %add3A_881 : i32
      %get3A_883 = arith.index_cast %add3A_882 : i32 to index
      %get3A_884 = arith.constant 32 : index
      %get3A_885 = tpu.vector_load %arg10[%get3A_883, %get3A_884] {strides = array<i32>} : memref<640x128xf32, #tpu.memory_space<vmem>>, vector<1x16xf32>,
      %get3A_886 = vector.shape_cast %get3A_885 : vector<1x16xf32> to vector<16xf32>
      %mul3A_887 = vector.broadcast %squeeze3A_856 : f32 to vector<16xf32>
      %mul3A_888 = arith.mulf %mul3A_887, %get3A_886 : vector<16xf32>
      %add3A_889 = arith.addf %add3A_799, %mul3A_888 : vector<16xf32>
      %mul3A_890 = arith.constant 20 : i32
      %mul3A_891 = arith.muli %scan3A_203, %mul3A_890 : i32
      %add3A_892 = arith.constant 7 : i32
      %add3A_893 = arith.addi %mul3A_891, %add3A_892 : i32
      %get3A_894 = arith.index_cast %add3A_893 : i32 to index
      %get3A_895 = arith.constant 48 : index
      %get3A_896 = tpu.vector_load %arg10[%get3A_894, %get3A_895] {strides = array<i32>} : memref<640x128xf32, #tpu.memory_space<vmem>>, vector<1x16xf32>,
      %get3A_897 = vector.shape_cast %get3A_896 : vector<1x16xf32> to vector<16xf32>
      %mul3A_898 = vector.broadcast %squeeze3A_856 : f32 to vector<16xf32>
      %mul3A_899 = arith.mulf %mul3A_898, %get3A_897 : vector<16xf32>
      %add3A_900 = arith.addf %add3A_810, %mul3A_899 : vector<16xf32>
      %mul3A_901 = arith.constant 20 : i32
      %mul3A_902 = arith.muli %scan3A_203, %mul3A_901 : i32
      %add3A_903 = arith.constant 7 : i32
      %add3A_904 = arith.addi %mul3A_902, %add3A_903 : i32
      %get3A_905 = arith.index_cast %add3A_904 : i32 to index
      %get3A_906 = arith.constant 64 : index
      %get3A_907 = tpu.vector_load %arg10[%get3A_905, %get3A_906] {strides = array<i32>} : memref<640x128xf32, #tpu.memory_space<vmem>>, vector<1x16xf32>,
      %get3A_908 = vector.shape_cast %get3A_907 : vector<1x16xf32> to vector<16xf32>
      %mul3A_909 = vector.broadcast %squeeze3A_856 : f32 to vector<16xf32>
      %mul3A_910 = arith.mulf %mul3A_909, %get3A_908 : vector<16xf32>
      %add3A_911 = arith.addf %add3A_821, %mul3A_910 : vector<16xf32>
      %mul3A_912 = arith.constant 20 : i32
      %mul3A_913 = arith.muli %scan3A_203, %mul3A_912 : i32
      %add3A_914 = arith.constant 7 : i32
      %add3A_915 = arith.addi %mul3A_913, %add3A_914 : i32
      %get3A_916 = arith.index_cast %add3A_915 : i32 to index
      %get3A_917 = arith.constant 80 : index
      %get3A_918 = tpu.vector_load %arg10[%get3A_916, %get3A_917] {strides = array<i32>} : memref<640x128xf32, #tpu.memory_space<vmem>>, vector<1x16xf32>,
      %get3A_919 = vector.shape_cast %get3A_918 : vector<1x16xf32> to vector<16xf32>
      %mul3A_920 = vector.broadcast %squeeze3A_856 : f32 to vector<16xf32>
      %mul3A_921 = arith.mulf %mul3A_920, %get3A_919 : vector<16xf32>
      %add3A_922 = arith.addf %add3A_832, %mul3A_921 : vector<16xf32>
      %mul3A_923 = arith.constant 20 : i32
      %mul3A_924 = arith.muli %scan3A_203, %mul3A_923 : i32
      %add3A_925 = arith.constant 7 : i32
      %add3A_926 = arith.addi %mul3A_924, %add3A_925 : i32
      %get3A_927 = arith.index_cast %add3A_926 : i32 to index
      %get3A_928 = arith.constant 96 : index
      %get3A_929 = tpu.vector_load %arg10[%get3A_927, %get3A_928] {strides = array<i32>} : memref<640x128xf32, #tpu.memory_space<vmem>>, vector<1x16xf32>,
      %get3A_930 = vector.shape_cast %get3A_929 : vector<1x16xf32> to vector<16xf32>
      %mul3A_931 = vector.broadcast %squeeze3A_856 : f32 to vector<16xf32>
      %mul3A_932 = arith.mulf %mul3A_931, %get3A_930 : vector<16xf32>
      %add3A_933 = arith.addf %add3A_843, %mul3A_932 : vector<16xf32>
      %mul3A_934 = arith.constant 20 : i32
      %mul3A_935 = arith.muli %scan3A_203, %mul3A_934 : i32
      %add3A_936 = arith.constant 7 : i32
      %add3A_937 = arith.addi %mul3A_935, %add3A_936 : i32
      %get3A_938 = arith.index_cast %add3A_937 : i32 to index
      %get3A_939 = arith.constant 112 : index
      %get3A_940 = tpu.vector_load %arg10[%get3A_938, %get3A_939] {strides = array<i32>} : memref<640x128xf32, #tpu.memory_space<vmem>>, vector<1x16xf32>,
      %get3A_941 = vector.shape_cast %get3A_940 : vector<1x16xf32> to vector<16xf32>
      %mul3A_942 = vector.broadcast %squeeze3A_856 : f32 to vector<16xf32>
      %mul3A_943 = arith.mulf %mul3A_942, %get3A_941 : vector<16xf32>
      %add3A_944 = arith.addf %add3A_854, %mul3A_943 : vector<16xf32>
      %slice3A_945 = vector.extract_strided_slice %get3A_207 {offsets = [8], sizes = [1], strides = [1]} : vector<16xf32> to vector<1xf32>
      %squeeze3A_946 = vector.extract %slice3A_945[0] : f32 from vector<1xf32>
      %mul3A_947 = arith.constant 20 : i32
      %mul3A_948 = arith.muli %scan3A_203, %mul3A_947 : i32
      %add3A_949 = arith.constant 8 : i32
      %add3A_950 = arith.addi %mul3A_948, %add3A_949 : i32
      %get3A_951 = arith.index_cast %add3A_950 : i32 to index
      %get3A_952 = arith.constant 0 : index
      %get3A_953 = tpu.vector_load %arg10[%get3A_951, %get3A_952] {strides = array<i32>} : memref<640x128xf32, #tpu.memory_space<vmem>>, vector<1x16xf32>,
      %get3A_954 = vector.shape_cast %get3A_953 : vector<1x16xf32> to vector<16xf32>
      %mul3A_955 = vector.broadcast %squeeze3A_946 : f32 to vector<16xf32>
      %mul3A_956 = arith.mulf %mul3A_955, %get3A_954 : vector<16xf32>
      %add3A_957 = arith.addf %add3A_867, %mul3A_956 : vector<16xf32>
      %mul3A_958 = arith.constant 20 : i32
      %mul3A_959 = arith.muli %scan3A_203, %mul3A_958 : i32
      %add3A_960 = arith.constant 8 : i32
      %add3A_961 = arith.addi %mul3A_959, %add3A_960 : i32
      %get3A_962 = arith.index_cast %add3A_961 : i32 to index
      %get3A_963 = arith.constant 16 : index
      %get3A_964 = tpu.vector_load %arg10[%get3A_962, %get3A_963] {strides = array<i32>} : memref<640x128xf32, #tpu.memory_space<vmem>>, vector<1x16xf32>,
      %get3A_965 = vector.shape_cast %get3A_964 : vector<1x16xf32> to vector<16xf32>
      %mul3A_966 = vector.broadcast %squeeze3A_946 : f32 to vector<16xf32>
      %mul3A_967 = arith.mulf %mul3A_966, %get3A_965 : vector<16xf32>
      %add3A_968 = arith.addf %add3A_878, %mul3A_967 : vector<16xf32>
      %mul3A_969 = arith.constant 20 : i32
      %mul3A_970 = arith.muli %scan3A_203, %mul3A_969 : i32
      %add3A_971 = arith.constant 8 : i32
      %add3A_972 = arith.addi %mul3A_970, %add3A_971 : i32
      %get3A_973 = arith.index_cast %add3A_972 : i32 to index
      %get3A_974 = arith.constant 32 : index
      %get3A_975 = tpu.vector_load %arg10[%get3A_973, %get3A_974] {strides = array<i32>} : memref<640x128xf32, #tpu.memory_space<vmem>>, vector<1x16xf32>,
      %get3A_976 = vector.shape_cast %get3A_975 : vector<1x16xf32> to vector<16xf32>
      %mul3A_977 = vector.broadcast %squeeze3A_946 : f32 to vector<16xf32>
      %mul3A_978 = arith.mulf %mul3A_977, %get3A_976 : vector<16xf32>
      %add3A_979 = arith.addf %add3A_889, %mul3A_978 : vector<16xf32>
      %mul3A_980 = arith.constant 20 : i32
      %mul3A_981 = arith.muli %scan3A_203, %mul3A_980 : i32
      %add3A_982 = arith.constant 8 : i32
      %add3A_983 = arith.addi %mul3A_981, %add3A_982 : i32
      %get3A_984 = arith.index_cast %add3A_983 : i32 to index
      %get3A_985 = arith.constant 48 : index
      %get3A_986 = tpu.vector_load %arg10[%get3A_984, %get3A_985] {strides = array<i32>} : memref<640x128xf32, #tpu.memory_space<vmem>>, vector<1x16xf32>,
      %get3A_987 = vector.shape_cast %get3A_986 : vector<1x16xf32> to vector<16xf32>
      %mul3A_988 = vector.broadcast %squeeze3A_946 : f32 to vector<16xf32>
      %mul3A_989 = arith.mulf %mul3A_988, %get3A_987 : vector<16xf32>
      %add3A_990 = arith.addf %add3A_900, %mul3A_989 : vector<16xf32>
      %mul3A_991 = arith.constant 20 : i32
      %mul3A_992 = arith.muli %scan3A_203, %mul3A_991 : i32
      %add3A_993 = arith.constant 8 : i32
      %add3A_994 = arith.addi %mul3A_992, %add3A_993 : i32
      %get3A_995 = arith.index_cast %add3A_994 : i32 to index
      %get3A_996 = arith.constant 64 : index
      %get3A_997 = tpu.vector_load %arg10[%get3A_995, %get3A_996] {strides = array<i32>} : memref<640x128xf32, #tpu.memory_space<vmem>>, vector<1x16xf32>,
      %get3A_998 = vector.shape_cast %get3A_997 : vector<1x16xf32> to vector<16xf32>
      %mul3A_999 = vector.broadcast %squeeze3A_946 : f32 to vector<16xf32>
      %mul3A_1000 = arith.mulf %mul3A_999, %get3A_998 : vector<16xf32>
      %add3A_1001 = arith.addf %add3A_911, %mul3A_1000 : vector<16xf32>
      %mul3A_1002 = arith.constant 20 : i32
      %mul3A_1003 = arith.muli %scan3A_203, %mul3A_1002 : i32
      %add3A_1004 = arith.constant 8 : i32
      %add3A_1005 = arith.addi %mul3A_1003, %add3A_1004 : i32
      %get3A_1006 = arith.index_cast %add3A_1005 : i32 to index
      %get3A_1007 = arith.constant 80 : index
      %get3A_1008 = tpu.vector_load %arg10[%get3A_1006, %get3A_1007] {strides = array<i32>} : memref<640x128xf32, #tpu.memory_space<vmem>>, vector<1x16xf32>,
      %get3A_1009 = vector.shape_cast %get3A_1008 : vector<1x16xf32> to vector<16xf32>
      %mul3A_1010 = vector.broadcast %squeeze3A_946 : f32 to vector<16xf32>
      %mul3A_1011 = arith.mulf %mul3A_1010, %get3A_1009 : vector<16xf32>
      %add3A_1012 = arith.addf %add3A_922, %mul3A_1011 : vector<16xf32>
      %mul3A_1013 = arith.constant 20 : i32
      %mul3A_1014 = arith.muli %scan3A_203, %mul3A_1013 : i32
      %add3A_1015 = arith.constant 8 : i32
      %add3A_1016 = arith.addi %mul3A_1014, %add3A_1015 : i32
      %get3A_1017 = arith.index_cast %add3A_1016 : i32 to index
      %get3A_1018 = arith.constant 96 : index
      %get3A_1019 = tpu.vector_load %arg10[%get3A_1017, %get3A_1018] {strides = array<i32>} : memref<640x128xf32, #tpu.memory_space<vmem>>, vector<1x16xf32>,
      %get3A_1020 = vector.shape_cast %get3A_1019 : vector<1x16xf32> to vector<16xf32>
      %mul3A_1021 = vector.broadcast %squeeze3A_946 : f32 to vector<16xf32>
      %mul3A_1022 = arith.mulf %mul3A_1021, %get3A_1020 : vector<16xf32>
      %add3A_1023 = arith.addf %add3A_933, %mul3A_1022 : vector<16xf32>
      %mul3A_1024 = arith.constant 20 : i32
      %mul3A_1025 = arith.muli %scan3A_203, %mul3A_1024 : i32
      %add3A_1026 = arith.constant 8 : i32
      %add3A_1027 = arith.addi %mul3A_1025, %add3A_1026 : i32
      %get3A_1028 = arith.index_cast %add3A_1027 : i32 to index
      %get3A_1029 = arith.constant 112 : index
      %get3A_1030 = tpu.vector_load %arg10[%get3A_1028, %get3A_1029] {strides = array<i32>} : memref<640x128xf32, #tpu.memory_space<vmem>>, vector<1x16xf32>,
      %get3A_1031 = vector.shape_cast %get3A_1030 : vector<1x16xf32> to vector<16xf32>
      %mul3A_1032 = vector.broadcast %squeeze3A_946 : f32 to vector<16xf32>
      %mul3A_1033 = arith.mulf %mul3A_1032, %get3A_1031 : vector<16xf32>
      %add3A_1034 = arith.addf %add3A_944, %mul3A_1033 : vector<16xf32>
      %slice3A_1035 = vector.extract_strided_slice %get3A_207 {offsets = [9], sizes = [1], strides = [1]} : vector<16xf32> to vector<1xf32>
      %squeeze3A_1036 = vector.extract %slice3A_1035[0] : f32 from vector<1xf32>
      %mul3A_1037 = arith.constant 20 : i32
      %mul3A_1038 = arith.muli %scan3A_203, %mul3A_1037 : i32
      %add3A_1039 = arith.constant 9 : i32
      %add3A_1040 = arith.addi %mul3A_1038, %add3A_1039 : i32
      %get3A_1041 = arith.index_cast %add3A_1040 : i32 to index
      %get3A_1042 = arith.constant 0 : index
      %get3A_1043 = tpu.vector_load %arg10[%get3A_1041, %get3A_1042] {strides = array<i32>} : memref<640x128xf32, #tpu.memory_space<vmem>>, vector<1x16xf32>,
      %get3A_1044 = vector.shape_cast %get3A_1043 : vector<1x16xf32> to vector<16xf32>
      %mul3A_1045 = vector.broadcast %squeeze3A_1036 : f32 to vector<16xf32>
      %mul3A_1046 = arith.mulf %mul3A_1045, %get3A_1044 : vector<16xf32>
      %add3A_1047 = arith.addf %add3A_957, %mul3A_1046 : vector<16xf32>
      %mul3A_1048 = arith.constant 20 : i32
      %mul3A_1049 = arith.muli %scan3A_203, %mul3A_1048 : i32
      %add3A_1050 = arith.constant 9 : i32
      %add3A_1051 = arith.addi %mul3A_1049, %add3A_1050 : i32
      %get3A_1052 = arith.index_cast %add3A_1051 : i32 to index
      %get3A_1053 = arith.constant 16 : index
      %get3A_1054 = tpu.vector_load %arg10[%get3A_1052, %get3A_1053] {strides = array<i32>} : memref<640x128xf32, #tpu.memory_space<vmem>>, vector<1x16xf32>,
      %get3A_1055 = vector.shape_cast %get3A_1054 : vector<1x16xf32> to vector<16xf32>
      %mul3A_1056 = vector.broadcast %squeeze3A_1036 : f32 to vector<16xf32>
      %mul3A_1057 = arith.mulf %mul3A_1056, %get3A_1055 : vector<16xf32>
      %add3A_1058 = arith.addf %add3A_968, %mul3A_1057 : vector<16xf32>
      %mul3A_1059 = arith.constant 20 : i32
      %mul3A_1060 = arith.muli %scan3A_203, %mul3A_1059 : i32
      %add3A_1061 = arith.constant 9 : i32
      %add3A_1062 = arith.addi %mul3A_1060, %add3A_1061 : i32
      %get3A_1063 = arith.index_cast %add3A_1062 : i32 to index
      %get3A_1064 = arith.constant 32 : index
      %get3A_1065 = tpu.vector_load %arg10[%get3A_1063, %get3A_1064] {strides = array<i32>} : memref<640x128xf32, #tpu.memory_space<vmem>>, vector<1x16xf32>,
      %get3A_1066 = vector.shape_cast %get3A_1065 : vector<1x16xf32> to vector<16xf32>
      %mul3A_1067 = vector.broadcast %squeeze3A_1036 : f32 to vector<16xf32>
      %mul3A_1068 = arith.mulf %mul3A_1067, %get3A_1066 : vector<16xf32>
      %add3A_1069 = arith.addf %add3A_979, %mul3A_1068 : vector<16xf32>
      %mul3A_1070 = arith.constant 20 : i32
      %mul3A_1071 = arith.muli %scan3A_203, %mul3A_1070 : i32
      %add3A_1072 = arith.constant 9 : i32
      %add3A_1073 = arith.addi %mul3A_1071, %add3A_1072 : i32
      %get3A_1074 = arith.index_cast %add3A_1073 : i32 to index
      %get3A_1075 = arith.constant 48 : index
      %get3A_1076 = tpu.vector_load %arg10[%get3A_1074, %get3A_1075] {strides = array<i32>} : memref<640x128xf32, #tpu.memory_space<vmem>>, vector<1x16xf32>,
      %get3A_1077 = vector.shape_cast %get3A_1076 : vector<1x16xf32> to vector<16xf32>
      %mul3A_1078 = vector.broadcast %squeeze3A_1036 : f32 to vector<16xf32>
      %mul3A_1079 = arith.mulf %mul3A_1078, %get3A_1077 : vector<16xf32>
      %add3A_1080 = arith.addf %add3A_990, %mul3A_1079 : vector<16xf32>
      %mul3A_1081 = arith.constant 20 : i32
      %mul3A_1082 = arith.muli %scan3A_203, %mul3A_1081 : i32
      %add3A_1083 = arith.constant 9 : i32
      %add3A_1084 = arith.addi %mul3A_1082, %add3A_1083 : i32
      %get3A_1085 = arith.index_cast %add3A_1084 : i32 to index
      %get3A_1086 = arith.constant 64 : index
      %get3A_1087 = tpu.vector_load %arg10[%get3A_1085, %get3A_1086] {strides = array<i32>} : memref<640x128xf32, #tpu.memory_space<vmem>>, vector<1x16xf32>,
      %get3A_1088 = vector.shape_cast %get3A_1087 : vector<1x16xf32> to vector<16xf32>
      %mul3A_1089 = vector.broadcast %squeeze3A_1036 : f32 to vector<16xf32>
      %mul3A_1090 = arith.mulf %mul3A_1089, %get3A_1088 : vector<16xf32>
      %add3A_1091 = arith.addf %add3A_1001, %mul3A_1090 : vector<16xf32>
      %mul3A_1092 = arith.constant 20 : i32
      %mul3A_1093 = arith.muli %scan3A_203, %mul3A_1092 : i32
      %add3A_1094 = arith.constant 9 : i32
      %add3A_1095 = arith.addi %mul3A_1093, %add3A_1094 : i32
      %get3A_1096 = arith.index_cast %add3A_1095 : i32 to index
      %get3A_1097 = arith.constant 80 : index
      %get3A_1098 = tpu.vector_load %arg10[%get3A_1096, %get3A_1097] {strides = array<i32>} : memref<640x128xf32, #tpu.memory_space<vmem>>, vector<1x16xf32>,
      %get3A_1099 = vector.shape_cast %get3A_1098 : vector<1x16xf32> to vector<16xf32>
      %mul3A_1100 = vector.broadcast %squeeze3A_1036 : f32 to vector<16xf32>
      %mul3A_1101 = arith.mulf %mul3A_1100, %get3A_1099 : vector<16xf32>
      %add3A_1102 = arith.addf %add3A_1012, %mul3A_1101 : vector<16xf32>
      %mul3A_1103 = arith.constant 20 : i32
      %mul3A_1104 = arith.muli %scan3A_203, %mul3A_1103 : i32
      %add3A_1105 = arith.constant 9 : i32
      %add3A_1106 = arith.addi %mul3A_1104, %add3A_1105 : i32
      %get3A_1107 = arith.index_cast %add3A_1106 : i32 to index
      %get3A_1108 = arith.constant 96 : index
      %get3A_1109 = tpu.vector_load %arg10[%get3A_1107, %get3A_1108] {strides = array<i32>} : memref<640x128xf32, #tpu.memory_space<vmem>>, vector<1x16xf32>,
      %get3A_1110 = vector.shape_cast %get3A_1109 : vector<1x16xf32> to vector<16xf32>
      %mul3A_1111 = vector.broadcast %squeeze3A_1036 : f32 to vector<16xf32>
      %mul3A_1112 = arith.mulf %mul3A_1111, %get3A_1110 : vector<16xf32>
      %add3A_1113 = arith.addf %add3A_1023, %mul3A_1112 : vector<16xf32>
      %mul3A_1114 = arith.constant 20 : i32
      %mul3A_1115 = arith.muli %scan3A_203, %mul3A_1114 : i32
      %add3A_1116 = arith.constant 9 : i32
      %add3A_1117 = arith.addi %mul3A_1115, %add3A_1116 : i32
      %get3A_1118 = arith.index_cast %add3A_1117 : i32 to index
      %get3A_1119 = arith.constant 112 : index
      %get3A_1120 = tpu.vector_load %arg10[%get3A_1118, %get3A_1119] {strides = array<i32>} : memref<640x128xf32, #tpu.memory_space<vmem>>, vector<1x16xf32>,
      %get3A_1121 = vector.shape_cast %get3A_1120 : vector<1x16xf32> to vector<16xf32>
      %mul3A_1122 = vector.broadcast %squeeze3A_1036 : f32 to vector<16xf32>
      %mul3A_1123 = arith.mulf %mul3A_1122, %get3A_1121 : vector<16xf32>
      %add3A_1124 = arith.addf %add3A_1034, %mul3A_1123 : vector<16xf32>
      %slice3A_1125 = vector.extract_strided_slice %get3A_207 {offsets = [10], sizes = [1], strides = [1]} : vector<16xf32> to vector<1xf32>
      %squeeze3A_1126 = vector.extract %slice3A_1125[0] : f32 from vector<1xf32>
      %mul3A_1127 = arith.constant 20 : i32
      %mul3A_1128 = arith.muli %scan3A_203, %mul3A_1127 : i32
      %add3A_1129 = arith.constant 10 : i32
      %add3A_1130 = arith.addi %mul3A_1128, %add3A_1129 : i32
      %get3A_1131 = arith.index_cast %add3A_1130 : i32 to index
      %get3A_1132 = arith.constant 0 : index
      %get3A_1133 = tpu.vector_load %arg10[%get3A_1131, %get3A_1132] {strides = array<i32>} : memref<640x128xf32, #tpu.memory_space<vmem>>, vector<1x16xf32>,
      %get3A_1134 = vector.shape_cast %get3A_1133 : vector<1x16xf32> to vector<16xf32>
      %mul3A_1135 = vector.broadcast %squeeze3A_1126 : f32 to vector<16xf32>
      %mul3A_1136 = arith.mulf %mul3A_1135, %get3A_1134 : vector<16xf32>
      %add3A_1137 = arith.addf %add3A_1047, %mul3A_1136 : vector<16xf32>
      %mul3A_1138 = arith.constant 20 : i32
      %mul3A_1139 = arith.muli %scan3A_203, %mul3A_1138 : i32
      %add3A_1140 = arith.constant 10 : i32
      %add3A_1141 = arith.addi %mul3A_1139, %add3A_1140 : i32
      %get3A_1142 = arith.index_cast %add3A_1141 : i32 to index
      %get3A_1143 = arith.constant 16 : index
      %get3A_1144 = tpu.vector_load %arg10[%get3A_1142, %get3A_1143] {strides = array<i32>} : memref<640x128xf32, #tpu.memory_space<vmem>>, vector<1x16xf32>,
      %get3A_1145 = vector.shape_cast %get3A_1144 : vector<1x16xf32> to vector<16xf32>
      %mul3A_1146 = vector.broadcast %squeeze3A_1126 : f32 to vector<16xf32>
      %mul3A_1147 = arith.mulf %mul3A_1146, %get3A_1145 : vector<16xf32>
      %add3A_1148 = arith.addf %add3A_1058, %mul3A_1147 : vector<16xf32>
      %mul3A_1149 = arith.constant 20 : i32
      %mul3A_1150 = arith.muli %scan3A_203, %mul3A_1149 : i32
      %add3A_1151 = arith.constant 10 : i32
      %add3A_1152 = arith.addi %mul3A_1150, %add3A_1151 : i32
      %get3A_1153 = arith.index_cast %add3A_1152 : i32 to index
      %get3A_1154 = arith.constant 32 : index
      %get3A_1155 = tpu.vector_load %arg10[%get3A_1153, %get3A_1154] {strides = array<i32>} : memref<640x128xf32, #tpu.memory_space<vmem>>, vector<1x16xf32>,
      %get3A_1156 = vector.shape_cast %get3A_1155 : vector<1x16xf32> to vector<16xf32>
      %mul3A_1157 = vector.broadcast %squeeze3A_1126 : f32 to vector<16xf32>
      %mul3A_1158 = arith.mulf %mul3A_1157, %get3A_1156 : vector<16xf32>
      %add3A_1159 = arith.addf %add3A_1069, %mul3A_1158 : vector<16xf32>
      %mul3A_1160 = arith.constant 20 : i32
      %mul3A_1161 = arith.muli %scan3A_203, %mul3A_1160 : i32
      %add3A_1162 = arith.constant 10 : i32
      %add3A_1163 = arith.addi %mul3A_1161, %add3A_1162 : i32
      %get3A_1164 = arith.index_cast %add3A_1163 : i32 to index
      %get3A_1165 = arith.constant 48 : index
      %get3A_1166 = tpu.vector_load %arg10[%get3A_1164, %get3A_1165] {strides = array<i32>} : memref<640x128xf32, #tpu.memory_space<vmem>>, vector<1x16xf32>,
      %get3A_1167 = vector.shape_cast %get3A_1166 : vector<1x16xf32> to vector<16xf32>
      %mul3A_1168 = vector.broadcast %squeeze3A_1126 : f32 to vector<16xf32>
      %mul3A_1169 = arith.mulf %mul3A_1168, %get3A_1167 : vector<16xf32>
      %add3A_1170 = arith.addf %add3A_1080, %mul3A_1169 : vector<16xf32>
      %mul3A_1171 = arith.constant 20 : i32
      %mul3A_1172 = arith.muli %scan3A_203, %mul3A_1171 : i32
      %add3A_1173 = arith.constant 10 : i32
      %add3A_1174 = arith.addi %mul3A_1172, %add3A_1173 : i32
      %get3A_1175 = arith.index_cast %add3A_1174 : i32 to index
      %get3A_1176 = arith.constant 64 : index
      %get3A_1177 = tpu.vector_load %arg10[%get3A_1175, %get3A_1176] {strides = array<i32>} : memref<640x128xf32, #tpu.memory_space<vmem>>, vector<1x16xf32>,
      %get3A_1178 = vector.shape_cast %get3A_1177 : vector<1x16xf32> to vector<16xf32>
      %mul3A_1179 = vector.broadcast %squeeze3A_1126 : f32 to vector<16xf32>
      %mul3A_1180 = arith.mulf %mul3A_1179, %get3A_1178 : vector<16xf32>
      %add3A_1181 = arith.addf %add3A_1091, %mul3A_1180 : vector<16xf32>
      %mul3A_1182 = arith.constant 20 : i32
      %mul3A_1183 = arith.muli %scan3A_203, %mul3A_1182 : i32
      %add3A_1184 = arith.constant 10 : i32
      %add3A_1185 = arith.addi %mul3A_1183, %add3A_1184 : i32
      %get3A_1186 = arith.index_cast %add3A_1185 : i32 to index
      %get3A_1187 = arith.constant 80 : index
      %get3A_1188 = tpu.vector_load %arg10[%get3A_1186, %get3A_1187] {strides = array<i32>} : memref<640x128xf32, #tpu.memory_space<vmem>>, vector<1x16xf32>,
      %get3A_1189 = vector.shape_cast %get3A_1188 : vector<1x16xf32> to vector<16xf32>
      %mul3A_1190 = vector.broadcast %squeeze3A_1126 : f32 to vector<16xf32>
      %mul3A_1191 = arith.mulf %mul3A_1190, %get3A_1189 : vector<16xf32>
      %add3A_1192 = arith.addf %add3A_1102, %mul3A_1191 : vector<16xf32>
      %mul3A_1193 = arith.constant 20 : i32
      %mul3A_1194 = arith.muli %scan3A_203, %mul3A_1193 : i32
      %add3A_1195 = arith.constant 10 : i32
      %add3A_1196 = arith.addi %mul3A_1194, %add3A_1195 : i32
      %get3A_1197 = arith.index_cast %add3A_1196 : i32 to index
      %get3A_1198 = arith.constant 96 : index
      %get3A_1199 = tpu.vector_load %arg10[%get3A_1197, %get3A_1198] {strides = array<i32>} : memref<640x128xf32, #tpu.memory_space<vmem>>, vector<1x16xf32>,
      %get3A_1200 = vector.shape_cast %get3A_1199 : vector<1x16xf32> to vector<16xf32>
      %mul3A_1201 = vector.broadcast %squeeze3A_1126 : f32 to vector<16xf32>
      %mul3A_1202 = arith.mulf %mul3A_1201, %get3A_1200 : vector<16xf32>
      %add3A_1203 = arith.addf %add3A_1113, %mul3A_1202 : vector<16xf32>
      %mul3A_1204 = arith.constant 20 : i32
      %mul3A_1205 = arith.muli %scan3A_203, %mul3A_1204 : i32
      %add3A_1206 = arith.constant 10 : i32
      %add3A_1207 = arith.addi %mul3A_1205, %add3A_1206 : i32
      %get3A_1208 = arith.index_cast %add3A_1207 : i32 to index
      %get3A_1209 = arith.constant 112 : index
      %get3A_1210 = tpu.vector_load %arg10[%get3A_1208, %get3A_1209] {strides = array<i32>} : memref<640x128xf32, #tpu.memory_space<vmem>>, vector<1x16xf32>,
      %get3A_1211 = vector.shape_cast %get3A_1210 : vector<1x16xf32> to vector<16xf32>
      %mul3A_1212 = vector.broadcast %squeeze3A_1126 : f32 to vector<16xf32>
      %mul3A_1213 = arith.mulf %mul3A_1212, %get3A_1211 : vector<16xf32>
      %add3A_1214 = arith.addf %add3A_1124, %mul3A_1213 : vector<16xf32>
      %slice3A_1215 = vector.extract_strided_slice %get3A_207 {offsets = [11], sizes = [1], strides = [1]} : vector<16xf32> to vector<1xf32>
      %squeeze3A_1216 = vector.extract %slice3A_1215[0] : f32 from vector<1xf32>
      %mul3A_1217 = arith.constant 20 : i32
      %mul3A_1218 = arith.muli %scan3A_203, %mul3A_1217 : i32
      %add3A_1219 = arith.constant 11 : i32
      %add3A_1220 = arith.addi %mul3A_1218, %add3A_1219 : i32
      %get3A_1221 = arith.index_cast %add3A_1220 : i32 to index
      %get3A_1222 = arith.constant 0 : index
      %get3A_1223 = tpu.vector_load %arg10[%get3A_1221, %get3A_1222] {strides = array<i32>} : memref<640x128xf32, #tpu.memory_space<vmem>>, vector<1x16xf32>,
      %get3A_1224 = vector.shape_cast %get3A_1223 : vector<1x16xf32> to vector<16xf32>
      %mul3A_1225 = vector.broadcast %squeeze3A_1216 : f32 to vector<16xf32>
      %mul3A_1226 = arith.mulf %mul3A_1225, %get3A_1224 : vector<16xf32>
      %add3A_1227 = arith.addf %add3A_1137, %mul3A_1226 : vector<16xf32>
      %mul3A_1228 = arith.constant 20 : i32
      %mul3A_1229 = arith.muli %scan3A_203, %mul3A_1228 : i32
      %add3A_1230 = arith.constant 11 : i32
      %add3A_1231 = arith.addi %mul3A_1229, %add3A_1230 : i32
      %get3A_1232 = arith.index_cast %add3A_1231 : i32 to index
      %get3A_1233 = arith.constant 16 : index
      %get3A_1234 = tpu.vector_load %arg10[%get3A_1232, %get3A_1233] {strides = array<i32>} : memref<640x128xf32, #tpu.memory_space<vmem>>, vector<1x16xf32>,
      %get3A_1235 = vector.shape_cast %get3A_1234 : vector<1x16xf32> to vector<16xf32>
      %mul3A_1236 = vector.broadcast %squeeze3A_1216 : f32 to vector<16xf32>
      %mul3A_1237 = arith.mulf %mul3A_1236, %get3A_1235 : vector<16xf32>
      %add3A_1238 = arith.addf %add3A_1148, %mul3A_1237 : vector<16xf32>
      %mul3A_1239 = arith.constant 20 : i32
      %mul3A_1240 = arith.muli %scan3A_203, %mul3A_1239 : i32
      %add3A_1241 = arith.constant 11 : i32
      %add3A_1242 = arith.addi %mul3A_1240, %add3A_1241 : i32
      %get3A_1243 = arith.index_cast %add3A_1242 : i32 to index
      %get3A_1244 = arith.constant 32 : index
      %get3A_1245 = tpu.vector_load %arg10[%get3A_1243, %get3A_1244] {strides = array<i32>} : memref<640x128xf32, #tpu.memory_space<vmem>>, vector<1x16xf32>,
      %get3A_1246 = vector.shape_cast %get3A_1245 : vector<1x16xf32> to vector<16xf32>
      %mul3A_1247 = vector.broadcast %squeeze3A_1216 : f32 to vector<16xf32>
      %mul3A_1248 = arith.mulf %mul3A_1247, %get3A_1246 : vector<16xf32>
      %add3A_1249 = arith.addf %add3A_1159, %mul3A_1248 : vector<16xf32>
      %mul3A_1250 = arith.constant 20 : i32
      %mul3A_1251 = arith.muli %scan3A_203, %mul3A_1250 : i32
      %add3A_1252 = arith.constant 11 : i32
      %add3A_1253 = arith.addi %mul3A_1251, %add3A_1252 : i32
      %get3A_1254 = arith.index_cast %add3A_1253 : i32 to index
      %get3A_1255 = arith.constant 48 : index
      %get3A_1256 = tpu.vector_load %arg10[%get3A_1254, %get3A_1255] {strides = array<i32>} : memref<640x128xf32, #tpu.memory_space<vmem>>, vector<1x16xf32>,
      %get3A_1257 = vector.shape_cast %get3A_1256 : vector<1x16xf32> to vector<16xf32>
      %mul3A_1258 = vector.broadcast %squeeze3A_1216 : f32 to vector<16xf32>
      %mul3A_1259 = arith.mulf %mul3A_1258, %get3A_1257 : vector<16xf32>
      %add3A_1260 = arith.addf %add3A_1170, %mul3A_1259 : vector<16xf32>
      %mul3A_1261 = arith.constant 20 : i32
      %mul3A_1262 = arith.muli %scan3A_203, %mul3A_1261 : i32
      %add3A_1263 = arith.constant 11 : i32
      %add3A_1264 = arith.addi %mul3A_1262, %add3A_1263 : i32
      %get3A_1265 = arith.index_cast %add3A_1264 : i32 to index
      %get3A_1266 = arith.constant 64 : index
      %get3A_1267 = tpu.vector_load %arg10[%get3A_1265, %get3A_1266] {strides = array<i32>} : memref<640x128xf32, #tpu.memory_space<vmem>>, vector<1x16xf32>,
      %get3A_1268 = vector.shape_cast %get3A_1267 : vector<1x16xf32> to vector<16xf32>
      %mul3A_1269 = vector.broadcast %squeeze3A_1216 : f32 to vector<16xf32>
      %mul3A_1270 = arith.mulf %mul3A_1269, %get3A_1268 : vector<16xf32>
      %add3A_1271 = arith.addf %add3A_1181, %mul3A_1270 : vector<16xf32>
      %mul3A_1272 = arith.constant 20 : i32
      %mul3A_1273 = arith.muli %scan3A_203, %mul3A_1272 : i32
      %add3A_1274 = arith.constant 11 : i32
      %add3A_1275 = arith.addi %mul3A_1273, %add3A_1274 : i32
      %get3A_1276 = arith.index_cast %add3A_1275 : i32 to index
      %get3A_1277 = arith.constant 80 : index
      %get3A_1278 = tpu.vector_load %arg10[%get3A_1276, %get3A_1277] {strides = array<i32>} : memref<640x128xf32, #tpu.memory_space<vmem>>, vector<1x16xf32>,
      %get3A_1279 = vector.shape_cast %get3A_1278 : vector<1x16xf32> to vector<16xf32>
      %mul3A_1280 = vector.broadcast %squeeze3A_1216 : f32 to vector<16xf32>
      %mul3A_1281 = arith.mulf %mul3A_1280, %get3A_1279 : vector<16xf32>
      %add3A_1282 = arith.addf %add3A_1192, %mul3A_1281 : vector<16xf32>
      %mul3A_1283 = arith.constant 20 : i32
      %mul3A_1284 = arith.muli %scan3A_203, %mul3A_1283 : i32
      %add3A_1285 = arith.constant 11 : i32
      %add3A_1286 = arith.addi %mul3A_1284, %add3A_1285 : i32
      %get3A_1287 = arith.index_cast %add3A_1286 : i32 to index
      %get3A_1288 = arith.constant 96 : index
      %get3A_1289 = tpu.vector_load %arg10[%get3A_1287, %get3A_1288] {strides = array<i32>} : memref<640x128xf32, #tpu.memory_space<vmem>>, vector<1x16xf32>,
      %get3A_1290 = vector.shape_cast %get3A_1289 : vector<1x16xf32> to vector<16xf32>
      %mul3A_1291 = vector.broadcast %squeeze3A_1216 : f32 to vector<16xf32>
      %mul3A_1292 = arith.mulf %mul3A_1291, %get3A_1290 : vector<16xf32>
      %add3A_1293 = arith.addf %add3A_1203, %mul3A_1292 : vector<16xf32>
      %mul3A_1294 = arith.constant 20 : i32
      %mul3A_1295 = arith.muli %scan3A_203, %mul3A_1294 : i32
      %add3A_1296 = arith.constant 11 : i32
      %add3A_1297 = arith.addi %mul3A_1295, %add3A_1296 : i32
      %get3A_1298 = arith.index_cast %add3A_1297 : i32 to index
      %get3A_1299 = arith.constant 112 : index
      %get3A_1300 = tpu.vector_load %arg10[%get3A_1298, %get3A_1299] {strides = array<i32>} : memref<640x128xf32, #tpu.memory_space<vmem>>, vector<1x16xf32>,
      %get3A_1301 = vector.shape_cast %get3A_1300 : vector<1x16xf32> to vector<16xf32>
      %mul3A_1302 = vector.broadcast %squeeze3A_1216 : f32 to vector<16xf32>
      %mul3A_1303 = arith.mulf %mul3A_1302, %get3A_1301 : vector<16xf32>
      %add3A_1304 = arith.addf %add3A_1214, %mul3A_1303 : vector<16xf32>
      %slice3A_1305 = vector.extract_strided_slice %get3A_207 {offsets = [12], sizes = [1], strides = [1]} : vector<16xf32> to vector<1xf32>
      %squeeze3A_1306 = vector.extract %slice3A_1305[0] : f32 from vector<1xf32>
      %mul3A_1307 = arith.constant 20 : i32
      %mul3A_1308 = arith.muli %scan3A_203, %mul3A_1307 : i32
      %add3A_1309 = arith.constant 12 : i32
      %add3A_1310 = arith.addi %mul3A_1308, %add3A_1309 : i32
      %get3A_1311 = arith.index_cast %add3A_1310 : i32 to index
      %get3A_1312 = arith.constant 0 : index
      %get3A_1313 = tpu.vector_load %arg10[%get3A_1311, %get3A_1312] {strides = array<i32>} : memref<640x128xf32, #tpu.memory_space<vmem>>, vector<1x16xf32>,
      %get3A_1314 = vector.shape_cast %get3A_1313 : vector<1x16xf32> to vector<16xf32>
      %mul3A_1315 = vector.broadcast %squeeze3A_1306 : f32 to vector<16xf32>
      %mul3A_1316 = arith.mulf %mul3A_1315, %get3A_1314 : vector<16xf32>
      %add3A_1317 = arith.addf %add3A_1227, %mul3A_1316 : vector<16xf32>
      %mul3A_1318 = arith.constant 20 : i32
      %mul3A_1319 = arith.muli %scan3A_203, %mul3A_1318 : i32
      %add3A_1320 = arith.constant 12 : i32
      %add3A_1321 = arith.addi %mul3A_1319, %add3A_1320 : i32
      %get3A_1322 = arith.index_cast %add3A_1321 : i32 to index
      %get3A_1323 = arith.constant 16 : index
      %get3A_1324 = tpu.vector_load %arg10[%get3A_1322, %get3A_1323] {strides = array<i32>} : memref<640x128xf32, #tpu.memory_space<vmem>>, vector<1x16xf32>,
      %get3A_1325 = vector.shape_cast %get3A_1324 : vector<1x16xf32> to vector<16xf32>
      %mul3A_1326 = vector.broadcast %squeeze3A_1306 : f32 to vector<16xf32>
      %mul3A_1327 = arith.mulf %mul3A_1326, %get3A_1325 : vector<16xf32>
      %add3A_1328 = arith.addf %add3A_1238, %mul3A_1327 : vector<16xf32>
      %mul3A_1329 = arith.constant 20 : i32
      %mul3A_1330 = arith.muli %scan3A_203, %mul3A_1329 : i32
      %add3A_1331 = arith.constant 12 : i32
      %add3A_1332 = arith.addi %mul3A_1330, %add3A_1331 : i32
      %get3A_1333 = arith.index_cast %add3A_1332 : i32 to index
      %get3A_1334 = arith.constant 32 : index
      %get3A_1335 = tpu.vector_load %arg10[%get3A_1333, %get3A_1334] {strides = array<i32>} : memref<640x128xf32, #tpu.memory_space<vmem>>, vector<1x16xf32>,
      %get3A_1336 = vector.shape_cast %get3A_1335 : vector<1x16xf32> to vector<16xf32>
      %mul3A_1337 = vector.broadcast %squeeze3A_1306 : f32 to vector<16xf32>
      %mul3A_1338 = arith.mulf %mul3A_1337, %get3A_1336 : vector<16xf32>
      %add3A_1339 = arith.addf %add3A_1249, %mul3A_1338 : vector<16xf32>
      %mul3A_1340 = arith.constant 20 : i32
      %mul3A_1341 = arith.muli %scan3A_203, %mul3A_1340 : i32
      %add3A_1342 = arith.constant 12 : i32
      %add3A_1343 = arith.addi %mul3A_1341, %add3A_1342 : i32
      %get3A_1344 = arith.index_cast %add3A_1343 : i32 to index
      %get3A_1345 = arith.constant 48 : index
      %get3A_1346 = tpu.vector_load %arg10[%get3A_1344, %get3A_1345] {strides = array<i32>} : memref<640x128xf32, #tpu.memory_space<vmem>>, vector<1x16xf32>,
      %get3A_1347 = vector.shape_cast %get3A_1346 : vector<1x16xf32> to vector<16xf32>
      %mul3A_1348 = vector.broadcast %squeeze3A_1306 : f32 to vector<16xf32>
      %mul3A_1349 = arith.mulf %mul3A_1348, %get3A_1347 : vector<16xf32>
      %add3A_1350 = arith.addf %add3A_1260, %mul3A_1349 : vector<16xf32>
      %mul3A_1351 = arith.constant 20 : i32
      %mul3A_1352 = arith.muli %scan3A_203, %mul3A_1351 : i32
      %add3A_1353 = arith.constant 12 : i32
      %add3A_1354 = arith.addi %mul3A_1352, %add3A_1353 : i32
      %get3A_1355 = arith.index_cast %add3A_1354 : i32 to index
      %get3A_1356 = arith.constant 64 : index
      %get3A_1357 = tpu.vector_load %arg10[%get3A_1355, %get3A_1356] {strides = array<i32>} : memref<640x128xf32, #tpu.memory_space<vmem>>, vector<1x16xf32>,
      %get3A_1358 = vector.shape_cast %get3A_1357 : vector<1x16xf32> to vector<16xf32>
      %mul3A_1359 = vector.broadcast %squeeze3A_1306 : f32 to vector<16xf32>
      %mul3A_1360 = arith.mulf %mul3A_1359, %get3A_1358 : vector<16xf32>
      %add3A_1361 = arith.addf %add3A_1271, %mul3A_1360 : vector<16xf32>
      %mul3A_1362 = arith.constant 20 : i32
      %mul3A_1363 = arith.muli %scan3A_203, %mul3A_1362 : i32
      %add3A_1364 = arith.constant 12 : i32
      %add3A_1365 = arith.addi %mul3A_1363, %add3A_1364 : i32
      %get3A_1366 = arith.index_cast %add3A_1365 : i32 to index
      %get3A_1367 = arith.constant 80 : index
      %get3A_1368 = tpu.vector_load %arg10[%get3A_1366, %get3A_1367] {strides = array<i32>} : memref<640x128xf32, #tpu.memory_space<vmem>>, vector<1x16xf32>,
      %get3A_1369 = vector.shape_cast %get3A_1368 : vector<1x16xf32> to vector<16xf32>
      %mul3A_1370 = vector.broadcast %squeeze3A_1306 : f32 to vector<16xf32>
      %mul3A_1371 = arith.mulf %mul3A_1370, %get3A_1369 : vector<16xf32>
      %add3A_1372 = arith.addf %add3A_1282, %mul3A_1371 : vector<16xf32>
      %mul3A_1373 = arith.constant 20 : i32
      %mul3A_1374 = arith.muli %scan3A_203, %mul3A_1373 : i32
      %add3A_1375 = arith.constant 12 : i32
      %add3A_1376 = arith.addi %mul3A_1374, %add3A_1375 : i32
      %get3A_1377 = arith.index_cast %add3A_1376 : i32 to index
      %get3A_1378 = arith.constant 96 : index
      %get3A_1379 = tpu.vector_load %arg10[%get3A_1377, %get3A_1378] {strides = array<i32>} : memref<640x128xf32, #tpu.memory_space<vmem>>, vector<1x16xf32>,
      %get3A_1380 = vector.shape_cast %get3A_1379 : vector<1x16xf32> to vector<16xf32>
      %mul3A_1381 = vector.broadcast %squeeze3A_1306 : f32 to vector<16xf32>
      %mul3A_1382 = arith.mulf %mul3A_1381, %get3A_1380 : vector<16xf32>
      %add3A_1383 = arith.addf %add3A_1293, %mul3A_1382 : vector<16xf32>
      %mul3A_1384 = arith.constant 20 : i32
      %mul3A_1385 = arith.muli %scan3A_203, %mul3A_1384 : i32
      %add3A_1386 = arith.constant 12 : i32
      %add3A_1387 = arith.addi %mul3A_1385, %add3A_1386 : i32
      %get3A_1388 = arith.index_cast %add3A_1387 : i32 to index
      %get3A_1389 = arith.constant 112 : index
      %get3A_1390 = tpu.vector_load %arg10[%get3A_1388, %get3A_1389] {strides = array<i32>} : memref<640x128xf32, #tpu.memory_space<vmem>>, vector<1x16xf32>,
      %get3A_1391 = vector.shape_cast %get3A_1390 : vector<1x16xf32> to vector<16xf32>
      %mul3A_1392 = vector.broadcast %squeeze3A_1306 : f32 to vector<16xf32>
      %mul3A_1393 = arith.mulf %mul3A_1392, %get3A_1391 : vector<16xf32>
      %add3A_1394 = arith.addf %add3A_1304, %mul3A_1393 : vector<16xf32>
      %slice3A_1395 = vector.extract_strided_slice %get3A_207 {offsets = [13], sizes = [1], strides = [1]} : vector<16xf32> to vector<1xf32>
      %squeeze3A_1396 = vector.extract %slice3A_1395[0] : f32 from vector<1xf32>
      %mul3A_1397 = arith.constant 20 : i32
      %mul3A_1398 = arith.muli %scan3A_203, %mul3A_1397 : i32
      %add3A_1399 = arith.constant 13 : i32
      %add3A_1400 = arith.addi %mul3A_1398, %add3A_1399 : i32
      %get3A_1401 = arith.index_cast %add3A_1400 : i32 to index
      %get3A_1402 = arith.constant 0 : index
      %get3A_1403 = tpu.vector_load %arg10[%get3A_1401, %get3A_1402] {strides = array<i32>} : memref<640x128xf32, #tpu.memory_space<vmem>>, vector<1x16xf32>,
      %get3A_1404 = vector.shape_cast %get3A_1403 : vector<1x16xf32> to vector<16xf32>
      %mul3A_1405 = vector.broadcast %squeeze3A_1396 : f32 to vector<16xf32>
      %mul3A_1406 = arith.mulf %mul3A_1405, %get3A_1404 : vector<16xf32>
      %add3A_1407 = arith.addf %add3A_1317, %mul3A_1406 : vector<16xf32>
      %mul3A_1408 = arith.constant 20 : i32
      %mul3A_1409 = arith.muli %scan3A_203, %mul3A_1408 : i32
      %add3A_1410 = arith.constant 13 : i32
      %add3A_1411 = arith.addi %mul3A_1409, %add3A_1410 : i32
      %get3A_1412 = arith.index_cast %add3A_1411 : i32 to index
      %get3A_1413 = arith.constant 16 : index
      %get3A_1414 = tpu.vector_load %arg10[%get3A_1412, %get3A_1413] {strides = array<i32>} : memref<640x128xf32, #tpu.memory_space<vmem>>, vector<1x16xf32>,
      %get3A_1415 = vector.shape_cast %get3A_1414 : vector<1x16xf32> to vector<16xf32>
      %mul3A_1416 = vector.broadcast %squeeze3A_1396 : f32 to vector<16xf32>
      %mul3A_1417 = arith.mulf %mul3A_1416, %get3A_1415 : vector<16xf32>
      %add3A_1418 = arith.addf %add3A_1328, %mul3A_1417 : vector<16xf32>
      %mul3A_1419 = arith.constant 20 : i32
      %mul3A_1420 = arith.muli %scan3A_203, %mul3A_1419 : i32
      %add3A_1421 = arith.constant 13 : i32
      %add3A_1422 = arith.addi %mul3A_1420, %add3A_1421 : i32
      %get3A_1423 = arith.index_cast %add3A_1422 : i32 to index
      %get3A_1424 = arith.constant 32 : index
      %get3A_1425 = tpu.vector_load %arg10[%get3A_1423, %get3A_1424] {strides = array<i32>} : memref<640x128xf32, #tpu.memory_space<vmem>>, vector<1x16xf32>,
      %get3A_1426 = vector.shape_cast %get3A_1425 : vector<1x16xf32> to vector<16xf32>
      %mul3A_1427 = vector.broadcast %squeeze3A_1396 : f32 to vector<16xf32>
      %mul3A_1428 = arith.mulf %mul3A_1427, %get3A_1426 : vector<16xf32>
      %add3A_1429 = arith.addf %add3A_1339, %mul3A_1428 : vector<16xf32>
      %mul3A_1430 = arith.constant 20 : i32
      %mul3A_1431 = arith.muli %scan3A_203, %mul3A_1430 : i32
      %add3A_1432 = arith.constant 13 : i32
      %add3A_1433 = arith.addi %mul3A_1431, %add3A_1432 : i32
      %get3A_1434 = arith.index_cast %add3A_1433 : i32 to index
      %get3A_1435 = arith.constant 48 : index
      %get3A_1436 = tpu.vector_load %arg10[%get3A_1434, %get3A_1435] {strides = array<i32>} : memref<640x128xf32, #tpu.memory_space<vmem>>, vector<1x16xf32>,
      %get3A_1437 = vector.shape_cast %get3A_1436 : vector<1x16xf32> to vector<16xf32>
      %mul3A_1438 = vector.broadcast %squeeze3A_1396 : f32 to vector<16xf32>
      %mul3A_1439 = arith.mulf %mul3A_1438, %get3A_1437 : vector<16xf32>
      %add3A_1440 = arith.addf %add3A_1350, %mul3A_1439 : vector<16xf32>
      %mul3A_1441 = arith.constant 20 : i32
      %mul3A_1442 = arith.muli %scan3A_203, %mul3A_1441 : i32
      %add3A_1443 = arith.constant 13 : i32
      %add3A_1444 = arith.addi %mul3A_1442, %add3A_1443 : i32
      %get3A_1445 = arith.index_cast %add3A_1444 : i32 to index
      %get3A_1446 = arith.constant 64 : index
      %get3A_1447 = tpu.vector_load %arg10[%get3A_1445, %get3A_1446] {strides = array<i32>} : memref<640x128xf32, #tpu.memory_space<vmem>>, vector<1x16xf32>,
      %get3A_1448 = vector.shape_cast %get3A_1447 : vector<1x16xf32> to vector<16xf32>
      %mul3A_1449 = vector.broadcast %squeeze3A_1396 : f32 to vector<16xf32>
      %mul3A_1450 = arith.mulf %mul3A_1449, %get3A_1448 : vector<16xf32>
      %add3A_1451 = arith.addf %add3A_1361, %mul3A_1450 : vector<16xf32>
      %mul3A_1452 = arith.constant 20 : i32
      %mul3A_1453 = arith.muli %scan3A_203, %mul3A_1452 : i32
      %add3A_1454 = arith.constant 13 : i32
      %add3A_1455 = arith.addi %mul3A_1453, %add3A_1454 : i32
      %get3A_1456 = arith.index_cast %add3A_1455 : i32 to index
      %get3A_1457 = arith.constant 80 : index
      %get3A_1458 = tpu.vector_load %arg10[%get3A_1456, %get3A_1457] {strides = array<i32>} : memref<640x128xf32, #tpu.memory_space<vmem>>, vector<1x16xf32>,
      %get3A_1459 = vector.shape_cast %get3A_1458 : vector<1x16xf32> to vector<16xf32>
      %mul3A_1460 = vector.broadcast %squeeze3A_1396 : f32 to vector<16xf32>
      %mul3A_1461 = arith.mulf %mul3A_1460, %get3A_1459 : vector<16xf32>
      %add3A_1462 = arith.addf %add3A_1372, %mul3A_1461 : vector<16xf32>
      %mul3A_1463 = arith.constant 20 : i32
      %mul3A_1464 = arith.muli %scan3A_203, %mul3A_1463 : i32
      %add3A_1465 = arith.constant 13 : i32
      %add3A_1466 = arith.addi %mul3A_1464, %add3A_1465 : i32
      %get3A_1467 = arith.index_cast %add3A_1466 : i32 to index
      %get3A_1468 = arith.constant 96 : index
      %get3A_1469 = tpu.vector_load %arg10[%get3A_1467, %get3A_1468] {strides = array<i32>} : memref<640x128xf32, #tpu.memory_space<vmem>>, vector<1x16xf32>,
      %get3A_1470 = vector.shape_cast %get3A_1469 : vector<1x16xf32> to vector<16xf32>
      %mul3A_1471 = vector.broadcast %squeeze3A_1396 : f32 to vector<16xf32>
      %mul3A_1472 = arith.mulf %mul3A_1471, %get3A_1470 : vector<16xf32>
      %add3A_1473 = arith.addf %add3A_1383, %mul3A_1472 : vector<16xf32>
      %mul3A_1474 = arith.constant 20 : i32
      %mul3A_1475 = arith.muli %scan3A_203, %mul3A_1474 : i32
      %add3A_1476 = arith.constant 13 : i32
      %add3A_1477 = arith.addi %mul3A_1475, %add3A_1476 : i32
      %get3A_1478 = arith.index_cast %add3A_1477 : i32 to index
      %get3A_1479 = arith.constant 112 : index
      %get3A_1480 = tpu.vector_load %arg10[%get3A_1478, %get3A_1479] {strides = array<i32>} : memref<640x128xf32, #tpu.memory_space<vmem>>, vector<1x16xf32>,
      %get3A_1481 = vector.shape_cast %get3A_1480 : vector<1x16xf32> to vector<16xf32>
      %mul3A_1482 = vector.broadcast %squeeze3A_1396 : f32 to vector<16xf32>
      %mul3A_1483 = arith.mulf %mul3A_1482, %get3A_1481 : vector<16xf32>
      %add3A_1484 = arith.addf %add3A_1394, %mul3A_1483 : vector<16xf32>
      %slice3A_1485 = vector.extract_strided_slice %get3A_207 {offsets = [14], sizes = [1], strides = [1]} : vector<16xf32> to vector<1xf32>
      %squeeze3A_1486 = vector.extract %slice3A_1485[0] : f32 from vector<1xf32>
      %mul3A_1487 = arith.constant 20 : i32
      %mul3A_1488 = arith.muli %scan3A_203, %mul3A_1487 : i32
      %add3A_1489 = arith.constant 14 : i32
      %add3A_1490 = arith.addi %mul3A_1488, %add3A_1489 : i32
      %get3A_1491 = arith.index_cast %add3A_1490 : i32 to index
      %get3A_1492 = arith.constant 0 : index
      %get3A_1493 = tpu.vector_load %arg10[%get3A_1491, %get3A_1492] {strides = array<i32>} : memref<640x128xf32, #tpu.memory_space<vmem>>, vector<1x16xf32>,
      %get3A_1494 = vector.shape_cast %get3A_1493 : vector<1x16xf32> to vector<16xf32>
      %mul3A_1495 = vector.broadcast %squeeze3A_1486 : f32 to vector<16xf32>
      %mul3A_1496 = arith.mulf %mul3A_1495, %get3A_1494 : vector<16xf32>
      %add3A_1497 = arith.addf %add3A_1407, %mul3A_1496 : vector<16xf32>
      %mul3A_1498 = arith.constant 20 : i32
      %mul3A_1499 = arith.muli %scan3A_203, %mul3A_1498 : i32
      %add3A_1500 = arith.constant 14 : i32
      %add3A_1501 = arith.addi %mul3A_1499, %add3A_1500 : i32
      %get3A_1502 = arith.index_cast %add3A_1501 : i32 to index
      %get3A_1503 = arith.constant 16 : index
      %get3A_1504 = tpu.vector_load %arg10[%get3A_1502, %get3A_1503] {strides = array<i32>} : memref<640x128xf32, #tpu.memory_space<vmem>>, vector<1x16xf32>,
      %get3A_1505 = vector.shape_cast %get3A_1504 : vector<1x16xf32> to vector<16xf32>
      %mul3A_1506 = vector.broadcast %squeeze3A_1486 : f32 to vector<16xf32>
      %mul3A_1507 = arith.mulf %mul3A_1506, %get3A_1505 : vector<16xf32>
      %add3A_1508 = arith.addf %add3A_1418, %mul3A_1507 : vector<16xf32>
      %mul3A_1509 = arith.constant 20 : i32
      %mul3A_1510 = arith.muli %scan3A_203, %mul3A_1509 : i32
      %add3A_1511 = arith.constant 14 : i32
      %add3A_1512 = arith.addi %mul3A_1510, %add3A_1511 : i32
      %get3A_1513 = arith.index_cast %add3A_1512 : i32 to index
      %get3A_1514 = arith.constant 32 : index
      %get3A_1515 = tpu.vector_load %arg10[%get3A_1513, %get3A_1514] {strides = array<i32>} : memref<640x128xf32, #tpu.memory_space<vmem>>, vector<1x16xf32>,
      %get3A_1516 = vector.shape_cast %get3A_1515 : vector<1x16xf32> to vector<16xf32>
      %mul3A_1517 = vector.broadcast %squeeze3A_1486 : f32 to vector<16xf32>
      %mul3A_1518 = arith.mulf %mul3A_1517, %get3A_1516 : vector<16xf32>
      %add3A_1519 = arith.addf %add3A_1429, %mul3A_1518 : vector<16xf32>
      %mul3A_1520 = arith.constant 20 : i32
      %mul3A_1521 = arith.muli %scan3A_203, %mul3A_1520 : i32
      %add3A_1522 = arith.constant 14 : i32
      %add3A_1523 = arith.addi %mul3A_1521, %add3A_1522 : i32
      %get3A_1524 = arith.index_cast %add3A_1523 : i32 to index
      %get3A_1525 = arith.constant 48 : index
      %get3A_1526 = tpu.vector_load %arg10[%get3A_1524, %get3A_1525] {strides = array<i32>} : memref<640x128xf32, #tpu.memory_space<vmem>>, vector<1x16xf32>,
      %get3A_1527 = vector.shape_cast %get3A_1526 : vector<1x16xf32> to vector<16xf32>
      %mul3A_1528 = vector.broadcast %squeeze3A_1486 : f32 to vector<16xf32>
      %mul3A_1529 = arith.mulf %mul3A_1528, %get3A_1527 : vector<16xf32>
      %add3A_1530 = arith.addf %add3A_1440, %mul3A_1529 : vector<16xf32>
      %mul3A_1531 = arith.constant 20 : i32
      %mul3A_1532 = arith.muli %scan3A_203, %mul3A_1531 : i32
      %add3A_1533 = arith.constant 14 : i32
      %add3A_1534 = arith.addi %mul3A_1532, %add3A_1533 : i32
      %get3A_1535 = arith.index_cast %add3A_1534 : i32 to index
      %get3A_1536 = arith.constant 64 : index
      %get3A_1537 = tpu.vector_load %arg10[%get3A_1535, %get3A_1536] {strides = array<i32>} : memref<640x128xf32, #tpu.memory_space<vmem>>, vector<1x16xf32>,
      %get3A_1538 = vector.shape_cast %get3A_1537 : vector<1x16xf32> to vector<16xf32>
      %mul3A_1539 = vector.broadcast %squeeze3A_1486 : f32 to vector<16xf32>
      %mul3A_1540 = arith.mulf %mul3A_1539, %get3A_1538 : vector<16xf32>
      %add3A_1541 = arith.addf %add3A_1451, %mul3A_1540 : vector<16xf32>
      %mul3A_1542 = arith.constant 20 : i32
      %mul3A_1543 = arith.muli %scan3A_203, %mul3A_1542 : i32
      %add3A_1544 = arith.constant 14 : i32
      %add3A_1545 = arith.addi %mul3A_1543, %add3A_1544 : i32
      %get3A_1546 = arith.index_cast %add3A_1545 : i32 to index
      %get3A_1547 = arith.constant 80 : index
      %get3A_1548 = tpu.vector_load %arg10[%get3A_1546, %get3A_1547] {strides = array<i32>} : memref<640x128xf32, #tpu.memory_space<vmem>>, vector<1x16xf32>,
      %get3A_1549 = vector.shape_cast %get3A_1548 : vector<1x16xf32> to vector<16xf32>
      %mul3A_1550 = vector.broadcast %squeeze3A_1486 : f32 to vector<16xf32>
      %mul3A_1551 = arith.mulf %mul3A_1550, %get3A_1549 : vector<16xf32>
      %add3A_1552 = arith.addf %add3A_1462, %mul3A_1551 : vector<16xf32>
      %mul3A_1553 = arith.constant 20 : i32
      %mul3A_1554 = arith.muli %scan3A_203, %mul3A_1553 : i32
      %add3A_1555 = arith.constant 14 : i32
      %add3A_1556 = arith.addi %mul3A_1554, %add3A_1555 : i32
      %get3A_1557 = arith.index_cast %add3A_1556 : i32 to index
      %get3A_1558 = arith.constant 96 : index
      %get3A_1559 = tpu.vector_load %arg10[%get3A_1557, %get3A_1558] {strides = array<i32>} : memref<640x128xf32, #tpu.memory_space<vmem>>, vector<1x16xf32>,
      %get3A_1560 = vector.shape_cast %get3A_1559 : vector<1x16xf32> to vector<16xf32>
      %mul3A_1561 = vector.broadcast %squeeze3A_1486 : f32 to vector<16xf32>
      %mul3A_1562 = arith.mulf %mul3A_1561, %get3A_1560 : vector<16xf32>
      %add3A_1563 = arith.addf %add3A_1473, %mul3A_1562 : vector<16xf32>
      %mul3A_1564 = arith.constant 20 : i32
      %mul3A_1565 = arith.muli %scan3A_203, %mul3A_1564 : i32
      %add3A_1566 = arith.constant 14 : i32
      %add3A_1567 = arith.addi %mul3A_1565, %add3A_1566 : i32
      %get3A_1568 = arith.index_cast %add3A_1567 : i32 to index
      %get3A_1569 = arith.constant 112 : index
      %get3A_1570 = tpu.vector_load %arg10[%get3A_1568, %get3A_1569] {strides = array<i32>} : memref<640x128xf32, #tpu.memory_space<vmem>>, vector<1x16xf32>,
      %get3A_1571 = vector.shape_cast %get3A_1570 : vector<1x16xf32> to vector<16xf32>
      %mul3A_1572 = vector.broadcast %squeeze3A_1486 : f32 to vector<16xf32>
      %mul3A_1573 = arith.mulf %mul3A_1572, %get3A_1571 : vector<16xf32>
      %add3A_1574 = arith.addf %add3A_1484, %mul3A_1573 : vector<16xf32>
      %slice3A_1575 = vector.extract_strided_slice %get3A_207 {offsets = [15], sizes = [1], strides = [1]} : vector<16xf32> to vector<1xf32>
      %squeeze3A_1576 = vector.extract %slice3A_1575[0] : f32 from vector<1xf32>
      %mul3A_1577 = arith.constant 20 : i32
      %mul3A_1578 = arith.muli %scan3A_203, %mul3A_1577 : i32
      %add3A_1579 = arith.constant 15 : i32
      %add3A_1580 = arith.addi %mul3A_1578, %add3A_1579 : i32
      %get3A_1581 = arith.index_cast %add3A_1580 : i32 to index
      %get3A_1582 = arith.constant 0 : index
      %get3A_1583 = tpu.vector_load %arg10[%get3A_1581, %get3A_1582] {strides = array<i32>} : memref<640x128xf32, #tpu.memory_space<vmem>>, vector<1x16xf32>,
      %get3A_1584 = vector.shape_cast %get3A_1583 : vector<1x16xf32> to vector<16xf32>
      %mul3A_1585 = vector.broadcast %squeeze3A_1576 : f32 to vector<16xf32>
      %mul3A_1586 = arith.mulf %mul3A_1585, %get3A_1584 : vector<16xf32>
      %add3A_1587 = arith.addf %add3A_1497, %mul3A_1586 : vector<16xf32>
      %mul3A_1588 = arith.constant 20 : i32
      %mul3A_1589 = arith.muli %scan3A_203, %mul3A_1588 : i32
      %add3A_1590 = arith.constant 15 : i32
      %add3A_1591 = arith.addi %mul3A_1589, %add3A_1590 : i32
      %get3A_1592 = arith.index_cast %add3A_1591 : i32 to index
      %get3A_1593 = arith.constant 16 : index
      %get3A_1594 = tpu.vector_load %arg10[%get3A_1592, %get3A_1593] {strides = array<i32>} : memref<640x128xf32, #tpu.memory_space<vmem>>, vector<1x16xf32>,
      %get3A_1595 = vector.shape_cast %get3A_1594 : vector<1x16xf32> to vector<16xf32>
      %mul3A_1596 = vector.broadcast %squeeze3A_1576 : f32 to vector<16xf32>
      %mul3A_1597 = arith.mulf %mul3A_1596, %get3A_1595 : vector<16xf32>
      %add3A_1598 = arith.addf %add3A_1508, %mul3A_1597 : vector<16xf32>
      %mul3A_1599 = arith.constant 20 : i32
      %mul3A_1600 = arith.muli %scan3A_203, %mul3A_1599 : i32
      %add3A_1601 = arith.constant 15 : i32
      %add3A_1602 = arith.addi %mul3A_1600, %add3A_1601 : i32
      %get3A_1603 = arith.index_cast %add3A_1602 : i32 to index
      %get3A_1604 = arith.constant 32 : index
      %get3A_1605 = tpu.vector_load %arg10[%get3A_1603, %get3A_1604] {strides = array<i32>} : memref<640x128xf32, #tpu.memory_space<vmem>>, vector<1x16xf32>,
      %get3A_1606 = vector.shape_cast %get3A_1605 : vector<1x16xf32> to vector<16xf32>
      %mul3A_1607 = vector.broadcast %squeeze3A_1576 : f32 to vector<16xf32>
      %mul3A_1608 = arith.mulf %mul3A_1607, %get3A_1606 : vector<16xf32>
      %add3A_1609 = arith.addf %add3A_1519, %mul3A_1608 : vector<16xf32>
      %mul3A_1610 = arith.constant 20 : i32
      %mul3A_1611 = arith.muli %scan3A_203, %mul3A_1610 : i32
      %add3A_1612 = arith.constant 15 : i32
      %add3A_1613 = arith.addi %mul3A_1611, %add3A_1612 : i32
      %get3A_1614 = arith.index_cast %add3A_1613 : i32 to index
      %get3A_1615 = arith.constant 48 : index
      %get3A_1616 = tpu.vector_load %arg10[%get3A_1614, %get3A_1615] {strides = array<i32>} : memref<640x128xf32, #tpu.memory_space<vmem>>, vector<1x16xf32>,
      %get3A_1617 = vector.shape_cast %get3A_1616 : vector<1x16xf32> to vector<16xf32>
      %mul3A_1618 = vector.broadcast %squeeze3A_1576 : f32 to vector<16xf32>
      %mul3A_1619 = arith.mulf %mul3A_1618, %get3A_1617 : vector<16xf32>
      %add3A_1620 = arith.addf %add3A_1530, %mul3A_1619 : vector<16xf32>
      %mul3A_1621 = arith.constant 20 : i32
      %mul3A_1622 = arith.muli %scan3A_203, %mul3A_1621 : i32
      %add3A_1623 = arith.constant 15 : i32
      %add3A_1624 = arith.addi %mul3A_1622, %add3A_1623 : i32
      %get3A_1625 = arith.index_cast %add3A_1624 : i32 to index
      %get3A_1626 = arith.constant 64 : index
      %get3A_1627 = tpu.vector_load %arg10[%get3A_1625, %get3A_1626] {strides = array<i32>} : memref<640x128xf32, #tpu.memory_space<vmem>>, vector<1x16xf32>,
      %get3A_1628 = vector.shape_cast %get3A_1627 : vector<1x16xf32> to vector<16xf32>
      %mul3A_1629 = vector.broadcast %squeeze3A_1576 : f32 to vector<16xf32>
      %mul3A_1630 = arith.mulf %mul3A_1629, %get3A_1628 : vector<16xf32>
      %add3A_1631 = arith.addf %add3A_1541, %mul3A_1630 : vector<16xf32>
      %mul3A_1632 = arith.constant 20 : i32
      %mul3A_1633 = arith.muli %scan3A_203, %mul3A_1632 : i32
      %add3A_1634 = arith.constant 15 : i32
      %add3A_1635 = arith.addi %mul3A_1633, %add3A_1634 : i32
      %get3A_1636 = arith.index_cast %add3A_1635 : i32 to index
      %get3A_1637 = arith.constant 80 : index
      %get3A_1638 = tpu.vector_load %arg10[%get3A_1636, %get3A_1637] {strides = array<i32>} : memref<640x128xf32, #tpu.memory_space<vmem>>, vector<1x16xf32>,
      %get3A_1639 = vector.shape_cast %get3A_1638 : vector<1x16xf32> to vector<16xf32>
      %mul3A_1640 = vector.broadcast %squeeze3A_1576 : f32 to vector<16xf32>
      %mul3A_1641 = arith.mulf %mul3A_1640, %get3A_1639 : vector<16xf32>
      %add3A_1642 = arith.addf %add3A_1552, %mul3A_1641 : vector<16xf32>
      %mul3A_1643 = arith.constant 20 : i32
      %mul3A_1644 = arith.muli %scan3A_203, %mul3A_1643 : i32
      %add3A_1645 = arith.constant 15 : i32
      %add3A_1646 = arith.addi %mul3A_1644, %add3A_1645 : i32
      %get3A_1647 = arith.index_cast %add3A_1646 : i32 to index
      %get3A_1648 = arith.constant 96 : index
      %get3A_1649 = tpu.vector_load %arg10[%get3A_1647, %get3A_1648] {strides = array<i32>} : memref<640x128xf32, #tpu.memory_space<vmem>>, vector<1x16xf32>,
      %get3A_1650 = vector.shape_cast %get3A_1649 : vector<1x16xf32> to vector<16xf32>
      %mul3A_1651 = vector.broadcast %squeeze3A_1576 : f32 to vector<16xf32>
      %mul3A_1652 = arith.mulf %mul3A_1651, %get3A_1650 : vector<16xf32>
      %add3A_1653 = arith.addf %add3A_1563, %mul3A_1652 : vector<16xf32>
      %mul3A_1654 = arith.constant 20 : i32
      %mul3A_1655 = arith.muli %scan3A_203, %mul3A_1654 : i32
      %add3A_1656 = arith.constant 15 : i32
      %add3A_1657 = arith.addi %mul3A_1655, %add3A_1656 : i32
      %get3A_1658 = arith.index_cast %add3A_1657 : i32 to index
      %get3A_1659 = arith.constant 112 : index
      %get3A_1660 = tpu.vector_load %arg10[%get3A_1658, %get3A_1659] {strides = array<i32>} : memref<640x128xf32, #tpu.memory_space<vmem>>, vector<1x16xf32>,
      %get3A_1661 = vector.shape_cast %get3A_1660 : vector<1x16xf32> to vector<16xf32>
      %mul3A_1662 = vector.broadcast %squeeze3A_1576 : f32 to vector<16xf32>
      %mul3A_1663 = arith.mulf %mul3A_1662, %get3A_1661 : vector<16xf32>
      %add3A_1664 = arith.addf %add3A_1574, %mul3A_1663 : vector<16xf32>
      %slice3A_1665 = vector.extract_strided_slice %get3A_211 {offsets = [0], sizes = [1], strides = [1]} : vector<16xf32> to vector<1xf32>
      %squeeze3A_1666 = vector.extract %slice3A_1665[0] : f32 from vector<1xf32>
      %mul3A_1667 = arith.constant 20 : i32
      %mul3A_1668 = arith.muli %scan3A_203, %mul3A_1667 : i32
      %add3A_1669 = arith.constant 16 : i32
      %add3A_1670 = arith.addi %mul3A_1668, %add3A_1669 : i32
      %get3A_1671 = arith.index_cast %add3A_1670 : i32 to index
      %get3A_1672 = arith.constant 0 : index
      %get3A_1673 = tpu.vector_load %arg10[%get3A_1671, %get3A_1672] {strides = array<i32>} : memref<640x128xf32, #tpu.memory_space<vmem>>, vector<1x16xf32>,
      %get3A_1674 = vector.shape_cast %get3A_1673 : vector<1x16xf32> to vector<16xf32>
      %mul3A_1675 = vector.broadcast %squeeze3A_1666 : f32 to vector<16xf32>
      %mul3A_1676 = arith.mulf %mul3A_1675, %get3A_1674 : vector<16xf32>
      %add3A_1677 = arith.addf %add3A_1587, %mul3A_1676 : vector<16xf32>
      %mul3A_1678 = arith.constant 20 : i32
      %mul3A_1679 = arith.muli %scan3A_203, %mul3A_1678 : i32
      %add3A_1680 = arith.constant 16 : i32
      %add3A_1681 = arith.addi %mul3A_1679, %add3A_1680 : i32
      %get3A_1682 = arith.index_cast %add3A_1681 : i32 to index
      %get3A_1683 = arith.constant 16 : index
      %get3A_1684 = tpu.vector_load %arg10[%get3A_1682, %get3A_1683] {strides = array<i32>} : memref<640x128xf32, #tpu.memory_space<vmem>>, vector<1x16xf32>,
      %get3A_1685 = vector.shape_cast %get3A_1684 : vector<1x16xf32> to vector<16xf32>
      %mul3A_1686 = vector.broadcast %squeeze3A_1666 : f32 to vector<16xf32>
      %mul3A_1687 = arith.mulf %mul3A_1686, %get3A_1685 : vector<16xf32>
      %add3A_1688 = arith.addf %add3A_1598, %mul3A_1687 : vector<16xf32>
      %mul3A_1689 = arith.constant 20 : i32
      %mul3A_1690 = arith.muli %scan3A_203, %mul3A_1689 : i32
      %add3A_1691 = arith.constant 16 : i32
      %add3A_1692 = arith.addi %mul3A_1690, %add3A_1691 : i32
      %get3A_1693 = arith.index_cast %add3A_1692 : i32 to index
      %get3A_1694 = arith.constant 32 : index
      %get3A_1695 = tpu.vector_load %arg10[%get3A_1693, %get3A_1694] {strides = array<i32>} : memref<640x128xf32, #tpu.memory_space<vmem>>, vector<1x16xf32>,
      %get3A_1696 = vector.shape_cast %get3A_1695 : vector<1x16xf32> to vector<16xf32>
      %mul3A_1697 = vector.broadcast %squeeze3A_1666 : f32 to vector<16xf32>
      %mul3A_1698 = arith.mulf %mul3A_1697, %get3A_1696 : vector<16xf32>
      %add3A_1699 = arith.addf %add3A_1609, %mul3A_1698 : vector<16xf32>
      %mul3A_1700 = arith.constant 20 : i32
      %mul3A_1701 = arith.muli %scan3A_203, %mul3A_1700 : i32
      %add3A_1702 = arith.constant 16 : i32
      %add3A_1703 = arith.addi %mul3A_1701, %add3A_1702 : i32
      %get3A_1704 = arith.index_cast %add3A_1703 : i32 to index
      %get3A_1705 = arith.constant 48 : index
      %get3A_1706 = tpu.vector_load %arg10[%get3A_1704, %get3A_1705] {strides = array<i32>} : memref<640x128xf32, #tpu.memory_space<vmem>>, vector<1x16xf32>,
      %get3A_1707 = vector.shape_cast %get3A_1706 : vector<1x16xf32> to vector<16xf32>
      %mul3A_1708 = vector.broadcast %squeeze3A_1666 : f32 to vector<16xf32>
      %mul3A_1709 = arith.mulf %mul3A_1708, %get3A_1707 : vector<16xf32>
      %add3A_1710 = arith.addf %add3A_1620, %mul3A_1709 : vector<16xf32>
      %mul3A_1711 = arith.constant 20 : i32
      %mul3A_1712 = arith.muli %scan3A_203, %mul3A_1711 : i32
      %add3A_1713 = arith.constant 16 : i32
      %add3A_1714 = arith.addi %mul3A_1712, %add3A_1713 : i32
      %get3A_1715 = arith.index_cast %add3A_1714 : i32 to index
      %get3A_1716 = arith.constant 64 : index
      %get3A_1717 = tpu.vector_load %arg10[%get3A_1715, %get3A_1716] {strides = array<i32>} : memref<640x128xf32, #tpu.memory_space<vmem>>, vector<1x16xf32>,
      %get3A_1718 = vector.shape_cast %get3A_1717 : vector<1x16xf32> to vector<16xf32>
      %mul3A_1719 = vector.broadcast %squeeze3A_1666 : f32 to vector<16xf32>
      %mul3A_1720 = arith.mulf %mul3A_1719, %get3A_1718 : vector<16xf32>
      %add3A_1721 = arith.addf %add3A_1631, %mul3A_1720 : vector<16xf32>
      %mul3A_1722 = arith.constant 20 : i32
      %mul3A_1723 = arith.muli %scan3A_203, %mul3A_1722 : i32
      %add3A_1724 = arith.constant 16 : i32
      %add3A_1725 = arith.addi %mul3A_1723, %add3A_1724 : i32
      %get3A_1726 = arith.index_cast %add3A_1725 : i32 to index
      %get3A_1727 = arith.constant 80 : index
      %get3A_1728 = tpu.vector_load %arg10[%get3A_1726, %get3A_1727] {strides = array<i32>} : memref<640x128xf32, #tpu.memory_space<vmem>>, vector<1x16xf32>,
      %get3A_1729 = vector.shape_cast %get3A_1728 : vector<1x16xf32> to vector<16xf32>
      %mul3A_1730 = vector.broadcast %squeeze3A_1666 : f32 to vector<16xf32>
      %mul3A_1731 = arith.mulf %mul3A_1730, %get3A_1729 : vector<16xf32>
      %add3A_1732 = arith.addf %add3A_1642, %mul3A_1731 : vector<16xf32>
      %mul3A_1733 = arith.constant 20 : i32
      %mul3A_1734 = arith.muli %scan3A_203, %mul3A_1733 : i32
      %add3A_1735 = arith.constant 16 : i32
      %add3A_1736 = arith.addi %mul3A_1734, %add3A_1735 : i32
      %get3A_1737 = arith.index_cast %add3A_1736 : i32 to index
      %get3A_1738 = arith.constant 96 : index
      %get3A_1739 = tpu.vector_load %arg10[%get3A_1737, %get3A_1738] {strides = array<i32>} : memref<640x128xf32, #tpu.memory_space<vmem>>, vector<1x16xf32>,
      %get3A_1740 = vector.shape_cast %get3A_1739 : vector<1x16xf32> to vector<16xf32>
      %mul3A_1741 = vector.broadcast %squeeze3A_1666 : f32 to vector<16xf32>
      %mul3A_1742 = arith.mulf %mul3A_1741, %get3A_1740 : vector<16xf32>
      %add3A_1743 = arith.addf %add3A_1653, %mul3A_1742 : vector<16xf32>
      %mul3A_1744 = arith.constant 20 : i32
      %mul3A_1745 = arith.muli %scan3A_203, %mul3A_1744 : i32
      %add3A_1746 = arith.constant 16 : i32
      %add3A_1747 = arith.addi %mul3A_1745, %add3A_1746 : i32
      %get3A_1748 = arith.index_cast %add3A_1747 : i32 to index
      %get3A_1749 = arith.constant 112 : index
      %get3A_1750 = tpu.vector_load %arg10[%get3A_1748, %get3A_1749] {strides = array<i32>} : memref<640x128xf32, #tpu.memory_space<vmem>>, vector<1x16xf32>,
      %get3A_1751 = vector.shape_cast %get3A_1750 : vector<1x16xf32> to vector<16xf32>
      %mul3A_1752 = vector.broadcast %squeeze3A_1666 : f32 to vector<16xf32>
      %mul3A_1753 = arith.mulf %mul3A_1752, %get3A_1751 : vector<16xf32>
      %add3A_1754 = arith.addf %add3A_1664, %mul3A_1753 : vector<16xf32>
      %slice3A_1755 = vector.extract_strided_slice %get3A_211 {offsets = [1], sizes = [1], strides = [1]} : vector<16xf32> to vector<1xf32>
      %squeeze3A_1756 = vector.extract %slice3A_1755[0] : f32 from vector<1xf32>
      %mul3A_1757 = arith.constant 20 : i32
      %mul3A_1758 = arith.muli %scan3A_203, %mul3A_1757 : i32
      %add3A_1759 = arith.constant 17 : i32
      %add3A_1760 = arith.addi %mul3A_1758, %add3A_1759 : i32
      %get3A_1761 = arith.index_cast %add3A_1760 : i32 to index
      %get3A_1762 = arith.constant 0 : index
      %get3A_1763 = tpu.vector_load %arg10[%get3A_1761, %get3A_1762] {strides = array<i32>} : memref<640x128xf32, #tpu.memory_space<vmem>>, vector<1x16xf32>,
      %get3A_1764 = vector.shape_cast %get3A_1763 : vector<1x16xf32> to vector<16xf32>
      %mul3A_1765 = vector.broadcast %squeeze3A_1756 : f32 to vector<16xf32>
      %mul3A_1766 = arith.mulf %mul3A_1765, %get3A_1764 : vector<16xf32>
      %add3A_1767 = arith.addf %add3A_1677, %mul3A_1766 : vector<16xf32>
      %mul3A_1768 = arith.constant 20 : i32
      %mul3A_1769 = arith.muli %scan3A_203, %mul3A_1768 : i32
      %add3A_1770 = arith.constant 17 : i32
      %add3A_1771 = arith.addi %mul3A_1769, %add3A_1770 : i32
      %get3A_1772 = arith.index_cast %add3A_1771 : i32 to index
      %get3A_1773 = arith.constant 16 : index
      %get3A_1774 = tpu.vector_load %arg10[%get3A_1772, %get3A_1773] {strides = array<i32>} : memref<640x128xf32, #tpu.memory_space<vmem>>, vector<1x16xf32>,
      %get3A_1775 = vector.shape_cast %get3A_1774 : vector<1x16xf32> to vector<16xf32>
      %mul3A_1776 = vector.broadcast %squeeze3A_1756 : f32 to vector<16xf32>
      %mul3A_1777 = arith.mulf %mul3A_1776, %get3A_1775 : vector<16xf32>
      %add3A_1778 = arith.addf %add3A_1688, %mul3A_1777 : vector<16xf32>
      %mul3A_1779 = arith.constant 20 : i32
      %mul3A_1780 = arith.muli %scan3A_203, %mul3A_1779 : i32
      %add3A_1781 = arith.constant 17 : i32
      %add3A_1782 = arith.addi %mul3A_1780, %add3A_1781 : i32
      %get3A_1783 = arith.index_cast %add3A_1782 : i32 to index
      %get3A_1784 = arith.constant 32 : index
      %get3A_1785 = tpu.vector_load %arg10[%get3A_1783, %get3A_1784] {strides = array<i32>} : memref<640x128xf32, #tpu.memory_space<vmem>>, vector<1x16xf32>,
      %get3A_1786 = vector.shape_cast %get3A_1785 : vector<1x16xf32> to vector<16xf32>
      %mul3A_1787 = vector.broadcast %squeeze3A_1756 : f32 to vector<16xf32>
      %mul3A_1788 = arith.mulf %mul3A_1787, %get3A_1786 : vector<16xf32>
      %add3A_1789 = arith.addf %add3A_1699, %mul3A_1788 : vector<16xf32>
      %mul3A_1790 = arith.constant 20 : i32
      %mul3A_1791 = arith.muli %scan3A_203, %mul3A_1790 : i32
      %add3A_1792 = arith.constant 17 : i32
      %add3A_1793 = arith.addi %mul3A_1791, %add3A_1792 : i32
      %get3A_1794 = arith.index_cast %add3A_1793 : i32 to index
      %get3A_1795 = arith.constant 48 : index
      %get3A_1796 = tpu.vector_load %arg10[%get3A_1794, %get3A_1795] {strides = array<i32>} : memref<640x128xf32, #tpu.memory_space<vmem>>, vector<1x16xf32>,
      %get3A_1797 = vector.shape_cast %get3A_1796 : vector<1x16xf32> to vector<16xf32>
      %mul3A_1798 = vector.broadcast %squeeze3A_1756 : f32 to vector<16xf32>
      %mul3A_1799 = arith.mulf %mul3A_1798, %get3A_1797 : vector<16xf32>
      %add3A_1800 = arith.addf %add3A_1710, %mul3A_1799 : vector<16xf32>
      %mul3A_1801 = arith.constant 20 : i32
      %mul3A_1802 = arith.muli %scan3A_203, %mul3A_1801 : i32
      %add3A_1803 = arith.constant 17 : i32
      %add3A_1804 = arith.addi %mul3A_1802, %add3A_1803 : i32
      %get3A_1805 = arith.index_cast %add3A_1804 : i32 to index
      %get3A_1806 = arith.constant 64 : index
      %get3A_1807 = tpu.vector_load %arg10[%get3A_1805, %get3A_1806] {strides = array<i32>} : memref<640x128xf32, #tpu.memory_space<vmem>>, vector<1x16xf32>,
      %get3A_1808 = vector.shape_cast %get3A_1807 : vector<1x16xf32> to vector<16xf32>
      %mul3A_1809 = vector.broadcast %squeeze3A_1756 : f32 to vector<16xf32>
      %mul3A_1810 = arith.mulf %mul3A_1809, %get3A_1808 : vector<16xf32>
      %add3A_1811 = arith.addf %add3A_1721, %mul3A_1810 : vector<16xf32>
      %mul3A_1812 = arith.constant 20 : i32
      %mul3A_1813 = arith.muli %scan3A_203, %mul3A_1812 : i32
      %add3A_1814 = arith.constant 17 : i32
      %add3A_1815 = arith.addi %mul3A_1813, %add3A_1814 : i32
      %get3A_1816 = arith.index_cast %add3A_1815 : i32 to index
      %get3A_1817 = arith.constant 80 : index
      %get3A_1818 = tpu.vector_load %arg10[%get3A_1816, %get3A_1817] {strides = array<i32>} : memref<640x128xf32, #tpu.memory_space<vmem>>, vector<1x16xf32>,
      %get3A_1819 = vector.shape_cast %get3A_1818 : vector<1x16xf32> to vector<16xf32>
      %mul3A_1820 = vector.broadcast %squeeze3A_1756 : f32 to vector<16xf32>
      %mul3A_1821 = arith.mulf %mul3A_1820, %get3A_1819 : vector<16xf32>
      %add3A_1822 = arith.addf %add3A_1732, %mul3A_1821 : vector<16xf32>
      %mul3A_1823 = arith.constant 20 : i32
      %mul3A_1824 = arith.muli %scan3A_203, %mul3A_1823 : i32
      %add3A_1825 = arith.constant 17 : i32
      %add3A_1826 = arith.addi %mul3A_1824, %add3A_1825 : i32
      %get3A_1827 = arith.index_cast %add3A_1826 : i32 to index
      %get3A_1828 = arith.constant 96 : index
      %get3A_1829 = tpu.vector_load %arg10[%get3A_1827, %get3A_1828] {strides = array<i32>} : memref<640x128xf32, #tpu.memory_space<vmem>>, vector<1x16xf32>,
      %get3A_1830 = vector.shape_cast %get3A_1829 : vector<1x16xf32> to vector<16xf32>
      %mul3A_1831 = vector.broadcast %squeeze3A_1756 : f32 to vector<16xf32>
      %mul3A_1832 = arith.mulf %mul3A_1831, %get3A_1830 : vector<16xf32>
      %add3A_1833 = arith.addf %add3A_1743, %mul3A_1832 : vector<16xf32>
      %mul3A_1834 = arith.constant 20 : i32
      %mul3A_1835 = arith.muli %scan3A_203, %mul3A_1834 : i32
      %add3A_1836 = arith.constant 17 : i32
      %add3A_1837 = arith.addi %mul3A_1835, %add3A_1836 : i32
      %get3A_1838 = arith.index_cast %add3A_1837 : i32 to index
      %get3A_1839 = arith.constant 112 : index
      %get3A_1840 = tpu.vector_load %arg10[%get3A_1838, %get3A_1839] {strides = array<i32>} : memref<640x128xf32, #tpu.memory_space<vmem>>, vector<1x16xf32>,
      %get3A_1841 = vector.shape_cast %get3A_1840 : vector<1x16xf32> to vector<16xf32>
      %mul3A_1842 = vector.broadcast %squeeze3A_1756 : f32 to vector<16xf32>
      %mul3A_1843 = arith.mulf %mul3A_1842, %get3A_1841 : vector<16xf32>
      %add3A_1844 = arith.addf %add3A_1754, %mul3A_1843 : vector<16xf32>
      %slice3A_1845 = vector.extract_strided_slice %get3A_211 {offsets = [2], sizes = [1], strides = [1]} : vector<16xf32> to vector<1xf32>
      %squeeze3A_1846 = vector.extract %slice3A_1845[0] : f32 from vector<1xf32>
      %mul3A_1847 = arith.constant 20 : i32
      %mul3A_1848 = arith.muli %scan3A_203, %mul3A_1847 : i32
      %add3A_1849 = arith.constant 18 : i32
      %add3A_1850 = arith.addi %mul3A_1848, %add3A_1849 : i32
      %get3A_1851 = arith.index_cast %add3A_1850 : i32 to index
      %get3A_1852 = arith.constant 0 : index
      %get3A_1853 = tpu.vector_load %arg10[%get3A_1851, %get3A_1852] {strides = array<i32>} : memref<640x128xf32, #tpu.memory_space<vmem>>, vector<1x16xf32>,
      %get3A_1854 = vector.shape_cast %get3A_1853 : vector<1x16xf32> to vector<16xf32>
      %mul3A_1855 = vector.broadcast %squeeze3A_1846 : f32 to vector<16xf32>
      %mul3A_1856 = arith.mulf %mul3A_1855, %get3A_1854 : vector<16xf32>
      %add3A_1857 = arith.addf %add3A_1767, %mul3A_1856 : vector<16xf32>
      %mul3A_1858 = arith.constant 20 : i32
      %mul3A_1859 = arith.muli %scan3A_203, %mul3A_1858 : i32
      %add3A_1860 = arith.constant 18 : i32
      %add3A_1861 = arith.addi %mul3A_1859, %add3A_1860 : i32
      %get3A_1862 = arith.index_cast %add3A_1861 : i32 to index
      %get3A_1863 = arith.constant 16 : index
      %get3A_1864 = tpu.vector_load %arg10[%get3A_1862, %get3A_1863] {strides = array<i32>} : memref<640x128xf32, #tpu.memory_space<vmem>>, vector<1x16xf32>,
      %get3A_1865 = vector.shape_cast %get3A_1864 : vector<1x16xf32> to vector<16xf32>
      %mul3A_1866 = vector.broadcast %squeeze3A_1846 : f32 to vector<16xf32>
      %mul3A_1867 = arith.mulf %mul3A_1866, %get3A_1865 : vector<16xf32>
      %add3A_1868 = arith.addf %add3A_1778, %mul3A_1867 : vector<16xf32>
      %mul3A_1869 = arith.constant 20 : i32
      %mul3A_1870 = arith.muli %scan3A_203, %mul3A_1869 : i32
      %add3A_1871 = arith.constant 18 : i32
      %add3A_1872 = arith.addi %mul3A_1870, %add3A_1871 : i32
      %get3A_1873 = arith.index_cast %add3A_1872 : i32 to index
      %get3A_1874 = arith.constant 32 : index
      %get3A_1875 = tpu.vector_load %arg10[%get3A_1873, %get3A_1874] {strides = array<i32>} : memref<640x128xf32, #tpu.memory_space<vmem>>, vector<1x16xf32>,
      %get3A_1876 = vector.shape_cast %get3A_1875 : vector<1x16xf32> to vector<16xf32>
      %mul3A_1877 = vector.broadcast %squeeze3A_1846 : f32 to vector<16xf32>
      %mul3A_1878 = arith.mulf %mul3A_1877, %get3A_1876 : vector<16xf32>
      %add3A_1879 = arith.addf %add3A_1789, %mul3A_1878 : vector<16xf32>
      %mul3A_1880 = arith.constant 20 : i32
      %mul3A_1881 = arith.muli %scan3A_203, %mul3A_1880 : i32
      %add3A_1882 = arith.constant 18 : i32
      %add3A_1883 = arith.addi %mul3A_1881, %add3A_1882 : i32
      %get3A_1884 = arith.index_cast %add3A_1883 : i32 to index
      %get3A_1885 = arith.constant 48 : index
      %get3A_1886 = tpu.vector_load %arg10[%get3A_1884, %get3A_1885] {strides = array<i32>} : memref<640x128xf32, #tpu.memory_space<vmem>>, vector<1x16xf32>,
      %get3A_1887 = vector.shape_cast %get3A_1886 : vector<1x16xf32> to vector<16xf32>
      %mul3A_1888 = vector.broadcast %squeeze3A_1846 : f32 to vector<16xf32>
      %mul3A_1889 = arith.mulf %mul3A_1888, %get3A_1887 : vector<16xf32>
      %add3A_1890 = arith.addf %add3A_1800, %mul3A_1889 : vector<16xf32>
      %mul3A_1891 = arith.constant 20 : i32
      %mul3A_1892 = arith.muli %scan3A_203, %mul3A_1891 : i32
      %add3A_1893 = arith.constant 18 : i32
      %add3A_1894 = arith.addi %mul3A_1892, %add3A_1893 : i32
      %get3A_1895 = arith.index_cast %add3A_1894 : i32 to index
      %get3A_1896 = arith.constant 64 : index
      %get3A_1897 = tpu.vector_load %arg10[%get3A_1895, %get3A_1896] {strides = array<i32>} : memref<640x128xf32, #tpu.memory_space<vmem>>, vector<1x16xf32>,
      %get3A_1898 = vector.shape_cast %get3A_1897 : vector<1x16xf32> to vector<16xf32>
      %mul3A_1899 = vector.broadcast %squeeze3A_1846 : f32 to vector<16xf32>
      %mul3A_1900 = arith.mulf %mul3A_1899, %get3A_1898 : vector<16xf32>
      %add3A_1901 = arith.addf %add3A_1811, %mul3A_1900 : vector<16xf32>
      %mul3A_1902 = arith.constant 20 : i32
      %mul3A_1903 = arith.muli %scan3A_203, %mul3A_1902 : i32
      %add3A_1904 = arith.constant 18 : i32
      %add3A_1905 = arith.addi %mul3A_1903, %add3A_1904 : i32
      %get3A_1906 = arith.index_cast %add3A_1905 : i32 to index
      %get3A_1907 = arith.constant 80 : index
      %get3A_1908 = tpu.vector_load %arg10[%get3A_1906, %get3A_1907] {strides = array<i32>} : memref<640x128xf32, #tpu.memory_space<vmem>>, vector<1x16xf32>,
      %get3A_1909 = vector.shape_cast %get3A_1908 : vector<1x16xf32> to vector<16xf32>
      %mul3A_1910 = vector.broadcast %squeeze3A_1846 : f32 to vector<16xf32>
      %mul3A_1911 = arith.mulf %mul3A_1910, %get3A_1909 : vector<16xf32>
      %add3A_1912 = arith.addf %add3A_1822, %mul3A_1911 : vector<16xf32>
      %mul3A_1913 = arith.constant 20 : i32
      %mul3A_1914 = arith.muli %scan3A_203, %mul3A_1913 : i32
      %add3A_1915 = arith.constant 18 : i32
      %add3A_1916 = arith.addi %mul3A_1914, %add3A_1915 : i32
      %get3A_1917 = arith.index_cast %add3A_1916 : i32 to index
      %get3A_1918 = arith.constant 96 : index
      %get3A_1919 = tpu.vector_load %arg10[%get3A_1917, %get3A_1918] {strides = array<i32>} : memref<640x128xf32, #tpu.memory_space<vmem>>, vector<1x16xf32>,
      %get3A_1920 = vector.shape_cast %get3A_1919 : vector<1x16xf32> to vector<16xf32>
      %mul3A_1921 = vector.broadcast %squeeze3A_1846 : f32 to vector<16xf32>
      %mul3A_1922 = arith.mulf %mul3A_1921, %get3A_1920 : vector<16xf32>
      %add3A_1923 = arith.addf %add3A_1833, %mul3A_1922 : vector<16xf32>
      %mul3A_1924 = arith.constant 20 : i32
      %mul3A_1925 = arith.muli %scan3A_203, %mul3A_1924 : i32
      %add3A_1926 = arith.constant 18 : i32
      %add3A_1927 = arith.addi %mul3A_1925, %add3A_1926 : i32
      %get3A_1928 = arith.index_cast %add3A_1927 : i32 to index
      %get3A_1929 = arith.constant 112 : index
      %get3A_1930 = tpu.vector_load %arg10[%get3A_1928, %get3A_1929] {strides = array<i32>} : memref<640x128xf32, #tpu.memory_space<vmem>>, vector<1x16xf32>,
      %get3A_1931 = vector.shape_cast %get3A_1930 : vector<1x16xf32> to vector<16xf32>
      %mul3A_1932 = vector.broadcast %squeeze3A_1846 : f32 to vector<16xf32>
      %mul3A_1933 = arith.mulf %mul3A_1932, %get3A_1931 : vector<16xf32>
      %add3A_1934 = arith.addf %add3A_1844, %mul3A_1933 : vector<16xf32>
      %slice3A_1935 = vector.extract_strided_slice %get3A_211 {offsets = [3], sizes = [1], strides = [1]} : vector<16xf32> to vector<1xf32>
      %squeeze3A_1936 = vector.extract %slice3A_1935[0] : f32 from vector<1xf32>
      %mul3A_1937 = arith.constant 20 : i32
      %mul3A_1938 = arith.muli %scan3A_203, %mul3A_1937 : i32
      %add3A_1939 = arith.constant 19 : i32
      %add3A_1940 = arith.addi %mul3A_1938, %add3A_1939 : i32
      %get3A_1941 = arith.index_cast %add3A_1940 : i32 to index
      %get3A_1942 = arith.constant 0 : index
      %get3A_1943 = tpu.vector_load %arg10[%get3A_1941, %get3A_1942] {strides = array<i32>} : memref<640x128xf32, #tpu.memory_space<vmem>>, vector<1x16xf32>,
      %get3A_1944 = vector.shape_cast %get3A_1943 : vector<1x16xf32> to vector<16xf32>
      %mul3A_1945 = vector.broadcast %squeeze3A_1936 : f32 to vector<16xf32>
      %mul3A_1946 = arith.mulf %mul3A_1945, %get3A_1944 : vector<16xf32>
      %add3A_1947 = arith.addf %add3A_1857, %mul3A_1946 : vector<16xf32>
      %mul3A_1948 = arith.constant 20 : i32
      %mul3A_1949 = arith.muli %scan3A_203, %mul3A_1948 : i32
      %add3A_1950 = arith.constant 19 : i32
      %add3A_1951 = arith.addi %mul3A_1949, %add3A_1950 : i32
      %get3A_1952 = arith.index_cast %add3A_1951 : i32 to index
      %get3A_1953 = arith.constant 16 : index
      %get3A_1954 = tpu.vector_load %arg10[%get3A_1952, %get3A_1953] {strides = array<i32>} : memref<640x128xf32, #tpu.memory_space<vmem>>, vector<1x16xf32>,
      %get3A_1955 = vector.shape_cast %get3A_1954 : vector<1x16xf32> to vector<16xf32>
      %mul3A_1956 = vector.broadcast %squeeze3A_1936 : f32 to vector<16xf32>
      %mul3A_1957 = arith.mulf %mul3A_1956, %get3A_1955 : vector<16xf32>
      %add3A_1958 = arith.addf %add3A_1868, %mul3A_1957 : vector<16xf32>
      %mul3A_1959 = arith.constant 20 : i32
      %mul3A_1960 = arith.muli %scan3A_203, %mul3A_1959 : i32
      %add3A_1961 = arith.constant 19 : i32
      %add3A_1962 = arith.addi %mul3A_1960, %add3A_1961 : i32
      %get3A_1963 = arith.index_cast %add3A_1962 : i32 to index
      %get3A_1964 = arith.constant 32 : index
      %get3A_1965 = tpu.vector_load %arg10[%get3A_1963, %get3A_1964] {strides = array<i32>} : memref<640x128xf32, #tpu.memory_space<vmem>>, vector<1x16xf32>,
      %get3A_1966 = vector.shape_cast %get3A_1965 : vector<1x16xf32> to vector<16xf32>
      %mul3A_1967 = vector.broadcast %squeeze3A_1936 : f32 to vector<16xf32>
      %mul3A_1968 = arith.mulf %mul3A_1967, %get3A_1966 : vector<16xf32>
      %add3A_1969 = arith.addf %add3A_1879, %mul3A_1968 : vector<16xf32>
      %mul3A_1970 = arith.constant 20 : i32
      %mul3A_1971 = arith.muli %scan3A_203, %mul3A_1970 : i32
      %add3A_1972 = arith.constant 19 : i32
      %add3A_1973 = arith.addi %mul3A_1971, %add3A_1972 : i32
      %get3A_1974 = arith.index_cast %add3A_1973 : i32 to index
      %get3A_1975 = arith.constant 48 : index
      %get3A_1976 = tpu.vector_load %arg10[%get3A_1974, %get3A_1975] {strides = array<i32>} : memref<640x128xf32, #tpu.memory_space<vmem>>, vector<1x16xf32>,
      %get3A_1977 = vector.shape_cast %get3A_1976 : vector<1x16xf32> to vector<16xf32>
      %mul3A_1978 = vector.broadcast %squeeze3A_1936 : f32 to vector<16xf32>
      %mul3A_1979 = arith.mulf %mul3A_1978, %get3A_1977 : vector<16xf32>
      %add3A_1980 = arith.addf %add3A_1890, %mul3A_1979 : vector<16xf32>
      %mul3A_1981 = arith.constant 20 : i32
      %mul3A_1982 = arith.muli %scan3A_203, %mul3A_1981 : i32
      %add3A_1983 = arith.constant 19 : i32
      %add3A_1984 = arith.addi %mul3A_1982, %add3A_1983 : i32
      %get3A_1985 = arith.index_cast %add3A_1984 : i32 to index
      %get3A_1986 = arith.constant 64 : index
      %get3A_1987 = tpu.vector_load %arg10[%get3A_1985, %get3A_1986] {strides = array<i32>} : memref<640x128xf32, #tpu.memory_space<vmem>>, vector<1x16xf32>,
      %get3A_1988 = vector.shape_cast %get3A_1987 : vector<1x16xf32> to vector<16xf32>
      %mul3A_1989 = vector.broadcast %squeeze3A_1936 : f32 to vector<16xf32>
      %mul3A_1990 = arith.mulf %mul3A_1989, %get3A_1988 : vector<16xf32>
      %add3A_1991 = arith.addf %add3A_1901, %mul3A_1990 : vector<16xf32>
      %mul3A_1992 = arith.constant 20 : i32
      %mul3A_1993 = arith.muli %scan3A_203, %mul3A_1992 : i32
      %add3A_1994 = arith.constant 19 : i32
      %add3A_1995 = arith.addi %mul3A_1993, %add3A_1994 : i32
      %get3A_1996 = arith.index_cast %add3A_1995 : i32 to index
      %get3A_1997 = arith.constant 80 : index
      %get3A_1998 = tpu.vector_load %arg10[%get3A_1996, %get3A_1997] {strides = array<i32>} : memref<640x128xf32, #tpu.memory_space<vmem>>, vector<1x16xf32>,
      %get3A_1999 = vector.shape_cast %get3A_1998 : vector<1x16xf32> to vector<16xf32>
      %mul3A_2000 = vector.broadcast %squeeze3A_1936 : f32 to vector<16xf32>
      %mul3A_2001 = arith.mulf %mul3A_2000, %get3A_1999 : vector<16xf32>
      %add3A_2002 = arith.addf %add3A_1912, %mul3A_2001 : vector<16xf32>
      %mul3A_2003 = arith.constant 20 : i32
      %mul3A_2004 = arith.muli %scan3A_203, %mul3A_2003 : i32
      %add3A_2005 = arith.constant 19 : i32
      %add3A_2006 = arith.addi %mul3A_2004, %add3A_2005 : i32
      %get3A_2007 = arith.index_cast %add3A_2006 : i32 to index
      %get3A_2008 = arith.constant 96 : index
      %get3A_2009 = tpu.vector_load %arg10[%get3A_2007, %get3A_2008] {strides = array<i32>} : memref<640x128xf32, #tpu.memory_space<vmem>>, vector<1x16xf32>,
      %get3A_2010 = vector.shape_cast %get3A_2009 : vector<1x16xf32> to vector<16xf32>
      %mul3A_2011 = vector.broadcast %squeeze3A_1936 : f32 to vector<16xf32>
      %mul3A_2012 = arith.mulf %mul3A_2011, %get3A_2010 : vector<16xf32>
      %add3A_2013 = arith.addf %add3A_1923, %mul3A_2012 : vector<16xf32>
      %mul3A_2014 = arith.constant 20 : i32
      %mul3A_2015 = arith.muli %scan3A_203, %mul3A_2014 : i32
      %add3A_2016 = arith.constant 19 : i32
      %add3A_2017 = arith.addi %mul3A_2015, %add3A_2016 : i32
      %get3A_2018 = arith.index_cast %add3A_2017 : i32 to index
      %get3A_2019 = arith.constant 112 : index
      %get3A_2020 = tpu.vector_load %arg10[%get3A_2018, %get3A_2019] {strides = array<i32>} : memref<640x128xf32, #tpu.memory_space<vmem>>, vector<1x16xf32>,
      %get3A_2021 = vector.shape_cast %get3A_2020 : vector<1x16xf32> to vector<16xf32>
      %mul3A_2022 = vector.broadcast %squeeze3A_1936 : f32 to vector<16xf32>
      %mul3A_2023 = arith.mulf %mul3A_2022, %get3A_2021 : vector<16xf32>
      %add3A_2024 = arith.addf %add3A_1934, %mul3A_2023 : vector<16xf32>
      %swap3A = arith.index_cast %scan3A_203 : i32 to index
      %swap3A_2025 = arith.constant 0 : index
      %swap3A_2026 = tpu.vector_load %arg12[%swap3A, %swap3A_2025] {strides = array<i32>} : memref<32x128xf32, #tpu.memory_space<vmem>>, vector<1x16xf32>,
      %swap3A_2027 = vector.shape_cast %swap3A_2026 : vector<1x16xf32> to vector<16xf32>
      %swap3A_2028 = vector.shape_cast %add3A_1947 : vector<16xf32> to vector<1x16xf32>
      tpu.vector_store %arg12[%swap3A, %swap3A_2025], %swap3A_2028 {strides = array<i32>} : memref<32x128xf32, #tpu.memory_space<vmem>>, vector<1x16xf32>,
      %swap3A_2029 = arith.index_cast %scan3A_203 : i32 to index
      %swap3A_2030 = arith.constant 16 : index
      %swap3A_2031 = tpu.vector_load %arg12[%swap3A_2029, %swap3A_2030] {strides = array<i32>} : memref<32x128xf32, #tpu.memory_space<vmem>>, vector<1x16xf32>,
      %swap3A_2032 = vector.shape_cast %swap3A_2031 : vector<1x16xf32> to vector<16xf32>
      %swap3A_2033 = vector.shape_cast %add3A_1958 : vector<16xf32> to vector<1x16xf32>
      tpu.vector_store %arg12[%swap3A_2029, %swap3A_2030], %swap3A_2033 {strides = array<i32>} : memref<32x128xf32, #tpu.memory_space<vmem>>, vector<1x16xf32>,
      %swap3A_2034 = arith.index_cast %scan3A_203 : i32 to index
      %swap3A_2035 = arith.constant 32 : index
      %swap3A_2036 = tpu.vector_load %arg12[%swap3A_2034, %swap3A_2035] {strides = array<i32>} : memref<32x128xf32, #tpu.memory_space<vmem>>, vector<1x16xf32>,
      %swap3A_2037 = vector.shape_cast %swap3A_2036 : vector<1x16xf32> to vector<16xf32>
      %swap3A_2038 = vector.shape_cast %add3A_1969 : vector<16xf32> to vector<1x16xf32>
      tpu.vector_store %arg12[%swap3A_2034, %swap3A_2035], %swap3A_2038 {strides = array<i32>} : memref<32x128xf32, #tpu.memory_space<vmem>>, vector<1x16xf32>,
      %swap3A_2039 = arith.index_cast %scan3A_203 : i32 to index
      %swap3A_2040 = arith.constant 48 : index
      %swap3A_2041 = tpu.vector_load %arg12[%swap3A_2039, %swap3A_2040] {strides = array<i32>} : memref<32x128xf32, #tpu.memory_space<vmem>>, vector<1x16xf32>,
      %swap3A_2042 = vector.shape_cast %swap3A_2041 : vector<1x16xf32> to vector<16xf32>
      %swap3A_2043 = vector.shape_cast %add3A_1980 : vector<16xf32> to vector<1x16xf32>
      tpu.vector_store %arg12[%swap3A_2039, %swap3A_2040], %swap3A_2043 {strides = array<i32>} : memref<32x128xf32, #tpu.memory_space<vmem>>, vector<1x16xf32>,
      %swap3A_2044 = arith.index_cast %scan3A_203 : i32 to index
      %swap3A_2045 = arith.constant 64 : index
      %swap3A_2046 = tpu.vector_load %arg12[%swap3A_2044, %swap3A_2045] {strides = array<i32>} : memref<32x128xf32, #tpu.memory_space<vmem>>, vector<1x16xf32>,
      %swap3A_2047 = vector.shape_cast %swap3A_2046 : vector<1x16xf32> to vector<16xf32>
      %swap3A_2048 = vector.shape_cast %add3A_1991 : vector<16xf32> to vector<1x16xf32>
      tpu.vector_store %arg12[%swap3A_2044, %swap3A_2045], %swap3A_2048 {strides = array<i32>} : memref<32x128xf32, #tpu.memory_space<vmem>>, vector<1x16xf32>,
      %swap3A_2049 = arith.index_cast %scan3A_203 : i32 to index
      %swap3A_2050 = arith.constant 80 : index
      %swap3A_2051 = tpu.vector_load %arg12[%swap3A_2049, %swap3A_2050] {strides = array<i32>} : memref<32x128xf32, #tpu.memory_space<vmem>>, vector<1x16xf32>,
      %swap3A_2052 = vector.shape_cast %swap3A_2051 : vector<1x16xf32> to vector<16xf32>
      %swap3A_2053 = vector.shape_cast %add3A_2002 : vector<16xf32> to vector<1x16xf32>
      tpu.vector_store %arg12[%swap3A_2049, %swap3A_2050], %swap3A_2053 {strides = array<i32>} : memref<32x128xf32, #tpu.memory_space<vmem>>, vector<1x16xf32>,
      %swap3A_2054 = arith.index_cast %scan3A_203 : i32 to index
      %swap3A_2055 = arith.constant 96 : index
      %swap3A_2056 = tpu.vector_load %arg12[%swap3A_2054, %swap3A_2055] {strides = array<i32>} : memref<32x128xf32, #tpu.memory_space<vmem>>, vector<1x16xf32>,
      %swap3A_2057 = vector.shape_cast %swap3A_2056 : vector<1x16xf32> to vector<16xf32>
      %swap3A_2058 = vector.shape_cast %add3A_2013 : vector<16xf32> to vector<1x16xf32>
      tpu.vector_store %arg12[%swap3A_2054, %swap3A_2055], %swap3A_2058 {strides = array<i32>} : memref<32x128xf32, #tpu.memory_space<vmem>>, vector<1x16xf32>,
      %swap3A_2059 = arith.index_cast %scan3A_203 : i32 to index
      %swap3A_2060 = arith.constant 112 : index
      %swap3A_2061 = tpu.vector_load %arg12[%swap3A_2059, %swap3A_2060] {strides = array<i32>} : memref<32x128xf32, #tpu.memory_space<vmem>>, vector<1x16xf32>,
      %swap3A_2062 = vector.shape_cast %swap3A_2061 : vector<1x16xf32> to vector<16xf32>
      %swap3A_2063 = vector.shape_cast %add3A_2024 : vector<16xf32> to vector<1x16xf32>
      tpu.vector_store %arg12[%swap3A_2059, %swap3A_2060], %swap3A_2063 {strides = array<i32>} : memref<32x128xf32, #tpu.memory_space<vmem>>, vector<1x16xf32>,
      %scan3A_2064 = arith.constant 0 : i32
      scf.yield %scan3A_2064 : i32
    }
    %scan3A_200 = arith.constant 32 : i32
    %mul3A_201 = arith.constant 32 : i32
    %mul3A_202 = arith.muli %add3A, %mul3A_201 : i32
    "tpu.region"() ({
      %run_scoped3A = tpu.sem_alloc : memref<!tpu.dma_semaphore, #tpu.memory_space<semaphore_mem>>
      %dma_start3A_203 = arith.constant 0 : i32
      %dma_start3A_204 = tpu.memref_slice %arg6[%mul3A_202, %dma_start3A_203] : memref<1024x128xf32, #tpu.memory_space<hbm>> -> memref<32x128xf32, #tpu.memory_space<hbm>>
      %dma_start3A_205 = arith.constant 0 : i32
      %dma_start3A_206 = tpu.memref_slice %arg6[%mul3A_202, %dma_start3A_205] : memref<1024x128xf32, #tpu.memory_space<hbm>> -> memref<32x128xf32, #tpu.memory_space<hbm>>
      tpu.enqueue_dma source(%arg12 : memref<32x128xf32, #tpu.memory_space<vmem>>) target(%dma_start3A_206 : memref<32x128xf32, #tpu.memory_space<hbm>>) target_semaphore(%run_scoped3A : memref<!tpu.dma_semaphore, #tpu.memory_space<semaphore_mem>>)
      %dma_wait3A_207 = arith.constant 0 : i32
      %dma_wait3A_208 = tpu.memref_slice %arg6[%mul3A_202, %dma_wait3A_207] : memref<1024x128xf32, #tpu.memory_space<hbm>> -> memref<32x128xf32, #tpu.memory_space<hbm>>
      %dma_wait3A_209 = arith.constant 0 : i32
      %dma_wait3A_210 = tpu.memref_slice %arg6[%mul3A_202, %dma_wait3A_209] : memref<1024x128xf32, #tpu.memory_space<hbm>> -> memref<32x128xf32, #tpu.memory_space<hbm>>
      tpu.wait_dma2 semaphore(%run_scoped3A : memref<!tpu.dma_semaphore, #tpu.memory_space<semaphore_mem>>) src(%arg12 : memref<32x128xf32, #tpu.memory_space<vmem>>) dst(%dma_wait3A_210 : memref<32x128xf32, #tpu.memory_space<hbm>>)
      tpu.yield
    }) : () -> ()
    return
  }
}

module attributes {stable_mosaic.version = 14 : i64} {
  func.func @_tc_body(%arg0: i32, %arg1: memref<20x256x128xf32, #tpu.memory_space<vmem>>, %arg2: memref<20x256x20xi32, #tpu.memory_space<vmem>>, %arg3: memref<8x128xf32, #tpu.memory_space<vmem>>, %arg4: memref<256x128xf32, #tpu.memory_space<vmem>>, %arg5: memref<256x20xi32, #tpu.memory_space<vmem>>, %arg6: memref<128x128xf32, #tpu.memory_space<vmem>>, %arg7: memref<8x128xf32, #tpu.memory_space<vmem>>, %arg8: memref<128x128xf32, #tpu.memory_space<vmem>>, %arg9: memref<8x128xf32, #tpu.memory_space<vmem>>, %arg10: memref<20x256x128xf32, #tpu.memory_space<vmem>>, %arg11: memref<256x128xf32, #tpu.memory_space<vmem>>) attributes {dimension_semantics = [#tpu.dimension_semantics<arbitrary>], iteration_bounds = array<i64: 4>, scalar_prefetch = 0 : i64, scratch_operands = 0 : i64, tpu.core_type = #tpu.core_type<tc>, window_params = [{transform_indices = @transform_0, window_bounds = array<i64: 20, 256, 128>}, {transform_indices = @transform_1, window_bounds = array<i64: 20, 256, 20>}, {pipeline_mode = #tpu.pipeline_mode<synchronous>, transform_indices = @transform_2, window_bounds = array<i64: 8, 128>}, {transform_indices = @transform_3, window_bounds = array<i64: 256, 128>}, {transform_indices = @transform_4, window_bounds = array<i64: 256, 20>}, {pipeline_mode = #tpu.pipeline_mode<synchronous>, transform_indices = @transform_5, window_bounds = array<i64: 128, 128>}, {pipeline_mode = #tpu.pipeline_mode<synchronous>, transform_indices = @transform_6, window_bounds = array<i64: 8, 128>}, {pipeline_mode = #tpu.pipeline_mode<synchronous>, transform_indices = @transform_7, window_bounds = array<i64: 128, 128>}, {pipeline_mode = #tpu.pipeline_mode<synchronous>, transform_indices = @transform_8, window_bounds = array<i64: 8, 128>}, {transform_indices = @transform_9, window_bounds = array<i64: 20, 256, 128>}, {transform_indices = @transform_10, window_bounds = array<i64: 256, 128>}]} {
    %get3A = arith.constant 0 : index
    %get3A_0 = arith.constant 0 : index
    %get3A_1 = arith.constant 0 : index
    %get3A_2 = vector.load %arg1[%get3A, %get3A_0, %get3A_1] : memref<20x256x128xf32, #tpu.memory_space<vmem>>, vector<20x256x128xf32>
    %get3A_3 = arith.constant 0 : index
    %get3A_4 = arith.constant 0 : index
    %get3A_5 = vector.load %arg3[%get3A_3, %get3A_4] : memref<8x128xf32, #tpu.memory_space<vmem>>, vector<8x128xf32>
    %get3A_6 = arith.constant 0 : index
    %get3A_7 = arith.constant 0 : index
    %get3A_8 = arith.constant 0 : index
    %get3A_9 = vector.load %arg2[%get3A_6, %get3A_7, %get3A_8] : memref<20x256x20xi32, #tpu.memory_space<vmem>>, vector<20x256x20xi32>
    %iota3A = tpu.iota {dimensions = array<i32: 0>} : vector<160x160xi32>
    %jit3A = arith.constant 8 : i32
    %eq3A = arith.constant 0 : i32
    %eq3A_10 = arith.cmpi eq, %jit3A, %eq3A : i32
    %jit3A_11 = arith.constant 1 : i32
    %select_n3A = arith.select %eq3A_10, %jit3A_11, %jit3A : i32
    %rem3A = vector.broadcast %select_n3A : i32 to vector<160x160xi32>
    %rem3A_12 = arith.remsi %iota3A, %rem3A : vector<160x160xi32>
    %ne3A = arith.constant 0 : i32
    %ne3A_13 = vector.broadcast %ne3A : i32 to vector<160x160xi32>
    %ne3A_14 = arith.cmpi ne, %rem3A_12, %ne3A_13 : vector<160x160xi32>
    %lt3A = arith.constant 0 : i32
    %lt3A_15 = vector.broadcast %lt3A : i32 to vector<160x160xi32>
    %lt3A_16 = arith.cmpi slt, %rem3A_12, %lt3A_15 : vector<160x160xi32>
    %lt3A_17 = arith.constant 0 : i32
    %lt3A_18 = arith.cmpi slt, %select_n3A, %lt3A_17 : i32
    %ne3A_19 = vector.broadcast %lt3A_18 : i1 to vector<160x160xi1>
    %ne3A_20 = vector.broadcast %ne3A_19 : vector<160x160xi1> to vector<160x160xi1>
    %ne3A_21 = arith.xori %lt3A_16, %ne3A_20 : vector<160x160xi1>
    %and3A = arith.andi %ne3A_21, %ne3A_14 : vector<160x160xi1>
    %add3A = vector.broadcast %select_n3A : i32 to vector<160x160xi32>
    %add3A_22 = arith.addi %rem3A_12, %add3A : vector<160x160xi32>
    %select_n3A_23 = arith.select %and3A, %add3A_22, %rem3A_12 : vector<160x160xi1>, vector<160x160xi32>
    %iota3A_24 = tpu.iota {dimensions = array<i32: 1>} : vector<160x160xi32>
    %jit3A_25 = arith.constant 8 : i32
    %eq3A_26 = arith.constant 0 : i32
    %eq3A_27 = arith.cmpi eq, %jit3A_25, %eq3A_26 : i32
    %jit3A_28 = arith.constant 1 : i32
    %select_n3A_29 = arith.select %eq3A_27, %jit3A_28, %jit3A_25 : i32
    %rem3A_30 = vector.broadcast %select_n3A_29 : i32 to vector<160x160xi32>
    %rem3A_31 = arith.remsi %iota3A_24, %rem3A_30 : vector<160x160xi32>
    %ne3A_32 = arith.constant 0 : i32
    %ne3A_33 = vector.broadcast %ne3A_32 : i32 to vector<160x160xi32>
    %ne3A_34 = arith.cmpi ne, %rem3A_31, %ne3A_33 : vector<160x160xi32>
    %lt3A_35 = arith.constant 0 : i32
    %lt3A_36 = vector.broadcast %lt3A_35 : i32 to vector<160x160xi32>
    %lt3A_37 = arith.cmpi slt, %rem3A_31, %lt3A_36 : vector<160x160xi32>
    %lt3A_38 = arith.constant 0 : i32
    %lt3A_39 = arith.cmpi slt, %select_n3A_29, %lt3A_38 : i32
    %ne3A_40 = vector.broadcast %lt3A_39 : i1 to vector<160x160xi1>
    %ne3A_41 = vector.broadcast %ne3A_40 : vector<160x160xi1> to vector<160x160xi1>
    %ne3A_42 = arith.xori %lt3A_37, %ne3A_41 : vector<160x160xi1>
    %and3A_43 = arith.andi %ne3A_42, %ne3A_34 : vector<160x160xi1>
    %add3A_44 = vector.broadcast %select_n3A_29 : i32 to vector<160x160xi32>
    %add3A_45 = arith.addi %rem3A_31, %add3A_44 : vector<160x160xi32>
    %select_n3A_46 = arith.select %and3A_43, %add3A_45, %rem3A_31 : vector<160x160xi1>, vector<160x160xi32>
    %eq3A_47 = arith.cmpi eq, %select_n3A_23, %select_n3A_46 : vector<160x160xi32>
    %iota3A_48 = tpu.iota {dimensions = array<i32: 0>} : vector<20x160xi32>
    %iota3A_49 = tpu.iota {dimensions = array<i32: 1>} : vector<20x160xi32>
    %jit3A_50 = arith.constant 8 : i32
    %div3A = vector.broadcast %jit3A_50 : i32 to vector<20x160xi32>
    %div3A_51 = arith.divsi %iota3A_49, %div3A : vector<20x160xi32>
    %sign3A = arith.constant 0 : i32
    %sign3A_52 = vector.broadcast %sign3A : i32 to vector<20x160xi32>
    %sign3A_53 = arith.cmpi sgt, %iota3A_49, %sign3A_52 : vector<20x160xi32>
    %sign3A_54 = arith.extui %sign3A_53 : vector<20x160xi1> to vector<20x160xi32>
    %sign3A_55 = arith.constant 0 : i32
    %sign3A_56 = vector.broadcast %sign3A_55 : i32 to vector<20x160xi32>
    %sign3A_57 = arith.cmpi slt, %iota3A_49, %sign3A_56 : vector<20x160xi32>
    %sign3A_58 = arith.extui %sign3A_57 : vector<20x160xi1> to vector<20x160xi32>
    %sign3A_59 = arith.subi %sign3A_54, %sign3A_58 : vector<20x160xi32>
    %sign3A_60 = arith.constant 0 : i32
    %sign3A_61 = arith.cmpi sgt, %jit3A_50, %sign3A_60 : i32
    %sign3A_62 = arith.extui %sign3A_61 : i1 to i32
    %sign3A_63 = arith.constant 0 : i32
    %sign3A_64 = arith.cmpi slt, %jit3A_50, %sign3A_63 : i32
    %sign3A_65 = arith.extui %sign3A_64 : i1 to i32
    %sign3A_66 = arith.subi %sign3A_62, %sign3A_65 : i32
    %ne3A_67 = vector.broadcast %sign3A_66 : i32 to vector<20x160xi32>
    %ne3A_68 = arith.cmpi ne, %sign3A_59, %ne3A_67 : vector<20x160xi32>
    %rem3A_69 = vector.broadcast %jit3A_50 : i32 to vector<20x160xi32>
    %rem3A_70 = arith.remsi %iota3A_49, %rem3A_69 : vector<20x160xi32>
    %ne3A_71 = arith.constant 0 : i32
    %ne3A_72 = vector.broadcast %ne3A_71 : i32 to vector<20x160xi32>
    %ne3A_73 = arith.cmpi ne, %rem3A_70, %ne3A_72 : vector<20x160xi32>
    %and3A_74 = arith.andi %ne3A_68, %ne3A_73 : vector<20x160xi1>
    %sub3A = arith.constant 1 : i32
    %sub3A_75 = vector.broadcast %sub3A : i32 to vector<20x160xi32>
    %sub3A_76 = arith.subi %div3A_51, %sub3A_75 : vector<20x160xi32>
    %select_n3A_77 = arith.select %and3A_74, %sub3A_76, %div3A_51 : vector<20x160xi1>, vector<20x160xi32>
    %eq3A_78 = arith.cmpi eq, %iota3A_48, %select_n3A_77 : vector<20x160xi32>
    %convert_element_type3A = arith.extui %eq3A_78 : vector<20x160xi1> to vector<20x160xi32>
    %convert_element_type3A_79 = arith.sitofp %convert_element_type3A : vector<20x160xi32> to vector<20x160xf32>
    %slice3A = vector.extract_strided_slice %get3A_2 {offsets = [0, 0, 0], sizes = [20, 8, 128], strides = [1, 1, 1]} : vector<20x256x128xf32> to vector<20x8x128xf32>
    %reshape3A = vector.shape_cast %slice3A : vector<20x8x128xf32> to vector<160x128xf32>
    %slice3A_80 = vector.extract_strided_slice %get3A_5 {offsets = [0, 0], sizes = [1, 128], strides = [1, 1]} : vector<8x128xf32> to vector<1x128xf32>
    %mul3A = vector.broadcast %slice3A_80 : vector<1x128xf32> to vector<160x128xf32>
    %mul3A_81 = arith.mulf %reshape3A, %mul3A : vector<160x128xf32>
    %slice3A_82 = vector.extract_strided_slice %get3A_5 {offsets = [1, 0], sizes = [1, 128], strides = [1, 1]} : vector<8x128xf32> to vector<1x128xf32>
    %mul3A_83 = vector.broadcast %slice3A_82 : vector<1x128xf32> to vector<160x128xf32>
    %mul3A_84 = arith.mulf %reshape3A, %mul3A_83 : vector<160x128xf32>
    %slice3A_85 = vector.extract_strided_slice %get3A_5 {offsets = [2, 0], sizes = [1, 128], strides = [1, 1]} : vector<8x128xf32> to vector<1x128xf32>
    %mul3A_86 = vector.broadcast %slice3A_85 : vector<1x128xf32> to vector<160x128xf32>
    %mul3A_87 = arith.mulf %reshape3A, %mul3A_86 : vector<160x128xf32>
    %slice3A_88 = vector.extract_strided_slice %get3A_5 {offsets = [3, 0], sizes = [1, 128], strides = [1, 1]} : vector<8x128xf32> to vector<1x128xf32>
    %mul3A_89 = vector.broadcast %slice3A_88 : vector<1x128xf32> to vector<160x128xf32>
    %mul3A_90 = arith.mulf %reshape3A, %mul3A_89 : vector<160x128xf32>
    %concatenate3A = tpu.concatenate %mul3A_81, %mul3A_84, %mul3A_87, %mul3A_90 in 0 : vector<160x128xf32>, vector<160x128xf32>, vector<160x128xf32>, vector<160x128xf32> -> vector<640x128xf32>
    %dot_general3A = arith.constant dense<0.000000e+00> : vector<640x160xf32>
    %dot_general3A_91 = tpu.matmul %concatenate3A, %reshape3A, %dot_general3A {dimension_numbers = #tpu.dot_dimension_numbers<[1], [1], [0], [0], [0, 0, 1, 0], [], []>, transpose_lhs_hint = false} : vector<640x128xf32>, vector<160x128xf32>, vector<640x160xf32> -> vector<640x160xf32>
    %slice3A_92 = vector.extract_strided_slice %get3A_9 {offsets = [0, 0, 0], sizes = [20, 8, 20], strides = [1, 1, 1]} : vector<20x256x20xi32> to vector<20x8x20xi32>
    %reshape3A_93 = vector.shape_cast %slice3A_92 : vector<20x8x20xi32> to vector<160x20xi32>
    %convert_element_type3A_94 = arith.sitofp %reshape3A_93 : vector<160x20xi32> to vector<160x20xf32>
    %dot_general3A_95 = arith.constant dense<0.000000e+00> : vector<160x160xf32>
    %dot_general3A_96 = tpu.matmul %convert_element_type3A_94, %convert_element_type3A_79, %dot_general3A_95 {dimension_numbers = #tpu.dot_dimension_numbers<[1], [0], [0], [1], [0, 0, 1, 1], [], []>, transpose_lhs_hint = false} : vector<160x20xf32>, vector<20x160xf32>, vector<160x160xf32> -> vector<160x160xf32>
    %jit3A_97 = arith.constant 5.000000e+00 : f32
    %broadcast_in_dim3A = vector.broadcast %jit3A_97 : f32 to vector<160x160xf32>
    %select_n3A_98 = arith.select %eq3A_47, %dot_general3A_96, %broadcast_in_dim3A : vector<160x160xi1>, vector<160x160xf32>
    %slice3A_99 = vector.extract_strided_slice %get3A_2 {offsets = [0, 8, 0], sizes = [20, 8, 128], strides = [1, 1, 1]} : vector<20x256x128xf32> to vector<20x8x128xf32>
    %reshape3A_100 = vector.shape_cast %slice3A_99 : vector<20x8x128xf32> to vector<160x128xf32>
    %slice3A_101 = vector.extract_strided_slice %get3A_5 {offsets = [0, 0], sizes = [1, 128], strides = [1, 1]} : vector<8x128xf32> to vector<1x128xf32>
    %mul3A_102 = vector.broadcast %slice3A_101 : vector<1x128xf32> to vector<160x128xf32>
    %mul3A_103 = arith.mulf %reshape3A_100, %mul3A_102 : vector<160x128xf32>
    %slice3A_104 = vector.extract_strided_slice %get3A_5 {offsets = [1, 0], sizes = [1, 128], strides = [1, 1]} : vector<8x128xf32> to vector<1x128xf32>
    %mul3A_105 = vector.broadcast %slice3A_104 : vector<1x128xf32> to vector<160x128xf32>
    %mul3A_106 = arith.mulf %reshape3A_100, %mul3A_105 : vector<160x128xf32>
    %slice3A_107 = vector.extract_strided_slice %get3A_5 {offsets = [2, 0], sizes = [1, 128], strides = [1, 1]} : vector<8x128xf32> to vector<1x128xf32>
    %mul3A_108 = vector.broadcast %slice3A_107 : vector<1x128xf32> to vector<160x128xf32>
    %mul3A_109 = arith.mulf %reshape3A_100, %mul3A_108 : vector<160x128xf32>
    %slice3A_110 = vector.extract_strided_slice %get3A_5 {offsets = [3, 0], sizes = [1, 128], strides = [1, 1]} : vector<8x128xf32> to vector<1x128xf32>
    %mul3A_111 = vector.broadcast %slice3A_110 : vector<1x128xf32> to vector<160x128xf32>
    %mul3A_112 = arith.mulf %reshape3A_100, %mul3A_111 : vector<160x128xf32>
    %concatenate3A_113 = tpu.concatenate %mul3A_103, %mul3A_106, %mul3A_109, %mul3A_112 in 0 : vector<160x128xf32>, vector<160x128xf32>, vector<160x128xf32>, vector<160x128xf32> -> vector<640x128xf32>
    %dot_general3A_114 = arith.constant dense<0.000000e+00> : vector<640x160xf32>
    %dot_general3A_115 = tpu.matmul %concatenate3A_113, %reshape3A_100, %dot_general3A_114 {dimension_numbers = #tpu.dot_dimension_numbers<[1], [1], [0], [0], [0, 0, 1, 0], [], []>, transpose_lhs_hint = false} : vector<640x128xf32>, vector<160x128xf32>, vector<640x160xf32> -> vector<640x160xf32>
    %slice3A_116 = vector.extract_strided_slice %get3A_9 {offsets = [0, 8, 0], sizes = [20, 8, 20], strides = [1, 1, 1]} : vector<20x256x20xi32> to vector<20x8x20xi32>
    %reshape3A_117 = vector.shape_cast %slice3A_116 : vector<20x8x20xi32> to vector<160x20xi32>
    %convert_element_type3A_118 = arith.sitofp %reshape3A_117 : vector<160x20xi32> to vector<160x20xf32>
    %dot_general3A_119 = arith.constant dense<0.000000e+00> : vector<160x160xf32>
    %dot_general3A_120 = tpu.matmul %convert_element_type3A_118, %convert_element_type3A_79, %dot_general3A_119 {dimension_numbers = #tpu.dot_dimension_numbers<[1], [0], [0], [1], [0, 0, 1, 1], [], []>, transpose_lhs_hint = false} : vector<160x20xf32>, vector<20x160xf32>, vector<160x160xf32> -> vector<160x160xf32>
    %jit3A_121 = arith.constant 5.000000e+00 : f32
    %broadcast_in_dim3A_122 = vector.broadcast %jit3A_121 : f32 to vector<160x160xf32>
    %select_n3A_123 = arith.select %eq3A_47, %dot_general3A_120, %broadcast_in_dim3A_122 : vector<160x160xi1>, vector<160x160xf32>
    %slice3A_124 = vector.extract_strided_slice %get3A_2 {offsets = [0, 16, 0], sizes = [20, 8, 128], strides = [1, 1, 1]} : vector<20x256x128xf32> to vector<20x8x128xf32>
    %reshape3A_125 = vector.shape_cast %slice3A_124 : vector<20x8x128xf32> to vector<160x128xf32>
    %slice3A_126 = vector.extract_strided_slice %get3A_5 {offsets = [0, 0], sizes = [1, 128], strides = [1, 1]} : vector<8x128xf32> to vector<1x128xf32>
    %mul3A_127 = vector.broadcast %slice3A_126 : vector<1x128xf32> to vector<160x128xf32>
    %mul3A_128 = arith.mulf %reshape3A_125, %mul3A_127 : vector<160x128xf32>
    %slice3A_129 = vector.extract_strided_slice %get3A_5 {offsets = [1, 0], sizes = [1, 128], strides = [1, 1]} : vector<8x128xf32> to vector<1x128xf32>
    %mul3A_130 = vector.broadcast %slice3A_129 : vector<1x128xf32> to vector<160x128xf32>
    %mul3A_131 = arith.mulf %reshape3A_125, %mul3A_130 : vector<160x128xf32>
    %slice3A_132 = vector.extract_strided_slice %get3A_5 {offsets = [2, 0], sizes = [1, 128], strides = [1, 1]} : vector<8x128xf32> to vector<1x128xf32>
    %mul3A_133 = vector.broadcast %slice3A_132 : vector<1x128xf32> to vector<160x128xf32>
    %mul3A_134 = arith.mulf %reshape3A_125, %mul3A_133 : vector<160x128xf32>
    %slice3A_135 = vector.extract_strided_slice %get3A_5 {offsets = [3, 0], sizes = [1, 128], strides = [1, 1]} : vector<8x128xf32> to vector<1x128xf32>
    %mul3A_136 = vector.broadcast %slice3A_135 : vector<1x128xf32> to vector<160x128xf32>
    %mul3A_137 = arith.mulf %reshape3A_125, %mul3A_136 : vector<160x128xf32>
    %concatenate3A_138 = tpu.concatenate %mul3A_128, %mul3A_131, %mul3A_134, %mul3A_137 in 0 : vector<160x128xf32>, vector<160x128xf32>, vector<160x128xf32>, vector<160x128xf32> -> vector<640x128xf32>
    %dot_general3A_139 = arith.constant dense<0.000000e+00> : vector<640x160xf32>
    %dot_general3A_140 = tpu.matmul %concatenate3A_138, %reshape3A_125, %dot_general3A_139 {dimension_numbers = #tpu.dot_dimension_numbers<[1], [1], [0], [0], [0, 0, 1, 0], [], []>, transpose_lhs_hint = false} : vector<640x128xf32>, vector<160x128xf32>, vector<640x160xf32> -> vector<640x160xf32>
    %slice3A_141 = vector.extract_strided_slice %get3A_9 {offsets = [0, 16, 0], sizes = [20, 8, 20], strides = [1, 1, 1]} : vector<20x256x20xi32> to vector<20x8x20xi32>
    %reshape3A_142 = vector.shape_cast %slice3A_141 : vector<20x8x20xi32> to vector<160x20xi32>
    %convert_element_type3A_143 = arith.sitofp %reshape3A_142 : vector<160x20xi32> to vector<160x20xf32>
    %dot_general3A_144 = arith.constant dense<0.000000e+00> : vector<160x160xf32>
    %dot_general3A_145 = tpu.matmul %convert_element_type3A_143, %convert_element_type3A_79, %dot_general3A_144 {dimension_numbers = #tpu.dot_dimension_numbers<[1], [0], [0], [1], [0, 0, 1, 1], [], []>, transpose_lhs_hint = false} : vector<160x20xf32>, vector<20x160xf32>, vector<160x160xf32> -> vector<160x160xf32>
    %jit3A_146 = arith.constant 5.000000e+00 : f32
    %broadcast_in_dim3A_147 = vector.broadcast %jit3A_146 : f32 to vector<160x160xf32>
    %select_n3A_148 = arith.select %eq3A_47, %dot_general3A_145, %broadcast_in_dim3A_147 : vector<160x160xi1>, vector<160x160xf32>
    %slice3A_149 = vector.extract_strided_slice %get3A_2 {offsets = [0, 24, 0], sizes = [20, 8, 128], strides = [1, 1, 1]} : vector<20x256x128xf32> to vector<20x8x128xf32>
    %reshape3A_150 = vector.shape_cast %slice3A_149 : vector<20x8x128xf32> to vector<160x128xf32>
    %slice3A_151 = vector.extract_strided_slice %get3A_5 {offsets = [0, 0], sizes = [1, 128], strides = [1, 1]} : vector<8x128xf32> to vector<1x128xf32>
    %mul3A_152 = vector.broadcast %slice3A_151 : vector<1x128xf32> to vector<160x128xf32>
    %mul3A_153 = arith.mulf %reshape3A_150, %mul3A_152 : vector<160x128xf32>
    %slice3A_154 = vector.extract_strided_slice %get3A_5 {offsets = [1, 0], sizes = [1, 128], strides = [1, 1]} : vector<8x128xf32> to vector<1x128xf32>
    %mul3A_155 = vector.broadcast %slice3A_154 : vector<1x128xf32> to vector<160x128xf32>
    %mul3A_156 = arith.mulf %reshape3A_150, %mul3A_155 : vector<160x128xf32>
    %slice3A_157 = vector.extract_strided_slice %get3A_5 {offsets = [2, 0], sizes = [1, 128], strides = [1, 1]} : vector<8x128xf32> to vector<1x128xf32>
    %mul3A_158 = vector.broadcast %slice3A_157 : vector<1x128xf32> to vector<160x128xf32>
    %mul3A_159 = arith.mulf %reshape3A_150, %mul3A_158 : vector<160x128xf32>
    %slice3A_160 = vector.extract_strided_slice %get3A_5 {offsets = [3, 0], sizes = [1, 128], strides = [1, 1]} : vector<8x128xf32> to vector<1x128xf32>
    %mul3A_161 = vector.broadcast %slice3A_160 : vector<1x128xf32> to vector<160x128xf32>
    %mul3A_162 = arith.mulf %reshape3A_150, %mul3A_161 : vector<160x128xf32>
    %concatenate3A_163 = tpu.concatenate %mul3A_153, %mul3A_156, %mul3A_159, %mul3A_162 in 0 : vector<160x128xf32>, vector<160x128xf32>, vector<160x128xf32>, vector<160x128xf32> -> vector<640x128xf32>
    %dot_general3A_164 = arith.constant dense<0.000000e+00> : vector<640x160xf32>
    %dot_general3A_165 = tpu.matmul %concatenate3A_163, %reshape3A_150, %dot_general3A_164 {dimension_numbers = #tpu.dot_dimension_numbers<[1], [1], [0], [0], [0, 0, 1, 0], [], []>, transpose_lhs_hint = false} : vector<640x128xf32>, vector<160x128xf32>, vector<640x160xf32> -> vector<640x160xf32>
    %slice3A_166 = vector.extract_strided_slice %get3A_9 {offsets = [0, 24, 0], sizes = [20, 8, 20], strides = [1, 1, 1]} : vector<20x256x20xi32> to vector<20x8x20xi32>
    %reshape3A_167 = vector.shape_cast %slice3A_166 : vector<20x8x20xi32> to vector<160x20xi32>
    %convert_element_type3A_168 = arith.sitofp %reshape3A_167 : vector<160x20xi32> to vector<160x20xf32>
    %dot_general3A_169 = arith.constant dense<0.000000e+00> : vector<160x160xf32>
    %dot_general3A_170 = tpu.matmul %convert_element_type3A_168, %convert_element_type3A_79, %dot_general3A_169 {dimension_numbers = #tpu.dot_dimension_numbers<[1], [0], [0], [1], [0, 0, 1, 1], [], []>, transpose_lhs_hint = false} : vector<160x20xf32>, vector<20x160xf32>, vector<160x160xf32> -> vector<160x160xf32>
    %jit3A_171 = arith.constant 5.000000e+00 : f32
    %broadcast_in_dim3A_172 = vector.broadcast %jit3A_171 : f32 to vector<160x160xf32>
    %select_n3A_173 = arith.select %eq3A_47, %dot_general3A_170, %broadcast_in_dim3A_172 : vector<160x160xi1>, vector<160x160xf32>
    %slice3A_174 = vector.extract_strided_slice %get3A_2 {offsets = [0, 32, 0], sizes = [20, 8, 128], strides = [1, 1, 1]} : vector<20x256x128xf32> to vector<20x8x128xf32>
    %reshape3A_175 = vector.shape_cast %slice3A_174 : vector<20x8x128xf32> to vector<160x128xf32>
    %slice3A_176 = vector.extract_strided_slice %get3A_5 {offsets = [0, 0], sizes = [1, 128], strides = [1, 1]} : vector<8x128xf32> to vector<1x128xf32>
    %mul3A_177 = vector.broadcast %slice3A_176 : vector<1x128xf32> to vector<160x128xf32>
    %mul3A_178 = arith.mulf %reshape3A_175, %mul3A_177 : vector<160x128xf32>
    %slice3A_179 = vector.extract_strided_slice %get3A_5 {offsets = [1, 0], sizes = [1, 128], strides = [1, 1]} : vector<8x128xf32> to vector<1x128xf32>
    %mul3A_180 = vector.broadcast %slice3A_179 : vector<1x128xf32> to vector<160x128xf32>
    %mul3A_181 = arith.mulf %reshape3A_175, %mul3A_180 : vector<160x128xf32>
    %slice3A_182 = vector.extract_strided_slice %get3A_5 {offsets = [2, 0], sizes = [1, 128], strides = [1, 1]} : vector<8x128xf32> to vector<1x128xf32>
    %mul3A_183 = vector.broadcast %slice3A_182 : vector<1x128xf32> to vector<160x128xf32>
    %mul3A_184 = arith.mulf %reshape3A_175, %mul3A_183 : vector<160x128xf32>
    %slice3A_185 = vector.extract_strided_slice %get3A_5 {offsets = [3, 0], sizes = [1, 128], strides = [1, 1]} : vector<8x128xf32> to vector<1x128xf32>
    %mul3A_186 = vector.broadcast %slice3A_185 : vector<1x128xf32> to vector<160x128xf32>
    %mul3A_187 = arith.mulf %reshape3A_175, %mul3A_186 : vector<160x128xf32>
    %concatenate3A_188 = tpu.concatenate %mul3A_178, %mul3A_181, %mul3A_184, %mul3A_187 in 0 : vector<160x128xf32>, vector<160x128xf32>, vector<160x128xf32>, vector<160x128xf32> -> vector<640x128xf32>
    %dot_general3A_189 = arith.constant dense<0.000000e+00> : vector<640x160xf32>
    %dot_general3A_190 = tpu.matmul %concatenate3A_188, %reshape3A_175, %dot_general3A_189 {dimension_numbers = #tpu.dot_dimension_numbers<[1], [1], [0], [0], [0, 0, 1, 0], [], []>, transpose_lhs_hint = false} : vector<640x128xf32>, vector<160x128xf32>, vector<640x160xf32> -> vector<640x160xf32>
    %slice3A_191 = vector.extract_strided_slice %get3A_9 {offsets = [0, 32, 0], sizes = [20, 8, 20], strides = [1, 1, 1]} : vector<20x256x20xi32> to vector<20x8x20xi32>
    %reshape3A_192 = vector.shape_cast %slice3A_191 : vector<20x8x20xi32> to vector<160x20xi32>
    %convert_element_type3A_193 = arith.sitofp %reshape3A_192 : vector<160x20xi32> to vector<160x20xf32>
    %dot_general3A_194 = arith.constant dense<0.000000e+00> : vector<160x160xf32>
    %dot_general3A_195 = tpu.matmul %convert_element_type3A_193, %convert_element_type3A_79, %dot_general3A_194 {dimension_numbers = #tpu.dot_dimension_numbers<[1], [0], [0], [1], [0, 0, 1, 1], [], []>, transpose_lhs_hint = false} : vector<160x20xf32>, vector<20x160xf32>, vector<160x160xf32> -> vector<160x160xf32>
    %jit3A_196 = arith.constant 5.000000e+00 : f32
    %broadcast_in_dim3A_197 = vector.broadcast %jit3A_196 : f32 to vector<160x160xf32>
    %select_n3A_198 = arith.select %eq3A_47, %dot_general3A_195, %broadcast_in_dim3A_197 : vector<160x160xi1>, vector<160x160xf32>
    %slice3A_199 = vector.extract_strided_slice %get3A_2 {offsets = [0, 40, 0], sizes = [20, 8, 128], strides = [1, 1, 1]} : vector<20x256x128xf32> to vector<20x8x128xf32>
    %reshape3A_200 = vector.shape_cast %slice3A_199 : vector<20x8x128xf32> to vector<160x128xf32>
    %slice3A_201 = vector.extract_strided_slice %get3A_5 {offsets = [0, 0], sizes = [1, 128], strides = [1, 1]} : vector<8x128xf32> to vector<1x128xf32>
    %mul3A_202 = vector.broadcast %slice3A_201 : vector<1x128xf32> to vector<160x128xf32>
    %mul3A_203 = arith.mulf %reshape3A_200, %mul3A_202 : vector<160x128xf32>
    %slice3A_204 = vector.extract_strided_slice %get3A_5 {offsets = [1, 0], sizes = [1, 128], strides = [1, 1]} : vector<8x128xf32> to vector<1x128xf32>
    %mul3A_205 = vector.broadcast %slice3A_204 : vector<1x128xf32> to vector<160x128xf32>
    %mul3A_206 = arith.mulf %reshape3A_200, %mul3A_205 : vector<160x128xf32>
    %slice3A_207 = vector.extract_strided_slice %get3A_5 {offsets = [2, 0], sizes = [1, 128], strides = [1, 1]} : vector<8x128xf32> to vector<1x128xf32>
    %mul3A_208 = vector.broadcast %slice3A_207 : vector<1x128xf32> to vector<160x128xf32>
    %mul3A_209 = arith.mulf %reshape3A_200, %mul3A_208 : vector<160x128xf32>
    %slice3A_210 = vector.extract_strided_slice %get3A_5 {offsets = [3, 0], sizes = [1, 128], strides = [1, 1]} : vector<8x128xf32> to vector<1x128xf32>
    %mul3A_211 = vector.broadcast %slice3A_210 : vector<1x128xf32> to vector<160x128xf32>
    %mul3A_212 = arith.mulf %reshape3A_200, %mul3A_211 : vector<160x128xf32>
    %concatenate3A_213 = tpu.concatenate %mul3A_203, %mul3A_206, %mul3A_209, %mul3A_212 in 0 : vector<160x128xf32>, vector<160x128xf32>, vector<160x128xf32>, vector<160x128xf32> -> vector<640x128xf32>
    %dot_general3A_214 = arith.constant dense<0.000000e+00> : vector<640x160xf32>
    %dot_general3A_215 = tpu.matmul %concatenate3A_213, %reshape3A_200, %dot_general3A_214 {dimension_numbers = #tpu.dot_dimension_numbers<[1], [1], [0], [0], [0, 0, 1, 0], [], []>, transpose_lhs_hint = false} : vector<640x128xf32>, vector<160x128xf32>, vector<640x160xf32> -> vector<640x160xf32>
    %slice3A_216 = vector.extract_strided_slice %get3A_9 {offsets = [0, 40, 0], sizes = [20, 8, 20], strides = [1, 1, 1]} : vector<20x256x20xi32> to vector<20x8x20xi32>
    %reshape3A_217 = vector.shape_cast %slice3A_216 : vector<20x8x20xi32> to vector<160x20xi32>
    %convert_element_type3A_218 = arith.sitofp %reshape3A_217 : vector<160x20xi32> to vector<160x20xf32>
    %dot_general3A_219 = arith.constant dense<0.000000e+00> : vector<160x160xf32>
    %dot_general3A_220 = tpu.matmul %convert_element_type3A_218, %convert_element_type3A_79, %dot_general3A_219 {dimension_numbers = #tpu.dot_dimension_numbers<[1], [0], [0], [1], [0, 0, 1, 1], [], []>, transpose_lhs_hint = false} : vector<160x20xf32>, vector<20x160xf32>, vector<160x160xf32> -> vector<160x160xf32>
    %jit3A_221 = arith.constant 5.000000e+00 : f32
    %broadcast_in_dim3A_222 = vector.broadcast %jit3A_221 : f32 to vector<160x160xf32>
    %select_n3A_223 = arith.select %eq3A_47, %dot_general3A_220, %broadcast_in_dim3A_222 : vector<160x160xi1>, vector<160x160xf32>
    %slice3A_224 = vector.extract_strided_slice %get3A_2 {offsets = [0, 48, 0], sizes = [20, 8, 128], strides = [1, 1, 1]} : vector<20x256x128xf32> to vector<20x8x128xf32>
    %reshape3A_225 = vector.shape_cast %slice3A_224 : vector<20x8x128xf32> to vector<160x128xf32>
    %slice3A_226 = vector.extract_strided_slice %get3A_5 {offsets = [0, 0], sizes = [1, 128], strides = [1, 1]} : vector<8x128xf32> to vector<1x128xf32>
    %mul3A_227 = vector.broadcast %slice3A_226 : vector<1x128xf32> to vector<160x128xf32>
    %mul3A_228 = arith.mulf %reshape3A_225, %mul3A_227 : vector<160x128xf32>
    %slice3A_229 = vector.extract_strided_slice %get3A_5 {offsets = [1, 0], sizes = [1, 128], strides = [1, 1]} : vector<8x128xf32> to vector<1x128xf32>
    %mul3A_230 = vector.broadcast %slice3A_229 : vector<1x128xf32> to vector<160x128xf32>
    %mul3A_231 = arith.mulf %reshape3A_225, %mul3A_230 : vector<160x128xf32>
    %slice3A_232 = vector.extract_strided_slice %get3A_5 {offsets = [2, 0], sizes = [1, 128], strides = [1, 1]} : vector<8x128xf32> to vector<1x128xf32>
    %mul3A_233 = vector.broadcast %slice3A_232 : vector<1x128xf32> to vector<160x128xf32>
    %mul3A_234 = arith.mulf %reshape3A_225, %mul3A_233 : vector<160x128xf32>
    %slice3A_235 = vector.extract_strided_slice %get3A_5 {offsets = [3, 0], sizes = [1, 128], strides = [1, 1]} : vector<8x128xf32> to vector<1x128xf32>
    %mul3A_236 = vector.broadcast %slice3A_235 : vector<1x128xf32> to vector<160x128xf32>
    %mul3A_237 = arith.mulf %reshape3A_225, %mul3A_236 : vector<160x128xf32>
    %concatenate3A_238 = tpu.concatenate %mul3A_228, %mul3A_231, %mul3A_234, %mul3A_237 in 0 : vector<160x128xf32>, vector<160x128xf32>, vector<160x128xf32>, vector<160x128xf32> -> vector<640x128xf32>
    %dot_general3A_239 = arith.constant dense<0.000000e+00> : vector<640x160xf32>
    %dot_general3A_240 = tpu.matmul %concatenate3A_238, %reshape3A_225, %dot_general3A_239 {dimension_numbers = #tpu.dot_dimension_numbers<[1], [1], [0], [0], [0, 0, 1, 0], [], []>, transpose_lhs_hint = false} : vector<640x128xf32>, vector<160x128xf32>, vector<640x160xf32> -> vector<640x160xf32>
    %slice3A_241 = vector.extract_strided_slice %get3A_9 {offsets = [0, 48, 0], sizes = [20, 8, 20], strides = [1, 1, 1]} : vector<20x256x20xi32> to vector<20x8x20xi32>
    %reshape3A_242 = vector.shape_cast %slice3A_241 : vector<20x8x20xi32> to vector<160x20xi32>
    %convert_element_type3A_243 = arith.sitofp %reshape3A_242 : vector<160x20xi32> to vector<160x20xf32>
    %dot_general3A_244 = arith.constant dense<0.000000e+00> : vector<160x160xf32>
    %dot_general3A_245 = tpu.matmul %convert_element_type3A_243, %convert_element_type3A_79, %dot_general3A_244 {dimension_numbers = #tpu.dot_dimension_numbers<[1], [0], [0], [1], [0, 0, 1, 1], [], []>, transpose_lhs_hint = false} : vector<160x20xf32>, vector<20x160xf32>, vector<160x160xf32> -> vector<160x160xf32>
    %jit3A_246 = arith.constant 5.000000e+00 : f32
    %broadcast_in_dim3A_247 = vector.broadcast %jit3A_246 : f32 to vector<160x160xf32>
    %select_n3A_248 = arith.select %eq3A_47, %dot_general3A_245, %broadcast_in_dim3A_247 : vector<160x160xi1>, vector<160x160xf32>
    %slice3A_249 = vector.extract_strided_slice %get3A_2 {offsets = [0, 56, 0], sizes = [20, 8, 128], strides = [1, 1, 1]} : vector<20x256x128xf32> to vector<20x8x128xf32>
    %reshape3A_250 = vector.shape_cast %slice3A_249 : vector<20x8x128xf32> to vector<160x128xf32>
    %slice3A_251 = vector.extract_strided_slice %get3A_5 {offsets = [0, 0], sizes = [1, 128], strides = [1, 1]} : vector<8x128xf32> to vector<1x128xf32>
    %mul3A_252 = vector.broadcast %slice3A_251 : vector<1x128xf32> to vector<160x128xf32>
    %mul3A_253 = arith.mulf %reshape3A_250, %mul3A_252 : vector<160x128xf32>
    %slice3A_254 = vector.extract_strided_slice %get3A_5 {offsets = [1, 0], sizes = [1, 128], strides = [1, 1]} : vector<8x128xf32> to vector<1x128xf32>
    %mul3A_255 = vector.broadcast %slice3A_254 : vector<1x128xf32> to vector<160x128xf32>
    %mul3A_256 = arith.mulf %reshape3A_250, %mul3A_255 : vector<160x128xf32>
    %slice3A_257 = vector.extract_strided_slice %get3A_5 {offsets = [2, 0], sizes = [1, 128], strides = [1, 1]} : vector<8x128xf32> to vector<1x128xf32>
    %mul3A_258 = vector.broadcast %slice3A_257 : vector<1x128xf32> to vector<160x128xf32>
    %mul3A_259 = arith.mulf %reshape3A_250, %mul3A_258 : vector<160x128xf32>
    %slice3A_260 = vector.extract_strided_slice %get3A_5 {offsets = [3, 0], sizes = [1, 128], strides = [1, 1]} : vector<8x128xf32> to vector<1x128xf32>
    %mul3A_261 = vector.broadcast %slice3A_260 : vector<1x128xf32> to vector<160x128xf32>
    %mul3A_262 = arith.mulf %reshape3A_250, %mul3A_261 : vector<160x128xf32>
    %concatenate3A_263 = tpu.concatenate %mul3A_253, %mul3A_256, %mul3A_259, %mul3A_262 in 0 : vector<160x128xf32>, vector<160x128xf32>, vector<160x128xf32>, vector<160x128xf32> -> vector<640x128xf32>
    %dot_general3A_264 = arith.constant dense<0.000000e+00> : vector<640x160xf32>
    %dot_general3A_265 = tpu.matmul %concatenate3A_263, %reshape3A_250, %dot_general3A_264 {dimension_numbers = #tpu.dot_dimension_numbers<[1], [1], [0], [0], [0, 0, 1, 0], [], []>, transpose_lhs_hint = false} : vector<640x128xf32>, vector<160x128xf32>, vector<640x160xf32> -> vector<640x160xf32>
    %slice3A_266 = vector.extract_strided_slice %get3A_9 {offsets = [0, 56, 0], sizes = [20, 8, 20], strides = [1, 1, 1]} : vector<20x256x20xi32> to vector<20x8x20xi32>
    %reshape3A_267 = vector.shape_cast %slice3A_266 : vector<20x8x20xi32> to vector<160x20xi32>
    %convert_element_type3A_268 = arith.sitofp %reshape3A_267 : vector<160x20xi32> to vector<160x20xf32>
    %dot_general3A_269 = arith.constant dense<0.000000e+00> : vector<160x160xf32>
    %dot_general3A_270 = tpu.matmul %convert_element_type3A_268, %convert_element_type3A_79, %dot_general3A_269 {dimension_numbers = #tpu.dot_dimension_numbers<[1], [0], [0], [1], [0, 0, 1, 1], [], []>, transpose_lhs_hint = false} : vector<160x20xf32>, vector<20x160xf32>, vector<160x160xf32> -> vector<160x160xf32>
    %jit3A_271 = arith.constant 5.000000e+00 : f32
    %broadcast_in_dim3A_272 = vector.broadcast %jit3A_271 : f32 to vector<160x160xf32>
    %select_n3A_273 = arith.select %eq3A_47, %dot_general3A_270, %broadcast_in_dim3A_272 : vector<160x160xi1>, vector<160x160xf32>
    %slice3A_274 = vector.extract_strided_slice %get3A_2 {offsets = [0, 64, 0], sizes = [20, 8, 128], strides = [1, 1, 1]} : vector<20x256x128xf32> to vector<20x8x128xf32>
    %reshape3A_275 = vector.shape_cast %slice3A_274 : vector<20x8x128xf32> to vector<160x128xf32>
    %slice3A_276 = vector.extract_strided_slice %get3A_5 {offsets = [0, 0], sizes = [1, 128], strides = [1, 1]} : vector<8x128xf32> to vector<1x128xf32>
    %mul3A_277 = vector.broadcast %slice3A_276 : vector<1x128xf32> to vector<160x128xf32>
    %mul3A_278 = arith.mulf %reshape3A_275, %mul3A_277 : vector<160x128xf32>
    %slice3A_279 = vector.extract_strided_slice %get3A_5 {offsets = [1, 0], sizes = [1, 128], strides = [1, 1]} : vector<8x128xf32> to vector<1x128xf32>
    %mul3A_280 = vector.broadcast %slice3A_279 : vector<1x128xf32> to vector<160x128xf32>
    %mul3A_281 = arith.mulf %reshape3A_275, %mul3A_280 : vector<160x128xf32>
    %slice3A_282 = vector.extract_strided_slice %get3A_5 {offsets = [2, 0], sizes = [1, 128], strides = [1, 1]} : vector<8x128xf32> to vector<1x128xf32>
    %mul3A_283 = vector.broadcast %slice3A_282 : vector<1x128xf32> to vector<160x128xf32>
    %mul3A_284 = arith.mulf %reshape3A_275, %mul3A_283 : vector<160x128xf32>
    %slice3A_285 = vector.extract_strided_slice %get3A_5 {offsets = [3, 0], sizes = [1, 128], strides = [1, 1]} : vector<8x128xf32> to vector<1x128xf32>
    %mul3A_286 = vector.broadcast %slice3A_285 : vector<1x128xf32> to vector<160x128xf32>
    %mul3A_287 = arith.mulf %reshape3A_275, %mul3A_286 : vector<160x128xf32>
    %concatenate3A_288 = tpu.concatenate %mul3A_278, %mul3A_281, %mul3A_284, %mul3A_287 in 0 : vector<160x128xf32>, vector<160x128xf32>, vector<160x128xf32>, vector<160x128xf32> -> vector<640x128xf32>
    %dot_general3A_289 = arith.constant dense<0.000000e+00> : vector<640x160xf32>
    %dot_general3A_290 = tpu.matmul %concatenate3A_288, %reshape3A_275, %dot_general3A_289 {dimension_numbers = #tpu.dot_dimension_numbers<[1], [1], [0], [0], [0, 0, 1, 0], [], []>, transpose_lhs_hint = false} : vector<640x128xf32>, vector<160x128xf32>, vector<640x160xf32> -> vector<640x160xf32>
    %slice3A_291 = vector.extract_strided_slice %get3A_9 {offsets = [0, 64, 0], sizes = [20, 8, 20], strides = [1, 1, 1]} : vector<20x256x20xi32> to vector<20x8x20xi32>
    %reshape3A_292 = vector.shape_cast %slice3A_291 : vector<20x8x20xi32> to vector<160x20xi32>
    %convert_element_type3A_293 = arith.sitofp %reshape3A_292 : vector<160x20xi32> to vector<160x20xf32>
    %dot_general3A_294 = arith.constant dense<0.000000e+00> : vector<160x160xf32>
    %dot_general3A_295 = tpu.matmul %convert_element_type3A_293, %convert_element_type3A_79, %dot_general3A_294 {dimension_numbers = #tpu.dot_dimension_numbers<[1], [0], [0], [1], [0, 0, 1, 1], [], []>, transpose_lhs_hint = false} : vector<160x20xf32>, vector<20x160xf32>, vector<160x160xf32> -> vector<160x160xf32>
    %jit3A_296 = arith.constant 5.000000e+00 : f32
    %broadcast_in_dim3A_297 = vector.broadcast %jit3A_296 : f32 to vector<160x160xf32>
    %select_n3A_298 = arith.select %eq3A_47, %dot_general3A_295, %broadcast_in_dim3A_297 : vector<160x160xi1>, vector<160x160xf32>
    %slice3A_299 = vector.extract_strided_slice %get3A_2 {offsets = [0, 72, 0], sizes = [20, 8, 128], strides = [1, 1, 1]} : vector<20x256x128xf32> to vector<20x8x128xf32>
    %reshape3A_300 = vector.shape_cast %slice3A_299 : vector<20x8x128xf32> to vector<160x128xf32>
    %slice3A_301 = vector.extract_strided_slice %get3A_5 {offsets = [0, 0], sizes = [1, 128], strides = [1, 1]} : vector<8x128xf32> to vector<1x128xf32>
    %mul3A_302 = vector.broadcast %slice3A_301 : vector<1x128xf32> to vector<160x128xf32>
    %mul3A_303 = arith.mulf %reshape3A_300, %mul3A_302 : vector<160x128xf32>
    %slice3A_304 = vector.extract_strided_slice %get3A_5 {offsets = [1, 0], sizes = [1, 128], strides = [1, 1]} : vector<8x128xf32> to vector<1x128xf32>
    %mul3A_305 = vector.broadcast %slice3A_304 : vector<1x128xf32> to vector<160x128xf32>
    %mul3A_306 = arith.mulf %reshape3A_300, %mul3A_305 : vector<160x128xf32>
    %slice3A_307 = vector.extract_strided_slice %get3A_5 {offsets = [2, 0], sizes = [1, 128], strides = [1, 1]} : vector<8x128xf32> to vector<1x128xf32>
    %mul3A_308 = vector.broadcast %slice3A_307 : vector<1x128xf32> to vector<160x128xf32>
    %mul3A_309 = arith.mulf %reshape3A_300, %mul3A_308 : vector<160x128xf32>
    %slice3A_310 = vector.extract_strided_slice %get3A_5 {offsets = [3, 0], sizes = [1, 128], strides = [1, 1]} : vector<8x128xf32> to vector<1x128xf32>
    %mul3A_311 = vector.broadcast %slice3A_310 : vector<1x128xf32> to vector<160x128xf32>
    %mul3A_312 = arith.mulf %reshape3A_300, %mul3A_311 : vector<160x128xf32>
    %concatenate3A_313 = tpu.concatenate %mul3A_303, %mul3A_306, %mul3A_309, %mul3A_312 in 0 : vector<160x128xf32>, vector<160x128xf32>, vector<160x128xf32>, vector<160x128xf32> -> vector<640x128xf32>
    %dot_general3A_314 = arith.constant dense<0.000000e+00> : vector<640x160xf32>
    %dot_general3A_315 = tpu.matmul %concatenate3A_313, %reshape3A_300, %dot_general3A_314 {dimension_numbers = #tpu.dot_dimension_numbers<[1], [1], [0], [0], [0, 0, 1, 0], [], []>, transpose_lhs_hint = false} : vector<640x128xf32>, vector<160x128xf32>, vector<640x160xf32> -> vector<640x160xf32>
    %slice3A_316 = vector.extract_strided_slice %get3A_9 {offsets = [0, 72, 0], sizes = [20, 8, 20], strides = [1, 1, 1]} : vector<20x256x20xi32> to vector<20x8x20xi32>
    %reshape3A_317 = vector.shape_cast %slice3A_316 : vector<20x8x20xi32> to vector<160x20xi32>
    %convert_element_type3A_318 = arith.sitofp %reshape3A_317 : vector<160x20xi32> to vector<160x20xf32>
    %dot_general3A_319 = arith.constant dense<0.000000e+00> : vector<160x160xf32>
    %dot_general3A_320 = tpu.matmul %convert_element_type3A_318, %convert_element_type3A_79, %dot_general3A_319 {dimension_numbers = #tpu.dot_dimension_numbers<[1], [0], [0], [1], [0, 0, 1, 1], [], []>, transpose_lhs_hint = false} : vector<160x20xf32>, vector<20x160xf32>, vector<160x160xf32> -> vector<160x160xf32>
    %jit3A_321 = arith.constant 5.000000e+00 : f32
    %broadcast_in_dim3A_322 = vector.broadcast %jit3A_321 : f32 to vector<160x160xf32>
    %select_n3A_323 = arith.select %eq3A_47, %dot_general3A_320, %broadcast_in_dim3A_322 : vector<160x160xi1>, vector<160x160xf32>
    %slice3A_324 = vector.extract_strided_slice %get3A_2 {offsets = [0, 80, 0], sizes = [20, 8, 128], strides = [1, 1, 1]} : vector<20x256x128xf32> to vector<20x8x128xf32>
    %reshape3A_325 = vector.shape_cast %slice3A_324 : vector<20x8x128xf32> to vector<160x128xf32>
    %slice3A_326 = vector.extract_strided_slice %get3A_5 {offsets = [0, 0], sizes = [1, 128], strides = [1, 1]} : vector<8x128xf32> to vector<1x128xf32>
    %mul3A_327 = vector.broadcast %slice3A_326 : vector<1x128xf32> to vector<160x128xf32>
    %mul3A_328 = arith.mulf %reshape3A_325, %mul3A_327 : vector<160x128xf32>
    %slice3A_329 = vector.extract_strided_slice %get3A_5 {offsets = [1, 0], sizes = [1, 128], strides = [1, 1]} : vector<8x128xf32> to vector<1x128xf32>
    %mul3A_330 = vector.broadcast %slice3A_329 : vector<1x128xf32> to vector<160x128xf32>
    %mul3A_331 = arith.mulf %reshape3A_325, %mul3A_330 : vector<160x128xf32>
    %slice3A_332 = vector.extract_strided_slice %get3A_5 {offsets = [2, 0], sizes = [1, 128], strides = [1, 1]} : vector<8x128xf32> to vector<1x128xf32>
    %mul3A_333 = vector.broadcast %slice3A_332 : vector<1x128xf32> to vector<160x128xf32>
    %mul3A_334 = arith.mulf %reshape3A_325, %mul3A_333 : vector<160x128xf32>
    %slice3A_335 = vector.extract_strided_slice %get3A_5 {offsets = [3, 0], sizes = [1, 128], strides = [1, 1]} : vector<8x128xf32> to vector<1x128xf32>
    %mul3A_336 = vector.broadcast %slice3A_335 : vector<1x128xf32> to vector<160x128xf32>
    %mul3A_337 = arith.mulf %reshape3A_325, %mul3A_336 : vector<160x128xf32>
    %concatenate3A_338 = tpu.concatenate %mul3A_328, %mul3A_331, %mul3A_334, %mul3A_337 in 0 : vector<160x128xf32>, vector<160x128xf32>, vector<160x128xf32>, vector<160x128xf32> -> vector<640x128xf32>
    %dot_general3A_339 = arith.constant dense<0.000000e+00> : vector<640x160xf32>
    %dot_general3A_340 = tpu.matmul %concatenate3A_338, %reshape3A_325, %dot_general3A_339 {dimension_numbers = #tpu.dot_dimension_numbers<[1], [1], [0], [0], [0, 0, 1, 0], [], []>, transpose_lhs_hint = false} : vector<640x128xf32>, vector<160x128xf32>, vector<640x160xf32> -> vector<640x160xf32>
    %slice3A_341 = vector.extract_strided_slice %get3A_9 {offsets = [0, 80, 0], sizes = [20, 8, 20], strides = [1, 1, 1]} : vector<20x256x20xi32> to vector<20x8x20xi32>
    %reshape3A_342 = vector.shape_cast %slice3A_341 : vector<20x8x20xi32> to vector<160x20xi32>
    %convert_element_type3A_343 = arith.sitofp %reshape3A_342 : vector<160x20xi32> to vector<160x20xf32>
    %dot_general3A_344 = arith.constant dense<0.000000e+00> : vector<160x160xf32>
    %dot_general3A_345 = tpu.matmul %convert_element_type3A_343, %convert_element_type3A_79, %dot_general3A_344 {dimension_numbers = #tpu.dot_dimension_numbers<[1], [0], [0], [1], [0, 0, 1, 1], [], []>, transpose_lhs_hint = false} : vector<160x20xf32>, vector<20x160xf32>, vector<160x160xf32> -> vector<160x160xf32>
    %jit3A_346 = arith.constant 5.000000e+00 : f32
    %broadcast_in_dim3A_347 = vector.broadcast %jit3A_346 : f32 to vector<160x160xf32>
    %select_n3A_348 = arith.select %eq3A_47, %dot_general3A_345, %broadcast_in_dim3A_347 : vector<160x160xi1>, vector<160x160xf32>
    %slice3A_349 = vector.extract_strided_slice %get3A_2 {offsets = [0, 88, 0], sizes = [20, 8, 128], strides = [1, 1, 1]} : vector<20x256x128xf32> to vector<20x8x128xf32>
    %reshape3A_350 = vector.shape_cast %slice3A_349 : vector<20x8x128xf32> to vector<160x128xf32>
    %slice3A_351 = vector.extract_strided_slice %get3A_5 {offsets = [0, 0], sizes = [1, 128], strides = [1, 1]} : vector<8x128xf32> to vector<1x128xf32>
    %mul3A_352 = vector.broadcast %slice3A_351 : vector<1x128xf32> to vector<160x128xf32>
    %mul3A_353 = arith.mulf %reshape3A_350, %mul3A_352 : vector<160x128xf32>
    %slice3A_354 = vector.extract_strided_slice %get3A_5 {offsets = [1, 0], sizes = [1, 128], strides = [1, 1]} : vector<8x128xf32> to vector<1x128xf32>
    %mul3A_355 = vector.broadcast %slice3A_354 : vector<1x128xf32> to vector<160x128xf32>
    %mul3A_356 = arith.mulf %reshape3A_350, %mul3A_355 : vector<160x128xf32>
    %slice3A_357 = vector.extract_strided_slice %get3A_5 {offsets = [2, 0], sizes = [1, 128], strides = [1, 1]} : vector<8x128xf32> to vector<1x128xf32>
    %mul3A_358 = vector.broadcast %slice3A_357 : vector<1x128xf32> to vector<160x128xf32>
    %mul3A_359 = arith.mulf %reshape3A_350, %mul3A_358 : vector<160x128xf32>
    %slice3A_360 = vector.extract_strided_slice %get3A_5 {offsets = [3, 0], sizes = [1, 128], strides = [1, 1]} : vector<8x128xf32> to vector<1x128xf32>
    %mul3A_361 = vector.broadcast %slice3A_360 : vector<1x128xf32> to vector<160x128xf32>
    %mul3A_362 = arith.mulf %reshape3A_350, %mul3A_361 : vector<160x128xf32>
    %concatenate3A_363 = tpu.concatenate %mul3A_353, %mul3A_356, %mul3A_359, %mul3A_362 in 0 : vector<160x128xf32>, vector<160x128xf32>, vector<160x128xf32>, vector<160x128xf32> -> vector<640x128xf32>
    %dot_general3A_364 = arith.constant dense<0.000000e+00> : vector<640x160xf32>
    %dot_general3A_365 = tpu.matmul %concatenate3A_363, %reshape3A_350, %dot_general3A_364 {dimension_numbers = #tpu.dot_dimension_numbers<[1], [1], [0], [0], [0, 0, 1, 0], [], []>, transpose_lhs_hint = false} : vector<640x128xf32>, vector<160x128xf32>, vector<640x160xf32> -> vector<640x160xf32>
    %slice3A_366 = vector.extract_strided_slice %get3A_9 {offsets = [0, 88, 0], sizes = [20, 8, 20], strides = [1, 1, 1]} : vector<20x256x20xi32> to vector<20x8x20xi32>
    %reshape3A_367 = vector.shape_cast %slice3A_366 : vector<20x8x20xi32> to vector<160x20xi32>
    %convert_element_type3A_368 = arith.sitofp %reshape3A_367 : vector<160x20xi32> to vector<160x20xf32>
    %dot_general3A_369 = arith.constant dense<0.000000e+00> : vector<160x160xf32>
    %dot_general3A_370 = tpu.matmul %convert_element_type3A_368, %convert_element_type3A_79, %dot_general3A_369 {dimension_numbers = #tpu.dot_dimension_numbers<[1], [0], [0], [1], [0, 0, 1, 1], [], []>, transpose_lhs_hint = false} : vector<160x20xf32>, vector<20x160xf32>, vector<160x160xf32> -> vector<160x160xf32>
    %jit3A_371 = arith.constant 5.000000e+00 : f32
    %broadcast_in_dim3A_372 = vector.broadcast %jit3A_371 : f32 to vector<160x160xf32>
    %select_n3A_373 = arith.select %eq3A_47, %dot_general3A_370, %broadcast_in_dim3A_372 : vector<160x160xi1>, vector<160x160xf32>
    %slice3A_374 = vector.extract_strided_slice %get3A_2 {offsets = [0, 96, 0], sizes = [20, 8, 128], strides = [1, 1, 1]} : vector<20x256x128xf32> to vector<20x8x128xf32>
    %reshape3A_375 = vector.shape_cast %slice3A_374 : vector<20x8x128xf32> to vector<160x128xf32>
    %slice3A_376 = vector.extract_strided_slice %get3A_5 {offsets = [0, 0], sizes = [1, 128], strides = [1, 1]} : vector<8x128xf32> to vector<1x128xf32>
    %mul3A_377 = vector.broadcast %slice3A_376 : vector<1x128xf32> to vector<160x128xf32>
    %mul3A_378 = arith.mulf %reshape3A_375, %mul3A_377 : vector<160x128xf32>
    %slice3A_379 = vector.extract_strided_slice %get3A_5 {offsets = [1, 0], sizes = [1, 128], strides = [1, 1]} : vector<8x128xf32> to vector<1x128xf32>
    %mul3A_380 = vector.broadcast %slice3A_379 : vector<1x128xf32> to vector<160x128xf32>
    %mul3A_381 = arith.mulf %reshape3A_375, %mul3A_380 : vector<160x128xf32>
    %slice3A_382 = vector.extract_strided_slice %get3A_5 {offsets = [2, 0], sizes = [1, 128], strides = [1, 1]} : vector<8x128xf32> to vector<1x128xf32>
    %mul3A_383 = vector.broadcast %slice3A_382 : vector<1x128xf32> to vector<160x128xf32>
    %mul3A_384 = arith.mulf %reshape3A_375, %mul3A_383 : vector<160x128xf32>
    %slice3A_385 = vector.extract_strided_slice %get3A_5 {offsets = [3, 0], sizes = [1, 128], strides = [1, 1]} : vector<8x128xf32> to vector<1x128xf32>
    %mul3A_386 = vector.broadcast %slice3A_385 : vector<1x128xf32> to vector<160x128xf32>
    %mul3A_387 = arith.mulf %reshape3A_375, %mul3A_386 : vector<160x128xf32>
    %concatenate3A_388 = tpu.concatenate %mul3A_378, %mul3A_381, %mul3A_384, %mul3A_387 in 0 : vector<160x128xf32>, vector<160x128xf32>, vector<160x128xf32>, vector<160x128xf32> -> vector<640x128xf32>
    %dot_general3A_389 = arith.constant dense<0.000000e+00> : vector<640x160xf32>
    %dot_general3A_390 = tpu.matmul %concatenate3A_388, %reshape3A_375, %dot_general3A_389 {dimension_numbers = #tpu.dot_dimension_numbers<[1], [1], [0], [0], [0, 0, 1, 0], [], []>, transpose_lhs_hint = false} : vector<640x128xf32>, vector<160x128xf32>, vector<640x160xf32> -> vector<640x160xf32>
    %slice3A_391 = vector.extract_strided_slice %get3A_9 {offsets = [0, 96, 0], sizes = [20, 8, 20], strides = [1, 1, 1]} : vector<20x256x20xi32> to vector<20x8x20xi32>
    %reshape3A_392 = vector.shape_cast %slice3A_391 : vector<20x8x20xi32> to vector<160x20xi32>
    %convert_element_type3A_393 = arith.sitofp %reshape3A_392 : vector<160x20xi32> to vector<160x20xf32>
    %dot_general3A_394 = arith.constant dense<0.000000e+00> : vector<160x160xf32>
    %dot_general3A_395 = tpu.matmul %convert_element_type3A_393, %convert_element_type3A_79, %dot_general3A_394 {dimension_numbers = #tpu.dot_dimension_numbers<[1], [0], [0], [1], [0, 0, 1, 1], [], []>, transpose_lhs_hint = false} : vector<160x20xf32>, vector<20x160xf32>, vector<160x160xf32> -> vector<160x160xf32>
    %jit3A_396 = arith.constant 5.000000e+00 : f32
    %broadcast_in_dim3A_397 = vector.broadcast %jit3A_396 : f32 to vector<160x160xf32>
    %select_n3A_398 = arith.select %eq3A_47, %dot_general3A_395, %broadcast_in_dim3A_397 : vector<160x160xi1>, vector<160x160xf32>
    %slice3A_399 = vector.extract_strided_slice %get3A_2 {offsets = [0, 104, 0], sizes = [20, 8, 128], strides = [1, 1, 1]} : vector<20x256x128xf32> to vector<20x8x128xf32>
    %reshape3A_400 = vector.shape_cast %slice3A_399 : vector<20x8x128xf32> to vector<160x128xf32>
    %slice3A_401 = vector.extract_strided_slice %get3A_5 {offsets = [0, 0], sizes = [1, 128], strides = [1, 1]} : vector<8x128xf32> to vector<1x128xf32>
    %mul3A_402 = vector.broadcast %slice3A_401 : vector<1x128xf32> to vector<160x128xf32>
    %mul3A_403 = arith.mulf %reshape3A_400, %mul3A_402 : vector<160x128xf32>
    %slice3A_404 = vector.extract_strided_slice %get3A_5 {offsets = [1, 0], sizes = [1, 128], strides = [1, 1]} : vector<8x128xf32> to vector<1x128xf32>
    %mul3A_405 = vector.broadcast %slice3A_404 : vector<1x128xf32> to vector<160x128xf32>
    %mul3A_406 = arith.mulf %reshape3A_400, %mul3A_405 : vector<160x128xf32>
    %slice3A_407 = vector.extract_strided_slice %get3A_5 {offsets = [2, 0], sizes = [1, 128], strides = [1, 1]} : vector<8x128xf32> to vector<1x128xf32>
    %mul3A_408 = vector.broadcast %slice3A_407 : vector<1x128xf32> to vector<160x128xf32>
    %mul3A_409 = arith.mulf %reshape3A_400, %mul3A_408 : vector<160x128xf32>
    %slice3A_410 = vector.extract_strided_slice %get3A_5 {offsets = [3, 0], sizes = [1, 128], strides = [1, 1]} : vector<8x128xf32> to vector<1x128xf32>
    %mul3A_411 = vector.broadcast %slice3A_410 : vector<1x128xf32> to vector<160x128xf32>
    %mul3A_412 = arith.mulf %reshape3A_400, %mul3A_411 : vector<160x128xf32>
    %concatenate3A_413 = tpu.concatenate %mul3A_403, %mul3A_406, %mul3A_409, %mul3A_412 in 0 : vector<160x128xf32>, vector<160x128xf32>, vector<160x128xf32>, vector<160x128xf32> -> vector<640x128xf32>
    %dot_general3A_414 = arith.constant dense<0.000000e+00> : vector<640x160xf32>
    %dot_general3A_415 = tpu.matmul %concatenate3A_413, %reshape3A_400, %dot_general3A_414 {dimension_numbers = #tpu.dot_dimension_numbers<[1], [1], [0], [0], [0, 0, 1, 0], [], []>, transpose_lhs_hint = false} : vector<640x128xf32>, vector<160x128xf32>, vector<640x160xf32> -> vector<640x160xf32>
    %slice3A_416 = vector.extract_strided_slice %get3A_9 {offsets = [0, 104, 0], sizes = [20, 8, 20], strides = [1, 1, 1]} : vector<20x256x20xi32> to vector<20x8x20xi32>
    %reshape3A_417 = vector.shape_cast %slice3A_416 : vector<20x8x20xi32> to vector<160x20xi32>
    %convert_element_type3A_418 = arith.sitofp %reshape3A_417 : vector<160x20xi32> to vector<160x20xf32>
    %dot_general3A_419 = arith.constant dense<0.000000e+00> : vector<160x160xf32>
    %dot_general3A_420 = tpu.matmul %convert_element_type3A_418, %convert_element_type3A_79, %dot_general3A_419 {dimension_numbers = #tpu.dot_dimension_numbers<[1], [0], [0], [1], [0, 0, 1, 1], [], []>, transpose_lhs_hint = false} : vector<160x20xf32>, vector<20x160xf32>, vector<160x160xf32> -> vector<160x160xf32>
    %jit3A_421 = arith.constant 5.000000e+00 : f32
    %broadcast_in_dim3A_422 = vector.broadcast %jit3A_421 : f32 to vector<160x160xf32>
    %select_n3A_423 = arith.select %eq3A_47, %dot_general3A_420, %broadcast_in_dim3A_422 : vector<160x160xi1>, vector<160x160xf32>
    %slice3A_424 = vector.extract_strided_slice %get3A_2 {offsets = [0, 112, 0], sizes = [20, 8, 128], strides = [1, 1, 1]} : vector<20x256x128xf32> to vector<20x8x128xf32>
    %reshape3A_425 = vector.shape_cast %slice3A_424 : vector<20x8x128xf32> to vector<160x128xf32>
    %slice3A_426 = vector.extract_strided_slice %get3A_5 {offsets = [0, 0], sizes = [1, 128], strides = [1, 1]} : vector<8x128xf32> to vector<1x128xf32>
    %mul3A_427 = vector.broadcast %slice3A_426 : vector<1x128xf32> to vector<160x128xf32>
    %mul3A_428 = arith.mulf %reshape3A_425, %mul3A_427 : vector<160x128xf32>
    %slice3A_429 = vector.extract_strided_slice %get3A_5 {offsets = [1, 0], sizes = [1, 128], strides = [1, 1]} : vector<8x128xf32> to vector<1x128xf32>
    %mul3A_430 = vector.broadcast %slice3A_429 : vector<1x128xf32> to vector<160x128xf32>
    %mul3A_431 = arith.mulf %reshape3A_425, %mul3A_430 : vector<160x128xf32>
    %slice3A_432 = vector.extract_strided_slice %get3A_5 {offsets = [2, 0], sizes = [1, 128], strides = [1, 1]} : vector<8x128xf32> to vector<1x128xf32>
    %mul3A_433 = vector.broadcast %slice3A_432 : vector<1x128xf32> to vector<160x128xf32>
    %mul3A_434 = arith.mulf %reshape3A_425, %mul3A_433 : vector<160x128xf32>
    %slice3A_435 = vector.extract_strided_slice %get3A_5 {offsets = [3, 0], sizes = [1, 128], strides = [1, 1]} : vector<8x128xf32> to vector<1x128xf32>
    %mul3A_436 = vector.broadcast %slice3A_435 : vector<1x128xf32> to vector<160x128xf32>
    %mul3A_437 = arith.mulf %reshape3A_425, %mul3A_436 : vector<160x128xf32>
    %concatenate3A_438 = tpu.concatenate %mul3A_428, %mul3A_431, %mul3A_434, %mul3A_437 in 0 : vector<160x128xf32>, vector<160x128xf32>, vector<160x128xf32>, vector<160x128xf32> -> vector<640x128xf32>
    %dot_general3A_439 = arith.constant dense<0.000000e+00> : vector<640x160xf32>
    %dot_general3A_440 = tpu.matmul %concatenate3A_438, %reshape3A_425, %dot_general3A_439 {dimension_numbers = #tpu.dot_dimension_numbers<[1], [1], [0], [0], [0, 0, 1, 0], [], []>, transpose_lhs_hint = false} : vector<640x128xf32>, vector<160x128xf32>, vector<640x160xf32> -> vector<640x160xf32>
    %slice3A_441 = vector.extract_strided_slice %get3A_9 {offsets = [0, 112, 0], sizes = [20, 8, 20], strides = [1, 1, 1]} : vector<20x256x20xi32> to vector<20x8x20xi32>
    %reshape3A_442 = vector.shape_cast %slice3A_441 : vector<20x8x20xi32> to vector<160x20xi32>
    %convert_element_type3A_443 = arith.sitofp %reshape3A_442 : vector<160x20xi32> to vector<160x20xf32>
    %dot_general3A_444 = arith.constant dense<0.000000e+00> : vector<160x160xf32>
    %dot_general3A_445 = tpu.matmul %convert_element_type3A_443, %convert_element_type3A_79, %dot_general3A_444 {dimension_numbers = #tpu.dot_dimension_numbers<[1], [0], [0], [1], [0, 0, 1, 1], [], []>, transpose_lhs_hint = false} : vector<160x20xf32>, vector<20x160xf32>, vector<160x160xf32> -> vector<160x160xf32>
    %jit3A_446 = arith.constant 5.000000e+00 : f32
    %broadcast_in_dim3A_447 = vector.broadcast %jit3A_446 : f32 to vector<160x160xf32>
    %select_n3A_448 = arith.select %eq3A_47, %dot_general3A_445, %broadcast_in_dim3A_447 : vector<160x160xi1>, vector<160x160xf32>
    %slice3A_449 = vector.extract_strided_slice %get3A_2 {offsets = [0, 120, 0], sizes = [20, 8, 128], strides = [1, 1, 1]} : vector<20x256x128xf32> to vector<20x8x128xf32>
    %reshape3A_450 = vector.shape_cast %slice3A_449 : vector<20x8x128xf32> to vector<160x128xf32>
    %slice3A_451 = vector.extract_strided_slice %get3A_5 {offsets = [0, 0], sizes = [1, 128], strides = [1, 1]} : vector<8x128xf32> to vector<1x128xf32>
    %mul3A_452 = vector.broadcast %slice3A_451 : vector<1x128xf32> to vector<160x128xf32>
    %mul3A_453 = arith.mulf %reshape3A_450, %mul3A_452 : vector<160x128xf32>
    %slice3A_454 = vector.extract_strided_slice %get3A_5 {offsets = [1, 0], sizes = [1, 128], strides = [1, 1]} : vector<8x128xf32> to vector<1x128xf32>
    %mul3A_455 = vector.broadcast %slice3A_454 : vector<1x128xf32> to vector<160x128xf32>
    %mul3A_456 = arith.mulf %reshape3A_450, %mul3A_455 : vector<160x128xf32>
    %slice3A_457 = vector.extract_strided_slice %get3A_5 {offsets = [2, 0], sizes = [1, 128], strides = [1, 1]} : vector<8x128xf32> to vector<1x128xf32>
    %mul3A_458 = vector.broadcast %slice3A_457 : vector<1x128xf32> to vector<160x128xf32>
    %mul3A_459 = arith.mulf %reshape3A_450, %mul3A_458 : vector<160x128xf32>
    %slice3A_460 = vector.extract_strided_slice %get3A_5 {offsets = [3, 0], sizes = [1, 128], strides = [1, 1]} : vector<8x128xf32> to vector<1x128xf32>
    %mul3A_461 = vector.broadcast %slice3A_460 : vector<1x128xf32> to vector<160x128xf32>
    %mul3A_462 = arith.mulf %reshape3A_450, %mul3A_461 : vector<160x128xf32>
    %concatenate3A_463 = tpu.concatenate %mul3A_453, %mul3A_456, %mul3A_459, %mul3A_462 in 0 : vector<160x128xf32>, vector<160x128xf32>, vector<160x128xf32>, vector<160x128xf32> -> vector<640x128xf32>
    %dot_general3A_464 = arith.constant dense<0.000000e+00> : vector<640x160xf32>
    %dot_general3A_465 = tpu.matmul %concatenate3A_463, %reshape3A_450, %dot_general3A_464 {dimension_numbers = #tpu.dot_dimension_numbers<[1], [1], [0], [0], [0, 0, 1, 0], [], []>, transpose_lhs_hint = false} : vector<640x128xf32>, vector<160x128xf32>, vector<640x160xf32> -> vector<640x160xf32>
    %slice3A_466 = vector.extract_strided_slice %get3A_9 {offsets = [0, 120, 0], sizes = [20, 8, 20], strides = [1, 1, 1]} : vector<20x256x20xi32> to vector<20x8x20xi32>
    %reshape3A_467 = vector.shape_cast %slice3A_466 : vector<20x8x20xi32> to vector<160x20xi32>
    %convert_element_type3A_468 = arith.sitofp %reshape3A_467 : vector<160x20xi32> to vector<160x20xf32>
    %dot_general3A_469 = arith.constant dense<0.000000e+00> : vector<160x160xf32>
    %dot_general3A_470 = tpu.matmul %convert_element_type3A_468, %convert_element_type3A_79, %dot_general3A_469 {dimension_numbers = #tpu.dot_dimension_numbers<[1], [0], [0], [1], [0, 0, 1, 1], [], []>, transpose_lhs_hint = false} : vector<160x20xf32>, vector<20x160xf32>, vector<160x160xf32> -> vector<160x160xf32>
    %jit3A_471 = arith.constant 5.000000e+00 : f32
    %broadcast_in_dim3A_472 = vector.broadcast %jit3A_471 : f32 to vector<160x160xf32>
    %select_n3A_473 = arith.select %eq3A_47, %dot_general3A_470, %broadcast_in_dim3A_472 : vector<160x160xi1>, vector<160x160xf32>
    %slice3A_474 = vector.extract_strided_slice %get3A_2 {offsets = [0, 128, 0], sizes = [20, 8, 128], strides = [1, 1, 1]} : vector<20x256x128xf32> to vector<20x8x128xf32>
    %reshape3A_475 = vector.shape_cast %slice3A_474 : vector<20x8x128xf32> to vector<160x128xf32>
    %slice3A_476 = vector.extract_strided_slice %get3A_5 {offsets = [0, 0], sizes = [1, 128], strides = [1, 1]} : vector<8x128xf32> to vector<1x128xf32>
    %mul3A_477 = vector.broadcast %slice3A_476 : vector<1x128xf32> to vector<160x128xf32>
    %mul3A_478 = arith.mulf %reshape3A_475, %mul3A_477 : vector<160x128xf32>
    %slice3A_479 = vector.extract_strided_slice %get3A_5 {offsets = [1, 0], sizes = [1, 128], strides = [1, 1]} : vector<8x128xf32> to vector<1x128xf32>
    %mul3A_480 = vector.broadcast %slice3A_479 : vector<1x128xf32> to vector<160x128xf32>
    %mul3A_481 = arith.mulf %reshape3A_475, %mul3A_480 : vector<160x128xf32>
    %slice3A_482 = vector.extract_strided_slice %get3A_5 {offsets = [2, 0], sizes = [1, 128], strides = [1, 1]} : vector<8x128xf32> to vector<1x128xf32>
    %mul3A_483 = vector.broadcast %slice3A_482 : vector<1x128xf32> to vector<160x128xf32>
    %mul3A_484 = arith.mulf %reshape3A_475, %mul3A_483 : vector<160x128xf32>
    %slice3A_485 = vector.extract_strided_slice %get3A_5 {offsets = [3, 0], sizes = [1, 128], strides = [1, 1]} : vector<8x128xf32> to vector<1x128xf32>
    %mul3A_486 = vector.broadcast %slice3A_485 : vector<1x128xf32> to vector<160x128xf32>
    %mul3A_487 = arith.mulf %reshape3A_475, %mul3A_486 : vector<160x128xf32>
    %concatenate3A_488 = tpu.concatenate %mul3A_478, %mul3A_481, %mul3A_484, %mul3A_487 in 0 : vector<160x128xf32>, vector<160x128xf32>, vector<160x128xf32>, vector<160x128xf32> -> vector<640x128xf32>
    %dot_general3A_489 = arith.constant dense<0.000000e+00> : vector<640x160xf32>
    %dot_general3A_490 = tpu.matmul %concatenate3A_488, %reshape3A_475, %dot_general3A_489 {dimension_numbers = #tpu.dot_dimension_numbers<[1], [1], [0], [0], [0, 0, 1, 0], [], []>, transpose_lhs_hint = false} : vector<640x128xf32>, vector<160x128xf32>, vector<640x160xf32> -> vector<640x160xf32>
    %slice3A_491 = vector.extract_strided_slice %get3A_9 {offsets = [0, 128, 0], sizes = [20, 8, 20], strides = [1, 1, 1]} : vector<20x256x20xi32> to vector<20x8x20xi32>
    %reshape3A_492 = vector.shape_cast %slice3A_491 : vector<20x8x20xi32> to vector<160x20xi32>
    %convert_element_type3A_493 = arith.sitofp %reshape3A_492 : vector<160x20xi32> to vector<160x20xf32>
    %dot_general3A_494 = arith.constant dense<0.000000e+00> : vector<160x160xf32>
    %dot_general3A_495 = tpu.matmul %convert_element_type3A_493, %convert_element_type3A_79, %dot_general3A_494 {dimension_numbers = #tpu.dot_dimension_numbers<[1], [0], [0], [1], [0, 0, 1, 1], [], []>, transpose_lhs_hint = false} : vector<160x20xf32>, vector<20x160xf32>, vector<160x160xf32> -> vector<160x160xf32>
    %jit3A_496 = arith.constant 5.000000e+00 : f32
    %broadcast_in_dim3A_497 = vector.broadcast %jit3A_496 : f32 to vector<160x160xf32>
    %select_n3A_498 = arith.select %eq3A_47, %dot_general3A_495, %broadcast_in_dim3A_497 : vector<160x160xi1>, vector<160x160xf32>
    %slice3A_499 = vector.extract_strided_slice %get3A_2 {offsets = [0, 136, 0], sizes = [20, 8, 128], strides = [1, 1, 1]} : vector<20x256x128xf32> to vector<20x8x128xf32>
    %reshape3A_500 = vector.shape_cast %slice3A_499 : vector<20x8x128xf32> to vector<160x128xf32>
    %slice3A_501 = vector.extract_strided_slice %get3A_5 {offsets = [0, 0], sizes = [1, 128], strides = [1, 1]} : vector<8x128xf32> to vector<1x128xf32>
    %mul3A_502 = vector.broadcast %slice3A_501 : vector<1x128xf32> to vector<160x128xf32>
    %mul3A_503 = arith.mulf %reshape3A_500, %mul3A_502 : vector<160x128xf32>
    %slice3A_504 = vector.extract_strided_slice %get3A_5 {offsets = [1, 0], sizes = [1, 128], strides = [1, 1]} : vector<8x128xf32> to vector<1x128xf32>
    %mul3A_505 = vector.broadcast %slice3A_504 : vector<1x128xf32> to vector<160x128xf32>
    %mul3A_506 = arith.mulf %reshape3A_500, %mul3A_505 : vector<160x128xf32>
    %slice3A_507 = vector.extract_strided_slice %get3A_5 {offsets = [2, 0], sizes = [1, 128], strides = [1, 1]} : vector<8x128xf32> to vector<1x128xf32>
    %mul3A_508 = vector.broadcast %slice3A_507 : vector<1x128xf32> to vector<160x128xf32>
    %mul3A_509 = arith.mulf %reshape3A_500, %mul3A_508 : vector<160x128xf32>
    %slice3A_510 = vector.extract_strided_slice %get3A_5 {offsets = [3, 0], sizes = [1, 128], strides = [1, 1]} : vector<8x128xf32> to vector<1x128xf32>
    %mul3A_511 = vector.broadcast %slice3A_510 : vector<1x128xf32> to vector<160x128xf32>
    %mul3A_512 = arith.mulf %reshape3A_500, %mul3A_511 : vector<160x128xf32>
    %concatenate3A_513 = tpu.concatenate %mul3A_503, %mul3A_506, %mul3A_509, %mul3A_512 in 0 : vector<160x128xf32>, vector<160x128xf32>, vector<160x128xf32>, vector<160x128xf32> -> vector<640x128xf32>
    %dot_general3A_514 = arith.constant dense<0.000000e+00> : vector<640x160xf32>
    %dot_general3A_515 = tpu.matmul %concatenate3A_513, %reshape3A_500, %dot_general3A_514 {dimension_numbers = #tpu.dot_dimension_numbers<[1], [1], [0], [0], [0, 0, 1, 0], [], []>, transpose_lhs_hint = false} : vector<640x128xf32>, vector<160x128xf32>, vector<640x160xf32> -> vector<640x160xf32>
    %slice3A_516 = vector.extract_strided_slice %get3A_9 {offsets = [0, 136, 0], sizes = [20, 8, 20], strides = [1, 1, 1]} : vector<20x256x20xi32> to vector<20x8x20xi32>
    %reshape3A_517 = vector.shape_cast %slice3A_516 : vector<20x8x20xi32> to vector<160x20xi32>
    %convert_element_type3A_518 = arith.sitofp %reshape3A_517 : vector<160x20xi32> to vector<160x20xf32>
    %dot_general3A_519 = arith.constant dense<0.000000e+00> : vector<160x160xf32>
    %dot_general3A_520 = tpu.matmul %convert_element_type3A_518, %convert_element_type3A_79, %dot_general3A_519 {dimension_numbers = #tpu.dot_dimension_numbers<[1], [0], [0], [1], [0, 0, 1, 1], [], []>, transpose_lhs_hint = false} : vector<160x20xf32>, vector<20x160xf32>, vector<160x160xf32> -> vector<160x160xf32>
    %jit3A_521 = arith.constant 5.000000e+00 : f32
    %broadcast_in_dim3A_522 = vector.broadcast %jit3A_521 : f32 to vector<160x160xf32>
    %select_n3A_523 = arith.select %eq3A_47, %dot_general3A_520, %broadcast_in_dim3A_522 : vector<160x160xi1>, vector<160x160xf32>
    %slice3A_524 = vector.extract_strided_slice %get3A_2 {offsets = [0, 144, 0], sizes = [20, 8, 128], strides = [1, 1, 1]} : vector<20x256x128xf32> to vector<20x8x128xf32>
    %reshape3A_525 = vector.shape_cast %slice3A_524 : vector<20x8x128xf32> to vector<160x128xf32>
    %slice3A_526 = vector.extract_strided_slice %get3A_5 {offsets = [0, 0], sizes = [1, 128], strides = [1, 1]} : vector<8x128xf32> to vector<1x128xf32>
    %mul3A_527 = vector.broadcast %slice3A_526 : vector<1x128xf32> to vector<160x128xf32>
    %mul3A_528 = arith.mulf %reshape3A_525, %mul3A_527 : vector<160x128xf32>
    %slice3A_529 = vector.extract_strided_slice %get3A_5 {offsets = [1, 0], sizes = [1, 128], strides = [1, 1]} : vector<8x128xf32> to vector<1x128xf32>
    %mul3A_530 = vector.broadcast %slice3A_529 : vector<1x128xf32> to vector<160x128xf32>
    %mul3A_531 = arith.mulf %reshape3A_525, %mul3A_530 : vector<160x128xf32>
    %slice3A_532 = vector.extract_strided_slice %get3A_5 {offsets = [2, 0], sizes = [1, 128], strides = [1, 1]} : vector<8x128xf32> to vector<1x128xf32>
    %mul3A_533 = vector.broadcast %slice3A_532 : vector<1x128xf32> to vector<160x128xf32>
    %mul3A_534 = arith.mulf %reshape3A_525, %mul3A_533 : vector<160x128xf32>
    %slice3A_535 = vector.extract_strided_slice %get3A_5 {offsets = [3, 0], sizes = [1, 128], strides = [1, 1]} : vector<8x128xf32> to vector<1x128xf32>
    %mul3A_536 = vector.broadcast %slice3A_535 : vector<1x128xf32> to vector<160x128xf32>
    %mul3A_537 = arith.mulf %reshape3A_525, %mul3A_536 : vector<160x128xf32>
    %concatenate3A_538 = tpu.concatenate %mul3A_528, %mul3A_531, %mul3A_534, %mul3A_537 in 0 : vector<160x128xf32>, vector<160x128xf32>, vector<160x128xf32>, vector<160x128xf32> -> vector<640x128xf32>
    %dot_general3A_539 = arith.constant dense<0.000000e+00> : vector<640x160xf32>
    %dot_general3A_540 = tpu.matmul %concatenate3A_538, %reshape3A_525, %dot_general3A_539 {dimension_numbers = #tpu.dot_dimension_numbers<[1], [1], [0], [0], [0, 0, 1, 0], [], []>, transpose_lhs_hint = false} : vector<640x128xf32>, vector<160x128xf32>, vector<640x160xf32> -> vector<640x160xf32>
    %slice3A_541 = vector.extract_strided_slice %get3A_9 {offsets = [0, 144, 0], sizes = [20, 8, 20], strides = [1, 1, 1]} : vector<20x256x20xi32> to vector<20x8x20xi32>
    %reshape3A_542 = vector.shape_cast %slice3A_541 : vector<20x8x20xi32> to vector<160x20xi32>
    %convert_element_type3A_543 = arith.sitofp %reshape3A_542 : vector<160x20xi32> to vector<160x20xf32>
    %dot_general3A_544 = arith.constant dense<0.000000e+00> : vector<160x160xf32>
    %dot_general3A_545 = tpu.matmul %convert_element_type3A_543, %convert_element_type3A_79, %dot_general3A_544 {dimension_numbers = #tpu.dot_dimension_numbers<[1], [0], [0], [1], [0, 0, 1, 1], [], []>, transpose_lhs_hint = false} : vector<160x20xf32>, vector<20x160xf32>, vector<160x160xf32> -> vector<160x160xf32>
    %jit3A_546 = arith.constant 5.000000e+00 : f32
    %broadcast_in_dim3A_547 = vector.broadcast %jit3A_546 : f32 to vector<160x160xf32>
    %select_n3A_548 = arith.select %eq3A_47, %dot_general3A_545, %broadcast_in_dim3A_547 : vector<160x160xi1>, vector<160x160xf32>
    %slice3A_549 = vector.extract_strided_slice %get3A_2 {offsets = [0, 152, 0], sizes = [20, 8, 128], strides = [1, 1, 1]} : vector<20x256x128xf32> to vector<20x8x128xf32>
    %reshape3A_550 = vector.shape_cast %slice3A_549 : vector<20x8x128xf32> to vector<160x128xf32>
    %slice3A_551 = vector.extract_strided_slice %get3A_5 {offsets = [0, 0], sizes = [1, 128], strides = [1, 1]} : vector<8x128xf32> to vector<1x128xf32>
    %mul3A_552 = vector.broadcast %slice3A_551 : vector<1x128xf32> to vector<160x128xf32>
    %mul3A_553 = arith.mulf %reshape3A_550, %mul3A_552 : vector<160x128xf32>
    %slice3A_554 = vector.extract_strided_slice %get3A_5 {offsets = [1, 0], sizes = [1, 128], strides = [1, 1]} : vector<8x128xf32> to vector<1x128xf32>
    %mul3A_555 = vector.broadcast %slice3A_554 : vector<1x128xf32> to vector<160x128xf32>
    %mul3A_556 = arith.mulf %reshape3A_550, %mul3A_555 : vector<160x128xf32>
    %slice3A_557 = vector.extract_strided_slice %get3A_5 {offsets = [2, 0], sizes = [1, 128], strides = [1, 1]} : vector<8x128xf32> to vector<1x128xf32>
    %mul3A_558 = vector.broadcast %slice3A_557 : vector<1x128xf32> to vector<160x128xf32>
    %mul3A_559 = arith.mulf %reshape3A_550, %mul3A_558 : vector<160x128xf32>
    %slice3A_560 = vector.extract_strided_slice %get3A_5 {offsets = [3, 0], sizes = [1, 128], strides = [1, 1]} : vector<8x128xf32> to vector<1x128xf32>
    %mul3A_561 = vector.broadcast %slice3A_560 : vector<1x128xf32> to vector<160x128xf32>
    %mul3A_562 = arith.mulf %reshape3A_550, %mul3A_561 : vector<160x128xf32>
    %concatenate3A_563 = tpu.concatenate %mul3A_553, %mul3A_556, %mul3A_559, %mul3A_562 in 0 : vector<160x128xf32>, vector<160x128xf32>, vector<160x128xf32>, vector<160x128xf32> -> vector<640x128xf32>
    %dot_general3A_564 = arith.constant dense<0.000000e+00> : vector<640x160xf32>
    %dot_general3A_565 = tpu.matmul %concatenate3A_563, %reshape3A_550, %dot_general3A_564 {dimension_numbers = #tpu.dot_dimension_numbers<[1], [1], [0], [0], [0, 0, 1, 0], [], []>, transpose_lhs_hint = false} : vector<640x128xf32>, vector<160x128xf32>, vector<640x160xf32> -> vector<640x160xf32>
    %slice3A_566 = vector.extract_strided_slice %get3A_9 {offsets = [0, 152, 0], sizes = [20, 8, 20], strides = [1, 1, 1]} : vector<20x256x20xi32> to vector<20x8x20xi32>
    %reshape3A_567 = vector.shape_cast %slice3A_566 : vector<20x8x20xi32> to vector<160x20xi32>
    %convert_element_type3A_568 = arith.sitofp %reshape3A_567 : vector<160x20xi32> to vector<160x20xf32>
    %dot_general3A_569 = arith.constant dense<0.000000e+00> : vector<160x160xf32>
    %dot_general3A_570 = tpu.matmul %convert_element_type3A_568, %convert_element_type3A_79, %dot_general3A_569 {dimension_numbers = #tpu.dot_dimension_numbers<[1], [0], [0], [1], [0, 0, 1, 1], [], []>, transpose_lhs_hint = false} : vector<160x20xf32>, vector<20x160xf32>, vector<160x160xf32> -> vector<160x160xf32>
    %jit3A_571 = arith.constant 5.000000e+00 : f32
    %broadcast_in_dim3A_572 = vector.broadcast %jit3A_571 : f32 to vector<160x160xf32>
    %select_n3A_573 = arith.select %eq3A_47, %dot_general3A_570, %broadcast_in_dim3A_572 : vector<160x160xi1>, vector<160x160xf32>
    %slice3A_574 = vector.extract_strided_slice %get3A_2 {offsets = [0, 160, 0], sizes = [20, 8, 128], strides = [1, 1, 1]} : vector<20x256x128xf32> to vector<20x8x128xf32>
    %reshape3A_575 = vector.shape_cast %slice3A_574 : vector<20x8x128xf32> to vector<160x128xf32>
    %slice3A_576 = vector.extract_strided_slice %get3A_5 {offsets = [0, 0], sizes = [1, 128], strides = [1, 1]} : vector<8x128xf32> to vector<1x128xf32>
    %mul3A_577 = vector.broadcast %slice3A_576 : vector<1x128xf32> to vector<160x128xf32>
    %mul3A_578 = arith.mulf %reshape3A_575, %mul3A_577 : vector<160x128xf32>
    %slice3A_579 = vector.extract_strided_slice %get3A_5 {offsets = [1, 0], sizes = [1, 128], strides = [1, 1]} : vector<8x128xf32> to vector<1x128xf32>
    %mul3A_580 = vector.broadcast %slice3A_579 : vector<1x128xf32> to vector<160x128xf32>
    %mul3A_581 = arith.mulf %reshape3A_575, %mul3A_580 : vector<160x128xf32>
    %slice3A_582 = vector.extract_strided_slice %get3A_5 {offsets = [2, 0], sizes = [1, 128], strides = [1, 1]} : vector<8x128xf32> to vector<1x128xf32>
    %mul3A_583 = vector.broadcast %slice3A_582 : vector<1x128xf32> to vector<160x128xf32>
    %mul3A_584 = arith.mulf %reshape3A_575, %mul3A_583 : vector<160x128xf32>
    %slice3A_585 = vector.extract_strided_slice %get3A_5 {offsets = [3, 0], sizes = [1, 128], strides = [1, 1]} : vector<8x128xf32> to vector<1x128xf32>
    %mul3A_586 = vector.broadcast %slice3A_585 : vector<1x128xf32> to vector<160x128xf32>
    %mul3A_587 = arith.mulf %reshape3A_575, %mul3A_586 : vector<160x128xf32>
    %concatenate3A_588 = tpu.concatenate %mul3A_578, %mul3A_581, %mul3A_584, %mul3A_587 in 0 : vector<160x128xf32>, vector<160x128xf32>, vector<160x128xf32>, vector<160x128xf32> -> vector<640x128xf32>
    %dot_general3A_589 = arith.constant dense<0.000000e+00> : vector<640x160xf32>
    %dot_general3A_590 = tpu.matmul %concatenate3A_588, %reshape3A_575, %dot_general3A_589 {dimension_numbers = #tpu.dot_dimension_numbers<[1], [1], [0], [0], [0, 0, 1, 0], [], []>, transpose_lhs_hint = false} : vector<640x128xf32>, vector<160x128xf32>, vector<640x160xf32> -> vector<640x160xf32>
    %slice3A_591 = vector.extract_strided_slice %get3A_9 {offsets = [0, 160, 0], sizes = [20, 8, 20], strides = [1, 1, 1]} : vector<20x256x20xi32> to vector<20x8x20xi32>
    %reshape3A_592 = vector.shape_cast %slice3A_591 : vector<20x8x20xi32> to vector<160x20xi32>
    %convert_element_type3A_593 = arith.sitofp %reshape3A_592 : vector<160x20xi32> to vector<160x20xf32>
    %dot_general3A_594 = arith.constant dense<0.000000e+00> : vector<160x160xf32>
    %dot_general3A_595 = tpu.matmul %convert_element_type3A_593, %convert_element_type3A_79, %dot_general3A_594 {dimension_numbers = #tpu.dot_dimension_numbers<[1], [0], [0], [1], [0, 0, 1, 1], [], []>, transpose_lhs_hint = false} : vector<160x20xf32>, vector<20x160xf32>, vector<160x160xf32> -> vector<160x160xf32>
    %jit3A_596 = arith.constant 5.000000e+00 : f32
    %broadcast_in_dim3A_597 = vector.broadcast %jit3A_596 : f32 to vector<160x160xf32>
    %select_n3A_598 = arith.select %eq3A_47, %dot_general3A_595, %broadcast_in_dim3A_597 : vector<160x160xi1>, vector<160x160xf32>
    %slice3A_599 = vector.extract_strided_slice %get3A_2 {offsets = [0, 168, 0], sizes = [20, 8, 128], strides = [1, 1, 1]} : vector<20x256x128xf32> to vector<20x8x128xf32>
    %reshape3A_600 = vector.shape_cast %slice3A_599 : vector<20x8x128xf32> to vector<160x128xf32>
    %slice3A_601 = vector.extract_strided_slice %get3A_5 {offsets = [0, 0], sizes = [1, 128], strides = [1, 1]} : vector<8x128xf32> to vector<1x128xf32>
    %mul3A_602 = vector.broadcast %slice3A_601 : vector<1x128xf32> to vector<160x128xf32>
    %mul3A_603 = arith.mulf %reshape3A_600, %mul3A_602 : vector<160x128xf32>
    %slice3A_604 = vector.extract_strided_slice %get3A_5 {offsets = [1, 0], sizes = [1, 128], strides = [1, 1]} : vector<8x128xf32> to vector<1x128xf32>
    %mul3A_605 = vector.broadcast %slice3A_604 : vector<1x128xf32> to vector<160x128xf32>
    %mul3A_606 = arith.mulf %reshape3A_600, %mul3A_605 : vector<160x128xf32>
    %slice3A_607 = vector.extract_strided_slice %get3A_5 {offsets = [2, 0], sizes = [1, 128], strides = [1, 1]} : vector<8x128xf32> to vector<1x128xf32>
    %mul3A_608 = vector.broadcast %slice3A_607 : vector<1x128xf32> to vector<160x128xf32>
    %mul3A_609 = arith.mulf %reshape3A_600, %mul3A_608 : vector<160x128xf32>
    %slice3A_610 = vector.extract_strided_slice %get3A_5 {offsets = [3, 0], sizes = [1, 128], strides = [1, 1]} : vector<8x128xf32> to vector<1x128xf32>
    %mul3A_611 = vector.broadcast %slice3A_610 : vector<1x128xf32> to vector<160x128xf32>
    %mul3A_612 = arith.mulf %reshape3A_600, %mul3A_611 : vector<160x128xf32>
    %concatenate3A_613 = tpu.concatenate %mul3A_603, %mul3A_606, %mul3A_609, %mul3A_612 in 0 : vector<160x128xf32>, vector<160x128xf32>, vector<160x128xf32>, vector<160x128xf32> -> vector<640x128xf32>
    %dot_general3A_614 = arith.constant dense<0.000000e+00> : vector<640x160xf32>
    %dot_general3A_615 = tpu.matmul %concatenate3A_613, %reshape3A_600, %dot_general3A_614 {dimension_numbers = #tpu.dot_dimension_numbers<[1], [1], [0], [0], [0, 0, 1, 0], [], []>, transpose_lhs_hint = false} : vector<640x128xf32>, vector<160x128xf32>, vector<640x160xf32> -> vector<640x160xf32>
    %slice3A_616 = vector.extract_strided_slice %get3A_9 {offsets = [0, 168, 0], sizes = [20, 8, 20], strides = [1, 1, 1]} : vector<20x256x20xi32> to vector<20x8x20xi32>
    %reshape3A_617 = vector.shape_cast %slice3A_616 : vector<20x8x20xi32> to vector<160x20xi32>
    %convert_element_type3A_618 = arith.sitofp %reshape3A_617 : vector<160x20xi32> to vector<160x20xf32>
    %dot_general3A_619 = arith.constant dense<0.000000e+00> : vector<160x160xf32>
    %dot_general3A_620 = tpu.matmul %convert_element_type3A_618, %convert_element_type3A_79, %dot_general3A_619 {dimension_numbers = #tpu.dot_dimension_numbers<[1], [0], [0], [1], [0, 0, 1, 1], [], []>, transpose_lhs_hint = false} : vector<160x20xf32>, vector<20x160xf32>, vector<160x160xf32> -> vector<160x160xf32>
    %jit3A_621 = arith.constant 5.000000e+00 : f32
    %broadcast_in_dim3A_622 = vector.broadcast %jit3A_621 : f32 to vector<160x160xf32>
    %select_n3A_623 = arith.select %eq3A_47, %dot_general3A_620, %broadcast_in_dim3A_622 : vector<160x160xi1>, vector<160x160xf32>
    %slice3A_624 = vector.extract_strided_slice %get3A_2 {offsets = [0, 176, 0], sizes = [20, 8, 128], strides = [1, 1, 1]} : vector<20x256x128xf32> to vector<20x8x128xf32>
    %reshape3A_625 = vector.shape_cast %slice3A_624 : vector<20x8x128xf32> to vector<160x128xf32>
    %slice3A_626 = vector.extract_strided_slice %get3A_5 {offsets = [0, 0], sizes = [1, 128], strides = [1, 1]} : vector<8x128xf32> to vector<1x128xf32>
    %mul3A_627 = vector.broadcast %slice3A_626 : vector<1x128xf32> to vector<160x128xf32>
    %mul3A_628 = arith.mulf %reshape3A_625, %mul3A_627 : vector<160x128xf32>
    %slice3A_629 = vector.extract_strided_slice %get3A_5 {offsets = [1, 0], sizes = [1, 128], strides = [1, 1]} : vector<8x128xf32> to vector<1x128xf32>
    %mul3A_630 = vector.broadcast %slice3A_629 : vector<1x128xf32> to vector<160x128xf32>
    %mul3A_631 = arith.mulf %reshape3A_625, %mul3A_630 : vector<160x128xf32>
    %slice3A_632 = vector.extract_strided_slice %get3A_5 {offsets = [2, 0], sizes = [1, 128], strides = [1, 1]} : vector<8x128xf32> to vector<1x128xf32>
    %mul3A_633 = vector.broadcast %slice3A_632 : vector<1x128xf32> to vector<160x128xf32>
    %mul3A_634 = arith.mulf %reshape3A_625, %mul3A_633 : vector<160x128xf32>
    %slice3A_635 = vector.extract_strided_slice %get3A_5 {offsets = [3, 0], sizes = [1, 128], strides = [1, 1]} : vector<8x128xf32> to vector<1x128xf32>
    %mul3A_636 = vector.broadcast %slice3A_635 : vector<1x128xf32> to vector<160x128xf32>
    %mul3A_637 = arith.mulf %reshape3A_625, %mul3A_636 : vector<160x128xf32>
    %concatenate3A_638 = tpu.concatenate %mul3A_628, %mul3A_631, %mul3A_634, %mul3A_637 in 0 : vector<160x128xf32>, vector<160x128xf32>, vector<160x128xf32>, vector<160x128xf32> -> vector<640x128xf32>
    %dot_general3A_639 = arith.constant dense<0.000000e+00> : vector<640x160xf32>
    %dot_general3A_640 = tpu.matmul %concatenate3A_638, %reshape3A_625, %dot_general3A_639 {dimension_numbers = #tpu.dot_dimension_numbers<[1], [1], [0], [0], [0, 0, 1, 0], [], []>, transpose_lhs_hint = false} : vector<640x128xf32>, vector<160x128xf32>, vector<640x160xf32> -> vector<640x160xf32>
    %slice3A_641 = vector.extract_strided_slice %get3A_9 {offsets = [0, 176, 0], sizes = [20, 8, 20], strides = [1, 1, 1]} : vector<20x256x20xi32> to vector<20x8x20xi32>
    %reshape3A_642 = vector.shape_cast %slice3A_641 : vector<20x8x20xi32> to vector<160x20xi32>
    %convert_element_type3A_643 = arith.sitofp %reshape3A_642 : vector<160x20xi32> to vector<160x20xf32>
    %dot_general3A_644 = arith.constant dense<0.000000e+00> : vector<160x160xf32>
    %dot_general3A_645 = tpu.matmul %convert_element_type3A_643, %convert_element_type3A_79, %dot_general3A_644 {dimension_numbers = #tpu.dot_dimension_numbers<[1], [0], [0], [1], [0, 0, 1, 1], [], []>, transpose_lhs_hint = false} : vector<160x20xf32>, vector<20x160xf32>, vector<160x160xf32> -> vector<160x160xf32>
    %jit3A_646 = arith.constant 5.000000e+00 : f32
    %broadcast_in_dim3A_647 = vector.broadcast %jit3A_646 : f32 to vector<160x160xf32>
    %select_n3A_648 = arith.select %eq3A_47, %dot_general3A_645, %broadcast_in_dim3A_647 : vector<160x160xi1>, vector<160x160xf32>
    %slice3A_649 = vector.extract_strided_slice %get3A_2 {offsets = [0, 184, 0], sizes = [20, 8, 128], strides = [1, 1, 1]} : vector<20x256x128xf32> to vector<20x8x128xf32>
    %reshape3A_650 = vector.shape_cast %slice3A_649 : vector<20x8x128xf32> to vector<160x128xf32>
    %slice3A_651 = vector.extract_strided_slice %get3A_5 {offsets = [0, 0], sizes = [1, 128], strides = [1, 1]} : vector<8x128xf32> to vector<1x128xf32>
    %mul3A_652 = vector.broadcast %slice3A_651 : vector<1x128xf32> to vector<160x128xf32>
    %mul3A_653 = arith.mulf %reshape3A_650, %mul3A_652 : vector<160x128xf32>
    %slice3A_654 = vector.extract_strided_slice %get3A_5 {offsets = [1, 0], sizes = [1, 128], strides = [1, 1]} : vector<8x128xf32> to vector<1x128xf32>
    %mul3A_655 = vector.broadcast %slice3A_654 : vector<1x128xf32> to vector<160x128xf32>
    %mul3A_656 = arith.mulf %reshape3A_650, %mul3A_655 : vector<160x128xf32>
    %slice3A_657 = vector.extract_strided_slice %get3A_5 {offsets = [2, 0], sizes = [1, 128], strides = [1, 1]} : vector<8x128xf32> to vector<1x128xf32>
    %mul3A_658 = vector.broadcast %slice3A_657 : vector<1x128xf32> to vector<160x128xf32>
    %mul3A_659 = arith.mulf %reshape3A_650, %mul3A_658 : vector<160x128xf32>
    %slice3A_660 = vector.extract_strided_slice %get3A_5 {offsets = [3, 0], sizes = [1, 128], strides = [1, 1]} : vector<8x128xf32> to vector<1x128xf32>
    %mul3A_661 = vector.broadcast %slice3A_660 : vector<1x128xf32> to vector<160x128xf32>
    %mul3A_662 = arith.mulf %reshape3A_650, %mul3A_661 : vector<160x128xf32>
    %concatenate3A_663 = tpu.concatenate %mul3A_653, %mul3A_656, %mul3A_659, %mul3A_662 in 0 : vector<160x128xf32>, vector<160x128xf32>, vector<160x128xf32>, vector<160x128xf32> -> vector<640x128xf32>
    %dot_general3A_664 = arith.constant dense<0.000000e+00> : vector<640x160xf32>
    %dot_general3A_665 = tpu.matmul %concatenate3A_663, %reshape3A_650, %dot_general3A_664 {dimension_numbers = #tpu.dot_dimension_numbers<[1], [1], [0], [0], [0, 0, 1, 0], [], []>, transpose_lhs_hint = false} : vector<640x128xf32>, vector<160x128xf32>, vector<640x160xf32> -> vector<640x160xf32>
    %slice3A_666 = vector.extract_strided_slice %get3A_9 {offsets = [0, 184, 0], sizes = [20, 8, 20], strides = [1, 1, 1]} : vector<20x256x20xi32> to vector<20x8x20xi32>
    %reshape3A_667 = vector.shape_cast %slice3A_666 : vector<20x8x20xi32> to vector<160x20xi32>
    %convert_element_type3A_668 = arith.sitofp %reshape3A_667 : vector<160x20xi32> to vector<160x20xf32>
    %dot_general3A_669 = arith.constant dense<0.000000e+00> : vector<160x160xf32>
    %dot_general3A_670 = tpu.matmul %convert_element_type3A_668, %convert_element_type3A_79, %dot_general3A_669 {dimension_numbers = #tpu.dot_dimension_numbers<[1], [0], [0], [1], [0, 0, 1, 1], [], []>, transpose_lhs_hint = false} : vector<160x20xf32>, vector<20x160xf32>, vector<160x160xf32> -> vector<160x160xf32>
    %jit3A_671 = arith.constant 5.000000e+00 : f32
    %broadcast_in_dim3A_672 = vector.broadcast %jit3A_671 : f32 to vector<160x160xf32>
    %select_n3A_673 = arith.select %eq3A_47, %dot_general3A_670, %broadcast_in_dim3A_672 : vector<160x160xi1>, vector<160x160xf32>
    %slice3A_674 = vector.extract_strided_slice %get3A_2 {offsets = [0, 192, 0], sizes = [20, 8, 128], strides = [1, 1, 1]} : vector<20x256x128xf32> to vector<20x8x128xf32>
    %reshape3A_675 = vector.shape_cast %slice3A_674 : vector<20x8x128xf32> to vector<160x128xf32>
    %slice3A_676 = vector.extract_strided_slice %get3A_5 {offsets = [0, 0], sizes = [1, 128], strides = [1, 1]} : vector<8x128xf32> to vector<1x128xf32>
    %mul3A_677 = vector.broadcast %slice3A_676 : vector<1x128xf32> to vector<160x128xf32>
    %mul3A_678 = arith.mulf %reshape3A_675, %mul3A_677 : vector<160x128xf32>
    %slice3A_679 = vector.extract_strided_slice %get3A_5 {offsets = [1, 0], sizes = [1, 128], strides = [1, 1]} : vector<8x128xf32> to vector<1x128xf32>
    %mul3A_680 = vector.broadcast %slice3A_679 : vector<1x128xf32> to vector<160x128xf32>
    %mul3A_681 = arith.mulf %reshape3A_675, %mul3A_680 : vector<160x128xf32>
    %slice3A_682 = vector.extract_strided_slice %get3A_5 {offsets = [2, 0], sizes = [1, 128], strides = [1, 1]} : vector<8x128xf32> to vector<1x128xf32>
    %mul3A_683 = vector.broadcast %slice3A_682 : vector<1x128xf32> to vector<160x128xf32>
    %mul3A_684 = arith.mulf %reshape3A_675, %mul3A_683 : vector<160x128xf32>
    %slice3A_685 = vector.extract_strided_slice %get3A_5 {offsets = [3, 0], sizes = [1, 128], strides = [1, 1]} : vector<8x128xf32> to vector<1x128xf32>
    %mul3A_686 = vector.broadcast %slice3A_685 : vector<1x128xf32> to vector<160x128xf32>
    %mul3A_687 = arith.mulf %reshape3A_675, %mul3A_686 : vector<160x128xf32>
    %concatenate3A_688 = tpu.concatenate %mul3A_678, %mul3A_681, %mul3A_684, %mul3A_687 in 0 : vector<160x128xf32>, vector<160x128xf32>, vector<160x128xf32>, vector<160x128xf32> -> vector<640x128xf32>
    %dot_general3A_689 = arith.constant dense<0.000000e+00> : vector<640x160xf32>
    %dot_general3A_690 = tpu.matmul %concatenate3A_688, %reshape3A_675, %dot_general3A_689 {dimension_numbers = #tpu.dot_dimension_numbers<[1], [1], [0], [0], [0, 0, 1, 0], [], []>, transpose_lhs_hint = false} : vector<640x128xf32>, vector<160x128xf32>, vector<640x160xf32> -> vector<640x160xf32>
    %slice3A_691 = vector.extract_strided_slice %get3A_9 {offsets = [0, 192, 0], sizes = [20, 8, 20], strides = [1, 1, 1]} : vector<20x256x20xi32> to vector<20x8x20xi32>
    %reshape3A_692 = vector.shape_cast %slice3A_691 : vector<20x8x20xi32> to vector<160x20xi32>
    %convert_element_type3A_693 = arith.sitofp %reshape3A_692 : vector<160x20xi32> to vector<160x20xf32>
    %dot_general3A_694 = arith.constant dense<0.000000e+00> : vector<160x160xf32>
    %dot_general3A_695 = tpu.matmul %convert_element_type3A_693, %convert_element_type3A_79, %dot_general3A_694 {dimension_numbers = #tpu.dot_dimension_numbers<[1], [0], [0], [1], [0, 0, 1, 1], [], []>, transpose_lhs_hint = false} : vector<160x20xf32>, vector<20x160xf32>, vector<160x160xf32> -> vector<160x160xf32>
    %jit3A_696 = arith.constant 5.000000e+00 : f32
    %broadcast_in_dim3A_697 = vector.broadcast %jit3A_696 : f32 to vector<160x160xf32>
    %select_n3A_698 = arith.select %eq3A_47, %dot_general3A_695, %broadcast_in_dim3A_697 : vector<160x160xi1>, vector<160x160xf32>
    %slice3A_699 = vector.extract_strided_slice %get3A_2 {offsets = [0, 200, 0], sizes = [20, 8, 128], strides = [1, 1, 1]} : vector<20x256x128xf32> to vector<20x8x128xf32>
    %reshape3A_700 = vector.shape_cast %slice3A_699 : vector<20x8x128xf32> to vector<160x128xf32>
    %slice3A_701 = vector.extract_strided_slice %get3A_5 {offsets = [0, 0], sizes = [1, 128], strides = [1, 1]} : vector<8x128xf32> to vector<1x128xf32>
    %mul3A_702 = vector.broadcast %slice3A_701 : vector<1x128xf32> to vector<160x128xf32>
    %mul3A_703 = arith.mulf %reshape3A_700, %mul3A_702 : vector<160x128xf32>
    %slice3A_704 = vector.extract_strided_slice %get3A_5 {offsets = [1, 0], sizes = [1, 128], strides = [1, 1]} : vector<8x128xf32> to vector<1x128xf32>
    %mul3A_705 = vector.broadcast %slice3A_704 : vector<1x128xf32> to vector<160x128xf32>
    %mul3A_706 = arith.mulf %reshape3A_700, %mul3A_705 : vector<160x128xf32>
    %slice3A_707 = vector.extract_strided_slice %get3A_5 {offsets = [2, 0], sizes = [1, 128], strides = [1, 1]} : vector<8x128xf32> to vector<1x128xf32>
    %mul3A_708 = vector.broadcast %slice3A_707 : vector<1x128xf32> to vector<160x128xf32>
    %mul3A_709 = arith.mulf %reshape3A_700, %mul3A_708 : vector<160x128xf32>
    %slice3A_710 = vector.extract_strided_slice %get3A_5 {offsets = [3, 0], sizes = [1, 128], strides = [1, 1]} : vector<8x128xf32> to vector<1x128xf32>
    %mul3A_711 = vector.broadcast %slice3A_710 : vector<1x128xf32> to vector<160x128xf32>
    %mul3A_712 = arith.mulf %reshape3A_700, %mul3A_711 : vector<160x128xf32>
    %concatenate3A_713 = tpu.concatenate %mul3A_703, %mul3A_706, %mul3A_709, %mul3A_712 in 0 : vector<160x128xf32>, vector<160x128xf32>, vector<160x128xf32>, vector<160x128xf32> -> vector<640x128xf32>
    %dot_general3A_714 = arith.constant dense<0.000000e+00> : vector<640x160xf32>
    %dot_general3A_715 = tpu.matmul %concatenate3A_713, %reshape3A_700, %dot_general3A_714 {dimension_numbers = #tpu.dot_dimension_numbers<[1], [1], [0], [0], [0, 0, 1, 0], [], []>, transpose_lhs_hint = false} : vector<640x128xf32>, vector<160x128xf32>, vector<640x160xf32> -> vector<640x160xf32>
    %slice3A_716 = vector.extract_strided_slice %get3A_9 {offsets = [0, 200, 0], sizes = [20, 8, 20], strides = [1, 1, 1]} : vector<20x256x20xi32> to vector<20x8x20xi32>
    %reshape3A_717 = vector.shape_cast %slice3A_716 : vector<20x8x20xi32> to vector<160x20xi32>
    %convert_element_type3A_718 = arith.sitofp %reshape3A_717 : vector<160x20xi32> to vector<160x20xf32>
    %dot_general3A_719 = arith.constant dense<0.000000e+00> : vector<160x160xf32>
    %dot_general3A_720 = tpu.matmul %convert_element_type3A_718, %convert_element_type3A_79, %dot_general3A_719 {dimension_numbers = #tpu.dot_dimension_numbers<[1], [0], [0], [1], [0, 0, 1, 1], [], []>, transpose_lhs_hint = false} : vector<160x20xf32>, vector<20x160xf32>, vector<160x160xf32> -> vector<160x160xf32>
    %jit3A_721 = arith.constant 5.000000e+00 : f32
    %broadcast_in_dim3A_722 = vector.broadcast %jit3A_721 : f32 to vector<160x160xf32>
    %select_n3A_723 = arith.select %eq3A_47, %dot_general3A_720, %broadcast_in_dim3A_722 : vector<160x160xi1>, vector<160x160xf32>
    %slice3A_724 = vector.extract_strided_slice %get3A_2 {offsets = [0, 208, 0], sizes = [20, 8, 128], strides = [1, 1, 1]} : vector<20x256x128xf32> to vector<20x8x128xf32>
    %reshape3A_725 = vector.shape_cast %slice3A_724 : vector<20x8x128xf32> to vector<160x128xf32>
    %slice3A_726 = vector.extract_strided_slice %get3A_5 {offsets = [0, 0], sizes = [1, 128], strides = [1, 1]} : vector<8x128xf32> to vector<1x128xf32>
    %mul3A_727 = vector.broadcast %slice3A_726 : vector<1x128xf32> to vector<160x128xf32>
    %mul3A_728 = arith.mulf %reshape3A_725, %mul3A_727 : vector<160x128xf32>
    %slice3A_729 = vector.extract_strided_slice %get3A_5 {offsets = [1, 0], sizes = [1, 128], strides = [1, 1]} : vector<8x128xf32> to vector<1x128xf32>
    %mul3A_730 = vector.broadcast %slice3A_729 : vector<1x128xf32> to vector<160x128xf32>
    %mul3A_731 = arith.mulf %reshape3A_725, %mul3A_730 : vector<160x128xf32>
    %slice3A_732 = vector.extract_strided_slice %get3A_5 {offsets = [2, 0], sizes = [1, 128], strides = [1, 1]} : vector<8x128xf32> to vector<1x128xf32>
    %mul3A_733 = vector.broadcast %slice3A_732 : vector<1x128xf32> to vector<160x128xf32>
    %mul3A_734 = arith.mulf %reshape3A_725, %mul3A_733 : vector<160x128xf32>
    %slice3A_735 = vector.extract_strided_slice %get3A_5 {offsets = [3, 0], sizes = [1, 128], strides = [1, 1]} : vector<8x128xf32> to vector<1x128xf32>
    %mul3A_736 = vector.broadcast %slice3A_735 : vector<1x128xf32> to vector<160x128xf32>
    %mul3A_737 = arith.mulf %reshape3A_725, %mul3A_736 : vector<160x128xf32>
    %concatenate3A_738 = tpu.concatenate %mul3A_728, %mul3A_731, %mul3A_734, %mul3A_737 in 0 : vector<160x128xf32>, vector<160x128xf32>, vector<160x128xf32>, vector<160x128xf32> -> vector<640x128xf32>
    %dot_general3A_739 = arith.constant dense<0.000000e+00> : vector<640x160xf32>
    %dot_general3A_740 = tpu.matmul %concatenate3A_738, %reshape3A_725, %dot_general3A_739 {dimension_numbers = #tpu.dot_dimension_numbers<[1], [1], [0], [0], [0, 0, 1, 0], [], []>, transpose_lhs_hint = false} : vector<640x128xf32>, vector<160x128xf32>, vector<640x160xf32> -> vector<640x160xf32>
    %slice3A_741 = vector.extract_strided_slice %get3A_9 {offsets = [0, 208, 0], sizes = [20, 8, 20], strides = [1, 1, 1]} : vector<20x256x20xi32> to vector<20x8x20xi32>
    %reshape3A_742 = vector.shape_cast %slice3A_741 : vector<20x8x20xi32> to vector<160x20xi32>
    %convert_element_type3A_743 = arith.sitofp %reshape3A_742 : vector<160x20xi32> to vector<160x20xf32>
    %dot_general3A_744 = arith.constant dense<0.000000e+00> : vector<160x160xf32>
    %dot_general3A_745 = tpu.matmul %convert_element_type3A_743, %convert_element_type3A_79, %dot_general3A_744 {dimension_numbers = #tpu.dot_dimension_numbers<[1], [0], [0], [1], [0, 0, 1, 1], [], []>, transpose_lhs_hint = false} : vector<160x20xf32>, vector<20x160xf32>, vector<160x160xf32> -> vector<160x160xf32>
    %jit3A_746 = arith.constant 5.000000e+00 : f32
    %broadcast_in_dim3A_747 = vector.broadcast %jit3A_746 : f32 to vector<160x160xf32>
    %select_n3A_748 = arith.select %eq3A_47, %dot_general3A_745, %broadcast_in_dim3A_747 : vector<160x160xi1>, vector<160x160xf32>
    %slice3A_749 = vector.extract_strided_slice %get3A_2 {offsets = [0, 216, 0], sizes = [20, 8, 128], strides = [1, 1, 1]} : vector<20x256x128xf32> to vector<20x8x128xf32>
    %reshape3A_750 = vector.shape_cast %slice3A_749 : vector<20x8x128xf32> to vector<160x128xf32>
    %slice3A_751 = vector.extract_strided_slice %get3A_5 {offsets = [0, 0], sizes = [1, 128], strides = [1, 1]} : vector<8x128xf32> to vector<1x128xf32>
    %mul3A_752 = vector.broadcast %slice3A_751 : vector<1x128xf32> to vector<160x128xf32>
    %mul3A_753 = arith.mulf %reshape3A_750, %mul3A_752 : vector<160x128xf32>
    %slice3A_754 = vector.extract_strided_slice %get3A_5 {offsets = [1, 0], sizes = [1, 128], strides = [1, 1]} : vector<8x128xf32> to vector<1x128xf32>
    %mul3A_755 = vector.broadcast %slice3A_754 : vector<1x128xf32> to vector<160x128xf32>
    %mul3A_756 = arith.mulf %reshape3A_750, %mul3A_755 : vector<160x128xf32>
    %slice3A_757 = vector.extract_strided_slice %get3A_5 {offsets = [2, 0], sizes = [1, 128], strides = [1, 1]} : vector<8x128xf32> to vector<1x128xf32>
    %mul3A_758 = vector.broadcast %slice3A_757 : vector<1x128xf32> to vector<160x128xf32>
    %mul3A_759 = arith.mulf %reshape3A_750, %mul3A_758 : vector<160x128xf32>
    %slice3A_760 = vector.extract_strided_slice %get3A_5 {offsets = [3, 0], sizes = [1, 128], strides = [1, 1]} : vector<8x128xf32> to vector<1x128xf32>
    %mul3A_761 = vector.broadcast %slice3A_760 : vector<1x128xf32> to vector<160x128xf32>
    %mul3A_762 = arith.mulf %reshape3A_750, %mul3A_761 : vector<160x128xf32>
    %concatenate3A_763 = tpu.concatenate %mul3A_753, %mul3A_756, %mul3A_759, %mul3A_762 in 0 : vector<160x128xf32>, vector<160x128xf32>, vector<160x128xf32>, vector<160x128xf32> -> vector<640x128xf32>
    %dot_general3A_764 = arith.constant dense<0.000000e+00> : vector<640x160xf32>
    %dot_general3A_765 = tpu.matmul %concatenate3A_763, %reshape3A_750, %dot_general3A_764 {dimension_numbers = #tpu.dot_dimension_numbers<[1], [1], [0], [0], [0, 0, 1, 0], [], []>, transpose_lhs_hint = false} : vector<640x128xf32>, vector<160x128xf32>, vector<640x160xf32> -> vector<640x160xf32>
    %slice3A_766 = vector.extract_strided_slice %get3A_9 {offsets = [0, 216, 0], sizes = [20, 8, 20], strides = [1, 1, 1]} : vector<20x256x20xi32> to vector<20x8x20xi32>
    %reshape3A_767 = vector.shape_cast %slice3A_766 : vector<20x8x20xi32> to vector<160x20xi32>
    %convert_element_type3A_768 = arith.sitofp %reshape3A_767 : vector<160x20xi32> to vector<160x20xf32>
    %dot_general3A_769 = arith.constant dense<0.000000e+00> : vector<160x160xf32>
    %dot_general3A_770 = tpu.matmul %convert_element_type3A_768, %convert_element_type3A_79, %dot_general3A_769 {dimension_numbers = #tpu.dot_dimension_numbers<[1], [0], [0], [1], [0, 0, 1, 1], [], []>, transpose_lhs_hint = false} : vector<160x20xf32>, vector<20x160xf32>, vector<160x160xf32> -> vector<160x160xf32>
    %jit3A_771 = arith.constant 5.000000e+00 : f32
    %broadcast_in_dim3A_772 = vector.broadcast %jit3A_771 : f32 to vector<160x160xf32>
    %select_n3A_773 = arith.select %eq3A_47, %dot_general3A_770, %broadcast_in_dim3A_772 : vector<160x160xi1>, vector<160x160xf32>
    %slice3A_774 = vector.extract_strided_slice %get3A_2 {offsets = [0, 224, 0], sizes = [20, 8, 128], strides = [1, 1, 1]} : vector<20x256x128xf32> to vector<20x8x128xf32>
    %reshape3A_775 = vector.shape_cast %slice3A_774 : vector<20x8x128xf32> to vector<160x128xf32>
    %slice3A_776 = vector.extract_strided_slice %get3A_5 {offsets = [0, 0], sizes = [1, 128], strides = [1, 1]} : vector<8x128xf32> to vector<1x128xf32>
    %mul3A_777 = vector.broadcast %slice3A_776 : vector<1x128xf32> to vector<160x128xf32>
    %mul3A_778 = arith.mulf %reshape3A_775, %mul3A_777 : vector<160x128xf32>
    %slice3A_779 = vector.extract_strided_slice %get3A_5 {offsets = [1, 0], sizes = [1, 128], strides = [1, 1]} : vector<8x128xf32> to vector<1x128xf32>
    %mul3A_780 = vector.broadcast %slice3A_779 : vector<1x128xf32> to vector<160x128xf32>
    %mul3A_781 = arith.mulf %reshape3A_775, %mul3A_780 : vector<160x128xf32>
    %slice3A_782 = vector.extract_strided_slice %get3A_5 {offsets = [2, 0], sizes = [1, 128], strides = [1, 1]} : vector<8x128xf32> to vector<1x128xf32>
    %mul3A_783 = vector.broadcast %slice3A_782 : vector<1x128xf32> to vector<160x128xf32>
    %mul3A_784 = arith.mulf %reshape3A_775, %mul3A_783 : vector<160x128xf32>
    %slice3A_785 = vector.extract_strided_slice %get3A_5 {offsets = [3, 0], sizes = [1, 128], strides = [1, 1]} : vector<8x128xf32> to vector<1x128xf32>
    %mul3A_786 = vector.broadcast %slice3A_785 : vector<1x128xf32> to vector<160x128xf32>
    %mul3A_787 = arith.mulf %reshape3A_775, %mul3A_786 : vector<160x128xf32>
    %concatenate3A_788 = tpu.concatenate %mul3A_778, %mul3A_781, %mul3A_784, %mul3A_787 in 0 : vector<160x128xf32>, vector<160x128xf32>, vector<160x128xf32>, vector<160x128xf32> -> vector<640x128xf32>
    %dot_general3A_789 = arith.constant dense<0.000000e+00> : vector<640x160xf32>
    %dot_general3A_790 = tpu.matmul %concatenate3A_788, %reshape3A_775, %dot_general3A_789 {dimension_numbers = #tpu.dot_dimension_numbers<[1], [1], [0], [0], [0, 0, 1, 0], [], []>, transpose_lhs_hint = false} : vector<640x128xf32>, vector<160x128xf32>, vector<640x160xf32> -> vector<640x160xf32>
    %slice3A_791 = vector.extract_strided_slice %get3A_9 {offsets = [0, 224, 0], sizes = [20, 8, 20], strides = [1, 1, 1]} : vector<20x256x20xi32> to vector<20x8x20xi32>
    %reshape3A_792 = vector.shape_cast %slice3A_791 : vector<20x8x20xi32> to vector<160x20xi32>
    %convert_element_type3A_793 = arith.sitofp %reshape3A_792 : vector<160x20xi32> to vector<160x20xf32>
    %dot_general3A_794 = arith.constant dense<0.000000e+00> : vector<160x160xf32>
    %dot_general3A_795 = tpu.matmul %convert_element_type3A_793, %convert_element_type3A_79, %dot_general3A_794 {dimension_numbers = #tpu.dot_dimension_numbers<[1], [0], [0], [1], [0, 0, 1, 1], [], []>, transpose_lhs_hint = false} : vector<160x20xf32>, vector<20x160xf32>, vector<160x160xf32> -> vector<160x160xf32>
    %jit3A_796 = arith.constant 5.000000e+00 : f32
    %broadcast_in_dim3A_797 = vector.broadcast %jit3A_796 : f32 to vector<160x160xf32>
    %select_n3A_798 = arith.select %eq3A_47, %dot_general3A_795, %broadcast_in_dim3A_797 : vector<160x160xi1>, vector<160x160xf32>
    %slice3A_799 = vector.extract_strided_slice %get3A_2 {offsets = [0, 232, 0], sizes = [20, 8, 128], strides = [1, 1, 1]} : vector<20x256x128xf32> to vector<20x8x128xf32>
    %reshape3A_800 = vector.shape_cast %slice3A_799 : vector<20x8x128xf32> to vector<160x128xf32>
    %slice3A_801 = vector.extract_strided_slice %get3A_5 {offsets = [0, 0], sizes = [1, 128], strides = [1, 1]} : vector<8x128xf32> to vector<1x128xf32>
    %mul3A_802 = vector.broadcast %slice3A_801 : vector<1x128xf32> to vector<160x128xf32>
    %mul3A_803 = arith.mulf %reshape3A_800, %mul3A_802 : vector<160x128xf32>
    %slice3A_804 = vector.extract_strided_slice %get3A_5 {offsets = [1, 0], sizes = [1, 128], strides = [1, 1]} : vector<8x128xf32> to vector<1x128xf32>
    %mul3A_805 = vector.broadcast %slice3A_804 : vector<1x128xf32> to vector<160x128xf32>
    %mul3A_806 = arith.mulf %reshape3A_800, %mul3A_805 : vector<160x128xf32>
    %slice3A_807 = vector.extract_strided_slice %get3A_5 {offsets = [2, 0], sizes = [1, 128], strides = [1, 1]} : vector<8x128xf32> to vector<1x128xf32>
    %mul3A_808 = vector.broadcast %slice3A_807 : vector<1x128xf32> to vector<160x128xf32>
    %mul3A_809 = arith.mulf %reshape3A_800, %mul3A_808 : vector<160x128xf32>
    %slice3A_810 = vector.extract_strided_slice %get3A_5 {offsets = [3, 0], sizes = [1, 128], strides = [1, 1]} : vector<8x128xf32> to vector<1x128xf32>
    %mul3A_811 = vector.broadcast %slice3A_810 : vector<1x128xf32> to vector<160x128xf32>
    %mul3A_812 = arith.mulf %reshape3A_800, %mul3A_811 : vector<160x128xf32>
    %concatenate3A_813 = tpu.concatenate %mul3A_803, %mul3A_806, %mul3A_809, %mul3A_812 in 0 : vector<160x128xf32>, vector<160x128xf32>, vector<160x128xf32>, vector<160x128xf32> -> vector<640x128xf32>
    %dot_general3A_814 = arith.constant dense<0.000000e+00> : vector<640x160xf32>
    %dot_general3A_815 = tpu.matmul %concatenate3A_813, %reshape3A_800, %dot_general3A_814 {dimension_numbers = #tpu.dot_dimension_numbers<[1], [1], [0], [0], [0, 0, 1, 0], [], []>, transpose_lhs_hint = false} : vector<640x128xf32>, vector<160x128xf32>, vector<640x160xf32> -> vector<640x160xf32>
    %slice3A_816 = vector.extract_strided_slice %get3A_9 {offsets = [0, 232, 0], sizes = [20, 8, 20], strides = [1, 1, 1]} : vector<20x256x20xi32> to vector<20x8x20xi32>
    %reshape3A_817 = vector.shape_cast %slice3A_816 : vector<20x8x20xi32> to vector<160x20xi32>
    %convert_element_type3A_818 = arith.sitofp %reshape3A_817 : vector<160x20xi32> to vector<160x20xf32>
    %dot_general3A_819 = arith.constant dense<0.000000e+00> : vector<160x160xf32>
    %dot_general3A_820 = tpu.matmul %convert_element_type3A_818, %convert_element_type3A_79, %dot_general3A_819 {dimension_numbers = #tpu.dot_dimension_numbers<[1], [0], [0], [1], [0, 0, 1, 1], [], []>, transpose_lhs_hint = false} : vector<160x20xf32>, vector<20x160xf32>, vector<160x160xf32> -> vector<160x160xf32>
    %jit3A_821 = arith.constant 5.000000e+00 : f32
    %broadcast_in_dim3A_822 = vector.broadcast %jit3A_821 : f32 to vector<160x160xf32>
    %select_n3A_823 = arith.select %eq3A_47, %dot_general3A_820, %broadcast_in_dim3A_822 : vector<160x160xi1>, vector<160x160xf32>
    %slice3A_824 = vector.extract_strided_slice %get3A_2 {offsets = [0, 240, 0], sizes = [20, 8, 128], strides = [1, 1, 1]} : vector<20x256x128xf32> to vector<20x8x128xf32>
    %reshape3A_825 = vector.shape_cast %slice3A_824 : vector<20x8x128xf32> to vector<160x128xf32>
    %slice3A_826 = vector.extract_strided_slice %get3A_5 {offsets = [0, 0], sizes = [1, 128], strides = [1, 1]} : vector<8x128xf32> to vector<1x128xf32>
    %mul3A_827 = vector.broadcast %slice3A_826 : vector<1x128xf32> to vector<160x128xf32>
    %mul3A_828 = arith.mulf %reshape3A_825, %mul3A_827 : vector<160x128xf32>
    %slice3A_829 = vector.extract_strided_slice %get3A_5 {offsets = [1, 0], sizes = [1, 128], strides = [1, 1]} : vector<8x128xf32> to vector<1x128xf32>
    %mul3A_830 = vector.broadcast %slice3A_829 : vector<1x128xf32> to vector<160x128xf32>
    %mul3A_831 = arith.mulf %reshape3A_825, %mul3A_830 : vector<160x128xf32>
    %slice3A_832 = vector.extract_strided_slice %get3A_5 {offsets = [2, 0], sizes = [1, 128], strides = [1, 1]} : vector<8x128xf32> to vector<1x128xf32>
    %mul3A_833 = vector.broadcast %slice3A_832 : vector<1x128xf32> to vector<160x128xf32>
    %mul3A_834 = arith.mulf %reshape3A_825, %mul3A_833 : vector<160x128xf32>
    %slice3A_835 = vector.extract_strided_slice %get3A_5 {offsets = [3, 0], sizes = [1, 128], strides = [1, 1]} : vector<8x128xf32> to vector<1x128xf32>
    %mul3A_836 = vector.broadcast %slice3A_835 : vector<1x128xf32> to vector<160x128xf32>
    %mul3A_837 = arith.mulf %reshape3A_825, %mul3A_836 : vector<160x128xf32>
    %concatenate3A_838 = tpu.concatenate %mul3A_828, %mul3A_831, %mul3A_834, %mul3A_837 in 0 : vector<160x128xf32>, vector<160x128xf32>, vector<160x128xf32>, vector<160x128xf32> -> vector<640x128xf32>
    %dot_general3A_839 = arith.constant dense<0.000000e+00> : vector<640x160xf32>
    %dot_general3A_840 = tpu.matmul %concatenate3A_838, %reshape3A_825, %dot_general3A_839 {dimension_numbers = #tpu.dot_dimension_numbers<[1], [1], [0], [0], [0, 0, 1, 0], [], []>, transpose_lhs_hint = false} : vector<640x128xf32>, vector<160x128xf32>, vector<640x160xf32> -> vector<640x160xf32>
    %slice3A_841 = vector.extract_strided_slice %get3A_9 {offsets = [0, 240, 0], sizes = [20, 8, 20], strides = [1, 1, 1]} : vector<20x256x20xi32> to vector<20x8x20xi32>
    %reshape3A_842 = vector.shape_cast %slice3A_841 : vector<20x8x20xi32> to vector<160x20xi32>
    %convert_element_type3A_843 = arith.sitofp %reshape3A_842 : vector<160x20xi32> to vector<160x20xf32>
    %dot_general3A_844 = arith.constant dense<0.000000e+00> : vector<160x160xf32>
    %dot_general3A_845 = tpu.matmul %convert_element_type3A_843, %convert_element_type3A_79, %dot_general3A_844 {dimension_numbers = #tpu.dot_dimension_numbers<[1], [0], [0], [1], [0, 0, 1, 1], [], []>, transpose_lhs_hint = false} : vector<160x20xf32>, vector<20x160xf32>, vector<160x160xf32> -> vector<160x160xf32>
    %jit3A_846 = arith.constant 5.000000e+00 : f32
    %broadcast_in_dim3A_847 = vector.broadcast %jit3A_846 : f32 to vector<160x160xf32>
    %select_n3A_848 = arith.select %eq3A_47, %dot_general3A_845, %broadcast_in_dim3A_847 : vector<160x160xi1>, vector<160x160xf32>
    %slice3A_849 = vector.extract_strided_slice %get3A_2 {offsets = [0, 248, 0], sizes = [20, 8, 128], strides = [1, 1, 1]} : vector<20x256x128xf32> to vector<20x8x128xf32>
    %reshape3A_850 = vector.shape_cast %slice3A_849 : vector<20x8x128xf32> to vector<160x128xf32>
    %slice3A_851 = vector.extract_strided_slice %get3A_5 {offsets = [0, 0], sizes = [1, 128], strides = [1, 1]} : vector<8x128xf32> to vector<1x128xf32>
    %mul3A_852 = vector.broadcast %slice3A_851 : vector<1x128xf32> to vector<160x128xf32>
    %mul3A_853 = arith.mulf %reshape3A_850, %mul3A_852 : vector<160x128xf32>
    %slice3A_854 = vector.extract_strided_slice %get3A_5 {offsets = [1, 0], sizes = [1, 128], strides = [1, 1]} : vector<8x128xf32> to vector<1x128xf32>
    %mul3A_855 = vector.broadcast %slice3A_854 : vector<1x128xf32> to vector<160x128xf32>
    %mul3A_856 = arith.mulf %reshape3A_850, %mul3A_855 : vector<160x128xf32>
    %slice3A_857 = vector.extract_strided_slice %get3A_5 {offsets = [2, 0], sizes = [1, 128], strides = [1, 1]} : vector<8x128xf32> to vector<1x128xf32>
    %mul3A_858 = vector.broadcast %slice3A_857 : vector<1x128xf32> to vector<160x128xf32>
    %mul3A_859 = arith.mulf %reshape3A_850, %mul3A_858 : vector<160x128xf32>
    %slice3A_860 = vector.extract_strided_slice %get3A_5 {offsets = [3, 0], sizes = [1, 128], strides = [1, 1]} : vector<8x128xf32> to vector<1x128xf32>
    %mul3A_861 = vector.broadcast %slice3A_860 : vector<1x128xf32> to vector<160x128xf32>
    %mul3A_862 = arith.mulf %reshape3A_850, %mul3A_861 : vector<160x128xf32>
    %concatenate3A_863 = tpu.concatenate %mul3A_853, %mul3A_856, %mul3A_859, %mul3A_862 in 0 : vector<160x128xf32>, vector<160x128xf32>, vector<160x128xf32>, vector<160x128xf32> -> vector<640x128xf32>
    %dot_general3A_864 = arith.constant dense<0.000000e+00> : vector<640x160xf32>
    %dot_general3A_865 = tpu.matmul %concatenate3A_863, %reshape3A_850, %dot_general3A_864 {dimension_numbers = #tpu.dot_dimension_numbers<[1], [1], [0], [0], [0, 0, 1, 0], [], []>, transpose_lhs_hint = false} : vector<640x128xf32>, vector<160x128xf32>, vector<640x160xf32> -> vector<640x160xf32>
    %slice3A_866 = vector.extract_strided_slice %get3A_9 {offsets = [0, 248, 0], sizes = [20, 8, 20], strides = [1, 1, 1]} : vector<20x256x20xi32> to vector<20x8x20xi32>
    %reshape3A_867 = vector.shape_cast %slice3A_866 : vector<20x8x20xi32> to vector<160x20xi32>
    %convert_element_type3A_868 = arith.sitofp %reshape3A_867 : vector<160x20xi32> to vector<160x20xf32>
    %dot_general3A_869 = arith.constant dense<0.000000e+00> : vector<160x160xf32>
    %dot_general3A_870 = tpu.matmul %convert_element_type3A_868, %convert_element_type3A_79, %dot_general3A_869 {dimension_numbers = #tpu.dot_dimension_numbers<[1], [0], [0], [1], [0, 0, 1, 1], [], []>, transpose_lhs_hint = false} : vector<160x20xf32>, vector<20x160xf32>, vector<160x160xf32> -> vector<160x160xf32>
    %jit3A_871 = arith.constant 5.000000e+00 : f32
    %broadcast_in_dim3A_872 = vector.broadcast %jit3A_871 : f32 to vector<160x160xf32>
    %select_n3A_873 = arith.select %eq3A_47, %dot_general3A_870, %broadcast_in_dim3A_872 : vector<160x160xi1>, vector<160x160xf32>
    %eq3A_874 = arith.constant 1.000000e+00 : f32
    %eq3A_875 = vector.broadcast %eq3A_874 : f32 to vector<160x160xf32>
    %eq3A_876 = arith.cmpf oeq, %select_n3A_98, %eq3A_875 : vector<160x160xf32>
    %slice3A_877 = vector.extract_strided_slice %dot_general3A_91 {offsets = [0, 0], sizes = [160, 160], strides = [1, 1]} : vector<640x160xf32> to vector<160x160xf32>
    %eq3A_878 = arith.constant 2.000000e+00 : f32
    %eq3A_879 = vector.broadcast %eq3A_878 : f32 to vector<160x160xf32>
    %eq3A_880 = arith.cmpf oeq, %select_n3A_98, %eq3A_879 : vector<160x160xf32>
    %slice3A_881 = vector.extract_strided_slice %dot_general3A_91 {offsets = [160, 0], sizes = [160, 160], strides = [1, 1]} : vector<640x160xf32> to vector<160x160xf32>
    %eq3A_882 = arith.constant 3.000000e+00 : f32
    %eq3A_883 = vector.broadcast %eq3A_882 : f32 to vector<160x160xf32>
    %eq3A_884 = arith.cmpf oeq, %select_n3A_98, %eq3A_883 : vector<160x160xf32>
    %slice3A_885 = vector.extract_strided_slice %dot_general3A_91 {offsets = [320, 0], sizes = [160, 160], strides = [1, 1]} : vector<640x160xf32> to vector<160x160xf32>
    %eq3A_886 = arith.constant 4.000000e+00 : f32
    %eq3A_887 = vector.broadcast %eq3A_886 : f32 to vector<160x160xf32>
    %eq3A_888 = arith.cmpf oeq, %select_n3A_98, %eq3A_887 : vector<160x160xf32>
    %slice3A_889 = vector.extract_strided_slice %dot_general3A_91 {offsets = [480, 0], sizes = [160, 160], strides = [1, 1]} : vector<640x160xf32> to vector<160x160xf32>
    %eq3A_890 = arith.constant 5.000000e+00 : f32
    %eq3A_891 = vector.broadcast %eq3A_890 : f32 to vector<160x160xf32>
    %eq3A_892 = arith.cmpf oeq, %select_n3A_98, %eq3A_891 : vector<160x160xf32>
    %jit3A_893 = arith.constant 0xFF800000 : f32
    %jit3A_894 = arith.constant -9.000000e+15 : f32
    %broadcast_in_dim3A_895 = vector.broadcast %jit3A_893 : f32 to vector<160x160xf32>
    %broadcast_in_dim3A_896 = vector.broadcast %jit3A_894 : f32 to vector<160x160xf32>
    %select_n3A_897 = arith.select %eq3A_892, %broadcast_in_dim3A_895, %broadcast_in_dim3A_896 : vector<160x160xi1>, vector<160x160xf32>
    %select_n3A_898 = arith.select %eq3A_888, %slice3A_889, %select_n3A_897 : vector<160x160xi1>, vector<160x160xf32>
    %select_n3A_899 = arith.select %eq3A_884, %slice3A_885, %select_n3A_898 : vector<160x160xi1>, vector<160x160xf32>
    %select_n3A_900 = arith.select %eq3A_880, %slice3A_881, %select_n3A_899 : vector<160x160xi1>, vector<160x160xf32>
    %select_n3A_901 = arith.select %eq3A_876, %slice3A_877, %select_n3A_900 : vector<160x160xi1>, vector<160x160xf32>
    %ge3A = arith.constant 0.000000e+00 : f32
    %ge3A_902 = vector.broadcast %ge3A : f32 to vector<160x160xf32>
    %ge3A_903 = arith.cmpf oge, %select_n3A_901, %ge3A_902 : vector<160x160xf32>
    %mul3A_904 = arith.constant 2.000000e-01 : f32
    %mul3A_905 = vector.broadcast %mul3A_904 : f32 to vector<160x160xf32>
    %mul3A_906 = arith.mulf %mul3A_905, %select_n3A_901 : vector<160x160xf32>
    %select_n3A_907 = arith.select %ge3A_903, %select_n3A_901, %mul3A_906 : vector<160x160xi1>, vector<160x160xf32>
    %reduce_max3A = arith.constant dense<0xFF800000> : vector<160xf32>
    %reduce_max3A_908 = vector.multi_reduction <maximumf>, %select_n3A_907, %reduce_max3A [1] : vector<160x160xf32> to vector<160xf32>
    %broadcast_in_dim3A_909 = vector.shape_cast %reduce_max3A_908 : vector<160xf32> to vector<160x1xf32>
    %sub3A_910 = vector.broadcast %broadcast_in_dim3A_909 : vector<160x1xf32> to vector<160x160xf32>
    %sub3A_911 = arith.subf %select_n3A_907, %sub3A_910 : vector<160x160xf32>
    %exp3A = math.exp %sub3A_911 : vector<160x160xf32>
    %reduce_sum3A = arith.constant dense<0.000000e+00> : vector<160xf32>
    %reduce_sum3A_912 = vector.multi_reduction <add>, %exp3A, %reduce_sum3A [1] : vector<160x160xf32> to vector<160xf32>
    %broadcast_in_dim3A_913 = vector.shape_cast %reduce_sum3A_912 : vector<160xf32> to vector<160x1xf32>
    %div3A_914 = vector.broadcast %broadcast_in_dim3A_913 : vector<160x1xf32> to vector<160x160xf32>
    %div3A_915 = arith.divf %exp3A, %div3A_914 : vector<160x160xf32>
    %dot_general3A_916 = arith.constant dense<0.000000e+00> : vector<160x128xf32>
    %dot_general3A_917 = tpu.matmul %div3A_915, %reshape3A, %dot_general3A_916 {dimension_numbers = #tpu.dot_dimension_numbers<[1], [0], [0], [1], [0, 0, 1, 1], [], []>, transpose_lhs_hint = false} : vector<160x160xf32>, vector<160x128xf32>, vector<160x128xf32> -> vector<160x128xf32>
    %reshape3A_918 = vector.shape_cast %dot_general3A_917 : vector<160x128xf32> to vector<20x8x128xf32>
    %swap3A = arith.constant 0 : index
    %swap3A_919 = arith.constant 0 : index
    %swap3A_920 = arith.constant 0 : index
    %swap3A_921 = vector.load %arg10[%swap3A, %swap3A_919, %swap3A_920] : memref<20x256x128xf32, #tpu.memory_space<vmem>>, vector<20x8x128xf32>
    tpu.vector_store %arg10[%swap3A, %swap3A_919, %swap3A_920], %reshape3A_918 {strides = array<i32>} : memref<20x256x128xf32, #tpu.memory_space<vmem>>, vector<20x8x128xf32>,
    %eq3A_922 = arith.constant 1.000000e+00 : f32
    %eq3A_923 = vector.broadcast %eq3A_922 : f32 to vector<160x160xf32>
    %eq3A_924 = arith.cmpf oeq, %select_n3A_123, %eq3A_923 : vector<160x160xf32>
    %slice3A_925 = vector.extract_strided_slice %dot_general3A_115 {offsets = [0, 0], sizes = [160, 160], strides = [1, 1]} : vector<640x160xf32> to vector<160x160xf32>
    %eq3A_926 = arith.constant 2.000000e+00 : f32
    %eq3A_927 = vector.broadcast %eq3A_926 : f32 to vector<160x160xf32>
    %eq3A_928 = arith.cmpf oeq, %select_n3A_123, %eq3A_927 : vector<160x160xf32>
    %slice3A_929 = vector.extract_strided_slice %dot_general3A_115 {offsets = [160, 0], sizes = [160, 160], strides = [1, 1]} : vector<640x160xf32> to vector<160x160xf32>
    %eq3A_930 = arith.constant 3.000000e+00 : f32
    %eq3A_931 = vector.broadcast %eq3A_930 : f32 to vector<160x160xf32>
    %eq3A_932 = arith.cmpf oeq, %select_n3A_123, %eq3A_931 : vector<160x160xf32>
    %slice3A_933 = vector.extract_strided_slice %dot_general3A_115 {offsets = [320, 0], sizes = [160, 160], strides = [1, 1]} : vector<640x160xf32> to vector<160x160xf32>
    %eq3A_934 = arith.constant 4.000000e+00 : f32
    %eq3A_935 = vector.broadcast %eq3A_934 : f32 to vector<160x160xf32>
    %eq3A_936 = arith.cmpf oeq, %select_n3A_123, %eq3A_935 : vector<160x160xf32>
    %slice3A_937 = vector.extract_strided_slice %dot_general3A_115 {offsets = [480, 0], sizes = [160, 160], strides = [1, 1]} : vector<640x160xf32> to vector<160x160xf32>
    %eq3A_938 = arith.constant 5.000000e+00 : f32
    %eq3A_939 = vector.broadcast %eq3A_938 : f32 to vector<160x160xf32>
    %eq3A_940 = arith.cmpf oeq, %select_n3A_123, %eq3A_939 : vector<160x160xf32>
    %jit3A_941 = arith.constant 0xFF800000 : f32
    %jit3A_942 = arith.constant -9.000000e+15 : f32
    %broadcast_in_dim3A_943 = vector.broadcast %jit3A_941 : f32 to vector<160x160xf32>
    %broadcast_in_dim3A_944 = vector.broadcast %jit3A_942 : f32 to vector<160x160xf32>
    %select_n3A_945 = arith.select %eq3A_940, %broadcast_in_dim3A_943, %broadcast_in_dim3A_944 : vector<160x160xi1>, vector<160x160xf32>
    %select_n3A_946 = arith.select %eq3A_936, %slice3A_937, %select_n3A_945 : vector<160x160xi1>, vector<160x160xf32>
    %select_n3A_947 = arith.select %eq3A_932, %slice3A_933, %select_n3A_946 : vector<160x160xi1>, vector<160x160xf32>
    %select_n3A_948 = arith.select %eq3A_928, %slice3A_929, %select_n3A_947 : vector<160x160xi1>, vector<160x160xf32>
    %select_n3A_949 = arith.select %eq3A_924, %slice3A_925, %select_n3A_948 : vector<160x160xi1>, vector<160x160xf32>
    %ge3A_950 = arith.constant 0.000000e+00 : f32
    %ge3A_951 = vector.broadcast %ge3A_950 : f32 to vector<160x160xf32>
    %ge3A_952 = arith.cmpf oge, %select_n3A_949, %ge3A_951 : vector<160x160xf32>
    %mul3A_953 = arith.constant 2.000000e-01 : f32
    %mul3A_954 = vector.broadcast %mul3A_953 : f32 to vector<160x160xf32>
    %mul3A_955 = arith.mulf %mul3A_954, %select_n3A_949 : vector<160x160xf32>
    %select_n3A_956 = arith.select %ge3A_952, %select_n3A_949, %mul3A_955 : vector<160x160xi1>, vector<160x160xf32>
    %reduce_max3A_957 = arith.constant dense<0xFF800000> : vector<160xf32>
    %reduce_max3A_958 = vector.multi_reduction <maximumf>, %select_n3A_956, %reduce_max3A_957 [1] : vector<160x160xf32> to vector<160xf32>
    %broadcast_in_dim3A_959 = vector.shape_cast %reduce_max3A_958 : vector<160xf32> to vector<160x1xf32>
    %sub3A_960 = vector.broadcast %broadcast_in_dim3A_959 : vector<160x1xf32> to vector<160x160xf32>
    %sub3A_961 = arith.subf %select_n3A_956, %sub3A_960 : vector<160x160xf32>
    %exp3A_962 = math.exp %sub3A_961 : vector<160x160xf32>
    %reduce_sum3A_963 = arith.constant dense<0.000000e+00> : vector<160xf32>
    %reduce_sum3A_964 = vector.multi_reduction <add>, %exp3A_962, %reduce_sum3A_963 [1] : vector<160x160xf32> to vector<160xf32>
    %broadcast_in_dim3A_965 = vector.shape_cast %reduce_sum3A_964 : vector<160xf32> to vector<160x1xf32>
    %div3A_966 = vector.broadcast %broadcast_in_dim3A_965 : vector<160x1xf32> to vector<160x160xf32>
    %div3A_967 = arith.divf %exp3A_962, %div3A_966 : vector<160x160xf32>
    %dot_general3A_968 = arith.constant dense<0.000000e+00> : vector<160x128xf32>
    %dot_general3A_969 = tpu.matmul %div3A_967, %reshape3A_100, %dot_general3A_968 {dimension_numbers = #tpu.dot_dimension_numbers<[1], [0], [0], [1], [0, 0, 1, 1], [], []>, transpose_lhs_hint = false} : vector<160x160xf32>, vector<160x128xf32>, vector<160x128xf32> -> vector<160x128xf32>
    %reshape3A_970 = vector.shape_cast %dot_general3A_969 : vector<160x128xf32> to vector<20x8x128xf32>
    %swap3A_971 = arith.constant 0 : index
    %swap3A_972 = arith.constant 8 : index
    %swap3A_973 = arith.constant 0 : index
    %swap3A_974 = vector.load %arg10[%swap3A_971, %swap3A_972, %swap3A_973] : memref<20x256x128xf32, #tpu.memory_space<vmem>>, vector<20x8x128xf32>
    tpu.vector_store %arg10[%swap3A_971, %swap3A_972, %swap3A_973], %reshape3A_970 {strides = array<i32>} : memref<20x256x128xf32, #tpu.memory_space<vmem>>, vector<20x8x128xf32>,
    %eq3A_975 = arith.constant 1.000000e+00 : f32
    %eq3A_976 = vector.broadcast %eq3A_975 : f32 to vector<160x160xf32>
    %eq3A_977 = arith.cmpf oeq, %select_n3A_148, %eq3A_976 : vector<160x160xf32>
    %slice3A_978 = vector.extract_strided_slice %dot_general3A_140 {offsets = [0, 0], sizes = [160, 160], strides = [1, 1]} : vector<640x160xf32> to vector<160x160xf32>
    %eq3A_979 = arith.constant 2.000000e+00 : f32
    %eq3A_980 = vector.broadcast %eq3A_979 : f32 to vector<160x160xf32>
    %eq3A_981 = arith.cmpf oeq, %select_n3A_148, %eq3A_980 : vector<160x160xf32>
    %slice3A_982 = vector.extract_strided_slice %dot_general3A_140 {offsets = [160, 0], sizes = [160, 160], strides = [1, 1]} : vector<640x160xf32> to vector<160x160xf32>
    %eq3A_983 = arith.constant 3.000000e+00 : f32
    %eq3A_984 = vector.broadcast %eq3A_983 : f32 to vector<160x160xf32>
    %eq3A_985 = arith.cmpf oeq, %select_n3A_148, %eq3A_984 : vector<160x160xf32>
    %slice3A_986 = vector.extract_strided_slice %dot_general3A_140 {offsets = [320, 0], sizes = [160, 160], strides = [1, 1]} : vector<640x160xf32> to vector<160x160xf32>
    %eq3A_987 = arith.constant 4.000000e+00 : f32
    %eq3A_988 = vector.broadcast %eq3A_987 : f32 to vector<160x160xf32>
    %eq3A_989 = arith.cmpf oeq, %select_n3A_148, %eq3A_988 : vector<160x160xf32>
    %slice3A_990 = vector.extract_strided_slice %dot_general3A_140 {offsets = [480, 0], sizes = [160, 160], strides = [1, 1]} : vector<640x160xf32> to vector<160x160xf32>
    %eq3A_991 = arith.constant 5.000000e+00 : f32
    %eq3A_992 = vector.broadcast %eq3A_991 : f32 to vector<160x160xf32>
    %eq3A_993 = arith.cmpf oeq, %select_n3A_148, %eq3A_992 : vector<160x160xf32>
    %jit3A_994 = arith.constant 0xFF800000 : f32
    %jit3A_995 = arith.constant -9.000000e+15 : f32
    %broadcast_in_dim3A_996 = vector.broadcast %jit3A_994 : f32 to vector<160x160xf32>
    %broadcast_in_dim3A_997 = vector.broadcast %jit3A_995 : f32 to vector<160x160xf32>
    %select_n3A_998 = arith.select %eq3A_993, %broadcast_in_dim3A_996, %broadcast_in_dim3A_997 : vector<160x160xi1>, vector<160x160xf32>
    %select_n3A_999 = arith.select %eq3A_989, %slice3A_990, %select_n3A_998 : vector<160x160xi1>, vector<160x160xf32>
    %select_n3A_1000 = arith.select %eq3A_985, %slice3A_986, %select_n3A_999 : vector<160x160xi1>, vector<160x160xf32>
    %select_n3A_1001 = arith.select %eq3A_981, %slice3A_982, %select_n3A_1000 : vector<160x160xi1>, vector<160x160xf32>
    %select_n3A_1002 = arith.select %eq3A_977, %slice3A_978, %select_n3A_1001 : vector<160x160xi1>, vector<160x160xf32>
    %ge3A_1003 = arith.constant 0.000000e+00 : f32
    %ge3A_1004 = vector.broadcast %ge3A_1003 : f32 to vector<160x160xf32>
    %ge3A_1005 = arith.cmpf oge, %select_n3A_1002, %ge3A_1004 : vector<160x160xf32>
    %mul3A_1006 = arith.constant 2.000000e-01 : f32
    %mul3A_1007 = vector.broadcast %mul3A_1006 : f32 to vector<160x160xf32>
    %mul3A_1008 = arith.mulf %mul3A_1007, %select_n3A_1002 : vector<160x160xf32>
    %select_n3A_1009 = arith.select %ge3A_1005, %select_n3A_1002, %mul3A_1008 : vector<160x160xi1>, vector<160x160xf32>
    %reduce_max3A_1010 = arith.constant dense<0xFF800000> : vector<160xf32>
    %reduce_max3A_1011 = vector.multi_reduction <maximumf>, %select_n3A_1009, %reduce_max3A_1010 [1] : vector<160x160xf32> to vector<160xf32>
    %broadcast_in_dim3A_1012 = vector.shape_cast %reduce_max3A_1011 : vector<160xf32> to vector<160x1xf32>
    %sub3A_1013 = vector.broadcast %broadcast_in_dim3A_1012 : vector<160x1xf32> to vector<160x160xf32>
    %sub3A_1014 = arith.subf %select_n3A_1009, %sub3A_1013 : vector<160x160xf32>
    %exp3A_1015 = math.exp %sub3A_1014 : vector<160x160xf32>
    %reduce_sum3A_1016 = arith.constant dense<0.000000e+00> : vector<160xf32>
    %reduce_sum3A_1017 = vector.multi_reduction <add>, %exp3A_1015, %reduce_sum3A_1016 [1] : vector<160x160xf32> to vector<160xf32>
    %broadcast_in_dim3A_1018 = vector.shape_cast %reduce_sum3A_1017 : vector<160xf32> to vector<160x1xf32>
    %div3A_1019 = vector.broadcast %broadcast_in_dim3A_1018 : vector<160x1xf32> to vector<160x160xf32>
    %div3A_1020 = arith.divf %exp3A_1015, %div3A_1019 : vector<160x160xf32>
    %dot_general3A_1021 = arith.constant dense<0.000000e+00> : vector<160x128xf32>
    %dot_general3A_1022 = tpu.matmul %div3A_1020, %reshape3A_125, %dot_general3A_1021 {dimension_numbers = #tpu.dot_dimension_numbers<[1], [0], [0], [1], [0, 0, 1, 1], [], []>, transpose_lhs_hint = false} : vector<160x160xf32>, vector<160x128xf32>, vector<160x128xf32> -> vector<160x128xf32>
    %reshape3A_1023 = vector.shape_cast %dot_general3A_1022 : vector<160x128xf32> to vector<20x8x128xf32>
    %swap3A_1024 = arith.constant 0 : index
    %swap3A_1025 = arith.constant 16 : index
    %swap3A_1026 = arith.constant 0 : index
    %swap3A_1027 = vector.load %arg10[%swap3A_1024, %swap3A_1025, %swap3A_1026] : memref<20x256x128xf32, #tpu.memory_space<vmem>>, vector<20x8x128xf32>
    tpu.vector_store %arg10[%swap3A_1024, %swap3A_1025, %swap3A_1026], %reshape3A_1023 {strides = array<i32>} : memref<20x256x128xf32, #tpu.memory_space<vmem>>, vector<20x8x128xf32>,
    %eq3A_1028 = arith.constant 1.000000e+00 : f32
    %eq3A_1029 = vector.broadcast %eq3A_1028 : f32 to vector<160x160xf32>
    %eq3A_1030 = arith.cmpf oeq, %select_n3A_173, %eq3A_1029 : vector<160x160xf32>
    %slice3A_1031 = vector.extract_strided_slice %dot_general3A_165 {offsets = [0, 0], sizes = [160, 160], strides = [1, 1]} : vector<640x160xf32> to vector<160x160xf32>
    %eq3A_1032 = arith.constant 2.000000e+00 : f32
    %eq3A_1033 = vector.broadcast %eq3A_1032 : f32 to vector<160x160xf32>
    %eq3A_1034 = arith.cmpf oeq, %select_n3A_173, %eq3A_1033 : vector<160x160xf32>
    %slice3A_1035 = vector.extract_strided_slice %dot_general3A_165 {offsets = [160, 0], sizes = [160, 160], strides = [1, 1]} : vector<640x160xf32> to vector<160x160xf32>
    %eq3A_1036 = arith.constant 3.000000e+00 : f32
    %eq3A_1037 = vector.broadcast %eq3A_1036 : f32 to vector<160x160xf32>
    %eq3A_1038 = arith.cmpf oeq, %select_n3A_173, %eq3A_1037 : vector<160x160xf32>
    %slice3A_1039 = vector.extract_strided_slice %dot_general3A_165 {offsets = [320, 0], sizes = [160, 160], strides = [1, 1]} : vector<640x160xf32> to vector<160x160xf32>
    %eq3A_1040 = arith.constant 4.000000e+00 : f32
    %eq3A_1041 = vector.broadcast %eq3A_1040 : f32 to vector<160x160xf32>
    %eq3A_1042 = arith.cmpf oeq, %select_n3A_173, %eq3A_1041 : vector<160x160xf32>
    %slice3A_1043 = vector.extract_strided_slice %dot_general3A_165 {offsets = [480, 0], sizes = [160, 160], strides = [1, 1]} : vector<640x160xf32> to vector<160x160xf32>
    %eq3A_1044 = arith.constant 5.000000e+00 : f32
    %eq3A_1045 = vector.broadcast %eq3A_1044 : f32 to vector<160x160xf32>
    %eq3A_1046 = arith.cmpf oeq, %select_n3A_173, %eq3A_1045 : vector<160x160xf32>
    %jit3A_1047 = arith.constant 0xFF800000 : f32
    %jit3A_1048 = arith.constant -9.000000e+15 : f32
    %broadcast_in_dim3A_1049 = vector.broadcast %jit3A_1047 : f32 to vector<160x160xf32>
    %broadcast_in_dim3A_1050 = vector.broadcast %jit3A_1048 : f32 to vector<160x160xf32>
    %select_n3A_1051 = arith.select %eq3A_1046, %broadcast_in_dim3A_1049, %broadcast_in_dim3A_1050 : vector<160x160xi1>, vector<160x160xf32>
    %select_n3A_1052 = arith.select %eq3A_1042, %slice3A_1043, %select_n3A_1051 : vector<160x160xi1>, vector<160x160xf32>
    %select_n3A_1053 = arith.select %eq3A_1038, %slice3A_1039, %select_n3A_1052 : vector<160x160xi1>, vector<160x160xf32>
    %select_n3A_1054 = arith.select %eq3A_1034, %slice3A_1035, %select_n3A_1053 : vector<160x160xi1>, vector<160x160xf32>
    %select_n3A_1055 = arith.select %eq3A_1030, %slice3A_1031, %select_n3A_1054 : vector<160x160xi1>, vector<160x160xf32>
    %ge3A_1056 = arith.constant 0.000000e+00 : f32
    %ge3A_1057 = vector.broadcast %ge3A_1056 : f32 to vector<160x160xf32>
    %ge3A_1058 = arith.cmpf oge, %select_n3A_1055, %ge3A_1057 : vector<160x160xf32>
    %mul3A_1059 = arith.constant 2.000000e-01 : f32
    %mul3A_1060 = vector.broadcast %mul3A_1059 : f32 to vector<160x160xf32>
    %mul3A_1061 = arith.mulf %mul3A_1060, %select_n3A_1055 : vector<160x160xf32>
    %select_n3A_1062 = arith.select %ge3A_1058, %select_n3A_1055, %mul3A_1061 : vector<160x160xi1>, vector<160x160xf32>
    %reduce_max3A_1063 = arith.constant dense<0xFF800000> : vector<160xf32>
    %reduce_max3A_1064 = vector.multi_reduction <maximumf>, %select_n3A_1062, %reduce_max3A_1063 [1] : vector<160x160xf32> to vector<160xf32>
    %broadcast_in_dim3A_1065 = vector.shape_cast %reduce_max3A_1064 : vector<160xf32> to vector<160x1xf32>
    %sub3A_1066 = vector.broadcast %broadcast_in_dim3A_1065 : vector<160x1xf32> to vector<160x160xf32>
    %sub3A_1067 = arith.subf %select_n3A_1062, %sub3A_1066 : vector<160x160xf32>
    %exp3A_1068 = math.exp %sub3A_1067 : vector<160x160xf32>
    %reduce_sum3A_1069 = arith.constant dense<0.000000e+00> : vector<160xf32>
    %reduce_sum3A_1070 = vector.multi_reduction <add>, %exp3A_1068, %reduce_sum3A_1069 [1] : vector<160x160xf32> to vector<160xf32>
    %broadcast_in_dim3A_1071 = vector.shape_cast %reduce_sum3A_1070 : vector<160xf32> to vector<160x1xf32>
    %div3A_1072 = vector.broadcast %broadcast_in_dim3A_1071 : vector<160x1xf32> to vector<160x160xf32>
    %div3A_1073 = arith.divf %exp3A_1068, %div3A_1072 : vector<160x160xf32>
    %dot_general3A_1074 = arith.constant dense<0.000000e+00> : vector<160x128xf32>
    %dot_general3A_1075 = tpu.matmul %div3A_1073, %reshape3A_150, %dot_general3A_1074 {dimension_numbers = #tpu.dot_dimension_numbers<[1], [0], [0], [1], [0, 0, 1, 1], [], []>, transpose_lhs_hint = false} : vector<160x160xf32>, vector<160x128xf32>, vector<160x128xf32> -> vector<160x128xf32>
    %reshape3A_1076 = vector.shape_cast %dot_general3A_1075 : vector<160x128xf32> to vector<20x8x128xf32>
    %swap3A_1077 = arith.constant 0 : index
    %swap3A_1078 = arith.constant 24 : index
    %swap3A_1079 = arith.constant 0 : index
    %swap3A_1080 = vector.load %arg10[%swap3A_1077, %swap3A_1078, %swap3A_1079] : memref<20x256x128xf32, #tpu.memory_space<vmem>>, vector<20x8x128xf32>
    tpu.vector_store %arg10[%swap3A_1077, %swap3A_1078, %swap3A_1079], %reshape3A_1076 {strides = array<i32>} : memref<20x256x128xf32, #tpu.memory_space<vmem>>, vector<20x8x128xf32>,
    %eq3A_1081 = arith.constant 1.000000e+00 : f32
    %eq3A_1082 = vector.broadcast %eq3A_1081 : f32 to vector<160x160xf32>
    %eq3A_1083 = arith.cmpf oeq, %select_n3A_198, %eq3A_1082 : vector<160x160xf32>
    %slice3A_1084 = vector.extract_strided_slice %dot_general3A_190 {offsets = [0, 0], sizes = [160, 160], strides = [1, 1]} : vector<640x160xf32> to vector<160x160xf32>
    %eq3A_1085 = arith.constant 2.000000e+00 : f32
    %eq3A_1086 = vector.broadcast %eq3A_1085 : f32 to vector<160x160xf32>
    %eq3A_1087 = arith.cmpf oeq, %select_n3A_198, %eq3A_1086 : vector<160x160xf32>
    %slice3A_1088 = vector.extract_strided_slice %dot_general3A_190 {offsets = [160, 0], sizes = [160, 160], strides = [1, 1]} : vector<640x160xf32> to vector<160x160xf32>
    %eq3A_1089 = arith.constant 3.000000e+00 : f32
    %eq3A_1090 = vector.broadcast %eq3A_1089 : f32 to vector<160x160xf32>
    %eq3A_1091 = arith.cmpf oeq, %select_n3A_198, %eq3A_1090 : vector<160x160xf32>
    %slice3A_1092 = vector.extract_strided_slice %dot_general3A_190 {offsets = [320, 0], sizes = [160, 160], strides = [1, 1]} : vector<640x160xf32> to vector<160x160xf32>
    %eq3A_1093 = arith.constant 4.000000e+00 : f32
    %eq3A_1094 = vector.broadcast %eq3A_1093 : f32 to vector<160x160xf32>
    %eq3A_1095 = arith.cmpf oeq, %select_n3A_198, %eq3A_1094 : vector<160x160xf32>
    %slice3A_1096 = vector.extract_strided_slice %dot_general3A_190 {offsets = [480, 0], sizes = [160, 160], strides = [1, 1]} : vector<640x160xf32> to vector<160x160xf32>
    %eq3A_1097 = arith.constant 5.000000e+00 : f32
    %eq3A_1098 = vector.broadcast %eq3A_1097 : f32 to vector<160x160xf32>
    %eq3A_1099 = arith.cmpf oeq, %select_n3A_198, %eq3A_1098 : vector<160x160xf32>
    %jit3A_1100 = arith.constant 0xFF800000 : f32
    %jit3A_1101 = arith.constant -9.000000e+15 : f32
    %broadcast_in_dim3A_1102 = vector.broadcast %jit3A_1100 : f32 to vector<160x160xf32>
    %broadcast_in_dim3A_1103 = vector.broadcast %jit3A_1101 : f32 to vector<160x160xf32>
    %select_n3A_1104 = arith.select %eq3A_1099, %broadcast_in_dim3A_1102, %broadcast_in_dim3A_1103 : vector<160x160xi1>, vector<160x160xf32>
    %select_n3A_1105 = arith.select %eq3A_1095, %slice3A_1096, %select_n3A_1104 : vector<160x160xi1>, vector<160x160xf32>
    %select_n3A_1106 = arith.select %eq3A_1091, %slice3A_1092, %select_n3A_1105 : vector<160x160xi1>, vector<160x160xf32>
    %select_n3A_1107 = arith.select %eq3A_1087, %slice3A_1088, %select_n3A_1106 : vector<160x160xi1>, vector<160x160xf32>
    %select_n3A_1108 = arith.select %eq3A_1083, %slice3A_1084, %select_n3A_1107 : vector<160x160xi1>, vector<160x160xf32>
    %ge3A_1109 = arith.constant 0.000000e+00 : f32
    %ge3A_1110 = vector.broadcast %ge3A_1109 : f32 to vector<160x160xf32>
    %ge3A_1111 = arith.cmpf oge, %select_n3A_1108, %ge3A_1110 : vector<160x160xf32>
    %mul3A_1112 = arith.constant 2.000000e-01 : f32
    %mul3A_1113 = vector.broadcast %mul3A_1112 : f32 to vector<160x160xf32>
    %mul3A_1114 = arith.mulf %mul3A_1113, %select_n3A_1108 : vector<160x160xf32>
    %select_n3A_1115 = arith.select %ge3A_1111, %select_n3A_1108, %mul3A_1114 : vector<160x160xi1>, vector<160x160xf32>
    %reduce_max3A_1116 = arith.constant dense<0xFF800000> : vector<160xf32>
    %reduce_max3A_1117 = vector.multi_reduction <maximumf>, %select_n3A_1115, %reduce_max3A_1116 [1] : vector<160x160xf32> to vector<160xf32>
    %broadcast_in_dim3A_1118 = vector.shape_cast %reduce_max3A_1117 : vector<160xf32> to vector<160x1xf32>
    %sub3A_1119 = vector.broadcast %broadcast_in_dim3A_1118 : vector<160x1xf32> to vector<160x160xf32>
    %sub3A_1120 = arith.subf %select_n3A_1115, %sub3A_1119 : vector<160x160xf32>
    %exp3A_1121 = math.exp %sub3A_1120 : vector<160x160xf32>
    %reduce_sum3A_1122 = arith.constant dense<0.000000e+00> : vector<160xf32>
    %reduce_sum3A_1123 = vector.multi_reduction <add>, %exp3A_1121, %reduce_sum3A_1122 [1] : vector<160x160xf32> to vector<160xf32>
    %broadcast_in_dim3A_1124 = vector.shape_cast %reduce_sum3A_1123 : vector<160xf32> to vector<160x1xf32>
    %div3A_1125 = vector.broadcast %broadcast_in_dim3A_1124 : vector<160x1xf32> to vector<160x160xf32>
    %div3A_1126 = arith.divf %exp3A_1121, %div3A_1125 : vector<160x160xf32>
    %dot_general3A_1127 = arith.constant dense<0.000000e+00> : vector<160x128xf32>
    %dot_general3A_1128 = tpu.matmul %div3A_1126, %reshape3A_175, %dot_general3A_1127 {dimension_numbers = #tpu.dot_dimension_numbers<[1], [0], [0], [1], [0, 0, 1, 1], [], []>, transpose_lhs_hint = false} : vector<160x160xf32>, vector<160x128xf32>, vector<160x128xf32> -> vector<160x128xf32>
    %reshape3A_1129 = vector.shape_cast %dot_general3A_1128 : vector<160x128xf32> to vector<20x8x128xf32>
    %swap3A_1130 = arith.constant 0 : index
    %swap3A_1131 = arith.constant 32 : index
    %swap3A_1132 = arith.constant 0 : index
    %swap3A_1133 = vector.load %arg10[%swap3A_1130, %swap3A_1131, %swap3A_1132] : memref<20x256x128xf32, #tpu.memory_space<vmem>>, vector<20x8x128xf32>
    tpu.vector_store %arg10[%swap3A_1130, %swap3A_1131, %swap3A_1132], %reshape3A_1129 {strides = array<i32>} : memref<20x256x128xf32, #tpu.memory_space<vmem>>, vector<20x8x128xf32>,
    %eq3A_1134 = arith.constant 1.000000e+00 : f32
    %eq3A_1135 = vector.broadcast %eq3A_1134 : f32 to vector<160x160xf32>
    %eq3A_1136 = arith.cmpf oeq, %select_n3A_223, %eq3A_1135 : vector<160x160xf32>
    %slice3A_1137 = vector.extract_strided_slice %dot_general3A_215 {offsets = [0, 0], sizes = [160, 160], strides = [1, 1]} : vector<640x160xf32> to vector<160x160xf32>
    %eq3A_1138 = arith.constant 2.000000e+00 : f32
    %eq3A_1139 = vector.broadcast %eq3A_1138 : f32 to vector<160x160xf32>
    %eq3A_1140 = arith.cmpf oeq, %select_n3A_223, %eq3A_1139 : vector<160x160xf32>
    %slice3A_1141 = vector.extract_strided_slice %dot_general3A_215 {offsets = [160, 0], sizes = [160, 160], strides = [1, 1]} : vector<640x160xf32> to vector<160x160xf32>
    %eq3A_1142 = arith.constant 3.000000e+00 : f32
    %eq3A_1143 = vector.broadcast %eq3A_1142 : f32 to vector<160x160xf32>
    %eq3A_1144 = arith.cmpf oeq, %select_n3A_223, %eq3A_1143 : vector<160x160xf32>
    %slice3A_1145 = vector.extract_strided_slice %dot_general3A_215 {offsets = [320, 0], sizes = [160, 160], strides = [1, 1]} : vector<640x160xf32> to vector<160x160xf32>
    %eq3A_1146 = arith.constant 4.000000e+00 : f32
    %eq3A_1147 = vector.broadcast %eq3A_1146 : f32 to vector<160x160xf32>
    %eq3A_1148 = arith.cmpf oeq, %select_n3A_223, %eq3A_1147 : vector<160x160xf32>
    %slice3A_1149 = vector.extract_strided_slice %dot_general3A_215 {offsets = [480, 0], sizes = [160, 160], strides = [1, 1]} : vector<640x160xf32> to vector<160x160xf32>
    %eq3A_1150 = arith.constant 5.000000e+00 : f32
    %eq3A_1151 = vector.broadcast %eq3A_1150 : f32 to vector<160x160xf32>
    %eq3A_1152 = arith.cmpf oeq, %select_n3A_223, %eq3A_1151 : vector<160x160xf32>
    %jit3A_1153 = arith.constant 0xFF800000 : f32
    %jit3A_1154 = arith.constant -9.000000e+15 : f32
    %broadcast_in_dim3A_1155 = vector.broadcast %jit3A_1153 : f32 to vector<160x160xf32>
    %broadcast_in_dim3A_1156 = vector.broadcast %jit3A_1154 : f32 to vector<160x160xf32>
    %select_n3A_1157 = arith.select %eq3A_1152, %broadcast_in_dim3A_1155, %broadcast_in_dim3A_1156 : vector<160x160xi1>, vector<160x160xf32>
    %select_n3A_1158 = arith.select %eq3A_1148, %slice3A_1149, %select_n3A_1157 : vector<160x160xi1>, vector<160x160xf32>
    %select_n3A_1159 = arith.select %eq3A_1144, %slice3A_1145, %select_n3A_1158 : vector<160x160xi1>, vector<160x160xf32>
    %select_n3A_1160 = arith.select %eq3A_1140, %slice3A_1141, %select_n3A_1159 : vector<160x160xi1>, vector<160x160xf32>
    %select_n3A_1161 = arith.select %eq3A_1136, %slice3A_1137, %select_n3A_1160 : vector<160x160xi1>, vector<160x160xf32>
    %ge3A_1162 = arith.constant 0.000000e+00 : f32
    %ge3A_1163 = vector.broadcast %ge3A_1162 : f32 to vector<160x160xf32>
    %ge3A_1164 = arith.cmpf oge, %select_n3A_1161, %ge3A_1163 : vector<160x160xf32>
    %mul3A_1165 = arith.constant 2.000000e-01 : f32
    %mul3A_1166 = vector.broadcast %mul3A_1165 : f32 to vector<160x160xf32>
    %mul3A_1167 = arith.mulf %mul3A_1166, %select_n3A_1161 : vector<160x160xf32>
    %select_n3A_1168 = arith.select %ge3A_1164, %select_n3A_1161, %mul3A_1167 : vector<160x160xi1>, vector<160x160xf32>
    %reduce_max3A_1169 = arith.constant dense<0xFF800000> : vector<160xf32>
    %reduce_max3A_1170 = vector.multi_reduction <maximumf>, %select_n3A_1168, %reduce_max3A_1169 [1] : vector<160x160xf32> to vector<160xf32>
    %broadcast_in_dim3A_1171 = vector.shape_cast %reduce_max3A_1170 : vector<160xf32> to vector<160x1xf32>
    %sub3A_1172 = vector.broadcast %broadcast_in_dim3A_1171 : vector<160x1xf32> to vector<160x160xf32>
    %sub3A_1173 = arith.subf %select_n3A_1168, %sub3A_1172 : vector<160x160xf32>
    %exp3A_1174 = math.exp %sub3A_1173 : vector<160x160xf32>
    %reduce_sum3A_1175 = arith.constant dense<0.000000e+00> : vector<160xf32>
    %reduce_sum3A_1176 = vector.multi_reduction <add>, %exp3A_1174, %reduce_sum3A_1175 [1] : vector<160x160xf32> to vector<160xf32>
    %broadcast_in_dim3A_1177 = vector.shape_cast %reduce_sum3A_1176 : vector<160xf32> to vector<160x1xf32>
    %div3A_1178 = vector.broadcast %broadcast_in_dim3A_1177 : vector<160x1xf32> to vector<160x160xf32>
    %div3A_1179 = arith.divf %exp3A_1174, %div3A_1178 : vector<160x160xf32>
    %dot_general3A_1180 = arith.constant dense<0.000000e+00> : vector<160x128xf32>
    %dot_general3A_1181 = tpu.matmul %div3A_1179, %reshape3A_200, %dot_general3A_1180 {dimension_numbers = #tpu.dot_dimension_numbers<[1], [0], [0], [1], [0, 0, 1, 1], [], []>, transpose_lhs_hint = false} : vector<160x160xf32>, vector<160x128xf32>, vector<160x128xf32> -> vector<160x128xf32>
    %reshape3A_1182 = vector.shape_cast %dot_general3A_1181 : vector<160x128xf32> to vector<20x8x128xf32>
    %swap3A_1183 = arith.constant 0 : index
    %swap3A_1184 = arith.constant 40 : index
    %swap3A_1185 = arith.constant 0 : index
    %swap3A_1186 = vector.load %arg10[%swap3A_1183, %swap3A_1184, %swap3A_1185] : memref<20x256x128xf32, #tpu.memory_space<vmem>>, vector<20x8x128xf32>
    tpu.vector_store %arg10[%swap3A_1183, %swap3A_1184, %swap3A_1185], %reshape3A_1182 {strides = array<i32>} : memref<20x256x128xf32, #tpu.memory_space<vmem>>, vector<20x8x128xf32>,
    %eq3A_1187 = arith.constant 1.000000e+00 : f32
    %eq3A_1188 = vector.broadcast %eq3A_1187 : f32 to vector<160x160xf32>
    %eq3A_1189 = arith.cmpf oeq, %select_n3A_248, %eq3A_1188 : vector<160x160xf32>
    %slice3A_1190 = vector.extract_strided_slice %dot_general3A_240 {offsets = [0, 0], sizes = [160, 160], strides = [1, 1]} : vector<640x160xf32> to vector<160x160xf32>
    %eq3A_1191 = arith.constant 2.000000e+00 : f32
    %eq3A_1192 = vector.broadcast %eq3A_1191 : f32 to vector<160x160xf32>
    %eq3A_1193 = arith.cmpf oeq, %select_n3A_248, %eq3A_1192 : vector<160x160xf32>
    %slice3A_1194 = vector.extract_strided_slice %dot_general3A_240 {offsets = [160, 0], sizes = [160, 160], strides = [1, 1]} : vector<640x160xf32> to vector<160x160xf32>
    %eq3A_1195 = arith.constant 3.000000e+00 : f32
    %eq3A_1196 = vector.broadcast %eq3A_1195 : f32 to vector<160x160xf32>
    %eq3A_1197 = arith.cmpf oeq, %select_n3A_248, %eq3A_1196 : vector<160x160xf32>
    %slice3A_1198 = vector.extract_strided_slice %dot_general3A_240 {offsets = [320, 0], sizes = [160, 160], strides = [1, 1]} : vector<640x160xf32> to vector<160x160xf32>
    %eq3A_1199 = arith.constant 4.000000e+00 : f32
    %eq3A_1200 = vector.broadcast %eq3A_1199 : f32 to vector<160x160xf32>
    %eq3A_1201 = arith.cmpf oeq, %select_n3A_248, %eq3A_1200 : vector<160x160xf32>
    %slice3A_1202 = vector.extract_strided_slice %dot_general3A_240 {offsets = [480, 0], sizes = [160, 160], strides = [1, 1]} : vector<640x160xf32> to vector<160x160xf32>
    %eq3A_1203 = arith.constant 5.000000e+00 : f32
    %eq3A_1204 = vector.broadcast %eq3A_1203 : f32 to vector<160x160xf32>
    %eq3A_1205 = arith.cmpf oeq, %select_n3A_248, %eq3A_1204 : vector<160x160xf32>
    %jit3A_1206 = arith.constant 0xFF800000 : f32
    %jit3A_1207 = arith.constant -9.000000e+15 : f32
    %broadcast_in_dim3A_1208 = vector.broadcast %jit3A_1206 : f32 to vector<160x160xf32>
    %broadcast_in_dim3A_1209 = vector.broadcast %jit3A_1207 : f32 to vector<160x160xf32>
    %select_n3A_1210 = arith.select %eq3A_1205, %broadcast_in_dim3A_1208, %broadcast_in_dim3A_1209 : vector<160x160xi1>, vector<160x160xf32>
    %select_n3A_1211 = arith.select %eq3A_1201, %slice3A_1202, %select_n3A_1210 : vector<160x160xi1>, vector<160x160xf32>
    %select_n3A_1212 = arith.select %eq3A_1197, %slice3A_1198, %select_n3A_1211 : vector<160x160xi1>, vector<160x160xf32>
    %select_n3A_1213 = arith.select %eq3A_1193, %slice3A_1194, %select_n3A_1212 : vector<160x160xi1>, vector<160x160xf32>
    %select_n3A_1214 = arith.select %eq3A_1189, %slice3A_1190, %select_n3A_1213 : vector<160x160xi1>, vector<160x160xf32>
    %ge3A_1215 = arith.constant 0.000000e+00 : f32
    %ge3A_1216 = vector.broadcast %ge3A_1215 : f32 to vector<160x160xf32>
    %ge3A_1217 = arith.cmpf oge, %select_n3A_1214, %ge3A_1216 : vector<160x160xf32>
    %mul3A_1218 = arith.constant 2.000000e-01 : f32
    %mul3A_1219 = vector.broadcast %mul3A_1218 : f32 to vector<160x160xf32>
    %mul3A_1220 = arith.mulf %mul3A_1219, %select_n3A_1214 : vector<160x160xf32>
    %select_n3A_1221 = arith.select %ge3A_1217, %select_n3A_1214, %mul3A_1220 : vector<160x160xi1>, vector<160x160xf32>
    %reduce_max3A_1222 = arith.constant dense<0xFF800000> : vector<160xf32>
    %reduce_max3A_1223 = vector.multi_reduction <maximumf>, %select_n3A_1221, %reduce_max3A_1222 [1] : vector<160x160xf32> to vector<160xf32>
    %broadcast_in_dim3A_1224 = vector.shape_cast %reduce_max3A_1223 : vector<160xf32> to vector<160x1xf32>
    %sub3A_1225 = vector.broadcast %broadcast_in_dim3A_1224 : vector<160x1xf32> to vector<160x160xf32>
    %sub3A_1226 = arith.subf %select_n3A_1221, %sub3A_1225 : vector<160x160xf32>
    %exp3A_1227 = math.exp %sub3A_1226 : vector<160x160xf32>
    %reduce_sum3A_1228 = arith.constant dense<0.000000e+00> : vector<160xf32>
    %reduce_sum3A_1229 = vector.multi_reduction <add>, %exp3A_1227, %reduce_sum3A_1228 [1] : vector<160x160xf32> to vector<160xf32>
    %broadcast_in_dim3A_1230 = vector.shape_cast %reduce_sum3A_1229 : vector<160xf32> to vector<160x1xf32>
    %div3A_1231 = vector.broadcast %broadcast_in_dim3A_1230 : vector<160x1xf32> to vector<160x160xf32>
    %div3A_1232 = arith.divf %exp3A_1227, %div3A_1231 : vector<160x160xf32>
    %dot_general3A_1233 = arith.constant dense<0.000000e+00> : vector<160x128xf32>
    %dot_general3A_1234 = tpu.matmul %div3A_1232, %reshape3A_225, %dot_general3A_1233 {dimension_numbers = #tpu.dot_dimension_numbers<[1], [0], [0], [1], [0, 0, 1, 1], [], []>, transpose_lhs_hint = false} : vector<160x160xf32>, vector<160x128xf32>, vector<160x128xf32> -> vector<160x128xf32>
    %reshape3A_1235 = vector.shape_cast %dot_general3A_1234 : vector<160x128xf32> to vector<20x8x128xf32>
    %swap3A_1236 = arith.constant 0 : index
    %swap3A_1237 = arith.constant 48 : index
    %swap3A_1238 = arith.constant 0 : index
    %swap3A_1239 = vector.load %arg10[%swap3A_1236, %swap3A_1237, %swap3A_1238] : memref<20x256x128xf32, #tpu.memory_space<vmem>>, vector<20x8x128xf32>
    tpu.vector_store %arg10[%swap3A_1236, %swap3A_1237, %swap3A_1238], %reshape3A_1235 {strides = array<i32>} : memref<20x256x128xf32, #tpu.memory_space<vmem>>, vector<20x8x128xf32>,
    %eq3A_1240 = arith.constant 1.000000e+00 : f32
    %eq3A_1241 = vector.broadcast %eq3A_1240 : f32 to vector<160x160xf32>
    %eq3A_1242 = arith.cmpf oeq, %select_n3A_273, %eq3A_1241 : vector<160x160xf32>
    %slice3A_1243 = vector.extract_strided_slice %dot_general3A_265 {offsets = [0, 0], sizes = [160, 160], strides = [1, 1]} : vector<640x160xf32> to vector<160x160xf32>
    %eq3A_1244 = arith.constant 2.000000e+00 : f32
    %eq3A_1245 = vector.broadcast %eq3A_1244 : f32 to vector<160x160xf32>
    %eq3A_1246 = arith.cmpf oeq, %select_n3A_273, %eq3A_1245 : vector<160x160xf32>
    %slice3A_1247 = vector.extract_strided_slice %dot_general3A_265 {offsets = [160, 0], sizes = [160, 160], strides = [1, 1]} : vector<640x160xf32> to vector<160x160xf32>
    %eq3A_1248 = arith.constant 3.000000e+00 : f32
    %eq3A_1249 = vector.broadcast %eq3A_1248 : f32 to vector<160x160xf32>
    %eq3A_1250 = arith.cmpf oeq, %select_n3A_273, %eq3A_1249 : vector<160x160xf32>
    %slice3A_1251 = vector.extract_strided_slice %dot_general3A_265 {offsets = [320, 0], sizes = [160, 160], strides = [1, 1]} : vector<640x160xf32> to vector<160x160xf32>
    %eq3A_1252 = arith.constant 4.000000e+00 : f32
    %eq3A_1253 = vector.broadcast %eq3A_1252 : f32 to vector<160x160xf32>
    %eq3A_1254 = arith.cmpf oeq, %select_n3A_273, %eq3A_1253 : vector<160x160xf32>
    %slice3A_1255 = vector.extract_strided_slice %dot_general3A_265 {offsets = [480, 0], sizes = [160, 160], strides = [1, 1]} : vector<640x160xf32> to vector<160x160xf32>
    %eq3A_1256 = arith.constant 5.000000e+00 : f32
    %eq3A_1257 = vector.broadcast %eq3A_1256 : f32 to vector<160x160xf32>
    %eq3A_1258 = arith.cmpf oeq, %select_n3A_273, %eq3A_1257 : vector<160x160xf32>
    %jit3A_1259 = arith.constant 0xFF800000 : f32
    %jit3A_1260 = arith.constant -9.000000e+15 : f32
    %broadcast_in_dim3A_1261 = vector.broadcast %jit3A_1259 : f32 to vector<160x160xf32>
    %broadcast_in_dim3A_1262 = vector.broadcast %jit3A_1260 : f32 to vector<160x160xf32>
    %select_n3A_1263 = arith.select %eq3A_1258, %broadcast_in_dim3A_1261, %broadcast_in_dim3A_1262 : vector<160x160xi1>, vector<160x160xf32>
    %select_n3A_1264 = arith.select %eq3A_1254, %slice3A_1255, %select_n3A_1263 : vector<160x160xi1>, vector<160x160xf32>
    %select_n3A_1265 = arith.select %eq3A_1250, %slice3A_1251, %select_n3A_1264 : vector<160x160xi1>, vector<160x160xf32>
    %select_n3A_1266 = arith.select %eq3A_1246, %slice3A_1247, %select_n3A_1265 : vector<160x160xi1>, vector<160x160xf32>
    %select_n3A_1267 = arith.select %eq3A_1242, %slice3A_1243, %select_n3A_1266 : vector<160x160xi1>, vector<160x160xf32>
    %ge3A_1268 = arith.constant 0.000000e+00 : f32
    %ge3A_1269 = vector.broadcast %ge3A_1268 : f32 to vector<160x160xf32>
    %ge3A_1270 = arith.cmpf oge, %select_n3A_1267, %ge3A_1269 : vector<160x160xf32>
    %mul3A_1271 = arith.constant 2.000000e-01 : f32
    %mul3A_1272 = vector.broadcast %mul3A_1271 : f32 to vector<160x160xf32>
    %mul3A_1273 = arith.mulf %mul3A_1272, %select_n3A_1267 : vector<160x160xf32>
    %select_n3A_1274 = arith.select %ge3A_1270, %select_n3A_1267, %mul3A_1273 : vector<160x160xi1>, vector<160x160xf32>
    %reduce_max3A_1275 = arith.constant dense<0xFF800000> : vector<160xf32>
    %reduce_max3A_1276 = vector.multi_reduction <maximumf>, %select_n3A_1274, %reduce_max3A_1275 [1] : vector<160x160xf32> to vector<160xf32>
    %broadcast_in_dim3A_1277 = vector.shape_cast %reduce_max3A_1276 : vector<160xf32> to vector<160x1xf32>
    %sub3A_1278 = vector.broadcast %broadcast_in_dim3A_1277 : vector<160x1xf32> to vector<160x160xf32>
    %sub3A_1279 = arith.subf %select_n3A_1274, %sub3A_1278 : vector<160x160xf32>
    %exp3A_1280 = math.exp %sub3A_1279 : vector<160x160xf32>
    %reduce_sum3A_1281 = arith.constant dense<0.000000e+00> : vector<160xf32>
    %reduce_sum3A_1282 = vector.multi_reduction <add>, %exp3A_1280, %reduce_sum3A_1281 [1] : vector<160x160xf32> to vector<160xf32>
    %broadcast_in_dim3A_1283 = vector.shape_cast %reduce_sum3A_1282 : vector<160xf32> to vector<160x1xf32>
    %div3A_1284 = vector.broadcast %broadcast_in_dim3A_1283 : vector<160x1xf32> to vector<160x160xf32>
    %div3A_1285 = arith.divf %exp3A_1280, %div3A_1284 : vector<160x160xf32>
    %dot_general3A_1286 = arith.constant dense<0.000000e+00> : vector<160x128xf32>
    %dot_general3A_1287 = tpu.matmul %div3A_1285, %reshape3A_250, %dot_general3A_1286 {dimension_numbers = #tpu.dot_dimension_numbers<[1], [0], [0], [1], [0, 0, 1, 1], [], []>, transpose_lhs_hint = false} : vector<160x160xf32>, vector<160x128xf32>, vector<160x128xf32> -> vector<160x128xf32>
    %reshape3A_1288 = vector.shape_cast %dot_general3A_1287 : vector<160x128xf32> to vector<20x8x128xf32>
    %swap3A_1289 = arith.constant 0 : index
    %swap3A_1290 = arith.constant 56 : index
    %swap3A_1291 = arith.constant 0 : index
    %swap3A_1292 = vector.load %arg10[%swap3A_1289, %swap3A_1290, %swap3A_1291] : memref<20x256x128xf32, #tpu.memory_space<vmem>>, vector<20x8x128xf32>
    tpu.vector_store %arg10[%swap3A_1289, %swap3A_1290, %swap3A_1291], %reshape3A_1288 {strides = array<i32>} : memref<20x256x128xf32, #tpu.memory_space<vmem>>, vector<20x8x128xf32>,
    %eq3A_1293 = arith.constant 1.000000e+00 : f32
    %eq3A_1294 = vector.broadcast %eq3A_1293 : f32 to vector<160x160xf32>
    %eq3A_1295 = arith.cmpf oeq, %select_n3A_298, %eq3A_1294 : vector<160x160xf32>
    %slice3A_1296 = vector.extract_strided_slice %dot_general3A_290 {offsets = [0, 0], sizes = [160, 160], strides = [1, 1]} : vector<640x160xf32> to vector<160x160xf32>
    %eq3A_1297 = arith.constant 2.000000e+00 : f32
    %eq3A_1298 = vector.broadcast %eq3A_1297 : f32 to vector<160x160xf32>
    %eq3A_1299 = arith.cmpf oeq, %select_n3A_298, %eq3A_1298 : vector<160x160xf32>
    %slice3A_1300 = vector.extract_strided_slice %dot_general3A_290 {offsets = [160, 0], sizes = [160, 160], strides = [1, 1]} : vector<640x160xf32> to vector<160x160xf32>
    %eq3A_1301 = arith.constant 3.000000e+00 : f32
    %eq3A_1302 = vector.broadcast %eq3A_1301 : f32 to vector<160x160xf32>
    %eq3A_1303 = arith.cmpf oeq, %select_n3A_298, %eq3A_1302 : vector<160x160xf32>
    %slice3A_1304 = vector.extract_strided_slice %dot_general3A_290 {offsets = [320, 0], sizes = [160, 160], strides = [1, 1]} : vector<640x160xf32> to vector<160x160xf32>
    %eq3A_1305 = arith.constant 4.000000e+00 : f32
    %eq3A_1306 = vector.broadcast %eq3A_1305 : f32 to vector<160x160xf32>
    %eq3A_1307 = arith.cmpf oeq, %select_n3A_298, %eq3A_1306 : vector<160x160xf32>
    %slice3A_1308 = vector.extract_strided_slice %dot_general3A_290 {offsets = [480, 0], sizes = [160, 160], strides = [1, 1]} : vector<640x160xf32> to vector<160x160xf32>
    %eq3A_1309 = arith.constant 5.000000e+00 : f32
    %eq3A_1310 = vector.broadcast %eq3A_1309 : f32 to vector<160x160xf32>
    %eq3A_1311 = arith.cmpf oeq, %select_n3A_298, %eq3A_1310 : vector<160x160xf32>
    %jit3A_1312 = arith.constant 0xFF800000 : f32
    %jit3A_1313 = arith.constant -9.000000e+15 : f32
    %broadcast_in_dim3A_1314 = vector.broadcast %jit3A_1312 : f32 to vector<160x160xf32>
    %broadcast_in_dim3A_1315 = vector.broadcast %jit3A_1313 : f32 to vector<160x160xf32>
    %select_n3A_1316 = arith.select %eq3A_1311, %broadcast_in_dim3A_1314, %broadcast_in_dim3A_1315 : vector<160x160xi1>, vector<160x160xf32>
    %select_n3A_1317 = arith.select %eq3A_1307, %slice3A_1308, %select_n3A_1316 : vector<160x160xi1>, vector<160x160xf32>
    %select_n3A_1318 = arith.select %eq3A_1303, %slice3A_1304, %select_n3A_1317 : vector<160x160xi1>, vector<160x160xf32>
    %select_n3A_1319 = arith.select %eq3A_1299, %slice3A_1300, %select_n3A_1318 : vector<160x160xi1>, vector<160x160xf32>
    %select_n3A_1320 = arith.select %eq3A_1295, %slice3A_1296, %select_n3A_1319 : vector<160x160xi1>, vector<160x160xf32>
    %ge3A_1321 = arith.constant 0.000000e+00 : f32
    %ge3A_1322 = vector.broadcast %ge3A_1321 : f32 to vector<160x160xf32>
    %ge3A_1323 = arith.cmpf oge, %select_n3A_1320, %ge3A_1322 : vector<160x160xf32>
    %mul3A_1324 = arith.constant 2.000000e-01 : f32
    %mul3A_1325 = vector.broadcast %mul3A_1324 : f32 to vector<160x160xf32>
    %mul3A_1326 = arith.mulf %mul3A_1325, %select_n3A_1320 : vector<160x160xf32>
    %select_n3A_1327 = arith.select %ge3A_1323, %select_n3A_1320, %mul3A_1326 : vector<160x160xi1>, vector<160x160xf32>
    %reduce_max3A_1328 = arith.constant dense<0xFF800000> : vector<160xf32>
    %reduce_max3A_1329 = vector.multi_reduction <maximumf>, %select_n3A_1327, %reduce_max3A_1328 [1] : vector<160x160xf32> to vector<160xf32>
    %broadcast_in_dim3A_1330 = vector.shape_cast %reduce_max3A_1329 : vector<160xf32> to vector<160x1xf32>
    %sub3A_1331 = vector.broadcast %broadcast_in_dim3A_1330 : vector<160x1xf32> to vector<160x160xf32>
    %sub3A_1332 = arith.subf %select_n3A_1327, %sub3A_1331 : vector<160x160xf32>
    %exp3A_1333 = math.exp %sub3A_1332 : vector<160x160xf32>
    %reduce_sum3A_1334 = arith.constant dense<0.000000e+00> : vector<160xf32>
    %reduce_sum3A_1335 = vector.multi_reduction <add>, %exp3A_1333, %reduce_sum3A_1334 [1] : vector<160x160xf32> to vector<160xf32>
    %broadcast_in_dim3A_1336 = vector.shape_cast %reduce_sum3A_1335 : vector<160xf32> to vector<160x1xf32>
    %div3A_1337 = vector.broadcast %broadcast_in_dim3A_1336 : vector<160x1xf32> to vector<160x160xf32>
    %div3A_1338 = arith.divf %exp3A_1333, %div3A_1337 : vector<160x160xf32>
    %dot_general3A_1339 = arith.constant dense<0.000000e+00> : vector<160x128xf32>
    %dot_general3A_1340 = tpu.matmul %div3A_1338, %reshape3A_275, %dot_general3A_1339 {dimension_numbers = #tpu.dot_dimension_numbers<[1], [0], [0], [1], [0, 0, 1, 1], [], []>, transpose_lhs_hint = false} : vector<160x160xf32>, vector<160x128xf32>, vector<160x128xf32> -> vector<160x128xf32>
    %reshape3A_1341 = vector.shape_cast %dot_general3A_1340 : vector<160x128xf32> to vector<20x8x128xf32>
    %swap3A_1342 = arith.constant 0 : index
    %swap3A_1343 = arith.constant 64 : index
    %swap3A_1344 = arith.constant 0 : index
    %swap3A_1345 = vector.load %arg10[%swap3A_1342, %swap3A_1343, %swap3A_1344] : memref<20x256x128xf32, #tpu.memory_space<vmem>>, vector<20x8x128xf32>
    tpu.vector_store %arg10[%swap3A_1342, %swap3A_1343, %swap3A_1344], %reshape3A_1341 {strides = array<i32>} : memref<20x256x128xf32, #tpu.memory_space<vmem>>, vector<20x8x128xf32>,
    %eq3A_1346 = arith.constant 1.000000e+00 : f32
    %eq3A_1347 = vector.broadcast %eq3A_1346 : f32 to vector<160x160xf32>
    %eq3A_1348 = arith.cmpf oeq, %select_n3A_323, %eq3A_1347 : vector<160x160xf32>
    %slice3A_1349 = vector.extract_strided_slice %dot_general3A_315 {offsets = [0, 0], sizes = [160, 160], strides = [1, 1]} : vector<640x160xf32> to vector<160x160xf32>
    %eq3A_1350 = arith.constant 2.000000e+00 : f32
    %eq3A_1351 = vector.broadcast %eq3A_1350 : f32 to vector<160x160xf32>
    %eq3A_1352 = arith.cmpf oeq, %select_n3A_323, %eq3A_1351 : vector<160x160xf32>
    %slice3A_1353 = vector.extract_strided_slice %dot_general3A_315 {offsets = [160, 0], sizes = [160, 160], strides = [1, 1]} : vector<640x160xf32> to vector<160x160xf32>
    %eq3A_1354 = arith.constant 3.000000e+00 : f32
    %eq3A_1355 = vector.broadcast %eq3A_1354 : f32 to vector<160x160xf32>
    %eq3A_1356 = arith.cmpf oeq, %select_n3A_323, %eq3A_1355 : vector<160x160xf32>
    %slice3A_1357 = vector.extract_strided_slice %dot_general3A_315 {offsets = [320, 0], sizes = [160, 160], strides = [1, 1]} : vector<640x160xf32> to vector<160x160xf32>
    %eq3A_1358 = arith.constant 4.000000e+00 : f32
    %eq3A_1359 = vector.broadcast %eq3A_1358 : f32 to vector<160x160xf32>
    %eq3A_1360 = arith.cmpf oeq, %select_n3A_323, %eq3A_1359 : vector<160x160xf32>
    %slice3A_1361 = vector.extract_strided_slice %dot_general3A_315 {offsets = [480, 0], sizes = [160, 160], strides = [1, 1]} : vector<640x160xf32> to vector<160x160xf32>
    %eq3A_1362 = arith.constant 5.000000e+00 : f32
    %eq3A_1363 = vector.broadcast %eq3A_1362 : f32 to vector<160x160xf32>
    %eq3A_1364 = arith.cmpf oeq, %select_n3A_323, %eq3A_1363 : vector<160x160xf32>
    %jit3A_1365 = arith.constant 0xFF800000 : f32
    %jit3A_1366 = arith.constant -9.000000e+15 : f32
    %broadcast_in_dim3A_1367 = vector.broadcast %jit3A_1365 : f32 to vector<160x160xf32>
    %broadcast_in_dim3A_1368 = vector.broadcast %jit3A_1366 : f32 to vector<160x160xf32>
    %select_n3A_1369 = arith.select %eq3A_1364, %broadcast_in_dim3A_1367, %broadcast_in_dim3A_1368 : vector<160x160xi1>, vector<160x160xf32>
    %select_n3A_1370 = arith.select %eq3A_1360, %slice3A_1361, %select_n3A_1369 : vector<160x160xi1>, vector<160x160xf32>
    %select_n3A_1371 = arith.select %eq3A_1356, %slice3A_1357, %select_n3A_1370 : vector<160x160xi1>, vector<160x160xf32>
    %select_n3A_1372 = arith.select %eq3A_1352, %slice3A_1353, %select_n3A_1371 : vector<160x160xi1>, vector<160x160xf32>
    %select_n3A_1373 = arith.select %eq3A_1348, %slice3A_1349, %select_n3A_1372 : vector<160x160xi1>, vector<160x160xf32>
    %ge3A_1374 = arith.constant 0.000000e+00 : f32
    %ge3A_1375 = vector.broadcast %ge3A_1374 : f32 to vector<160x160xf32>
    %ge3A_1376 = arith.cmpf oge, %select_n3A_1373, %ge3A_1375 : vector<160x160xf32>
    %mul3A_1377 = arith.constant 2.000000e-01 : f32
    %mul3A_1378 = vector.broadcast %mul3A_1377 : f32 to vector<160x160xf32>
    %mul3A_1379 = arith.mulf %mul3A_1378, %select_n3A_1373 : vector<160x160xf32>
    %select_n3A_1380 = arith.select %ge3A_1376, %select_n3A_1373, %mul3A_1379 : vector<160x160xi1>, vector<160x160xf32>
    %reduce_max3A_1381 = arith.constant dense<0xFF800000> : vector<160xf32>
    %reduce_max3A_1382 = vector.multi_reduction <maximumf>, %select_n3A_1380, %reduce_max3A_1381 [1] : vector<160x160xf32> to vector<160xf32>
    %broadcast_in_dim3A_1383 = vector.shape_cast %reduce_max3A_1382 : vector<160xf32> to vector<160x1xf32>
    %sub3A_1384 = vector.broadcast %broadcast_in_dim3A_1383 : vector<160x1xf32> to vector<160x160xf32>
    %sub3A_1385 = arith.subf %select_n3A_1380, %sub3A_1384 : vector<160x160xf32>
    %exp3A_1386 = math.exp %sub3A_1385 : vector<160x160xf32>
    %reduce_sum3A_1387 = arith.constant dense<0.000000e+00> : vector<160xf32>
    %reduce_sum3A_1388 = vector.multi_reduction <add>, %exp3A_1386, %reduce_sum3A_1387 [1] : vector<160x160xf32> to vector<160xf32>
    %broadcast_in_dim3A_1389 = vector.shape_cast %reduce_sum3A_1388 : vector<160xf32> to vector<160x1xf32>
    %div3A_1390 = vector.broadcast %broadcast_in_dim3A_1389 : vector<160x1xf32> to vector<160x160xf32>
    %div3A_1391 = arith.divf %exp3A_1386, %div3A_1390 : vector<160x160xf32>
    %dot_general3A_1392 = arith.constant dense<0.000000e+00> : vector<160x128xf32>
    %dot_general3A_1393 = tpu.matmul %div3A_1391, %reshape3A_300, %dot_general3A_1392 {dimension_numbers = #tpu.dot_dimension_numbers<[1], [0], [0], [1], [0, 0, 1, 1], [], []>, transpose_lhs_hint = false} : vector<160x160xf32>, vector<160x128xf32>, vector<160x128xf32> -> vector<160x128xf32>
    %reshape3A_1394 = vector.shape_cast %dot_general3A_1393 : vector<160x128xf32> to vector<20x8x128xf32>
    %swap3A_1395 = arith.constant 0 : index
    %swap3A_1396 = arith.constant 72 : index
    %swap3A_1397 = arith.constant 0 : index
    %swap3A_1398 = vector.load %arg10[%swap3A_1395, %swap3A_1396, %swap3A_1397] : memref<20x256x128xf32, #tpu.memory_space<vmem>>, vector<20x8x128xf32>
    tpu.vector_store %arg10[%swap3A_1395, %swap3A_1396, %swap3A_1397], %reshape3A_1394 {strides = array<i32>} : memref<20x256x128xf32, #tpu.memory_space<vmem>>, vector<20x8x128xf32>,
    %eq3A_1399 = arith.constant 1.000000e+00 : f32
    %eq3A_1400 = vector.broadcast %eq3A_1399 : f32 to vector<160x160xf32>
    %eq3A_1401 = arith.cmpf oeq, %select_n3A_348, %eq3A_1400 : vector<160x160xf32>
    %slice3A_1402 = vector.extract_strided_slice %dot_general3A_340 {offsets = [0, 0], sizes = [160, 160], strides = [1, 1]} : vector<640x160xf32> to vector<160x160xf32>
    %eq3A_1403 = arith.constant 2.000000e+00 : f32
    %eq3A_1404 = vector.broadcast %eq3A_1403 : f32 to vector<160x160xf32>
    %eq3A_1405 = arith.cmpf oeq, %select_n3A_348, %eq3A_1404 : vector<160x160xf32>
    %slice3A_1406 = vector.extract_strided_slice %dot_general3A_340 {offsets = [160, 0], sizes = [160, 160], strides = [1, 1]} : vector<640x160xf32> to vector<160x160xf32>
    %eq3A_1407 = arith.constant 3.000000e+00 : f32
    %eq3A_1408 = vector.broadcast %eq3A_1407 : f32 to vector<160x160xf32>
    %eq3A_1409 = arith.cmpf oeq, %select_n3A_348, %eq3A_1408 : vector<160x160xf32>
    %slice3A_1410 = vector.extract_strided_slice %dot_general3A_340 {offsets = [320, 0], sizes = [160, 160], strides = [1, 1]} : vector<640x160xf32> to vector<160x160xf32>
    %eq3A_1411 = arith.constant 4.000000e+00 : f32
    %eq3A_1412 = vector.broadcast %eq3A_1411 : f32 to vector<160x160xf32>
    %eq3A_1413 = arith.cmpf oeq, %select_n3A_348, %eq3A_1412 : vector<160x160xf32>
    %slice3A_1414 = vector.extract_strided_slice %dot_general3A_340 {offsets = [480, 0], sizes = [160, 160], strides = [1, 1]} : vector<640x160xf32> to vector<160x160xf32>
    %eq3A_1415 = arith.constant 5.000000e+00 : f32
    %eq3A_1416 = vector.broadcast %eq3A_1415 : f32 to vector<160x160xf32>
    %eq3A_1417 = arith.cmpf oeq, %select_n3A_348, %eq3A_1416 : vector<160x160xf32>
    %jit3A_1418 = arith.constant 0xFF800000 : f32
    %jit3A_1419 = arith.constant -9.000000e+15 : f32
    %broadcast_in_dim3A_1420 = vector.broadcast %jit3A_1418 : f32 to vector<160x160xf32>
    %broadcast_in_dim3A_1421 = vector.broadcast %jit3A_1419 : f32 to vector<160x160xf32>
    %select_n3A_1422 = arith.select %eq3A_1417, %broadcast_in_dim3A_1420, %broadcast_in_dim3A_1421 : vector<160x160xi1>, vector<160x160xf32>
    %select_n3A_1423 = arith.select %eq3A_1413, %slice3A_1414, %select_n3A_1422 : vector<160x160xi1>, vector<160x160xf32>
    %select_n3A_1424 = arith.select %eq3A_1409, %slice3A_1410, %select_n3A_1423 : vector<160x160xi1>, vector<160x160xf32>
    %select_n3A_1425 = arith.select %eq3A_1405, %slice3A_1406, %select_n3A_1424 : vector<160x160xi1>, vector<160x160xf32>
    %select_n3A_1426 = arith.select %eq3A_1401, %slice3A_1402, %select_n3A_1425 : vector<160x160xi1>, vector<160x160xf32>
    %ge3A_1427 = arith.constant 0.000000e+00 : f32
    %ge3A_1428 = vector.broadcast %ge3A_1427 : f32 to vector<160x160xf32>
    %ge3A_1429 = arith.cmpf oge, %select_n3A_1426, %ge3A_1428 : vector<160x160xf32>
    %mul3A_1430 = arith.constant 2.000000e-01 : f32
    %mul3A_1431 = vector.broadcast %mul3A_1430 : f32 to vector<160x160xf32>
    %mul3A_1432 = arith.mulf %mul3A_1431, %select_n3A_1426 : vector<160x160xf32>
    %select_n3A_1433 = arith.select %ge3A_1429, %select_n3A_1426, %mul3A_1432 : vector<160x160xi1>, vector<160x160xf32>
    %reduce_max3A_1434 = arith.constant dense<0xFF800000> : vector<160xf32>
    %reduce_max3A_1435 = vector.multi_reduction <maximumf>, %select_n3A_1433, %reduce_max3A_1434 [1] : vector<160x160xf32> to vector<160xf32>
    %broadcast_in_dim3A_1436 = vector.shape_cast %reduce_max3A_1435 : vector<160xf32> to vector<160x1xf32>
    %sub3A_1437 = vector.broadcast %broadcast_in_dim3A_1436 : vector<160x1xf32> to vector<160x160xf32>
    %sub3A_1438 = arith.subf %select_n3A_1433, %sub3A_1437 : vector<160x160xf32>
    %exp3A_1439 = math.exp %sub3A_1438 : vector<160x160xf32>
    %reduce_sum3A_1440 = arith.constant dense<0.000000e+00> : vector<160xf32>
    %reduce_sum3A_1441 = vector.multi_reduction <add>, %exp3A_1439, %reduce_sum3A_1440 [1] : vector<160x160xf32> to vector<160xf32>
    %broadcast_in_dim3A_1442 = vector.shape_cast %reduce_sum3A_1441 : vector<160xf32> to vector<160x1xf32>
    %div3A_1443 = vector.broadcast %broadcast_in_dim3A_1442 : vector<160x1xf32> to vector<160x160xf32>
    %div3A_1444 = arith.divf %exp3A_1439, %div3A_1443 : vector<160x160xf32>
    %dot_general3A_1445 = arith.constant dense<0.000000e+00> : vector<160x128xf32>
    %dot_general3A_1446 = tpu.matmul %div3A_1444, %reshape3A_325, %dot_general3A_1445 {dimension_numbers = #tpu.dot_dimension_numbers<[1], [0], [0], [1], [0, 0, 1, 1], [], []>, transpose_lhs_hint = false} : vector<160x160xf32>, vector<160x128xf32>, vector<160x128xf32> -> vector<160x128xf32>
    %reshape3A_1447 = vector.shape_cast %dot_general3A_1446 : vector<160x128xf32> to vector<20x8x128xf32>
    %swap3A_1448 = arith.constant 0 : index
    %swap3A_1449 = arith.constant 80 : index
    %swap3A_1450 = arith.constant 0 : index
    %swap3A_1451 = vector.load %arg10[%swap3A_1448, %swap3A_1449, %swap3A_1450] : memref<20x256x128xf32, #tpu.memory_space<vmem>>, vector<20x8x128xf32>
    tpu.vector_store %arg10[%swap3A_1448, %swap3A_1449, %swap3A_1450], %reshape3A_1447 {strides = array<i32>} : memref<20x256x128xf32, #tpu.memory_space<vmem>>, vector<20x8x128xf32>,
    %eq3A_1452 = arith.constant 1.000000e+00 : f32
    %eq3A_1453 = vector.broadcast %eq3A_1452 : f32 to vector<160x160xf32>
    %eq3A_1454 = arith.cmpf oeq, %select_n3A_373, %eq3A_1453 : vector<160x160xf32>
    %slice3A_1455 = vector.extract_strided_slice %dot_general3A_365 {offsets = [0, 0], sizes = [160, 160], strides = [1, 1]} : vector<640x160xf32> to vector<160x160xf32>
    %eq3A_1456 = arith.constant 2.000000e+00 : f32
    %eq3A_1457 = vector.broadcast %eq3A_1456 : f32 to vector<160x160xf32>
    %eq3A_1458 = arith.cmpf oeq, %select_n3A_373, %eq3A_1457 : vector<160x160xf32>
    %slice3A_1459 = vector.extract_strided_slice %dot_general3A_365 {offsets = [160, 0], sizes = [160, 160], strides = [1, 1]} : vector<640x160xf32> to vector<160x160xf32>
    %eq3A_1460 = arith.constant 3.000000e+00 : f32
    %eq3A_1461 = vector.broadcast %eq3A_1460 : f32 to vector<160x160xf32>
    %eq3A_1462 = arith.cmpf oeq, %select_n3A_373, %eq3A_1461 : vector<160x160xf32>
    %slice3A_1463 = vector.extract_strided_slice %dot_general3A_365 {offsets = [320, 0], sizes = [160, 160], strides = [1, 1]} : vector<640x160xf32> to vector<160x160xf32>
    %eq3A_1464 = arith.constant 4.000000e+00 : f32
    %eq3A_1465 = vector.broadcast %eq3A_1464 : f32 to vector<160x160xf32>
    %eq3A_1466 = arith.cmpf oeq, %select_n3A_373, %eq3A_1465 : vector<160x160xf32>
    %slice3A_1467 = vector.extract_strided_slice %dot_general3A_365 {offsets = [480, 0], sizes = [160, 160], strides = [1, 1]} : vector<640x160xf32> to vector<160x160xf32>
    %eq3A_1468 = arith.constant 5.000000e+00 : f32
    %eq3A_1469 = vector.broadcast %eq3A_1468 : f32 to vector<160x160xf32>
    %eq3A_1470 = arith.cmpf oeq, %select_n3A_373, %eq3A_1469 : vector<160x160xf32>
    %jit3A_1471 = arith.constant 0xFF800000 : f32
    %jit3A_1472 = arith.constant -9.000000e+15 : f32
    %broadcast_in_dim3A_1473 = vector.broadcast %jit3A_1471 : f32 to vector<160x160xf32>
    %broadcast_in_dim3A_1474 = vector.broadcast %jit3A_1472 : f32 to vector<160x160xf32>
    %select_n3A_1475 = arith.select %eq3A_1470, %broadcast_in_dim3A_1473, %broadcast_in_dim3A_1474 : vector<160x160xi1>, vector<160x160xf32>
    %select_n3A_1476 = arith.select %eq3A_1466, %slice3A_1467, %select_n3A_1475 : vector<160x160xi1>, vector<160x160xf32>
    %select_n3A_1477 = arith.select %eq3A_1462, %slice3A_1463, %select_n3A_1476 : vector<160x160xi1>, vector<160x160xf32>
    %select_n3A_1478 = arith.select %eq3A_1458, %slice3A_1459, %select_n3A_1477 : vector<160x160xi1>, vector<160x160xf32>
    %select_n3A_1479 = arith.select %eq3A_1454, %slice3A_1455, %select_n3A_1478 : vector<160x160xi1>, vector<160x160xf32>
    %ge3A_1480 = arith.constant 0.000000e+00 : f32
    %ge3A_1481 = vector.broadcast %ge3A_1480 : f32 to vector<160x160xf32>
    %ge3A_1482 = arith.cmpf oge, %select_n3A_1479, %ge3A_1481 : vector<160x160xf32>
    %mul3A_1483 = arith.constant 2.000000e-01 : f32
    %mul3A_1484 = vector.broadcast %mul3A_1483 : f32 to vector<160x160xf32>
    %mul3A_1485 = arith.mulf %mul3A_1484, %select_n3A_1479 : vector<160x160xf32>
    %select_n3A_1486 = arith.select %ge3A_1482, %select_n3A_1479, %mul3A_1485 : vector<160x160xi1>, vector<160x160xf32>
    %reduce_max3A_1487 = arith.constant dense<0xFF800000> : vector<160xf32>
    %reduce_max3A_1488 = vector.multi_reduction <maximumf>, %select_n3A_1486, %reduce_max3A_1487 [1] : vector<160x160xf32> to vector<160xf32>
    %broadcast_in_dim3A_1489 = vector.shape_cast %reduce_max3A_1488 : vector<160xf32> to vector<160x1xf32>
    %sub3A_1490 = vector.broadcast %broadcast_in_dim3A_1489 : vector<160x1xf32> to vector<160x160xf32>
    %sub3A_1491 = arith.subf %select_n3A_1486, %sub3A_1490 : vector<160x160xf32>
    %exp3A_1492 = math.exp %sub3A_1491 : vector<160x160xf32>
    %reduce_sum3A_1493 = arith.constant dense<0.000000e+00> : vector<160xf32>
    %reduce_sum3A_1494 = vector.multi_reduction <add>, %exp3A_1492, %reduce_sum3A_1493 [1] : vector<160x160xf32> to vector<160xf32>
    %broadcast_in_dim3A_1495 = vector.shape_cast %reduce_sum3A_1494 : vector<160xf32> to vector<160x1xf32>
    %div3A_1496 = vector.broadcast %broadcast_in_dim3A_1495 : vector<160x1xf32> to vector<160x160xf32>
    %div3A_1497 = arith.divf %exp3A_1492, %div3A_1496 : vector<160x160xf32>
    %dot_general3A_1498 = arith.constant dense<0.000000e+00> : vector<160x128xf32>
    %dot_general3A_1499 = tpu.matmul %div3A_1497, %reshape3A_350, %dot_general3A_1498 {dimension_numbers = #tpu.dot_dimension_numbers<[1], [0], [0], [1], [0, 0, 1, 1], [], []>, transpose_lhs_hint = false} : vector<160x160xf32>, vector<160x128xf32>, vector<160x128xf32> -> vector<160x128xf32>
    %reshape3A_1500 = vector.shape_cast %dot_general3A_1499 : vector<160x128xf32> to vector<20x8x128xf32>
    %swap3A_1501 = arith.constant 0 : index
    %swap3A_1502 = arith.constant 88 : index
    %swap3A_1503 = arith.constant 0 : index
    %swap3A_1504 = vector.load %arg10[%swap3A_1501, %swap3A_1502, %swap3A_1503] : memref<20x256x128xf32, #tpu.memory_space<vmem>>, vector<20x8x128xf32>
    tpu.vector_store %arg10[%swap3A_1501, %swap3A_1502, %swap3A_1503], %reshape3A_1500 {strides = array<i32>} : memref<20x256x128xf32, #tpu.memory_space<vmem>>, vector<20x8x128xf32>,
    %eq3A_1505 = arith.constant 1.000000e+00 : f32
    %eq3A_1506 = vector.broadcast %eq3A_1505 : f32 to vector<160x160xf32>
    %eq3A_1507 = arith.cmpf oeq, %select_n3A_398, %eq3A_1506 : vector<160x160xf32>
    %slice3A_1508 = vector.extract_strided_slice %dot_general3A_390 {offsets = [0, 0], sizes = [160, 160], strides = [1, 1]} : vector<640x160xf32> to vector<160x160xf32>
    %eq3A_1509 = arith.constant 2.000000e+00 : f32
    %eq3A_1510 = vector.broadcast %eq3A_1509 : f32 to vector<160x160xf32>
    %eq3A_1511 = arith.cmpf oeq, %select_n3A_398, %eq3A_1510 : vector<160x160xf32>
    %slice3A_1512 = vector.extract_strided_slice %dot_general3A_390 {offsets = [160, 0], sizes = [160, 160], strides = [1, 1]} : vector<640x160xf32> to vector<160x160xf32>
    %eq3A_1513 = arith.constant 3.000000e+00 : f32
    %eq3A_1514 = vector.broadcast %eq3A_1513 : f32 to vector<160x160xf32>
    %eq3A_1515 = arith.cmpf oeq, %select_n3A_398, %eq3A_1514 : vector<160x160xf32>
    %slice3A_1516 = vector.extract_strided_slice %dot_general3A_390 {offsets = [320, 0], sizes = [160, 160], strides = [1, 1]} : vector<640x160xf32> to vector<160x160xf32>
    %eq3A_1517 = arith.constant 4.000000e+00 : f32
    %eq3A_1518 = vector.broadcast %eq3A_1517 : f32 to vector<160x160xf32>
    %eq3A_1519 = arith.cmpf oeq, %select_n3A_398, %eq3A_1518 : vector<160x160xf32>
    %slice3A_1520 = vector.extract_strided_slice %dot_general3A_390 {offsets = [480, 0], sizes = [160, 160], strides = [1, 1]} : vector<640x160xf32> to vector<160x160xf32>
    %eq3A_1521 = arith.constant 5.000000e+00 : f32
    %eq3A_1522 = vector.broadcast %eq3A_1521 : f32 to vector<160x160xf32>
    %eq3A_1523 = arith.cmpf oeq, %select_n3A_398, %eq3A_1522 : vector<160x160xf32>
    %jit3A_1524 = arith.constant 0xFF800000 : f32
    %jit3A_1525 = arith.constant -9.000000e+15 : f32
    %broadcast_in_dim3A_1526 = vector.broadcast %jit3A_1524 : f32 to vector<160x160xf32>
    %broadcast_in_dim3A_1527 = vector.broadcast %jit3A_1525 : f32 to vector<160x160xf32>
    %select_n3A_1528 = arith.select %eq3A_1523, %broadcast_in_dim3A_1526, %broadcast_in_dim3A_1527 : vector<160x160xi1>, vector<160x160xf32>
    %select_n3A_1529 = arith.select %eq3A_1519, %slice3A_1520, %select_n3A_1528 : vector<160x160xi1>, vector<160x160xf32>
    %select_n3A_1530 = arith.select %eq3A_1515, %slice3A_1516, %select_n3A_1529 : vector<160x160xi1>, vector<160x160xf32>
    %select_n3A_1531 = arith.select %eq3A_1511, %slice3A_1512, %select_n3A_1530 : vector<160x160xi1>, vector<160x160xf32>
    %select_n3A_1532 = arith.select %eq3A_1507, %slice3A_1508, %select_n3A_1531 : vector<160x160xi1>, vector<160x160xf32>
    %ge3A_1533 = arith.constant 0.000000e+00 : f32
    %ge3A_1534 = vector.broadcast %ge3A_1533 : f32 to vector<160x160xf32>
    %ge3A_1535 = arith.cmpf oge, %select_n3A_1532, %ge3A_1534 : vector<160x160xf32>
    %mul3A_1536 = arith.constant 2.000000e-01 : f32
    %mul3A_1537 = vector.broadcast %mul3A_1536 : f32 to vector<160x160xf32>
    %mul3A_1538 = arith.mulf %mul3A_1537, %select_n3A_1532 : vector<160x160xf32>
    %select_n3A_1539 = arith.select %ge3A_1535, %select_n3A_1532, %mul3A_1538 : vector<160x160xi1>, vector<160x160xf32>
    %reduce_max3A_1540 = arith.constant dense<0xFF800000> : vector<160xf32>
    %reduce_max3A_1541 = vector.multi_reduction <maximumf>, %select_n3A_1539, %reduce_max3A_1540 [1] : vector<160x160xf32> to vector<160xf32>
    %broadcast_in_dim3A_1542 = vector.shape_cast %reduce_max3A_1541 : vector<160xf32> to vector<160x1xf32>
    %sub3A_1543 = vector.broadcast %broadcast_in_dim3A_1542 : vector<160x1xf32> to vector<160x160xf32>
    %sub3A_1544 = arith.subf %select_n3A_1539, %sub3A_1543 : vector<160x160xf32>
    %exp3A_1545 = math.exp %sub3A_1544 : vector<160x160xf32>
    %reduce_sum3A_1546 = arith.constant dense<0.000000e+00> : vector<160xf32>
    %reduce_sum3A_1547 = vector.multi_reduction <add>, %exp3A_1545, %reduce_sum3A_1546 [1] : vector<160x160xf32> to vector<160xf32>
    %broadcast_in_dim3A_1548 = vector.shape_cast %reduce_sum3A_1547 : vector<160xf32> to vector<160x1xf32>
    %div3A_1549 = vector.broadcast %broadcast_in_dim3A_1548 : vector<160x1xf32> to vector<160x160xf32>
    %div3A_1550 = arith.divf %exp3A_1545, %div3A_1549 : vector<160x160xf32>
    %dot_general3A_1551 = arith.constant dense<0.000000e+00> : vector<160x128xf32>
    %dot_general3A_1552 = tpu.matmul %div3A_1550, %reshape3A_375, %dot_general3A_1551 {dimension_numbers = #tpu.dot_dimension_numbers<[1], [0], [0], [1], [0, 0, 1, 1], [], []>, transpose_lhs_hint = false} : vector<160x160xf32>, vector<160x128xf32>, vector<160x128xf32> -> vector<160x128xf32>
    %reshape3A_1553 = vector.shape_cast %dot_general3A_1552 : vector<160x128xf32> to vector<20x8x128xf32>
    %swap3A_1554 = arith.constant 0 : index
    %swap3A_1555 = arith.constant 96 : index
    %swap3A_1556 = arith.constant 0 : index
    %swap3A_1557 = vector.load %arg10[%swap3A_1554, %swap3A_1555, %swap3A_1556] : memref<20x256x128xf32, #tpu.memory_space<vmem>>, vector<20x8x128xf32>
    tpu.vector_store %arg10[%swap3A_1554, %swap3A_1555, %swap3A_1556], %reshape3A_1553 {strides = array<i32>} : memref<20x256x128xf32, #tpu.memory_space<vmem>>, vector<20x8x128xf32>,
    %eq3A_1558 = arith.constant 1.000000e+00 : f32
    %eq3A_1559 = vector.broadcast %eq3A_1558 : f32 to vector<160x160xf32>
    %eq3A_1560 = arith.cmpf oeq, %select_n3A_423, %eq3A_1559 : vector<160x160xf32>
    %slice3A_1561 = vector.extract_strided_slice %dot_general3A_415 {offsets = [0, 0], sizes = [160, 160], strides = [1, 1]} : vector<640x160xf32> to vector<160x160xf32>
    %eq3A_1562 = arith.constant 2.000000e+00 : f32
    %eq3A_1563 = vector.broadcast %eq3A_1562 : f32 to vector<160x160xf32>
    %eq3A_1564 = arith.cmpf oeq, %select_n3A_423, %eq3A_1563 : vector<160x160xf32>
    %slice3A_1565 = vector.extract_strided_slice %dot_general3A_415 {offsets = [160, 0], sizes = [160, 160], strides = [1, 1]} : vector<640x160xf32> to vector<160x160xf32>
    %eq3A_1566 = arith.constant 3.000000e+00 : f32
    %eq3A_1567 = vector.broadcast %eq3A_1566 : f32 to vector<160x160xf32>
    %eq3A_1568 = arith.cmpf oeq, %select_n3A_423, %eq3A_1567 : vector<160x160xf32>
    %slice3A_1569 = vector.extract_strided_slice %dot_general3A_415 {offsets = [320, 0], sizes = [160, 160], strides = [1, 1]} : vector<640x160xf32> to vector<160x160xf32>
    %eq3A_1570 = arith.constant 4.000000e+00 : f32
    %eq3A_1571 = vector.broadcast %eq3A_1570 : f32 to vector<160x160xf32>
    %eq3A_1572 = arith.cmpf oeq, %select_n3A_423, %eq3A_1571 : vector<160x160xf32>
    %slice3A_1573 = vector.extract_strided_slice %dot_general3A_415 {offsets = [480, 0], sizes = [160, 160], strides = [1, 1]} : vector<640x160xf32> to vector<160x160xf32>
    %eq3A_1574 = arith.constant 5.000000e+00 : f32
    %eq3A_1575 = vector.broadcast %eq3A_1574 : f32 to vector<160x160xf32>
    %eq3A_1576 = arith.cmpf oeq, %select_n3A_423, %eq3A_1575 : vector<160x160xf32>
    %jit3A_1577 = arith.constant 0xFF800000 : f32
    %jit3A_1578 = arith.constant -9.000000e+15 : f32
    %broadcast_in_dim3A_1579 = vector.broadcast %jit3A_1577 : f32 to vector<160x160xf32>
    %broadcast_in_dim3A_1580 = vector.broadcast %jit3A_1578 : f32 to vector<160x160xf32>
    %select_n3A_1581 = arith.select %eq3A_1576, %broadcast_in_dim3A_1579, %broadcast_in_dim3A_1580 : vector<160x160xi1>, vector<160x160xf32>
    %select_n3A_1582 = arith.select %eq3A_1572, %slice3A_1573, %select_n3A_1581 : vector<160x160xi1>, vector<160x160xf32>
    %select_n3A_1583 = arith.select %eq3A_1568, %slice3A_1569, %select_n3A_1582 : vector<160x160xi1>, vector<160x160xf32>
    %select_n3A_1584 = arith.select %eq3A_1564, %slice3A_1565, %select_n3A_1583 : vector<160x160xi1>, vector<160x160xf32>
    %select_n3A_1585 = arith.select %eq3A_1560, %slice3A_1561, %select_n3A_1584 : vector<160x160xi1>, vector<160x160xf32>
    %ge3A_1586 = arith.constant 0.000000e+00 : f32
    %ge3A_1587 = vector.broadcast %ge3A_1586 : f32 to vector<160x160xf32>
    %ge3A_1588 = arith.cmpf oge, %select_n3A_1585, %ge3A_1587 : vector<160x160xf32>
    %mul3A_1589 = arith.constant 2.000000e-01 : f32
    %mul3A_1590 = vector.broadcast %mul3A_1589 : f32 to vector<160x160xf32>
    %mul3A_1591 = arith.mulf %mul3A_1590, %select_n3A_1585 : vector<160x160xf32>
    %select_n3A_1592 = arith.select %ge3A_1588, %select_n3A_1585, %mul3A_1591 : vector<160x160xi1>, vector<160x160xf32>
    %reduce_max3A_1593 = arith.constant dense<0xFF800000> : vector<160xf32>
    %reduce_max3A_1594 = vector.multi_reduction <maximumf>, %select_n3A_1592, %reduce_max3A_1593 [1] : vector<160x160xf32> to vector<160xf32>
    %broadcast_in_dim3A_1595 = vector.shape_cast %reduce_max3A_1594 : vector<160xf32> to vector<160x1xf32>
    %sub3A_1596 = vector.broadcast %broadcast_in_dim3A_1595 : vector<160x1xf32> to vector<160x160xf32>
    %sub3A_1597 = arith.subf %select_n3A_1592, %sub3A_1596 : vector<160x160xf32>
    %exp3A_1598 = math.exp %sub3A_1597 : vector<160x160xf32>
    %reduce_sum3A_1599 = arith.constant dense<0.000000e+00> : vector<160xf32>
    %reduce_sum3A_1600 = vector.multi_reduction <add>, %exp3A_1598, %reduce_sum3A_1599 [1] : vector<160x160xf32> to vector<160xf32>
    %broadcast_in_dim3A_1601 = vector.shape_cast %reduce_sum3A_1600 : vector<160xf32> to vector<160x1xf32>
    %div3A_1602 = vector.broadcast %broadcast_in_dim3A_1601 : vector<160x1xf32> to vector<160x160xf32>
    %div3A_1603 = arith.divf %exp3A_1598, %div3A_1602 : vector<160x160xf32>
    %dot_general3A_1604 = arith.constant dense<0.000000e+00> : vector<160x128xf32>
    %dot_general3A_1605 = tpu.matmul %div3A_1603, %reshape3A_400, %dot_general3A_1604 {dimension_numbers = #tpu.dot_dimension_numbers<[1], [0], [0], [1], [0, 0, 1, 1], [], []>, transpose_lhs_hint = false} : vector<160x160xf32>, vector<160x128xf32>, vector<160x128xf32> -> vector<160x128xf32>
    %reshape3A_1606 = vector.shape_cast %dot_general3A_1605 : vector<160x128xf32> to vector<20x8x128xf32>
    %swap3A_1607 = arith.constant 0 : index
    %swap3A_1608 = arith.constant 104 : index
    %swap3A_1609 = arith.constant 0 : index
    %swap3A_1610 = vector.load %arg10[%swap3A_1607, %swap3A_1608, %swap3A_1609] : memref<20x256x128xf32, #tpu.memory_space<vmem>>, vector<20x8x128xf32>
    tpu.vector_store %arg10[%swap3A_1607, %swap3A_1608, %swap3A_1609], %reshape3A_1606 {strides = array<i32>} : memref<20x256x128xf32, #tpu.memory_space<vmem>>, vector<20x8x128xf32>,
    %eq3A_1611 = arith.constant 1.000000e+00 : f32
    %eq3A_1612 = vector.broadcast %eq3A_1611 : f32 to vector<160x160xf32>
    %eq3A_1613 = arith.cmpf oeq, %select_n3A_448, %eq3A_1612 : vector<160x160xf32>
    %slice3A_1614 = vector.extract_strided_slice %dot_general3A_440 {offsets = [0, 0], sizes = [160, 160], strides = [1, 1]} : vector<640x160xf32> to vector<160x160xf32>
    %eq3A_1615 = arith.constant 2.000000e+00 : f32
    %eq3A_1616 = vector.broadcast %eq3A_1615 : f32 to vector<160x160xf32>
    %eq3A_1617 = arith.cmpf oeq, %select_n3A_448, %eq3A_1616 : vector<160x160xf32>
    %slice3A_1618 = vector.extract_strided_slice %dot_general3A_440 {offsets = [160, 0], sizes = [160, 160], strides = [1, 1]} : vector<640x160xf32> to vector<160x160xf32>
    %eq3A_1619 = arith.constant 3.000000e+00 : f32
    %eq3A_1620 = vector.broadcast %eq3A_1619 : f32 to vector<160x160xf32>
    %eq3A_1621 = arith.cmpf oeq, %select_n3A_448, %eq3A_1620 : vector<160x160xf32>
    %slice3A_1622 = vector.extract_strided_slice %dot_general3A_440 {offsets = [320, 0], sizes = [160, 160], strides = [1, 1]} : vector<640x160xf32> to vector<160x160xf32>
    %eq3A_1623 = arith.constant 4.000000e+00 : f32
    %eq3A_1624 = vector.broadcast %eq3A_1623 : f32 to vector<160x160xf32>
    %eq3A_1625 = arith.cmpf oeq, %select_n3A_448, %eq3A_1624 : vector<160x160xf32>
    %slice3A_1626 = vector.extract_strided_slice %dot_general3A_440 {offsets = [480, 0], sizes = [160, 160], strides = [1, 1]} : vector<640x160xf32> to vector<160x160xf32>
    %eq3A_1627 = arith.constant 5.000000e+00 : f32
    %eq3A_1628 = vector.broadcast %eq3A_1627 : f32 to vector<160x160xf32>
    %eq3A_1629 = arith.cmpf oeq, %select_n3A_448, %eq3A_1628 : vector<160x160xf32>
    %jit3A_1630 = arith.constant 0xFF800000 : f32
    %jit3A_1631 = arith.constant -9.000000e+15 : f32
    %broadcast_in_dim3A_1632 = vector.broadcast %jit3A_1630 : f32 to vector<160x160xf32>
    %broadcast_in_dim3A_1633 = vector.broadcast %jit3A_1631 : f32 to vector<160x160xf32>
    %select_n3A_1634 = arith.select %eq3A_1629, %broadcast_in_dim3A_1632, %broadcast_in_dim3A_1633 : vector<160x160xi1>, vector<160x160xf32>
    %select_n3A_1635 = arith.select %eq3A_1625, %slice3A_1626, %select_n3A_1634 : vector<160x160xi1>, vector<160x160xf32>
    %select_n3A_1636 = arith.select %eq3A_1621, %slice3A_1622, %select_n3A_1635 : vector<160x160xi1>, vector<160x160xf32>
    %select_n3A_1637 = arith.select %eq3A_1617, %slice3A_1618, %select_n3A_1636 : vector<160x160xi1>, vector<160x160xf32>
    %select_n3A_1638 = arith.select %eq3A_1613, %slice3A_1614, %select_n3A_1637 : vector<160x160xi1>, vector<160x160xf32>
    %ge3A_1639 = arith.constant 0.000000e+00 : f32
    %ge3A_1640 = vector.broadcast %ge3A_1639 : f32 to vector<160x160xf32>
    %ge3A_1641 = arith.cmpf oge, %select_n3A_1638, %ge3A_1640 : vector<160x160xf32>
    %mul3A_1642 = arith.constant 2.000000e-01 : f32
    %mul3A_1643 = vector.broadcast %mul3A_1642 : f32 to vector<160x160xf32>
    %mul3A_1644 = arith.mulf %mul3A_1643, %select_n3A_1638 : vector<160x160xf32>
    %select_n3A_1645 = arith.select %ge3A_1641, %select_n3A_1638, %mul3A_1644 : vector<160x160xi1>, vector<160x160xf32>
    %reduce_max3A_1646 = arith.constant dense<0xFF800000> : vector<160xf32>
    %reduce_max3A_1647 = vector.multi_reduction <maximumf>, %select_n3A_1645, %reduce_max3A_1646 [1] : vector<160x160xf32> to vector<160xf32>
    %broadcast_in_dim3A_1648 = vector.shape_cast %reduce_max3A_1647 : vector<160xf32> to vector<160x1xf32>
    %sub3A_1649 = vector.broadcast %broadcast_in_dim3A_1648 : vector<160x1xf32> to vector<160x160xf32>
    %sub3A_1650 = arith.subf %select_n3A_1645, %sub3A_1649 : vector<160x160xf32>
    %exp3A_1651 = math.exp %sub3A_1650 : vector<160x160xf32>
    %reduce_sum3A_1652 = arith.constant dense<0.000000e+00> : vector<160xf32>
    %reduce_sum3A_1653 = vector.multi_reduction <add>, %exp3A_1651, %reduce_sum3A_1652 [1] : vector<160x160xf32> to vector<160xf32>
    %broadcast_in_dim3A_1654 = vector.shape_cast %reduce_sum3A_1653 : vector<160xf32> to vector<160x1xf32>
    %div3A_1655 = vector.broadcast %broadcast_in_dim3A_1654 : vector<160x1xf32> to vector<160x160xf32>
    %div3A_1656 = arith.divf %exp3A_1651, %div3A_1655 : vector<160x160xf32>
    %dot_general3A_1657 = arith.constant dense<0.000000e+00> : vector<160x128xf32>
    %dot_general3A_1658 = tpu.matmul %div3A_1656, %reshape3A_425, %dot_general3A_1657 {dimension_numbers = #tpu.dot_dimension_numbers<[1], [0], [0], [1], [0, 0, 1, 1], [], []>, transpose_lhs_hint = false} : vector<160x160xf32>, vector<160x128xf32>, vector<160x128xf32> -> vector<160x128xf32>
    %reshape3A_1659 = vector.shape_cast %dot_general3A_1658 : vector<160x128xf32> to vector<20x8x128xf32>
    %swap3A_1660 = arith.constant 0 : index
    %swap3A_1661 = arith.constant 112 : index
    %swap3A_1662 = arith.constant 0 : index
    %swap3A_1663 = vector.load %arg10[%swap3A_1660, %swap3A_1661, %swap3A_1662] : memref<20x256x128xf32, #tpu.memory_space<vmem>>, vector<20x8x128xf32>
    tpu.vector_store %arg10[%swap3A_1660, %swap3A_1661, %swap3A_1662], %reshape3A_1659 {strides = array<i32>} : memref<20x256x128xf32, #tpu.memory_space<vmem>>, vector<20x8x128xf32>,
    %eq3A_1664 = arith.constant 1.000000e+00 : f32
    %eq3A_1665 = vector.broadcast %eq3A_1664 : f32 to vector<160x160xf32>
    %eq3A_1666 = arith.cmpf oeq, %select_n3A_473, %eq3A_1665 : vector<160x160xf32>
    %slice3A_1667 = vector.extract_strided_slice %dot_general3A_465 {offsets = [0, 0], sizes = [160, 160], strides = [1, 1]} : vector<640x160xf32> to vector<160x160xf32>
    %eq3A_1668 = arith.constant 2.000000e+00 : f32
    %eq3A_1669 = vector.broadcast %eq3A_1668 : f32 to vector<160x160xf32>
    %eq3A_1670 = arith.cmpf oeq, %select_n3A_473, %eq3A_1669 : vector<160x160xf32>
    %slice3A_1671 = vector.extract_strided_slice %dot_general3A_465 {offsets = [160, 0], sizes = [160, 160], strides = [1, 1]} : vector<640x160xf32> to vector<160x160xf32>
    %eq3A_1672 = arith.constant 3.000000e+00 : f32
    %eq3A_1673 = vector.broadcast %eq3A_1672 : f32 to vector<160x160xf32>
    %eq3A_1674 = arith.cmpf oeq, %select_n3A_473, %eq3A_1673 : vector<160x160xf32>
    %slice3A_1675 = vector.extract_strided_slice %dot_general3A_465 {offsets = [320, 0], sizes = [160, 160], strides = [1, 1]} : vector<640x160xf32> to vector<160x160xf32>
    %eq3A_1676 = arith.constant 4.000000e+00 : f32
    %eq3A_1677 = vector.broadcast %eq3A_1676 : f32 to vector<160x160xf32>
    %eq3A_1678 = arith.cmpf oeq, %select_n3A_473, %eq3A_1677 : vector<160x160xf32>
    %slice3A_1679 = vector.extract_strided_slice %dot_general3A_465 {offsets = [480, 0], sizes = [160, 160], strides = [1, 1]} : vector<640x160xf32> to vector<160x160xf32>
    %eq3A_1680 = arith.constant 5.000000e+00 : f32
    %eq3A_1681 = vector.broadcast %eq3A_1680 : f32 to vector<160x160xf32>
    %eq3A_1682 = arith.cmpf oeq, %select_n3A_473, %eq3A_1681 : vector<160x160xf32>
    %jit3A_1683 = arith.constant 0xFF800000 : f32
    %jit3A_1684 = arith.constant -9.000000e+15 : f32
    %broadcast_in_dim3A_1685 = vector.broadcast %jit3A_1683 : f32 to vector<160x160xf32>
    %broadcast_in_dim3A_1686 = vector.broadcast %jit3A_1684 : f32 to vector<160x160xf32>
    %select_n3A_1687 = arith.select %eq3A_1682, %broadcast_in_dim3A_1685, %broadcast_in_dim3A_1686 : vector<160x160xi1>, vector<160x160xf32>
    %select_n3A_1688 = arith.select %eq3A_1678, %slice3A_1679, %select_n3A_1687 : vector<160x160xi1>, vector<160x160xf32>
    %select_n3A_1689 = arith.select %eq3A_1674, %slice3A_1675, %select_n3A_1688 : vector<160x160xi1>, vector<160x160xf32>
    %select_n3A_1690 = arith.select %eq3A_1670, %slice3A_1671, %select_n3A_1689 : vector<160x160xi1>, vector<160x160xf32>
    %select_n3A_1691 = arith.select %eq3A_1666, %slice3A_1667, %select_n3A_1690 : vector<160x160xi1>, vector<160x160xf32>
    %ge3A_1692 = arith.constant 0.000000e+00 : f32
    %ge3A_1693 = vector.broadcast %ge3A_1692 : f32 to vector<160x160xf32>
    %ge3A_1694 = arith.cmpf oge, %select_n3A_1691, %ge3A_1693 : vector<160x160xf32>
    %mul3A_1695 = arith.constant 2.000000e-01 : f32
    %mul3A_1696 = vector.broadcast %mul3A_1695 : f32 to vector<160x160xf32>
    %mul3A_1697 = arith.mulf %mul3A_1696, %select_n3A_1691 : vector<160x160xf32>
    %select_n3A_1698 = arith.select %ge3A_1694, %select_n3A_1691, %mul3A_1697 : vector<160x160xi1>, vector<160x160xf32>
    %reduce_max3A_1699 = arith.constant dense<0xFF800000> : vector<160xf32>
    %reduce_max3A_1700 = vector.multi_reduction <maximumf>, %select_n3A_1698, %reduce_max3A_1699 [1] : vector<160x160xf32> to vector<160xf32>
    %broadcast_in_dim3A_1701 = vector.shape_cast %reduce_max3A_1700 : vector<160xf32> to vector<160x1xf32>
    %sub3A_1702 = vector.broadcast %broadcast_in_dim3A_1701 : vector<160x1xf32> to vector<160x160xf32>
    %sub3A_1703 = arith.subf %select_n3A_1698, %sub3A_1702 : vector<160x160xf32>
    %exp3A_1704 = math.exp %sub3A_1703 : vector<160x160xf32>
    %reduce_sum3A_1705 = arith.constant dense<0.000000e+00> : vector<160xf32>
    %reduce_sum3A_1706 = vector.multi_reduction <add>, %exp3A_1704, %reduce_sum3A_1705 [1] : vector<160x160xf32> to vector<160xf32>
    %broadcast_in_dim3A_1707 = vector.shape_cast %reduce_sum3A_1706 : vector<160xf32> to vector<160x1xf32>
    %div3A_1708 = vector.broadcast %broadcast_in_dim3A_1707 : vector<160x1xf32> to vector<160x160xf32>
    %div3A_1709 = arith.divf %exp3A_1704, %div3A_1708 : vector<160x160xf32>
    %dot_general3A_1710 = arith.constant dense<0.000000e+00> : vector<160x128xf32>
    %dot_general3A_1711 = tpu.matmul %div3A_1709, %reshape3A_450, %dot_general3A_1710 {dimension_numbers = #tpu.dot_dimension_numbers<[1], [0], [0], [1], [0, 0, 1, 1], [], []>, transpose_lhs_hint = false} : vector<160x160xf32>, vector<160x128xf32>, vector<160x128xf32> -> vector<160x128xf32>
    %reshape3A_1712 = vector.shape_cast %dot_general3A_1711 : vector<160x128xf32> to vector<20x8x128xf32>
    %swap3A_1713 = arith.constant 0 : index
    %swap3A_1714 = arith.constant 120 : index
    %swap3A_1715 = arith.constant 0 : index
    %swap3A_1716 = vector.load %arg10[%swap3A_1713, %swap3A_1714, %swap3A_1715] : memref<20x256x128xf32, #tpu.memory_space<vmem>>, vector<20x8x128xf32>
    tpu.vector_store %arg10[%swap3A_1713, %swap3A_1714, %swap3A_1715], %reshape3A_1712 {strides = array<i32>} : memref<20x256x128xf32, #tpu.memory_space<vmem>>, vector<20x8x128xf32>,
    %eq3A_1717 = arith.constant 1.000000e+00 : f32
    %eq3A_1718 = vector.broadcast %eq3A_1717 : f32 to vector<160x160xf32>
    %eq3A_1719 = arith.cmpf oeq, %select_n3A_498, %eq3A_1718 : vector<160x160xf32>
    %slice3A_1720 = vector.extract_strided_slice %dot_general3A_490 {offsets = [0, 0], sizes = [160, 160], strides = [1, 1]} : vector<640x160xf32> to vector<160x160xf32>
    %eq3A_1721 = arith.constant 2.000000e+00 : f32
    %eq3A_1722 = vector.broadcast %eq3A_1721 : f32 to vector<160x160xf32>
    %eq3A_1723 = arith.cmpf oeq, %select_n3A_498, %eq3A_1722 : vector<160x160xf32>
    %slice3A_1724 = vector.extract_strided_slice %dot_general3A_490 {offsets = [160, 0], sizes = [160, 160], strides = [1, 1]} : vector<640x160xf32> to vector<160x160xf32>
    %eq3A_1725 = arith.constant 3.000000e+00 : f32
    %eq3A_1726 = vector.broadcast %eq3A_1725 : f32 to vector<160x160xf32>
    %eq3A_1727 = arith.cmpf oeq, %select_n3A_498, %eq3A_1726 : vector<160x160xf32>
    %slice3A_1728 = vector.extract_strided_slice %dot_general3A_490 {offsets = [320, 0], sizes = [160, 160], strides = [1, 1]} : vector<640x160xf32> to vector<160x160xf32>
    %eq3A_1729 = arith.constant 4.000000e+00 : f32
    %eq3A_1730 = vector.broadcast %eq3A_1729 : f32 to vector<160x160xf32>
    %eq3A_1731 = arith.cmpf oeq, %select_n3A_498, %eq3A_1730 : vector<160x160xf32>
    %slice3A_1732 = vector.extract_strided_slice %dot_general3A_490 {offsets = [480, 0], sizes = [160, 160], strides = [1, 1]} : vector<640x160xf32> to vector<160x160xf32>
    %eq3A_1733 = arith.constant 5.000000e+00 : f32
    %eq3A_1734 = vector.broadcast %eq3A_1733 : f32 to vector<160x160xf32>
    %eq3A_1735 = arith.cmpf oeq, %select_n3A_498, %eq3A_1734 : vector<160x160xf32>
    %jit3A_1736 = arith.constant 0xFF800000 : f32
    %jit3A_1737 = arith.constant -9.000000e+15 : f32
    %broadcast_in_dim3A_1738 = vector.broadcast %jit3A_1736 : f32 to vector<160x160xf32>
    %broadcast_in_dim3A_1739 = vector.broadcast %jit3A_1737 : f32 to vector<160x160xf32>
    %select_n3A_1740 = arith.select %eq3A_1735, %broadcast_in_dim3A_1738, %broadcast_in_dim3A_1739 : vector<160x160xi1>, vector<160x160xf32>
    %select_n3A_1741 = arith.select %eq3A_1731, %slice3A_1732, %select_n3A_1740 : vector<160x160xi1>, vector<160x160xf32>
    %select_n3A_1742 = arith.select %eq3A_1727, %slice3A_1728, %select_n3A_1741 : vector<160x160xi1>, vector<160x160xf32>
    %select_n3A_1743 = arith.select %eq3A_1723, %slice3A_1724, %select_n3A_1742 : vector<160x160xi1>, vector<160x160xf32>
    %select_n3A_1744 = arith.select %eq3A_1719, %slice3A_1720, %select_n3A_1743 : vector<160x160xi1>, vector<160x160xf32>
    %ge3A_1745 = arith.constant 0.000000e+00 : f32
    %ge3A_1746 = vector.broadcast %ge3A_1745 : f32 to vector<160x160xf32>
    %ge3A_1747 = arith.cmpf oge, %select_n3A_1744, %ge3A_1746 : vector<160x160xf32>
    %mul3A_1748 = arith.constant 2.000000e-01 : f32
    %mul3A_1749 = vector.broadcast %mul3A_1748 : f32 to vector<160x160xf32>
    %mul3A_1750 = arith.mulf %mul3A_1749, %select_n3A_1744 : vector<160x160xf32>
    %select_n3A_1751 = arith.select %ge3A_1747, %select_n3A_1744, %mul3A_1750 : vector<160x160xi1>, vector<160x160xf32>
    %reduce_max3A_1752 = arith.constant dense<0xFF800000> : vector<160xf32>
    %reduce_max3A_1753 = vector.multi_reduction <maximumf>, %select_n3A_1751, %reduce_max3A_1752 [1] : vector<160x160xf32> to vector<160xf32>
    %broadcast_in_dim3A_1754 = vector.shape_cast %reduce_max3A_1753 : vector<160xf32> to vector<160x1xf32>
    %sub3A_1755 = vector.broadcast %broadcast_in_dim3A_1754 : vector<160x1xf32> to vector<160x160xf32>
    %sub3A_1756 = arith.subf %select_n3A_1751, %sub3A_1755 : vector<160x160xf32>
    %exp3A_1757 = math.exp %sub3A_1756 : vector<160x160xf32>
    %reduce_sum3A_1758 = arith.constant dense<0.000000e+00> : vector<160xf32>
    %reduce_sum3A_1759 = vector.multi_reduction <add>, %exp3A_1757, %reduce_sum3A_1758 [1] : vector<160x160xf32> to vector<160xf32>
    %broadcast_in_dim3A_1760 = vector.shape_cast %reduce_sum3A_1759 : vector<160xf32> to vector<160x1xf32>
    %div3A_1761 = vector.broadcast %broadcast_in_dim3A_1760 : vector<160x1xf32> to vector<160x160xf32>
    %div3A_1762 = arith.divf %exp3A_1757, %div3A_1761 : vector<160x160xf32>
    %dot_general3A_1763 = arith.constant dense<0.000000e+00> : vector<160x128xf32>
    %dot_general3A_1764 = tpu.matmul %div3A_1762, %reshape3A_475, %dot_general3A_1763 {dimension_numbers = #tpu.dot_dimension_numbers<[1], [0], [0], [1], [0, 0, 1, 1], [], []>, transpose_lhs_hint = false} : vector<160x160xf32>, vector<160x128xf32>, vector<160x128xf32> -> vector<160x128xf32>
    %reshape3A_1765 = vector.shape_cast %dot_general3A_1764 : vector<160x128xf32> to vector<20x8x128xf32>
    %swap3A_1766 = arith.constant 0 : index
    %swap3A_1767 = arith.constant 128 : index
    %swap3A_1768 = arith.constant 0 : index
    %swap3A_1769 = vector.load %arg10[%swap3A_1766, %swap3A_1767, %swap3A_1768] : memref<20x256x128xf32, #tpu.memory_space<vmem>>, vector<20x8x128xf32>
    tpu.vector_store %arg10[%swap3A_1766, %swap3A_1767, %swap3A_1768], %reshape3A_1765 {strides = array<i32>} : memref<20x256x128xf32, #tpu.memory_space<vmem>>, vector<20x8x128xf32>,
    %eq3A_1770 = arith.constant 1.000000e+00 : f32
    %eq3A_1771 = vector.broadcast %eq3A_1770 : f32 to vector<160x160xf32>
    %eq3A_1772 = arith.cmpf oeq, %select_n3A_523, %eq3A_1771 : vector<160x160xf32>
    %slice3A_1773 = vector.extract_strided_slice %dot_general3A_515 {offsets = [0, 0], sizes = [160, 160], strides = [1, 1]} : vector<640x160xf32> to vector<160x160xf32>
    %eq3A_1774 = arith.constant 2.000000e+00 : f32
    %eq3A_1775 = vector.broadcast %eq3A_1774 : f32 to vector<160x160xf32>
    %eq3A_1776 = arith.cmpf oeq, %select_n3A_523, %eq3A_1775 : vector<160x160xf32>
    %slice3A_1777 = vector.extract_strided_slice %dot_general3A_515 {offsets = [160, 0], sizes = [160, 160], strides = [1, 1]} : vector<640x160xf32> to vector<160x160xf32>
    %eq3A_1778 = arith.constant 3.000000e+00 : f32
    %eq3A_1779 = vector.broadcast %eq3A_1778 : f32 to vector<160x160xf32>
    %eq3A_1780 = arith.cmpf oeq, %select_n3A_523, %eq3A_1779 : vector<160x160xf32>
    %slice3A_1781 = vector.extract_strided_slice %dot_general3A_515 {offsets = [320, 0], sizes = [160, 160], strides = [1, 1]} : vector<640x160xf32> to vector<160x160xf32>
    %eq3A_1782 = arith.constant 4.000000e+00 : f32
    %eq3A_1783 = vector.broadcast %eq3A_1782 : f32 to vector<160x160xf32>
    %eq3A_1784 = arith.cmpf oeq, %select_n3A_523, %eq3A_1783 : vector<160x160xf32>
    %slice3A_1785 = vector.extract_strided_slice %dot_general3A_515 {offsets = [480, 0], sizes = [160, 160], strides = [1, 1]} : vector<640x160xf32> to vector<160x160xf32>
    %eq3A_1786 = arith.constant 5.000000e+00 : f32
    %eq3A_1787 = vector.broadcast %eq3A_1786 : f32 to vector<160x160xf32>
    %eq3A_1788 = arith.cmpf oeq, %select_n3A_523, %eq3A_1787 : vector<160x160xf32>
    %jit3A_1789 = arith.constant 0xFF800000 : f32
    %jit3A_1790 = arith.constant -9.000000e+15 : f32
    %broadcast_in_dim3A_1791 = vector.broadcast %jit3A_1789 : f32 to vector<160x160xf32>
    %broadcast_in_dim3A_1792 = vector.broadcast %jit3A_1790 : f32 to vector<160x160xf32>
    %select_n3A_1793 = arith.select %eq3A_1788, %broadcast_in_dim3A_1791, %broadcast_in_dim3A_1792 : vector<160x160xi1>, vector<160x160xf32>
    %select_n3A_1794 = arith.select %eq3A_1784, %slice3A_1785, %select_n3A_1793 : vector<160x160xi1>, vector<160x160xf32>
    %select_n3A_1795 = arith.select %eq3A_1780, %slice3A_1781, %select_n3A_1794 : vector<160x160xi1>, vector<160x160xf32>
    %select_n3A_1796 = arith.select %eq3A_1776, %slice3A_1777, %select_n3A_1795 : vector<160x160xi1>, vector<160x160xf32>
    %select_n3A_1797 = arith.select %eq3A_1772, %slice3A_1773, %select_n3A_1796 : vector<160x160xi1>, vector<160x160xf32>
    %ge3A_1798 = arith.constant 0.000000e+00 : f32
    %ge3A_1799 = vector.broadcast %ge3A_1798 : f32 to vector<160x160xf32>
    %ge3A_1800 = arith.cmpf oge, %select_n3A_1797, %ge3A_1799 : vector<160x160xf32>
    %mul3A_1801 = arith.constant 2.000000e-01 : f32
    %mul3A_1802 = vector.broadcast %mul3A_1801 : f32 to vector<160x160xf32>
    %mul3A_1803 = arith.mulf %mul3A_1802, %select_n3A_1797 : vector<160x160xf32>
    %select_n3A_1804 = arith.select %ge3A_1800, %select_n3A_1797, %mul3A_1803 : vector<160x160xi1>, vector<160x160xf32>
    %reduce_max3A_1805 = arith.constant dense<0xFF800000> : vector<160xf32>
    %reduce_max3A_1806 = vector.multi_reduction <maximumf>, %select_n3A_1804, %reduce_max3A_1805 [1] : vector<160x160xf32> to vector<160xf32>
    %broadcast_in_dim3A_1807 = vector.shape_cast %reduce_max3A_1806 : vector<160xf32> to vector<160x1xf32>
    %sub3A_1808 = vector.broadcast %broadcast_in_dim3A_1807 : vector<160x1xf32> to vector<160x160xf32>
    %sub3A_1809 = arith.subf %select_n3A_1804, %sub3A_1808 : vector<160x160xf32>
    %exp3A_1810 = math.exp %sub3A_1809 : vector<160x160xf32>
    %reduce_sum3A_1811 = arith.constant dense<0.000000e+00> : vector<160xf32>
    %reduce_sum3A_1812 = vector.multi_reduction <add>, %exp3A_1810, %reduce_sum3A_1811 [1] : vector<160x160xf32> to vector<160xf32>
    %broadcast_in_dim3A_1813 = vector.shape_cast %reduce_sum3A_1812 : vector<160xf32> to vector<160x1xf32>
    %div3A_1814 = vector.broadcast %broadcast_in_dim3A_1813 : vector<160x1xf32> to vector<160x160xf32>
    %div3A_1815 = arith.divf %exp3A_1810, %div3A_1814 : vector<160x160xf32>
    %dot_general3A_1816 = arith.constant dense<0.000000e+00> : vector<160x128xf32>
    %dot_general3A_1817 = tpu.matmul %div3A_1815, %reshape3A_500, %dot_general3A_1816 {dimension_numbers = #tpu.dot_dimension_numbers<[1], [0], [0], [1], [0, 0, 1, 1], [], []>, transpose_lhs_hint = false} : vector<160x160xf32>, vector<160x128xf32>, vector<160x128xf32> -> vector<160x128xf32>
    %reshape3A_1818 = vector.shape_cast %dot_general3A_1817 : vector<160x128xf32> to vector<20x8x128xf32>
    %swap3A_1819 = arith.constant 0 : index
    %swap3A_1820 = arith.constant 136 : index
    %swap3A_1821 = arith.constant 0 : index
    %swap3A_1822 = vector.load %arg10[%swap3A_1819, %swap3A_1820, %swap3A_1821] : memref<20x256x128xf32, #tpu.memory_space<vmem>>, vector<20x8x128xf32>
    tpu.vector_store %arg10[%swap3A_1819, %swap3A_1820, %swap3A_1821], %reshape3A_1818 {strides = array<i32>} : memref<20x256x128xf32, #tpu.memory_space<vmem>>, vector<20x8x128xf32>,
    %eq3A_1823 = arith.constant 1.000000e+00 : f32
    %eq3A_1824 = vector.broadcast %eq3A_1823 : f32 to vector<160x160xf32>
    %eq3A_1825 = arith.cmpf oeq, %select_n3A_548, %eq3A_1824 : vector<160x160xf32>
    %slice3A_1826 = vector.extract_strided_slice %dot_general3A_540 {offsets = [0, 0], sizes = [160, 160], strides = [1, 1]} : vector<640x160xf32> to vector<160x160xf32>
    %eq3A_1827 = arith.constant 2.000000e+00 : f32
    %eq3A_1828 = vector.broadcast %eq3A_1827 : f32 to vector<160x160xf32>
    %eq3A_1829 = arith.cmpf oeq, %select_n3A_548, %eq3A_1828 : vector<160x160xf32>
    %slice3A_1830 = vector.extract_strided_slice %dot_general3A_540 {offsets = [160, 0], sizes = [160, 160], strides = [1, 1]} : vector<640x160xf32> to vector<160x160xf32>
    %eq3A_1831 = arith.constant 3.000000e+00 : f32
    %eq3A_1832 = vector.broadcast %eq3A_1831 : f32 to vector<160x160xf32>
    %eq3A_1833 = arith.cmpf oeq, %select_n3A_548, %eq3A_1832 : vector<160x160xf32>
    %slice3A_1834 = vector.extract_strided_slice %dot_general3A_540 {offsets = [320, 0], sizes = [160, 160], strides = [1, 1]} : vector<640x160xf32> to vector<160x160xf32>
    %eq3A_1835 = arith.constant 4.000000e+00 : f32
    %eq3A_1836 = vector.broadcast %eq3A_1835 : f32 to vector<160x160xf32>
    %eq3A_1837 = arith.cmpf oeq, %select_n3A_548, %eq3A_1836 : vector<160x160xf32>
    %slice3A_1838 = vector.extract_strided_slice %dot_general3A_540 {offsets = [480, 0], sizes = [160, 160], strides = [1, 1]} : vector<640x160xf32> to vector<160x160xf32>
    %eq3A_1839 = arith.constant 5.000000e+00 : f32
    %eq3A_1840 = vector.broadcast %eq3A_1839 : f32 to vector<160x160xf32>
    %eq3A_1841 = arith.cmpf oeq, %select_n3A_548, %eq3A_1840 : vector<160x160xf32>
    %jit3A_1842 = arith.constant 0xFF800000 : f32
    %jit3A_1843 = arith.constant -9.000000e+15 : f32
    %broadcast_in_dim3A_1844 = vector.broadcast %jit3A_1842 : f32 to vector<160x160xf32>
    %broadcast_in_dim3A_1845 = vector.broadcast %jit3A_1843 : f32 to vector<160x160xf32>
    %select_n3A_1846 = arith.select %eq3A_1841, %broadcast_in_dim3A_1844, %broadcast_in_dim3A_1845 : vector<160x160xi1>, vector<160x160xf32>
    %select_n3A_1847 = arith.select %eq3A_1837, %slice3A_1838, %select_n3A_1846 : vector<160x160xi1>, vector<160x160xf32>
    %select_n3A_1848 = arith.select %eq3A_1833, %slice3A_1834, %select_n3A_1847 : vector<160x160xi1>, vector<160x160xf32>
    %select_n3A_1849 = arith.select %eq3A_1829, %slice3A_1830, %select_n3A_1848 : vector<160x160xi1>, vector<160x160xf32>
    %select_n3A_1850 = arith.select %eq3A_1825, %slice3A_1826, %select_n3A_1849 : vector<160x160xi1>, vector<160x160xf32>
    %ge3A_1851 = arith.constant 0.000000e+00 : f32
    %ge3A_1852 = vector.broadcast %ge3A_1851 : f32 to vector<160x160xf32>
    %ge3A_1853 = arith.cmpf oge, %select_n3A_1850, %ge3A_1852 : vector<160x160xf32>
    %mul3A_1854 = arith.constant 2.000000e-01 : f32
    %mul3A_1855 = vector.broadcast %mul3A_1854 : f32 to vector<160x160xf32>
    %mul3A_1856 = arith.mulf %mul3A_1855, %select_n3A_1850 : vector<160x160xf32>
    %select_n3A_1857 = arith.select %ge3A_1853, %select_n3A_1850, %mul3A_1856 : vector<160x160xi1>, vector<160x160xf32>
    %reduce_max3A_1858 = arith.constant dense<0xFF800000> : vector<160xf32>
    %reduce_max3A_1859 = vector.multi_reduction <maximumf>, %select_n3A_1857, %reduce_max3A_1858 [1] : vector<160x160xf32> to vector<160xf32>
    %broadcast_in_dim3A_1860 = vector.shape_cast %reduce_max3A_1859 : vector<160xf32> to vector<160x1xf32>
    %sub3A_1861 = vector.broadcast %broadcast_in_dim3A_1860 : vector<160x1xf32> to vector<160x160xf32>
    %sub3A_1862 = arith.subf %select_n3A_1857, %sub3A_1861 : vector<160x160xf32>
    %exp3A_1863 = math.exp %sub3A_1862 : vector<160x160xf32>
    %reduce_sum3A_1864 = arith.constant dense<0.000000e+00> : vector<160xf32>
    %reduce_sum3A_1865 = vector.multi_reduction <add>, %exp3A_1863, %reduce_sum3A_1864 [1] : vector<160x160xf32> to vector<160xf32>
    %broadcast_in_dim3A_1866 = vector.shape_cast %reduce_sum3A_1865 : vector<160xf32> to vector<160x1xf32>
    %div3A_1867 = vector.broadcast %broadcast_in_dim3A_1866 : vector<160x1xf32> to vector<160x160xf32>
    %div3A_1868 = arith.divf %exp3A_1863, %div3A_1867 : vector<160x160xf32>
    %dot_general3A_1869 = arith.constant dense<0.000000e+00> : vector<160x128xf32>
    %dot_general3A_1870 = tpu.matmul %div3A_1868, %reshape3A_525, %dot_general3A_1869 {dimension_numbers = #tpu.dot_dimension_numbers<[1], [0], [0], [1], [0, 0, 1, 1], [], []>, transpose_lhs_hint = false} : vector<160x160xf32>, vector<160x128xf32>, vector<160x128xf32> -> vector<160x128xf32>
    %reshape3A_1871 = vector.shape_cast %dot_general3A_1870 : vector<160x128xf32> to vector<20x8x128xf32>
    %swap3A_1872 = arith.constant 0 : index
    %swap3A_1873 = arith.constant 144 : index
    %swap3A_1874 = arith.constant 0 : index
    %swap3A_1875 = vector.load %arg10[%swap3A_1872, %swap3A_1873, %swap3A_1874] : memref<20x256x128xf32, #tpu.memory_space<vmem>>, vector<20x8x128xf32>
    tpu.vector_store %arg10[%swap3A_1872, %swap3A_1873, %swap3A_1874], %reshape3A_1871 {strides = array<i32>} : memref<20x256x128xf32, #tpu.memory_space<vmem>>, vector<20x8x128xf32>,
    %eq3A_1876 = arith.constant 1.000000e+00 : f32
    %eq3A_1877 = vector.broadcast %eq3A_1876 : f32 to vector<160x160xf32>
    %eq3A_1878 = arith.cmpf oeq, %select_n3A_573, %eq3A_1877 : vector<160x160xf32>
    %slice3A_1879 = vector.extract_strided_slice %dot_general3A_565 {offsets = [0, 0], sizes = [160, 160], strides = [1, 1]} : vector<640x160xf32> to vector<160x160xf32>
    %eq3A_1880 = arith.constant 2.000000e+00 : f32
    %eq3A_1881 = vector.broadcast %eq3A_1880 : f32 to vector<160x160xf32>
    %eq3A_1882 = arith.cmpf oeq, %select_n3A_573, %eq3A_1881 : vector<160x160xf32>
    %slice3A_1883 = vector.extract_strided_slice %dot_general3A_565 {offsets = [160, 0], sizes = [160, 160], strides = [1, 1]} : vector<640x160xf32> to vector<160x160xf32>
    %eq3A_1884 = arith.constant 3.000000e+00 : f32
    %eq3A_1885 = vector.broadcast %eq3A_1884 : f32 to vector<160x160xf32>
    %eq3A_1886 = arith.cmpf oeq, %select_n3A_573, %eq3A_1885 : vector<160x160xf32>
    %slice3A_1887 = vector.extract_strided_slice %dot_general3A_565 {offsets = [320, 0], sizes = [160, 160], strides = [1, 1]} : vector<640x160xf32> to vector<160x160xf32>
    %eq3A_1888 = arith.constant 4.000000e+00 : f32
    %eq3A_1889 = vector.broadcast %eq3A_1888 : f32 to vector<160x160xf32>
    %eq3A_1890 = arith.cmpf oeq, %select_n3A_573, %eq3A_1889 : vector<160x160xf32>
    %slice3A_1891 = vector.extract_strided_slice %dot_general3A_565 {offsets = [480, 0], sizes = [160, 160], strides = [1, 1]} : vector<640x160xf32> to vector<160x160xf32>
    %eq3A_1892 = arith.constant 5.000000e+00 : f32
    %eq3A_1893 = vector.broadcast %eq3A_1892 : f32 to vector<160x160xf32>
    %eq3A_1894 = arith.cmpf oeq, %select_n3A_573, %eq3A_1893 : vector<160x160xf32>
    %jit3A_1895 = arith.constant 0xFF800000 : f32
    %jit3A_1896 = arith.constant -9.000000e+15 : f32
    %broadcast_in_dim3A_1897 = vector.broadcast %jit3A_1895 : f32 to vector<160x160xf32>
    %broadcast_in_dim3A_1898 = vector.broadcast %jit3A_1896 : f32 to vector<160x160xf32>
    %select_n3A_1899 = arith.select %eq3A_1894, %broadcast_in_dim3A_1897, %broadcast_in_dim3A_1898 : vector<160x160xi1>, vector<160x160xf32>
    %select_n3A_1900 = arith.select %eq3A_1890, %slice3A_1891, %select_n3A_1899 : vector<160x160xi1>, vector<160x160xf32>
    %select_n3A_1901 = arith.select %eq3A_1886, %slice3A_1887, %select_n3A_1900 : vector<160x160xi1>, vector<160x160xf32>
    %select_n3A_1902 = arith.select %eq3A_1882, %slice3A_1883, %select_n3A_1901 : vector<160x160xi1>, vector<160x160xf32>
    %select_n3A_1903 = arith.select %eq3A_1878, %slice3A_1879, %select_n3A_1902 : vector<160x160xi1>, vector<160x160xf32>
    %ge3A_1904 = arith.constant 0.000000e+00 : f32
    %ge3A_1905 = vector.broadcast %ge3A_1904 : f32 to vector<160x160xf32>
    %ge3A_1906 = arith.cmpf oge, %select_n3A_1903, %ge3A_1905 : vector<160x160xf32>
    %mul3A_1907 = arith.constant 2.000000e-01 : f32
    %mul3A_1908 = vector.broadcast %mul3A_1907 : f32 to vector<160x160xf32>
    %mul3A_1909 = arith.mulf %mul3A_1908, %select_n3A_1903 : vector<160x160xf32>
    %select_n3A_1910 = arith.select %ge3A_1906, %select_n3A_1903, %mul3A_1909 : vector<160x160xi1>, vector<160x160xf32>
    %reduce_max3A_1911 = arith.constant dense<0xFF800000> : vector<160xf32>
    %reduce_max3A_1912 = vector.multi_reduction <maximumf>, %select_n3A_1910, %reduce_max3A_1911 [1] : vector<160x160xf32> to vector<160xf32>
    %broadcast_in_dim3A_1913 = vector.shape_cast %reduce_max3A_1912 : vector<160xf32> to vector<160x1xf32>
    %sub3A_1914 = vector.broadcast %broadcast_in_dim3A_1913 : vector<160x1xf32> to vector<160x160xf32>
    %sub3A_1915 = arith.subf %select_n3A_1910, %sub3A_1914 : vector<160x160xf32>
    %exp3A_1916 = math.exp %sub3A_1915 : vector<160x160xf32>
    %reduce_sum3A_1917 = arith.constant dense<0.000000e+00> : vector<160xf32>
    %reduce_sum3A_1918 = vector.multi_reduction <add>, %exp3A_1916, %reduce_sum3A_1917 [1] : vector<160x160xf32> to vector<160xf32>
    %broadcast_in_dim3A_1919 = vector.shape_cast %reduce_sum3A_1918 : vector<160xf32> to vector<160x1xf32>
    %div3A_1920 = vector.broadcast %broadcast_in_dim3A_1919 : vector<160x1xf32> to vector<160x160xf32>
    %div3A_1921 = arith.divf %exp3A_1916, %div3A_1920 : vector<160x160xf32>
    %dot_general3A_1922 = arith.constant dense<0.000000e+00> : vector<160x128xf32>
    %dot_general3A_1923 = tpu.matmul %div3A_1921, %reshape3A_550, %dot_general3A_1922 {dimension_numbers = #tpu.dot_dimension_numbers<[1], [0], [0], [1], [0, 0, 1, 1], [], []>, transpose_lhs_hint = false} : vector<160x160xf32>, vector<160x128xf32>, vector<160x128xf32> -> vector<160x128xf32>
    %reshape3A_1924 = vector.shape_cast %dot_general3A_1923 : vector<160x128xf32> to vector<20x8x128xf32>
    %swap3A_1925 = arith.constant 0 : index
    %swap3A_1926 = arith.constant 152 : index
    %swap3A_1927 = arith.constant 0 : index
    %swap3A_1928 = vector.load %arg10[%swap3A_1925, %swap3A_1926, %swap3A_1927] : memref<20x256x128xf32, #tpu.memory_space<vmem>>, vector<20x8x128xf32>
    tpu.vector_store %arg10[%swap3A_1925, %swap3A_1926, %swap3A_1927], %reshape3A_1924 {strides = array<i32>} : memref<20x256x128xf32, #tpu.memory_space<vmem>>, vector<20x8x128xf32>,
    %eq3A_1929 = arith.constant 1.000000e+00 : f32
    %eq3A_1930 = vector.broadcast %eq3A_1929 : f32 to vector<160x160xf32>
    %eq3A_1931 = arith.cmpf oeq, %select_n3A_598, %eq3A_1930 : vector<160x160xf32>
    %slice3A_1932 = vector.extract_strided_slice %dot_general3A_590 {offsets = [0, 0], sizes = [160, 160], strides = [1, 1]} : vector<640x160xf32> to vector<160x160xf32>
    %eq3A_1933 = arith.constant 2.000000e+00 : f32
    %eq3A_1934 = vector.broadcast %eq3A_1933 : f32 to vector<160x160xf32>
    %eq3A_1935 = arith.cmpf oeq, %select_n3A_598, %eq3A_1934 : vector<160x160xf32>
    %slice3A_1936 = vector.extract_strided_slice %dot_general3A_590 {offsets = [160, 0], sizes = [160, 160], strides = [1, 1]} : vector<640x160xf32> to vector<160x160xf32>
    %eq3A_1937 = arith.constant 3.000000e+00 : f32
    %eq3A_1938 = vector.broadcast %eq3A_1937 : f32 to vector<160x160xf32>
    %eq3A_1939 = arith.cmpf oeq, %select_n3A_598, %eq3A_1938 : vector<160x160xf32>
    %slice3A_1940 = vector.extract_strided_slice %dot_general3A_590 {offsets = [320, 0], sizes = [160, 160], strides = [1, 1]} : vector<640x160xf32> to vector<160x160xf32>
    %eq3A_1941 = arith.constant 4.000000e+00 : f32
    %eq3A_1942 = vector.broadcast %eq3A_1941 : f32 to vector<160x160xf32>
    %eq3A_1943 = arith.cmpf oeq, %select_n3A_598, %eq3A_1942 : vector<160x160xf32>
    %slice3A_1944 = vector.extract_strided_slice %dot_general3A_590 {offsets = [480, 0], sizes = [160, 160], strides = [1, 1]} : vector<640x160xf32> to vector<160x160xf32>
    %eq3A_1945 = arith.constant 5.000000e+00 : f32
    %eq3A_1946 = vector.broadcast %eq3A_1945 : f32 to vector<160x160xf32>
    %eq3A_1947 = arith.cmpf oeq, %select_n3A_598, %eq3A_1946 : vector<160x160xf32>
    %jit3A_1948 = arith.constant 0xFF800000 : f32
    %jit3A_1949 = arith.constant -9.000000e+15 : f32
    %broadcast_in_dim3A_1950 = vector.broadcast %jit3A_1948 : f32 to vector<160x160xf32>
    %broadcast_in_dim3A_1951 = vector.broadcast %jit3A_1949 : f32 to vector<160x160xf32>
    %select_n3A_1952 = arith.select %eq3A_1947, %broadcast_in_dim3A_1950, %broadcast_in_dim3A_1951 : vector<160x160xi1>, vector<160x160xf32>
    %select_n3A_1953 = arith.select %eq3A_1943, %slice3A_1944, %select_n3A_1952 : vector<160x160xi1>, vector<160x160xf32>
    %select_n3A_1954 = arith.select %eq3A_1939, %slice3A_1940, %select_n3A_1953 : vector<160x160xi1>, vector<160x160xf32>
    %select_n3A_1955 = arith.select %eq3A_1935, %slice3A_1936, %select_n3A_1954 : vector<160x160xi1>, vector<160x160xf32>
    %select_n3A_1956 = arith.select %eq3A_1931, %slice3A_1932, %select_n3A_1955 : vector<160x160xi1>, vector<160x160xf32>
    %ge3A_1957 = arith.constant 0.000000e+00 : f32
    %ge3A_1958 = vector.broadcast %ge3A_1957 : f32 to vector<160x160xf32>
    %ge3A_1959 = arith.cmpf oge, %select_n3A_1956, %ge3A_1958 : vector<160x160xf32>
    %mul3A_1960 = arith.constant 2.000000e-01 : f32
    %mul3A_1961 = vector.broadcast %mul3A_1960 : f32 to vector<160x160xf32>
    %mul3A_1962 = arith.mulf %mul3A_1961, %select_n3A_1956 : vector<160x160xf32>
    %select_n3A_1963 = arith.select %ge3A_1959, %select_n3A_1956, %mul3A_1962 : vector<160x160xi1>, vector<160x160xf32>
    %reduce_max3A_1964 = arith.constant dense<0xFF800000> : vector<160xf32>
    %reduce_max3A_1965 = vector.multi_reduction <maximumf>, %select_n3A_1963, %reduce_max3A_1964 [1] : vector<160x160xf32> to vector<160xf32>
    %broadcast_in_dim3A_1966 = vector.shape_cast %reduce_max3A_1965 : vector<160xf32> to vector<160x1xf32>
    %sub3A_1967 = vector.broadcast %broadcast_in_dim3A_1966 : vector<160x1xf32> to vector<160x160xf32>
    %sub3A_1968 = arith.subf %select_n3A_1963, %sub3A_1967 : vector<160x160xf32>
    %exp3A_1969 = math.exp %sub3A_1968 : vector<160x160xf32>
    %reduce_sum3A_1970 = arith.constant dense<0.000000e+00> : vector<160xf32>
    %reduce_sum3A_1971 = vector.multi_reduction <add>, %exp3A_1969, %reduce_sum3A_1970 [1] : vector<160x160xf32> to vector<160xf32>
    %broadcast_in_dim3A_1972 = vector.shape_cast %reduce_sum3A_1971 : vector<160xf32> to vector<160x1xf32>
    %div3A_1973 = vector.broadcast %broadcast_in_dim3A_1972 : vector<160x1xf32> to vector<160x160xf32>
    %div3A_1974 = arith.divf %exp3A_1969, %div3A_1973 : vector<160x160xf32>
    %dot_general3A_1975 = arith.constant dense<0.000000e+00> : vector<160x128xf32>
    %dot_general3A_1976 = tpu.matmul %div3A_1974, %reshape3A_575, %dot_general3A_1975 {dimension_numbers = #tpu.dot_dimension_numbers<[1], [0], [0], [1], [0, 0, 1, 1], [], []>, transpose_lhs_hint = false} : vector<160x160xf32>, vector<160x128xf32>, vector<160x128xf32> -> vector<160x128xf32>
    %reshape3A_1977 = vector.shape_cast %dot_general3A_1976 : vector<160x128xf32> to vector<20x8x128xf32>
    %swap3A_1978 = arith.constant 0 : index
    %swap3A_1979 = arith.constant 160 : index
    %swap3A_1980 = arith.constant 0 : index
    %swap3A_1981 = vector.load %arg10[%swap3A_1978, %swap3A_1979, %swap3A_1980] : memref<20x256x128xf32, #tpu.memory_space<vmem>>, vector<20x8x128xf32>
    tpu.vector_store %arg10[%swap3A_1978, %swap3A_1979, %swap3A_1980], %reshape3A_1977 {strides = array<i32>} : memref<20x256x128xf32, #tpu.memory_space<vmem>>, vector<20x8x128xf32>,
    %eq3A_1982 = arith.constant 1.000000e+00 : f32
    %eq3A_1983 = vector.broadcast %eq3A_1982 : f32 to vector<160x160xf32>
    %eq3A_1984 = arith.cmpf oeq, %select_n3A_623, %eq3A_1983 : vector<160x160xf32>
    %slice3A_1985 = vector.extract_strided_slice %dot_general3A_615 {offsets = [0, 0], sizes = [160, 160], strides = [1, 1]} : vector<640x160xf32> to vector<160x160xf32>
    %eq3A_1986 = arith.constant 2.000000e+00 : f32
    %eq3A_1987 = vector.broadcast %eq3A_1986 : f32 to vector<160x160xf32>
    %eq3A_1988 = arith.cmpf oeq, %select_n3A_623, %eq3A_1987 : vector<160x160xf32>
    %slice3A_1989 = vector.extract_strided_slice %dot_general3A_615 {offsets = [160, 0], sizes = [160, 160], strides = [1, 1]} : vector<640x160xf32> to vector<160x160xf32>
    %eq3A_1990 = arith.constant 3.000000e+00 : f32
    %eq3A_1991 = vector.broadcast %eq3A_1990 : f32 to vector<160x160xf32>
    %eq3A_1992 = arith.cmpf oeq, %select_n3A_623, %eq3A_1991 : vector<160x160xf32>
    %slice3A_1993 = vector.extract_strided_slice %dot_general3A_615 {offsets = [320, 0], sizes = [160, 160], strides = [1, 1]} : vector<640x160xf32> to vector<160x160xf32>
    %eq3A_1994 = arith.constant 4.000000e+00 : f32
    %eq3A_1995 = vector.broadcast %eq3A_1994 : f32 to vector<160x160xf32>
    %eq3A_1996 = arith.cmpf oeq, %select_n3A_623, %eq3A_1995 : vector<160x160xf32>
    %slice3A_1997 = vector.extract_strided_slice %dot_general3A_615 {offsets = [480, 0], sizes = [160, 160], strides = [1, 1]} : vector<640x160xf32> to vector<160x160xf32>
    %eq3A_1998 = arith.constant 5.000000e+00 : f32
    %eq3A_1999 = vector.broadcast %eq3A_1998 : f32 to vector<160x160xf32>
    %eq3A_2000 = arith.cmpf oeq, %select_n3A_623, %eq3A_1999 : vector<160x160xf32>
    %jit3A_2001 = arith.constant 0xFF800000 : f32
    %jit3A_2002 = arith.constant -9.000000e+15 : f32
    %broadcast_in_dim3A_2003 = vector.broadcast %jit3A_2001 : f32 to vector<160x160xf32>
    %broadcast_in_dim3A_2004 = vector.broadcast %jit3A_2002 : f32 to vector<160x160xf32>
    %select_n3A_2005 = arith.select %eq3A_2000, %broadcast_in_dim3A_2003, %broadcast_in_dim3A_2004 : vector<160x160xi1>, vector<160x160xf32>
    %select_n3A_2006 = arith.select %eq3A_1996, %slice3A_1997, %select_n3A_2005 : vector<160x160xi1>, vector<160x160xf32>
    %select_n3A_2007 = arith.select %eq3A_1992, %slice3A_1993, %select_n3A_2006 : vector<160x160xi1>, vector<160x160xf32>
    %select_n3A_2008 = arith.select %eq3A_1988, %slice3A_1989, %select_n3A_2007 : vector<160x160xi1>, vector<160x160xf32>
    %select_n3A_2009 = arith.select %eq3A_1984, %slice3A_1985, %select_n3A_2008 : vector<160x160xi1>, vector<160x160xf32>
    %ge3A_2010 = arith.constant 0.000000e+00 : f32
    %ge3A_2011 = vector.broadcast %ge3A_2010 : f32 to vector<160x160xf32>
    %ge3A_2012 = arith.cmpf oge, %select_n3A_2009, %ge3A_2011 : vector<160x160xf32>
    %mul3A_2013 = arith.constant 2.000000e-01 : f32
    %mul3A_2014 = vector.broadcast %mul3A_2013 : f32 to vector<160x160xf32>
    %mul3A_2015 = arith.mulf %mul3A_2014, %select_n3A_2009 : vector<160x160xf32>
    %select_n3A_2016 = arith.select %ge3A_2012, %select_n3A_2009, %mul3A_2015 : vector<160x160xi1>, vector<160x160xf32>
    %reduce_max3A_2017 = arith.constant dense<0xFF800000> : vector<160xf32>
    %reduce_max3A_2018 = vector.multi_reduction <maximumf>, %select_n3A_2016, %reduce_max3A_2017 [1] : vector<160x160xf32> to vector<160xf32>
    %broadcast_in_dim3A_2019 = vector.shape_cast %reduce_max3A_2018 : vector<160xf32> to vector<160x1xf32>
    %sub3A_2020 = vector.broadcast %broadcast_in_dim3A_2019 : vector<160x1xf32> to vector<160x160xf32>
    %sub3A_2021 = arith.subf %select_n3A_2016, %sub3A_2020 : vector<160x160xf32>
    %exp3A_2022 = math.exp %sub3A_2021 : vector<160x160xf32>
    %reduce_sum3A_2023 = arith.constant dense<0.000000e+00> : vector<160xf32>
    %reduce_sum3A_2024 = vector.multi_reduction <add>, %exp3A_2022, %reduce_sum3A_2023 [1] : vector<160x160xf32> to vector<160xf32>
    %broadcast_in_dim3A_2025 = vector.shape_cast %reduce_sum3A_2024 : vector<160xf32> to vector<160x1xf32>
    %div3A_2026 = vector.broadcast %broadcast_in_dim3A_2025 : vector<160x1xf32> to vector<160x160xf32>
    %div3A_2027 = arith.divf %exp3A_2022, %div3A_2026 : vector<160x160xf32>
    %dot_general3A_2028 = arith.constant dense<0.000000e+00> : vector<160x128xf32>
    %dot_general3A_2029 = tpu.matmul %div3A_2027, %reshape3A_600, %dot_general3A_2028 {dimension_numbers = #tpu.dot_dimension_numbers<[1], [0], [0], [1], [0, 0, 1, 1], [], []>, transpose_lhs_hint = false} : vector<160x160xf32>, vector<160x128xf32>, vector<160x128xf32> -> vector<160x128xf32>
    %reshape3A_2030 = vector.shape_cast %dot_general3A_2029 : vector<160x128xf32> to vector<20x8x128xf32>
    %swap3A_2031 = arith.constant 0 : index
    %swap3A_2032 = arith.constant 168 : index
    %swap3A_2033 = arith.constant 0 : index
    %swap3A_2034 = vector.load %arg10[%swap3A_2031, %swap3A_2032, %swap3A_2033] : memref<20x256x128xf32, #tpu.memory_space<vmem>>, vector<20x8x128xf32>
    tpu.vector_store %arg10[%swap3A_2031, %swap3A_2032, %swap3A_2033], %reshape3A_2030 {strides = array<i32>} : memref<20x256x128xf32, #tpu.memory_space<vmem>>, vector<20x8x128xf32>,
    %eq3A_2035 = arith.constant 1.000000e+00 : f32
    %eq3A_2036 = vector.broadcast %eq3A_2035 : f32 to vector<160x160xf32>
    %eq3A_2037 = arith.cmpf oeq, %select_n3A_648, %eq3A_2036 : vector<160x160xf32>
    %slice3A_2038 = vector.extract_strided_slice %dot_general3A_640 {offsets = [0, 0], sizes = [160, 160], strides = [1, 1]} : vector<640x160xf32> to vector<160x160xf32>
    %eq3A_2039 = arith.constant 2.000000e+00 : f32
    %eq3A_2040 = vector.broadcast %eq3A_2039 : f32 to vector<160x160xf32>
    %eq3A_2041 = arith.cmpf oeq, %select_n3A_648, %eq3A_2040 : vector<160x160xf32>
    %slice3A_2042 = vector.extract_strided_slice %dot_general3A_640 {offsets = [160, 0], sizes = [160, 160], strides = [1, 1]} : vector<640x160xf32> to vector<160x160xf32>
    %eq3A_2043 = arith.constant 3.000000e+00 : f32
    %eq3A_2044 = vector.broadcast %eq3A_2043 : f32 to vector<160x160xf32>
    %eq3A_2045 = arith.cmpf oeq, %select_n3A_648, %eq3A_2044 : vector<160x160xf32>
    %slice3A_2046 = vector.extract_strided_slice %dot_general3A_640 {offsets = [320, 0], sizes = [160, 160], strides = [1, 1]} : vector<640x160xf32> to vector<160x160xf32>
    %eq3A_2047 = arith.constant 4.000000e+00 : f32
    %eq3A_2048 = vector.broadcast %eq3A_2047 : f32 to vector<160x160xf32>
    %eq3A_2049 = arith.cmpf oeq, %select_n3A_648, %eq3A_2048 : vector<160x160xf32>
    %slice3A_2050 = vector.extract_strided_slice %dot_general3A_640 {offsets = [480, 0], sizes = [160, 160], strides = [1, 1]} : vector<640x160xf32> to vector<160x160xf32>
    %eq3A_2051 = arith.constant 5.000000e+00 : f32
    %eq3A_2052 = vector.broadcast %eq3A_2051 : f32 to vector<160x160xf32>
    %eq3A_2053 = arith.cmpf oeq, %select_n3A_648, %eq3A_2052 : vector<160x160xf32>
    %jit3A_2054 = arith.constant 0xFF800000 : f32
    %jit3A_2055 = arith.constant -9.000000e+15 : f32
    %broadcast_in_dim3A_2056 = vector.broadcast %jit3A_2054 : f32 to vector<160x160xf32>
    %broadcast_in_dim3A_2057 = vector.broadcast %jit3A_2055 : f32 to vector<160x160xf32>
    %select_n3A_2058 = arith.select %eq3A_2053, %broadcast_in_dim3A_2056, %broadcast_in_dim3A_2057 : vector<160x160xi1>, vector<160x160xf32>
    %select_n3A_2059 = arith.select %eq3A_2049, %slice3A_2050, %select_n3A_2058 : vector<160x160xi1>, vector<160x160xf32>
    %select_n3A_2060 = arith.select %eq3A_2045, %slice3A_2046, %select_n3A_2059 : vector<160x160xi1>, vector<160x160xf32>
    %select_n3A_2061 = arith.select %eq3A_2041, %slice3A_2042, %select_n3A_2060 : vector<160x160xi1>, vector<160x160xf32>
    %select_n3A_2062 = arith.select %eq3A_2037, %slice3A_2038, %select_n3A_2061 : vector<160x160xi1>, vector<160x160xf32>
    %ge3A_2063 = arith.constant 0.000000e+00 : f32
    %ge3A_2064 = vector.broadcast %ge3A_2063 : f32 to vector<160x160xf32>
    %ge3A_2065 = arith.cmpf oge, %select_n3A_2062, %ge3A_2064 : vector<160x160xf32>
    %mul3A_2066 = arith.constant 2.000000e-01 : f32
    %mul3A_2067 = vector.broadcast %mul3A_2066 : f32 to vector<160x160xf32>
    %mul3A_2068 = arith.mulf %mul3A_2067, %select_n3A_2062 : vector<160x160xf32>
    %select_n3A_2069 = arith.select %ge3A_2065, %select_n3A_2062, %mul3A_2068 : vector<160x160xi1>, vector<160x160xf32>
    %reduce_max3A_2070 = arith.constant dense<0xFF800000> : vector<160xf32>
    %reduce_max3A_2071 = vector.multi_reduction <maximumf>, %select_n3A_2069, %reduce_max3A_2070 [1] : vector<160x160xf32> to vector<160xf32>
    %broadcast_in_dim3A_2072 = vector.shape_cast %reduce_max3A_2071 : vector<160xf32> to vector<160x1xf32>
    %sub3A_2073 = vector.broadcast %broadcast_in_dim3A_2072 : vector<160x1xf32> to vector<160x160xf32>
    %sub3A_2074 = arith.subf %select_n3A_2069, %sub3A_2073 : vector<160x160xf32>
    %exp3A_2075 = math.exp %sub3A_2074 : vector<160x160xf32>
    %reduce_sum3A_2076 = arith.constant dense<0.000000e+00> : vector<160xf32>
    %reduce_sum3A_2077 = vector.multi_reduction <add>, %exp3A_2075, %reduce_sum3A_2076 [1] : vector<160x160xf32> to vector<160xf32>
    %broadcast_in_dim3A_2078 = vector.shape_cast %reduce_sum3A_2077 : vector<160xf32> to vector<160x1xf32>
    %div3A_2079 = vector.broadcast %broadcast_in_dim3A_2078 : vector<160x1xf32> to vector<160x160xf32>
    %div3A_2080 = arith.divf %exp3A_2075, %div3A_2079 : vector<160x160xf32>
    %dot_general3A_2081 = arith.constant dense<0.000000e+00> : vector<160x128xf32>
    %dot_general3A_2082 = tpu.matmul %div3A_2080, %reshape3A_625, %dot_general3A_2081 {dimension_numbers = #tpu.dot_dimension_numbers<[1], [0], [0], [1], [0, 0, 1, 1], [], []>, transpose_lhs_hint = false} : vector<160x160xf32>, vector<160x128xf32>, vector<160x128xf32> -> vector<160x128xf32>
    %reshape3A_2083 = vector.shape_cast %dot_general3A_2082 : vector<160x128xf32> to vector<20x8x128xf32>
    %swap3A_2084 = arith.constant 0 : index
    %swap3A_2085 = arith.constant 176 : index
    %swap3A_2086 = arith.constant 0 : index
    %swap3A_2087 = vector.load %arg10[%swap3A_2084, %swap3A_2085, %swap3A_2086] : memref<20x256x128xf32, #tpu.memory_space<vmem>>, vector<20x8x128xf32>
    tpu.vector_store %arg10[%swap3A_2084, %swap3A_2085, %swap3A_2086], %reshape3A_2083 {strides = array<i32>} : memref<20x256x128xf32, #tpu.memory_space<vmem>>, vector<20x8x128xf32>,
    %eq3A_2088 = arith.constant 1.000000e+00 : f32
    %eq3A_2089 = vector.broadcast %eq3A_2088 : f32 to vector<160x160xf32>
    %eq3A_2090 = arith.cmpf oeq, %select_n3A_673, %eq3A_2089 : vector<160x160xf32>
    %slice3A_2091 = vector.extract_strided_slice %dot_general3A_665 {offsets = [0, 0], sizes = [160, 160], strides = [1, 1]} : vector<640x160xf32> to vector<160x160xf32>
    %eq3A_2092 = arith.constant 2.000000e+00 : f32
    %eq3A_2093 = vector.broadcast %eq3A_2092 : f32 to vector<160x160xf32>
    %eq3A_2094 = arith.cmpf oeq, %select_n3A_673, %eq3A_2093 : vector<160x160xf32>
    %slice3A_2095 = vector.extract_strided_slice %dot_general3A_665 {offsets = [160, 0], sizes = [160, 160], strides = [1, 1]} : vector<640x160xf32> to vector<160x160xf32>
    %eq3A_2096 = arith.constant 3.000000e+00 : f32
    %eq3A_2097 = vector.broadcast %eq3A_2096 : f32 to vector<160x160xf32>
    %eq3A_2098 = arith.cmpf oeq, %select_n3A_673, %eq3A_2097 : vector<160x160xf32>
    %slice3A_2099 = vector.extract_strided_slice %dot_general3A_665 {offsets = [320, 0], sizes = [160, 160], strides = [1, 1]} : vector<640x160xf32> to vector<160x160xf32>
    %eq3A_2100 = arith.constant 4.000000e+00 : f32
    %eq3A_2101 = vector.broadcast %eq3A_2100 : f32 to vector<160x160xf32>
    %eq3A_2102 = arith.cmpf oeq, %select_n3A_673, %eq3A_2101 : vector<160x160xf32>
    %slice3A_2103 = vector.extract_strided_slice %dot_general3A_665 {offsets = [480, 0], sizes = [160, 160], strides = [1, 1]} : vector<640x160xf32> to vector<160x160xf32>
    %eq3A_2104 = arith.constant 5.000000e+00 : f32
    %eq3A_2105 = vector.broadcast %eq3A_2104 : f32 to vector<160x160xf32>
    %eq3A_2106 = arith.cmpf oeq, %select_n3A_673, %eq3A_2105 : vector<160x160xf32>
    %jit3A_2107 = arith.constant 0xFF800000 : f32
    %jit3A_2108 = arith.constant -9.000000e+15 : f32
    %broadcast_in_dim3A_2109 = vector.broadcast %jit3A_2107 : f32 to vector<160x160xf32>
    %broadcast_in_dim3A_2110 = vector.broadcast %jit3A_2108 : f32 to vector<160x160xf32>
    %select_n3A_2111 = arith.select %eq3A_2106, %broadcast_in_dim3A_2109, %broadcast_in_dim3A_2110 : vector<160x160xi1>, vector<160x160xf32>
    %select_n3A_2112 = arith.select %eq3A_2102, %slice3A_2103, %select_n3A_2111 : vector<160x160xi1>, vector<160x160xf32>
    %select_n3A_2113 = arith.select %eq3A_2098, %slice3A_2099, %select_n3A_2112 : vector<160x160xi1>, vector<160x160xf32>
    %select_n3A_2114 = arith.select %eq3A_2094, %slice3A_2095, %select_n3A_2113 : vector<160x160xi1>, vector<160x160xf32>
    %select_n3A_2115 = arith.select %eq3A_2090, %slice3A_2091, %select_n3A_2114 : vector<160x160xi1>, vector<160x160xf32>
    %ge3A_2116 = arith.constant 0.000000e+00 : f32
    %ge3A_2117 = vector.broadcast %ge3A_2116 : f32 to vector<160x160xf32>
    %ge3A_2118 = arith.cmpf oge, %select_n3A_2115, %ge3A_2117 : vector<160x160xf32>
    %mul3A_2119 = arith.constant 2.000000e-01 : f32
    %mul3A_2120 = vector.broadcast %mul3A_2119 : f32 to vector<160x160xf32>
    %mul3A_2121 = arith.mulf %mul3A_2120, %select_n3A_2115 : vector<160x160xf32>
    %select_n3A_2122 = arith.select %ge3A_2118, %select_n3A_2115, %mul3A_2121 : vector<160x160xi1>, vector<160x160xf32>
    %reduce_max3A_2123 = arith.constant dense<0xFF800000> : vector<160xf32>
    %reduce_max3A_2124 = vector.multi_reduction <maximumf>, %select_n3A_2122, %reduce_max3A_2123 [1] : vector<160x160xf32> to vector<160xf32>
    %broadcast_in_dim3A_2125 = vector.shape_cast %reduce_max3A_2124 : vector<160xf32> to vector<160x1xf32>
    %sub3A_2126 = vector.broadcast %broadcast_in_dim3A_2125 : vector<160x1xf32> to vector<160x160xf32>
    %sub3A_2127 = arith.subf %select_n3A_2122, %sub3A_2126 : vector<160x160xf32>
    %exp3A_2128 = math.exp %sub3A_2127 : vector<160x160xf32>
    %reduce_sum3A_2129 = arith.constant dense<0.000000e+00> : vector<160xf32>
    %reduce_sum3A_2130 = vector.multi_reduction <add>, %exp3A_2128, %reduce_sum3A_2129 [1] : vector<160x160xf32> to vector<160xf32>
    %broadcast_in_dim3A_2131 = vector.shape_cast %reduce_sum3A_2130 : vector<160xf32> to vector<160x1xf32>
    %div3A_2132 = vector.broadcast %broadcast_in_dim3A_2131 : vector<160x1xf32> to vector<160x160xf32>
    %div3A_2133 = arith.divf %exp3A_2128, %div3A_2132 : vector<160x160xf32>
    %dot_general3A_2134 = arith.constant dense<0.000000e+00> : vector<160x128xf32>
    %dot_general3A_2135 = tpu.matmul %div3A_2133, %reshape3A_650, %dot_general3A_2134 {dimension_numbers = #tpu.dot_dimension_numbers<[1], [0], [0], [1], [0, 0, 1, 1], [], []>, transpose_lhs_hint = false} : vector<160x160xf32>, vector<160x128xf32>, vector<160x128xf32> -> vector<160x128xf32>
    %reshape3A_2136 = vector.shape_cast %dot_general3A_2135 : vector<160x128xf32> to vector<20x8x128xf32>
    %swap3A_2137 = arith.constant 0 : index
    %swap3A_2138 = arith.constant 184 : index
    %swap3A_2139 = arith.constant 0 : index
    %swap3A_2140 = vector.load %arg10[%swap3A_2137, %swap3A_2138, %swap3A_2139] : memref<20x256x128xf32, #tpu.memory_space<vmem>>, vector<20x8x128xf32>
    tpu.vector_store %arg10[%swap3A_2137, %swap3A_2138, %swap3A_2139], %reshape3A_2136 {strides = array<i32>} : memref<20x256x128xf32, #tpu.memory_space<vmem>>, vector<20x8x128xf32>,
    %eq3A_2141 = arith.constant 1.000000e+00 : f32
    %eq3A_2142 = vector.broadcast %eq3A_2141 : f32 to vector<160x160xf32>
    %eq3A_2143 = arith.cmpf oeq, %select_n3A_698, %eq3A_2142 : vector<160x160xf32>
    %slice3A_2144 = vector.extract_strided_slice %dot_general3A_690 {offsets = [0, 0], sizes = [160, 160], strides = [1, 1]} : vector<640x160xf32> to vector<160x160xf32>
    %eq3A_2145 = arith.constant 2.000000e+00 : f32
    %eq3A_2146 = vector.broadcast %eq3A_2145 : f32 to vector<160x160xf32>
    %eq3A_2147 = arith.cmpf oeq, %select_n3A_698, %eq3A_2146 : vector<160x160xf32>
    %slice3A_2148 = vector.extract_strided_slice %dot_general3A_690 {offsets = [160, 0], sizes = [160, 160], strides = [1, 1]} : vector<640x160xf32> to vector<160x160xf32>
    %eq3A_2149 = arith.constant 3.000000e+00 : f32
    %eq3A_2150 = vector.broadcast %eq3A_2149 : f32 to vector<160x160xf32>
    %eq3A_2151 = arith.cmpf oeq, %select_n3A_698, %eq3A_2150 : vector<160x160xf32>
    %slice3A_2152 = vector.extract_strided_slice %dot_general3A_690 {offsets = [320, 0], sizes = [160, 160], strides = [1, 1]} : vector<640x160xf32> to vector<160x160xf32>
    %eq3A_2153 = arith.constant 4.000000e+00 : f32
    %eq3A_2154 = vector.broadcast %eq3A_2153 : f32 to vector<160x160xf32>
    %eq3A_2155 = arith.cmpf oeq, %select_n3A_698, %eq3A_2154 : vector<160x160xf32>
    %slice3A_2156 = vector.extract_strided_slice %dot_general3A_690 {offsets = [480, 0], sizes = [160, 160], strides = [1, 1]} : vector<640x160xf32> to vector<160x160xf32>
    %eq3A_2157 = arith.constant 5.000000e+00 : f32
    %eq3A_2158 = vector.broadcast %eq3A_2157 : f32 to vector<160x160xf32>
    %eq3A_2159 = arith.cmpf oeq, %select_n3A_698, %eq3A_2158 : vector<160x160xf32>
    %jit3A_2160 = arith.constant 0xFF800000 : f32
    %jit3A_2161 = arith.constant -9.000000e+15 : f32
    %broadcast_in_dim3A_2162 = vector.broadcast %jit3A_2160 : f32 to vector<160x160xf32>
    %broadcast_in_dim3A_2163 = vector.broadcast %jit3A_2161 : f32 to vector<160x160xf32>
    %select_n3A_2164 = arith.select %eq3A_2159, %broadcast_in_dim3A_2162, %broadcast_in_dim3A_2163 : vector<160x160xi1>, vector<160x160xf32>
    %select_n3A_2165 = arith.select %eq3A_2155, %slice3A_2156, %select_n3A_2164 : vector<160x160xi1>, vector<160x160xf32>
    %select_n3A_2166 = arith.select %eq3A_2151, %slice3A_2152, %select_n3A_2165 : vector<160x160xi1>, vector<160x160xf32>
    %select_n3A_2167 = arith.select %eq3A_2147, %slice3A_2148, %select_n3A_2166 : vector<160x160xi1>, vector<160x160xf32>
    %select_n3A_2168 = arith.select %eq3A_2143, %slice3A_2144, %select_n3A_2167 : vector<160x160xi1>, vector<160x160xf32>
    %ge3A_2169 = arith.constant 0.000000e+00 : f32
    %ge3A_2170 = vector.broadcast %ge3A_2169 : f32 to vector<160x160xf32>
    %ge3A_2171 = arith.cmpf oge, %select_n3A_2168, %ge3A_2170 : vector<160x160xf32>
    %mul3A_2172 = arith.constant 2.000000e-01 : f32
    %mul3A_2173 = vector.broadcast %mul3A_2172 : f32 to vector<160x160xf32>
    %mul3A_2174 = arith.mulf %mul3A_2173, %select_n3A_2168 : vector<160x160xf32>
    %select_n3A_2175 = arith.select %ge3A_2171, %select_n3A_2168, %mul3A_2174 : vector<160x160xi1>, vector<160x160xf32>
    %reduce_max3A_2176 = arith.constant dense<0xFF800000> : vector<160xf32>
    %reduce_max3A_2177 = vector.multi_reduction <maximumf>, %select_n3A_2175, %reduce_max3A_2176 [1] : vector<160x160xf32> to vector<160xf32>
    %broadcast_in_dim3A_2178 = vector.shape_cast %reduce_max3A_2177 : vector<160xf32> to vector<160x1xf32>
    %sub3A_2179 = vector.broadcast %broadcast_in_dim3A_2178 : vector<160x1xf32> to vector<160x160xf32>
    %sub3A_2180 = arith.subf %select_n3A_2175, %sub3A_2179 : vector<160x160xf32>
    %exp3A_2181 = math.exp %sub3A_2180 : vector<160x160xf32>
    %reduce_sum3A_2182 = arith.constant dense<0.000000e+00> : vector<160xf32>
    %reduce_sum3A_2183 = vector.multi_reduction <add>, %exp3A_2181, %reduce_sum3A_2182 [1] : vector<160x160xf32> to vector<160xf32>
    %broadcast_in_dim3A_2184 = vector.shape_cast %reduce_sum3A_2183 : vector<160xf32> to vector<160x1xf32>
    %div3A_2185 = vector.broadcast %broadcast_in_dim3A_2184 : vector<160x1xf32> to vector<160x160xf32>
    %div3A_2186 = arith.divf %exp3A_2181, %div3A_2185 : vector<160x160xf32>
    %dot_general3A_2187 = arith.constant dense<0.000000e+00> : vector<160x128xf32>
    %dot_general3A_2188 = tpu.matmul %div3A_2186, %reshape3A_675, %dot_general3A_2187 {dimension_numbers = #tpu.dot_dimension_numbers<[1], [0], [0], [1], [0, 0, 1, 1], [], []>, transpose_lhs_hint = false} : vector<160x160xf32>, vector<160x128xf32>, vector<160x128xf32> -> vector<160x128xf32>
    %reshape3A_2189 = vector.shape_cast %dot_general3A_2188 : vector<160x128xf32> to vector<20x8x128xf32>
    %swap3A_2190 = arith.constant 0 : index
    %swap3A_2191 = arith.constant 192 : index
    %swap3A_2192 = arith.constant 0 : index
    %swap3A_2193 = vector.load %arg10[%swap3A_2190, %swap3A_2191, %swap3A_2192] : memref<20x256x128xf32, #tpu.memory_space<vmem>>, vector<20x8x128xf32>
    tpu.vector_store %arg10[%swap3A_2190, %swap3A_2191, %swap3A_2192], %reshape3A_2189 {strides = array<i32>} : memref<20x256x128xf32, #tpu.memory_space<vmem>>, vector<20x8x128xf32>,
    %eq3A_2194 = arith.constant 1.000000e+00 : f32
    %eq3A_2195 = vector.broadcast %eq3A_2194 : f32 to vector<160x160xf32>
    %eq3A_2196 = arith.cmpf oeq, %select_n3A_723, %eq3A_2195 : vector<160x160xf32>
    %slice3A_2197 = vector.extract_strided_slice %dot_general3A_715 {offsets = [0, 0], sizes = [160, 160], strides = [1, 1]} : vector<640x160xf32> to vector<160x160xf32>
    %eq3A_2198 = arith.constant 2.000000e+00 : f32
    %eq3A_2199 = vector.broadcast %eq3A_2198 : f32 to vector<160x160xf32>
    %eq3A_2200 = arith.cmpf oeq, %select_n3A_723, %eq3A_2199 : vector<160x160xf32>
    %slice3A_2201 = vector.extract_strided_slice %dot_general3A_715 {offsets = [160, 0], sizes = [160, 160], strides = [1, 1]} : vector<640x160xf32> to vector<160x160xf32>
    %eq3A_2202 = arith.constant 3.000000e+00 : f32
    %eq3A_2203 = vector.broadcast %eq3A_2202 : f32 to vector<160x160xf32>
    %eq3A_2204 = arith.cmpf oeq, %select_n3A_723, %eq3A_2203 : vector<160x160xf32>
    %slice3A_2205 = vector.extract_strided_slice %dot_general3A_715 {offsets = [320, 0], sizes = [160, 160], strides = [1, 1]} : vector<640x160xf32> to vector<160x160xf32>
    %eq3A_2206 = arith.constant 4.000000e+00 : f32
    %eq3A_2207 = vector.broadcast %eq3A_2206 : f32 to vector<160x160xf32>
    %eq3A_2208 = arith.cmpf oeq, %select_n3A_723, %eq3A_2207 : vector<160x160xf32>
    %slice3A_2209 = vector.extract_strided_slice %dot_general3A_715 {offsets = [480, 0], sizes = [160, 160], strides = [1, 1]} : vector<640x160xf32> to vector<160x160xf32>
    %eq3A_2210 = arith.constant 5.000000e+00 : f32
    %eq3A_2211 = vector.broadcast %eq3A_2210 : f32 to vector<160x160xf32>
    %eq3A_2212 = arith.cmpf oeq, %select_n3A_723, %eq3A_2211 : vector<160x160xf32>
    %jit3A_2213 = arith.constant 0xFF800000 : f32
    %jit3A_2214 = arith.constant -9.000000e+15 : f32
    %broadcast_in_dim3A_2215 = vector.broadcast %jit3A_2213 : f32 to vector<160x160xf32>
    %broadcast_in_dim3A_2216 = vector.broadcast %jit3A_2214 : f32 to vector<160x160xf32>
    %select_n3A_2217 = arith.select %eq3A_2212, %broadcast_in_dim3A_2215, %broadcast_in_dim3A_2216 : vector<160x160xi1>, vector<160x160xf32>
    %select_n3A_2218 = arith.select %eq3A_2208, %slice3A_2209, %select_n3A_2217 : vector<160x160xi1>, vector<160x160xf32>
    %select_n3A_2219 = arith.select %eq3A_2204, %slice3A_2205, %select_n3A_2218 : vector<160x160xi1>, vector<160x160xf32>
    %select_n3A_2220 = arith.select %eq3A_2200, %slice3A_2201, %select_n3A_2219 : vector<160x160xi1>, vector<160x160xf32>
    %select_n3A_2221 = arith.select %eq3A_2196, %slice3A_2197, %select_n3A_2220 : vector<160x160xi1>, vector<160x160xf32>
    %ge3A_2222 = arith.constant 0.000000e+00 : f32
    %ge3A_2223 = vector.broadcast %ge3A_2222 : f32 to vector<160x160xf32>
    %ge3A_2224 = arith.cmpf oge, %select_n3A_2221, %ge3A_2223 : vector<160x160xf32>
    %mul3A_2225 = arith.constant 2.000000e-01 : f32
    %mul3A_2226 = vector.broadcast %mul3A_2225 : f32 to vector<160x160xf32>
    %mul3A_2227 = arith.mulf %mul3A_2226, %select_n3A_2221 : vector<160x160xf32>
    %select_n3A_2228 = arith.select %ge3A_2224, %select_n3A_2221, %mul3A_2227 : vector<160x160xi1>, vector<160x160xf32>
    %reduce_max3A_2229 = arith.constant dense<0xFF800000> : vector<160xf32>
    %reduce_max3A_2230 = vector.multi_reduction <maximumf>, %select_n3A_2228, %reduce_max3A_2229 [1] : vector<160x160xf32> to vector<160xf32>
    %broadcast_in_dim3A_2231 = vector.shape_cast %reduce_max3A_2230 : vector<160xf32> to vector<160x1xf32>
    %sub3A_2232 = vector.broadcast %broadcast_in_dim3A_2231 : vector<160x1xf32> to vector<160x160xf32>
    %sub3A_2233 = arith.subf %select_n3A_2228, %sub3A_2232 : vector<160x160xf32>
    %exp3A_2234 = math.exp %sub3A_2233 : vector<160x160xf32>
    %reduce_sum3A_2235 = arith.constant dense<0.000000e+00> : vector<160xf32>
    %reduce_sum3A_2236 = vector.multi_reduction <add>, %exp3A_2234, %reduce_sum3A_2235 [1] : vector<160x160xf32> to vector<160xf32>
    %broadcast_in_dim3A_2237 = vector.shape_cast %reduce_sum3A_2236 : vector<160xf32> to vector<160x1xf32>
    %div3A_2238 = vector.broadcast %broadcast_in_dim3A_2237 : vector<160x1xf32> to vector<160x160xf32>
    %div3A_2239 = arith.divf %exp3A_2234, %div3A_2238 : vector<160x160xf32>
    %dot_general3A_2240 = arith.constant dense<0.000000e+00> : vector<160x128xf32>
    %dot_general3A_2241 = tpu.matmul %div3A_2239, %reshape3A_700, %dot_general3A_2240 {dimension_numbers = #tpu.dot_dimension_numbers<[1], [0], [0], [1], [0, 0, 1, 1], [], []>, transpose_lhs_hint = false} : vector<160x160xf32>, vector<160x128xf32>, vector<160x128xf32> -> vector<160x128xf32>
    %reshape3A_2242 = vector.shape_cast %dot_general3A_2241 : vector<160x128xf32> to vector<20x8x128xf32>
    %swap3A_2243 = arith.constant 0 : index
    %swap3A_2244 = arith.constant 200 : index
    %swap3A_2245 = arith.constant 0 : index
    %swap3A_2246 = vector.load %arg10[%swap3A_2243, %swap3A_2244, %swap3A_2245] : memref<20x256x128xf32, #tpu.memory_space<vmem>>, vector<20x8x128xf32>
    tpu.vector_store %arg10[%swap3A_2243, %swap3A_2244, %swap3A_2245], %reshape3A_2242 {strides = array<i32>} : memref<20x256x128xf32, #tpu.memory_space<vmem>>, vector<20x8x128xf32>,
    %eq3A_2247 = arith.constant 1.000000e+00 : f32
    %eq3A_2248 = vector.broadcast %eq3A_2247 : f32 to vector<160x160xf32>
    %eq3A_2249 = arith.cmpf oeq, %select_n3A_748, %eq3A_2248 : vector<160x160xf32>
    %slice3A_2250 = vector.extract_strided_slice %dot_general3A_740 {offsets = [0, 0], sizes = [160, 160], strides = [1, 1]} : vector<640x160xf32> to vector<160x160xf32>
    %eq3A_2251 = arith.constant 2.000000e+00 : f32
    %eq3A_2252 = vector.broadcast %eq3A_2251 : f32 to vector<160x160xf32>
    %eq3A_2253 = arith.cmpf oeq, %select_n3A_748, %eq3A_2252 : vector<160x160xf32>
    %slice3A_2254 = vector.extract_strided_slice %dot_general3A_740 {offsets = [160, 0], sizes = [160, 160], strides = [1, 1]} : vector<640x160xf32> to vector<160x160xf32>
    %eq3A_2255 = arith.constant 3.000000e+00 : f32
    %eq3A_2256 = vector.broadcast %eq3A_2255 : f32 to vector<160x160xf32>
    %eq3A_2257 = arith.cmpf oeq, %select_n3A_748, %eq3A_2256 : vector<160x160xf32>
    %slice3A_2258 = vector.extract_strided_slice %dot_general3A_740 {offsets = [320, 0], sizes = [160, 160], strides = [1, 1]} : vector<640x160xf32> to vector<160x160xf32>
    %eq3A_2259 = arith.constant 4.000000e+00 : f32
    %eq3A_2260 = vector.broadcast %eq3A_2259 : f32 to vector<160x160xf32>
    %eq3A_2261 = arith.cmpf oeq, %select_n3A_748, %eq3A_2260 : vector<160x160xf32>
    %slice3A_2262 = vector.extract_strided_slice %dot_general3A_740 {offsets = [480, 0], sizes = [160, 160], strides = [1, 1]} : vector<640x160xf32> to vector<160x160xf32>
    %eq3A_2263 = arith.constant 5.000000e+00 : f32
    %eq3A_2264 = vector.broadcast %eq3A_2263 : f32 to vector<160x160xf32>
    %eq3A_2265 = arith.cmpf oeq, %select_n3A_748, %eq3A_2264 : vector<160x160xf32>
    %jit3A_2266 = arith.constant 0xFF800000 : f32
    %jit3A_2267 = arith.constant -9.000000e+15 : f32
    %broadcast_in_dim3A_2268 = vector.broadcast %jit3A_2266 : f32 to vector<160x160xf32>
    %broadcast_in_dim3A_2269 = vector.broadcast %jit3A_2267 : f32 to vector<160x160xf32>
    %select_n3A_2270 = arith.select %eq3A_2265, %broadcast_in_dim3A_2268, %broadcast_in_dim3A_2269 : vector<160x160xi1>, vector<160x160xf32>
    %select_n3A_2271 = arith.select %eq3A_2261, %slice3A_2262, %select_n3A_2270 : vector<160x160xi1>, vector<160x160xf32>
    %select_n3A_2272 = arith.select %eq3A_2257, %slice3A_2258, %select_n3A_2271 : vector<160x160xi1>, vector<160x160xf32>
    %select_n3A_2273 = arith.select %eq3A_2253, %slice3A_2254, %select_n3A_2272 : vector<160x160xi1>, vector<160x160xf32>
    %select_n3A_2274 = arith.select %eq3A_2249, %slice3A_2250, %select_n3A_2273 : vector<160x160xi1>, vector<160x160xf32>
    %ge3A_2275 = arith.constant 0.000000e+00 : f32
    %ge3A_2276 = vector.broadcast %ge3A_2275 : f32 to vector<160x160xf32>
    %ge3A_2277 = arith.cmpf oge, %select_n3A_2274, %ge3A_2276 : vector<160x160xf32>
    %mul3A_2278 = arith.constant 2.000000e-01 : f32
    %mul3A_2279 = vector.broadcast %mul3A_2278 : f32 to vector<160x160xf32>
    %mul3A_2280 = arith.mulf %mul3A_2279, %select_n3A_2274 : vector<160x160xf32>
    %select_n3A_2281 = arith.select %ge3A_2277, %select_n3A_2274, %mul3A_2280 : vector<160x160xi1>, vector<160x160xf32>
    %reduce_max3A_2282 = arith.constant dense<0xFF800000> : vector<160xf32>
    %reduce_max3A_2283 = vector.multi_reduction <maximumf>, %select_n3A_2281, %reduce_max3A_2282 [1] : vector<160x160xf32> to vector<160xf32>
    %broadcast_in_dim3A_2284 = vector.shape_cast %reduce_max3A_2283 : vector<160xf32> to vector<160x1xf32>
    %sub3A_2285 = vector.broadcast %broadcast_in_dim3A_2284 : vector<160x1xf32> to vector<160x160xf32>
    %sub3A_2286 = arith.subf %select_n3A_2281, %sub3A_2285 : vector<160x160xf32>
    %exp3A_2287 = math.exp %sub3A_2286 : vector<160x160xf32>
    %reduce_sum3A_2288 = arith.constant dense<0.000000e+00> : vector<160xf32>
    %reduce_sum3A_2289 = vector.multi_reduction <add>, %exp3A_2287, %reduce_sum3A_2288 [1] : vector<160x160xf32> to vector<160xf32>
    %broadcast_in_dim3A_2290 = vector.shape_cast %reduce_sum3A_2289 : vector<160xf32> to vector<160x1xf32>
    %div3A_2291 = vector.broadcast %broadcast_in_dim3A_2290 : vector<160x1xf32> to vector<160x160xf32>
    %div3A_2292 = arith.divf %exp3A_2287, %div3A_2291 : vector<160x160xf32>
    %dot_general3A_2293 = arith.constant dense<0.000000e+00> : vector<160x128xf32>
    %dot_general3A_2294 = tpu.matmul %div3A_2292, %reshape3A_725, %dot_general3A_2293 {dimension_numbers = #tpu.dot_dimension_numbers<[1], [0], [0], [1], [0, 0, 1, 1], [], []>, transpose_lhs_hint = false} : vector<160x160xf32>, vector<160x128xf32>, vector<160x128xf32> -> vector<160x128xf32>
    %reshape3A_2295 = vector.shape_cast %dot_general3A_2294 : vector<160x128xf32> to vector<20x8x128xf32>
    %swap3A_2296 = arith.constant 0 : index
    %swap3A_2297 = arith.constant 208 : index
    %swap3A_2298 = arith.constant 0 : index
    %swap3A_2299 = vector.load %arg10[%swap3A_2296, %swap3A_2297, %swap3A_2298] : memref<20x256x128xf32, #tpu.memory_space<vmem>>, vector<20x8x128xf32>
    tpu.vector_store %arg10[%swap3A_2296, %swap3A_2297, %swap3A_2298], %reshape3A_2295 {strides = array<i32>} : memref<20x256x128xf32, #tpu.memory_space<vmem>>, vector<20x8x128xf32>,
    %eq3A_2300 = arith.constant 1.000000e+00 : f32
    %eq3A_2301 = vector.broadcast %eq3A_2300 : f32 to vector<160x160xf32>
    %eq3A_2302 = arith.cmpf oeq, %select_n3A_773, %eq3A_2301 : vector<160x160xf32>
    %slice3A_2303 = vector.extract_strided_slice %dot_general3A_765 {offsets = [0, 0], sizes = [160, 160], strides = [1, 1]} : vector<640x160xf32> to vector<160x160xf32>
    %eq3A_2304 = arith.constant 2.000000e+00 : f32
    %eq3A_2305 = vector.broadcast %eq3A_2304 : f32 to vector<160x160xf32>
    %eq3A_2306 = arith.cmpf oeq, %select_n3A_773, %eq3A_2305 : vector<160x160xf32>
    %slice3A_2307 = vector.extract_strided_slice %dot_general3A_765 {offsets = [160, 0], sizes = [160, 160], strides = [1, 1]} : vector<640x160xf32> to vector<160x160xf32>
    %eq3A_2308 = arith.constant 3.000000e+00 : f32
    %eq3A_2309 = vector.broadcast %eq3A_2308 : f32 to vector<160x160xf32>
    %eq3A_2310 = arith.cmpf oeq, %select_n3A_773, %eq3A_2309 : vector<160x160xf32>
    %slice3A_2311 = vector.extract_strided_slice %dot_general3A_765 {offsets = [320, 0], sizes = [160, 160], strides = [1, 1]} : vector<640x160xf32> to vector<160x160xf32>
    %eq3A_2312 = arith.constant 4.000000e+00 : f32
    %eq3A_2313 = vector.broadcast %eq3A_2312 : f32 to vector<160x160xf32>
    %eq3A_2314 = arith.cmpf oeq, %select_n3A_773, %eq3A_2313 : vector<160x160xf32>
    %slice3A_2315 = vector.extract_strided_slice %dot_general3A_765 {offsets = [480, 0], sizes = [160, 160], strides = [1, 1]} : vector<640x160xf32> to vector<160x160xf32>
    %eq3A_2316 = arith.constant 5.000000e+00 : f32
    %eq3A_2317 = vector.broadcast %eq3A_2316 : f32 to vector<160x160xf32>
    %eq3A_2318 = arith.cmpf oeq, %select_n3A_773, %eq3A_2317 : vector<160x160xf32>
    %jit3A_2319 = arith.constant 0xFF800000 : f32
    %jit3A_2320 = arith.constant -9.000000e+15 : f32
    %broadcast_in_dim3A_2321 = vector.broadcast %jit3A_2319 : f32 to vector<160x160xf32>
    %broadcast_in_dim3A_2322 = vector.broadcast %jit3A_2320 : f32 to vector<160x160xf32>
    %select_n3A_2323 = arith.select %eq3A_2318, %broadcast_in_dim3A_2321, %broadcast_in_dim3A_2322 : vector<160x160xi1>, vector<160x160xf32>
    %select_n3A_2324 = arith.select %eq3A_2314, %slice3A_2315, %select_n3A_2323 : vector<160x160xi1>, vector<160x160xf32>
    %select_n3A_2325 = arith.select %eq3A_2310, %slice3A_2311, %select_n3A_2324 : vector<160x160xi1>, vector<160x160xf32>
    %select_n3A_2326 = arith.select %eq3A_2306, %slice3A_2307, %select_n3A_2325 : vector<160x160xi1>, vector<160x160xf32>
    %select_n3A_2327 = arith.select %eq3A_2302, %slice3A_2303, %select_n3A_2326 : vector<160x160xi1>, vector<160x160xf32>
    %ge3A_2328 = arith.constant 0.000000e+00 : f32
    %ge3A_2329 = vector.broadcast %ge3A_2328 : f32 to vector<160x160xf32>
    %ge3A_2330 = arith.cmpf oge, %select_n3A_2327, %ge3A_2329 : vector<160x160xf32>
    %mul3A_2331 = arith.constant 2.000000e-01 : f32
    %mul3A_2332 = vector.broadcast %mul3A_2331 : f32 to vector<160x160xf32>
    %mul3A_2333 = arith.mulf %mul3A_2332, %select_n3A_2327 : vector<160x160xf32>
    %select_n3A_2334 = arith.select %ge3A_2330, %select_n3A_2327, %mul3A_2333 : vector<160x160xi1>, vector<160x160xf32>
    %reduce_max3A_2335 = arith.constant dense<0xFF800000> : vector<160xf32>
    %reduce_max3A_2336 = vector.multi_reduction <maximumf>, %select_n3A_2334, %reduce_max3A_2335 [1] : vector<160x160xf32> to vector<160xf32>
    %broadcast_in_dim3A_2337 = vector.shape_cast %reduce_max3A_2336 : vector<160xf32> to vector<160x1xf32>
    %sub3A_2338 = vector.broadcast %broadcast_in_dim3A_2337 : vector<160x1xf32> to vector<160x160xf32>
    %sub3A_2339 = arith.subf %select_n3A_2334, %sub3A_2338 : vector<160x160xf32>
    %exp3A_2340 = math.exp %sub3A_2339 : vector<160x160xf32>
    %reduce_sum3A_2341 = arith.constant dense<0.000000e+00> : vector<160xf32>
    %reduce_sum3A_2342 = vector.multi_reduction <add>, %exp3A_2340, %reduce_sum3A_2341 [1] : vector<160x160xf32> to vector<160xf32>
    %broadcast_in_dim3A_2343 = vector.shape_cast %reduce_sum3A_2342 : vector<160xf32> to vector<160x1xf32>
    %div3A_2344 = vector.broadcast %broadcast_in_dim3A_2343 : vector<160x1xf32> to vector<160x160xf32>
    %div3A_2345 = arith.divf %exp3A_2340, %div3A_2344 : vector<160x160xf32>
    %dot_general3A_2346 = arith.constant dense<0.000000e+00> : vector<160x128xf32>
    %dot_general3A_2347 = tpu.matmul %div3A_2345, %reshape3A_750, %dot_general3A_2346 {dimension_numbers = #tpu.dot_dimension_numbers<[1], [0], [0], [1], [0, 0, 1, 1], [], []>, transpose_lhs_hint = false} : vector<160x160xf32>, vector<160x128xf32>, vector<160x128xf32> -> vector<160x128xf32>
    %reshape3A_2348 = vector.shape_cast %dot_general3A_2347 : vector<160x128xf32> to vector<20x8x128xf32>
    %swap3A_2349 = arith.constant 0 : index
    %swap3A_2350 = arith.constant 216 : index
    %swap3A_2351 = arith.constant 0 : index
    %swap3A_2352 = vector.load %arg10[%swap3A_2349, %swap3A_2350, %swap3A_2351] : memref<20x256x128xf32, #tpu.memory_space<vmem>>, vector<20x8x128xf32>
    tpu.vector_store %arg10[%swap3A_2349, %swap3A_2350, %swap3A_2351], %reshape3A_2348 {strides = array<i32>} : memref<20x256x128xf32, #tpu.memory_space<vmem>>, vector<20x8x128xf32>,
    %eq3A_2353 = arith.constant 1.000000e+00 : f32
    %eq3A_2354 = vector.broadcast %eq3A_2353 : f32 to vector<160x160xf32>
    %eq3A_2355 = arith.cmpf oeq, %select_n3A_798, %eq3A_2354 : vector<160x160xf32>
    %slice3A_2356 = vector.extract_strided_slice %dot_general3A_790 {offsets = [0, 0], sizes = [160, 160], strides = [1, 1]} : vector<640x160xf32> to vector<160x160xf32>
    %eq3A_2357 = arith.constant 2.000000e+00 : f32
    %eq3A_2358 = vector.broadcast %eq3A_2357 : f32 to vector<160x160xf32>
    %eq3A_2359 = arith.cmpf oeq, %select_n3A_798, %eq3A_2358 : vector<160x160xf32>
    %slice3A_2360 = vector.extract_strided_slice %dot_general3A_790 {offsets = [160, 0], sizes = [160, 160], strides = [1, 1]} : vector<640x160xf32> to vector<160x160xf32>
    %eq3A_2361 = arith.constant 3.000000e+00 : f32
    %eq3A_2362 = vector.broadcast %eq3A_2361 : f32 to vector<160x160xf32>
    %eq3A_2363 = arith.cmpf oeq, %select_n3A_798, %eq3A_2362 : vector<160x160xf32>
    %slice3A_2364 = vector.extract_strided_slice %dot_general3A_790 {offsets = [320, 0], sizes = [160, 160], strides = [1, 1]} : vector<640x160xf32> to vector<160x160xf32>
    %eq3A_2365 = arith.constant 4.000000e+00 : f32
    %eq3A_2366 = vector.broadcast %eq3A_2365 : f32 to vector<160x160xf32>
    %eq3A_2367 = arith.cmpf oeq, %select_n3A_798, %eq3A_2366 : vector<160x160xf32>
    %slice3A_2368 = vector.extract_strided_slice %dot_general3A_790 {offsets = [480, 0], sizes = [160, 160], strides = [1, 1]} : vector<640x160xf32> to vector<160x160xf32>
    %eq3A_2369 = arith.constant 5.000000e+00 : f32
    %eq3A_2370 = vector.broadcast %eq3A_2369 : f32 to vector<160x160xf32>
    %eq3A_2371 = arith.cmpf oeq, %select_n3A_798, %eq3A_2370 : vector<160x160xf32>
    %jit3A_2372 = arith.constant 0xFF800000 : f32
    %jit3A_2373 = arith.constant -9.000000e+15 : f32
    %broadcast_in_dim3A_2374 = vector.broadcast %jit3A_2372 : f32 to vector<160x160xf32>
    %broadcast_in_dim3A_2375 = vector.broadcast %jit3A_2373 : f32 to vector<160x160xf32>
    %select_n3A_2376 = arith.select %eq3A_2371, %broadcast_in_dim3A_2374, %broadcast_in_dim3A_2375 : vector<160x160xi1>, vector<160x160xf32>
    %select_n3A_2377 = arith.select %eq3A_2367, %slice3A_2368, %select_n3A_2376 : vector<160x160xi1>, vector<160x160xf32>
    %select_n3A_2378 = arith.select %eq3A_2363, %slice3A_2364, %select_n3A_2377 : vector<160x160xi1>, vector<160x160xf32>
    %select_n3A_2379 = arith.select %eq3A_2359, %slice3A_2360, %select_n3A_2378 : vector<160x160xi1>, vector<160x160xf32>
    %select_n3A_2380 = arith.select %eq3A_2355, %slice3A_2356, %select_n3A_2379 : vector<160x160xi1>, vector<160x160xf32>
    %ge3A_2381 = arith.constant 0.000000e+00 : f32
    %ge3A_2382 = vector.broadcast %ge3A_2381 : f32 to vector<160x160xf32>
    %ge3A_2383 = arith.cmpf oge, %select_n3A_2380, %ge3A_2382 : vector<160x160xf32>
    %mul3A_2384 = arith.constant 2.000000e-01 : f32
    %mul3A_2385 = vector.broadcast %mul3A_2384 : f32 to vector<160x160xf32>
    %mul3A_2386 = arith.mulf %mul3A_2385, %select_n3A_2380 : vector<160x160xf32>
    %select_n3A_2387 = arith.select %ge3A_2383, %select_n3A_2380, %mul3A_2386 : vector<160x160xi1>, vector<160x160xf32>
    %reduce_max3A_2388 = arith.constant dense<0xFF800000> : vector<160xf32>
    %reduce_max3A_2389 = vector.multi_reduction <maximumf>, %select_n3A_2387, %reduce_max3A_2388 [1] : vector<160x160xf32> to vector<160xf32>
    %broadcast_in_dim3A_2390 = vector.shape_cast %reduce_max3A_2389 : vector<160xf32> to vector<160x1xf32>
    %sub3A_2391 = vector.broadcast %broadcast_in_dim3A_2390 : vector<160x1xf32> to vector<160x160xf32>
    %sub3A_2392 = arith.subf %select_n3A_2387, %sub3A_2391 : vector<160x160xf32>
    %exp3A_2393 = math.exp %sub3A_2392 : vector<160x160xf32>
    %reduce_sum3A_2394 = arith.constant dense<0.000000e+00> : vector<160xf32>
    %reduce_sum3A_2395 = vector.multi_reduction <add>, %exp3A_2393, %reduce_sum3A_2394 [1] : vector<160x160xf32> to vector<160xf32>
    %broadcast_in_dim3A_2396 = vector.shape_cast %reduce_sum3A_2395 : vector<160xf32> to vector<160x1xf32>
    %div3A_2397 = vector.broadcast %broadcast_in_dim3A_2396 : vector<160x1xf32> to vector<160x160xf32>
    %div3A_2398 = arith.divf %exp3A_2393, %div3A_2397 : vector<160x160xf32>
    %dot_general3A_2399 = arith.constant dense<0.000000e+00> : vector<160x128xf32>
    %dot_general3A_2400 = tpu.matmul %div3A_2398, %reshape3A_775, %dot_general3A_2399 {dimension_numbers = #tpu.dot_dimension_numbers<[1], [0], [0], [1], [0, 0, 1, 1], [], []>, transpose_lhs_hint = false} : vector<160x160xf32>, vector<160x128xf32>, vector<160x128xf32> -> vector<160x128xf32>
    %reshape3A_2401 = vector.shape_cast %dot_general3A_2400 : vector<160x128xf32> to vector<20x8x128xf32>
    %swap3A_2402 = arith.constant 0 : index
    %swap3A_2403 = arith.constant 224 : index
    %swap3A_2404 = arith.constant 0 : index
    %swap3A_2405 = vector.load %arg10[%swap3A_2402, %swap3A_2403, %swap3A_2404] : memref<20x256x128xf32, #tpu.memory_space<vmem>>, vector<20x8x128xf32>
    tpu.vector_store %arg10[%swap3A_2402, %swap3A_2403, %swap3A_2404], %reshape3A_2401 {strides = array<i32>} : memref<20x256x128xf32, #tpu.memory_space<vmem>>, vector<20x8x128xf32>,
    %eq3A_2406 = arith.constant 1.000000e+00 : f32
    %eq3A_2407 = vector.broadcast %eq3A_2406 : f32 to vector<160x160xf32>
    %eq3A_2408 = arith.cmpf oeq, %select_n3A_823, %eq3A_2407 : vector<160x160xf32>
    %slice3A_2409 = vector.extract_strided_slice %dot_general3A_815 {offsets = [0, 0], sizes = [160, 160], strides = [1, 1]} : vector<640x160xf32> to vector<160x160xf32>
    %eq3A_2410 = arith.constant 2.000000e+00 : f32
    %eq3A_2411 = vector.broadcast %eq3A_2410 : f32 to vector<160x160xf32>
    %eq3A_2412 = arith.cmpf oeq, %select_n3A_823, %eq3A_2411 : vector<160x160xf32>
    %slice3A_2413 = vector.extract_strided_slice %dot_general3A_815 {offsets = [160, 0], sizes = [160, 160], strides = [1, 1]} : vector<640x160xf32> to vector<160x160xf32>
    %eq3A_2414 = arith.constant 3.000000e+00 : f32
    %eq3A_2415 = vector.broadcast %eq3A_2414 : f32 to vector<160x160xf32>
    %eq3A_2416 = arith.cmpf oeq, %select_n3A_823, %eq3A_2415 : vector<160x160xf32>
    %slice3A_2417 = vector.extract_strided_slice %dot_general3A_815 {offsets = [320, 0], sizes = [160, 160], strides = [1, 1]} : vector<640x160xf32> to vector<160x160xf32>
    %eq3A_2418 = arith.constant 4.000000e+00 : f32
    %eq3A_2419 = vector.broadcast %eq3A_2418 : f32 to vector<160x160xf32>
    %eq3A_2420 = arith.cmpf oeq, %select_n3A_823, %eq3A_2419 : vector<160x160xf32>
    %slice3A_2421 = vector.extract_strided_slice %dot_general3A_815 {offsets = [480, 0], sizes = [160, 160], strides = [1, 1]} : vector<640x160xf32> to vector<160x160xf32>
    %eq3A_2422 = arith.constant 5.000000e+00 : f32
    %eq3A_2423 = vector.broadcast %eq3A_2422 : f32 to vector<160x160xf32>
    %eq3A_2424 = arith.cmpf oeq, %select_n3A_823, %eq3A_2423 : vector<160x160xf32>
    %jit3A_2425 = arith.constant 0xFF800000 : f32
    %jit3A_2426 = arith.constant -9.000000e+15 : f32
    %broadcast_in_dim3A_2427 = vector.broadcast %jit3A_2425 : f32 to vector<160x160xf32>
    %broadcast_in_dim3A_2428 = vector.broadcast %jit3A_2426 : f32 to vector<160x160xf32>
    %select_n3A_2429 = arith.select %eq3A_2424, %broadcast_in_dim3A_2427, %broadcast_in_dim3A_2428 : vector<160x160xi1>, vector<160x160xf32>
    %select_n3A_2430 = arith.select %eq3A_2420, %slice3A_2421, %select_n3A_2429 : vector<160x160xi1>, vector<160x160xf32>
    %select_n3A_2431 = arith.select %eq3A_2416, %slice3A_2417, %select_n3A_2430 : vector<160x160xi1>, vector<160x160xf32>
    %select_n3A_2432 = arith.select %eq3A_2412, %slice3A_2413, %select_n3A_2431 : vector<160x160xi1>, vector<160x160xf32>
    %select_n3A_2433 = arith.select %eq3A_2408, %slice3A_2409, %select_n3A_2432 : vector<160x160xi1>, vector<160x160xf32>
    %ge3A_2434 = arith.constant 0.000000e+00 : f32
    %ge3A_2435 = vector.broadcast %ge3A_2434 : f32 to vector<160x160xf32>
    %ge3A_2436 = arith.cmpf oge, %select_n3A_2433, %ge3A_2435 : vector<160x160xf32>
    %mul3A_2437 = arith.constant 2.000000e-01 : f32
    %mul3A_2438 = vector.broadcast %mul3A_2437 : f32 to vector<160x160xf32>
    %mul3A_2439 = arith.mulf %mul3A_2438, %select_n3A_2433 : vector<160x160xf32>
    %select_n3A_2440 = arith.select %ge3A_2436, %select_n3A_2433, %mul3A_2439 : vector<160x160xi1>, vector<160x160xf32>
    %reduce_max3A_2441 = arith.constant dense<0xFF800000> : vector<160xf32>
    %reduce_max3A_2442 = vector.multi_reduction <maximumf>, %select_n3A_2440, %reduce_max3A_2441 [1] : vector<160x160xf32> to vector<160xf32>
    %broadcast_in_dim3A_2443 = vector.shape_cast %reduce_max3A_2442 : vector<160xf32> to vector<160x1xf32>
    %sub3A_2444 = vector.broadcast %broadcast_in_dim3A_2443 : vector<160x1xf32> to vector<160x160xf32>
    %sub3A_2445 = arith.subf %select_n3A_2440, %sub3A_2444 : vector<160x160xf32>
    %exp3A_2446 = math.exp %sub3A_2445 : vector<160x160xf32>
    %reduce_sum3A_2447 = arith.constant dense<0.000000e+00> : vector<160xf32>
    %reduce_sum3A_2448 = vector.multi_reduction <add>, %exp3A_2446, %reduce_sum3A_2447 [1] : vector<160x160xf32> to vector<160xf32>
    %broadcast_in_dim3A_2449 = vector.shape_cast %reduce_sum3A_2448 : vector<160xf32> to vector<160x1xf32>
    %div3A_2450 = vector.broadcast %broadcast_in_dim3A_2449 : vector<160x1xf32> to vector<160x160xf32>
    %div3A_2451 = arith.divf %exp3A_2446, %div3A_2450 : vector<160x160xf32>
    %dot_general3A_2452 = arith.constant dense<0.000000e+00> : vector<160x128xf32>
    %dot_general3A_2453 = tpu.matmul %div3A_2451, %reshape3A_800, %dot_general3A_2452 {dimension_numbers = #tpu.dot_dimension_numbers<[1], [0], [0], [1], [0, 0, 1, 1], [], []>, transpose_lhs_hint = false} : vector<160x160xf32>, vector<160x128xf32>, vector<160x128xf32> -> vector<160x128xf32>
    %reshape3A_2454 = vector.shape_cast %dot_general3A_2453 : vector<160x128xf32> to vector<20x8x128xf32>
    %swap3A_2455 = arith.constant 0 : index
    %swap3A_2456 = arith.constant 232 : index
    %swap3A_2457 = arith.constant 0 : index
    %swap3A_2458 = vector.load %arg10[%swap3A_2455, %swap3A_2456, %swap3A_2457] : memref<20x256x128xf32, #tpu.memory_space<vmem>>, vector<20x8x128xf32>
    tpu.vector_store %arg10[%swap3A_2455, %swap3A_2456, %swap3A_2457], %reshape3A_2454 {strides = array<i32>} : memref<20x256x128xf32, #tpu.memory_space<vmem>>, vector<20x8x128xf32>,
    %eq3A_2459 = arith.constant 1.000000e+00 : f32
    %eq3A_2460 = vector.broadcast %eq3A_2459 : f32 to vector<160x160xf32>
    %eq3A_2461 = arith.cmpf oeq, %select_n3A_848, %eq3A_2460 : vector<160x160xf32>
    %slice3A_2462 = vector.extract_strided_slice %dot_general3A_840 {offsets = [0, 0], sizes = [160, 160], strides = [1, 1]} : vector<640x160xf32> to vector<160x160xf32>
    %eq3A_2463 = arith.constant 2.000000e+00 : f32
    %eq3A_2464 = vector.broadcast %eq3A_2463 : f32 to vector<160x160xf32>
    %eq3A_2465 = arith.cmpf oeq, %select_n3A_848, %eq3A_2464 : vector<160x160xf32>
    %slice3A_2466 = vector.extract_strided_slice %dot_general3A_840 {offsets = [160, 0], sizes = [160, 160], strides = [1, 1]} : vector<640x160xf32> to vector<160x160xf32>
    %eq3A_2467 = arith.constant 3.000000e+00 : f32
    %eq3A_2468 = vector.broadcast %eq3A_2467 : f32 to vector<160x160xf32>
    %eq3A_2469 = arith.cmpf oeq, %select_n3A_848, %eq3A_2468 : vector<160x160xf32>
    %slice3A_2470 = vector.extract_strided_slice %dot_general3A_840 {offsets = [320, 0], sizes = [160, 160], strides = [1, 1]} : vector<640x160xf32> to vector<160x160xf32>
    %eq3A_2471 = arith.constant 4.000000e+00 : f32
    %eq3A_2472 = vector.broadcast %eq3A_2471 : f32 to vector<160x160xf32>
    %eq3A_2473 = arith.cmpf oeq, %select_n3A_848, %eq3A_2472 : vector<160x160xf32>
    %slice3A_2474 = vector.extract_strided_slice %dot_general3A_840 {offsets = [480, 0], sizes = [160, 160], strides = [1, 1]} : vector<640x160xf32> to vector<160x160xf32>
    %eq3A_2475 = arith.constant 5.000000e+00 : f32
    %eq3A_2476 = vector.broadcast %eq3A_2475 : f32 to vector<160x160xf32>
    %eq3A_2477 = arith.cmpf oeq, %select_n3A_848, %eq3A_2476 : vector<160x160xf32>
    %jit3A_2478 = arith.constant 0xFF800000 : f32
    %jit3A_2479 = arith.constant -9.000000e+15 : f32
    %broadcast_in_dim3A_2480 = vector.broadcast %jit3A_2478 : f32 to vector<160x160xf32>
    %broadcast_in_dim3A_2481 = vector.broadcast %jit3A_2479 : f32 to vector<160x160xf32>
    %select_n3A_2482 = arith.select %eq3A_2477, %broadcast_in_dim3A_2480, %broadcast_in_dim3A_2481 : vector<160x160xi1>, vector<160x160xf32>
    %select_n3A_2483 = arith.select %eq3A_2473, %slice3A_2474, %select_n3A_2482 : vector<160x160xi1>, vector<160x160xf32>
    %select_n3A_2484 = arith.select %eq3A_2469, %slice3A_2470, %select_n3A_2483 : vector<160x160xi1>, vector<160x160xf32>
    %select_n3A_2485 = arith.select %eq3A_2465, %slice3A_2466, %select_n3A_2484 : vector<160x160xi1>, vector<160x160xf32>
    %select_n3A_2486 = arith.select %eq3A_2461, %slice3A_2462, %select_n3A_2485 : vector<160x160xi1>, vector<160x160xf32>
    %ge3A_2487 = arith.constant 0.000000e+00 : f32
    %ge3A_2488 = vector.broadcast %ge3A_2487 : f32 to vector<160x160xf32>
    %ge3A_2489 = arith.cmpf oge, %select_n3A_2486, %ge3A_2488 : vector<160x160xf32>
    %mul3A_2490 = arith.constant 2.000000e-01 : f32
    %mul3A_2491 = vector.broadcast %mul3A_2490 : f32 to vector<160x160xf32>
    %mul3A_2492 = arith.mulf %mul3A_2491, %select_n3A_2486 : vector<160x160xf32>
    %select_n3A_2493 = arith.select %ge3A_2489, %select_n3A_2486, %mul3A_2492 : vector<160x160xi1>, vector<160x160xf32>
    %reduce_max3A_2494 = arith.constant dense<0xFF800000> : vector<160xf32>
    %reduce_max3A_2495 = vector.multi_reduction <maximumf>, %select_n3A_2493, %reduce_max3A_2494 [1] : vector<160x160xf32> to vector<160xf32>
    %broadcast_in_dim3A_2496 = vector.shape_cast %reduce_max3A_2495 : vector<160xf32> to vector<160x1xf32>
    %sub3A_2497 = vector.broadcast %broadcast_in_dim3A_2496 : vector<160x1xf32> to vector<160x160xf32>
    %sub3A_2498 = arith.subf %select_n3A_2493, %sub3A_2497 : vector<160x160xf32>
    %exp3A_2499 = math.exp %sub3A_2498 : vector<160x160xf32>
    %reduce_sum3A_2500 = arith.constant dense<0.000000e+00> : vector<160xf32>
    %reduce_sum3A_2501 = vector.multi_reduction <add>, %exp3A_2499, %reduce_sum3A_2500 [1] : vector<160x160xf32> to vector<160xf32>
    %broadcast_in_dim3A_2502 = vector.shape_cast %reduce_sum3A_2501 : vector<160xf32> to vector<160x1xf32>
    %div3A_2503 = vector.broadcast %broadcast_in_dim3A_2502 : vector<160x1xf32> to vector<160x160xf32>
    %div3A_2504 = arith.divf %exp3A_2499, %div3A_2503 : vector<160x160xf32>
    %dot_general3A_2505 = arith.constant dense<0.000000e+00> : vector<160x128xf32>
    %dot_general3A_2506 = tpu.matmul %div3A_2504, %reshape3A_825, %dot_general3A_2505 {dimension_numbers = #tpu.dot_dimension_numbers<[1], [0], [0], [1], [0, 0, 1, 1], [], []>, transpose_lhs_hint = false} : vector<160x160xf32>, vector<160x128xf32>, vector<160x128xf32> -> vector<160x128xf32>
    %reshape3A_2507 = vector.shape_cast %dot_general3A_2506 : vector<160x128xf32> to vector<20x8x128xf32>
    %swap3A_2508 = arith.constant 0 : index
    %swap3A_2509 = arith.constant 240 : index
    %swap3A_2510 = arith.constant 0 : index
    %swap3A_2511 = vector.load %arg10[%swap3A_2508, %swap3A_2509, %swap3A_2510] : memref<20x256x128xf32, #tpu.memory_space<vmem>>, vector<20x8x128xf32>
    tpu.vector_store %arg10[%swap3A_2508, %swap3A_2509, %swap3A_2510], %reshape3A_2507 {strides = array<i32>} : memref<20x256x128xf32, #tpu.memory_space<vmem>>, vector<20x8x128xf32>,
    %eq3A_2512 = arith.constant 1.000000e+00 : f32
    %eq3A_2513 = vector.broadcast %eq3A_2512 : f32 to vector<160x160xf32>
    %eq3A_2514 = arith.cmpf oeq, %select_n3A_873, %eq3A_2513 : vector<160x160xf32>
    %slice3A_2515 = vector.extract_strided_slice %dot_general3A_865 {offsets = [0, 0], sizes = [160, 160], strides = [1, 1]} : vector<640x160xf32> to vector<160x160xf32>
    %eq3A_2516 = arith.constant 2.000000e+00 : f32
    %eq3A_2517 = vector.broadcast %eq3A_2516 : f32 to vector<160x160xf32>
    %eq3A_2518 = arith.cmpf oeq, %select_n3A_873, %eq3A_2517 : vector<160x160xf32>
    %slice3A_2519 = vector.extract_strided_slice %dot_general3A_865 {offsets = [160, 0], sizes = [160, 160], strides = [1, 1]} : vector<640x160xf32> to vector<160x160xf32>
    %eq3A_2520 = arith.constant 3.000000e+00 : f32
    %eq3A_2521 = vector.broadcast %eq3A_2520 : f32 to vector<160x160xf32>
    %eq3A_2522 = arith.cmpf oeq, %select_n3A_873, %eq3A_2521 : vector<160x160xf32>
    %slice3A_2523 = vector.extract_strided_slice %dot_general3A_865 {offsets = [320, 0], sizes = [160, 160], strides = [1, 1]} : vector<640x160xf32> to vector<160x160xf32>
    %eq3A_2524 = arith.constant 4.000000e+00 : f32
    %eq3A_2525 = vector.broadcast %eq3A_2524 : f32 to vector<160x160xf32>
    %eq3A_2526 = arith.cmpf oeq, %select_n3A_873, %eq3A_2525 : vector<160x160xf32>
    %slice3A_2527 = vector.extract_strided_slice %dot_general3A_865 {offsets = [480, 0], sizes = [160, 160], strides = [1, 1]} : vector<640x160xf32> to vector<160x160xf32>
    %eq3A_2528 = arith.constant 5.000000e+00 : f32
    %eq3A_2529 = vector.broadcast %eq3A_2528 : f32 to vector<160x160xf32>
    %eq3A_2530 = arith.cmpf oeq, %select_n3A_873, %eq3A_2529 : vector<160x160xf32>
    %jit3A_2531 = arith.constant 0xFF800000 : f32
    %jit3A_2532 = arith.constant -9.000000e+15 : f32
    %broadcast_in_dim3A_2533 = vector.broadcast %jit3A_2531 : f32 to vector<160x160xf32>
    %broadcast_in_dim3A_2534 = vector.broadcast %jit3A_2532 : f32 to vector<160x160xf32>
    %select_n3A_2535 = arith.select %eq3A_2530, %broadcast_in_dim3A_2533, %broadcast_in_dim3A_2534 : vector<160x160xi1>, vector<160x160xf32>
    %select_n3A_2536 = arith.select %eq3A_2526, %slice3A_2527, %select_n3A_2535 : vector<160x160xi1>, vector<160x160xf32>
    %select_n3A_2537 = arith.select %eq3A_2522, %slice3A_2523, %select_n3A_2536 : vector<160x160xi1>, vector<160x160xf32>
    %select_n3A_2538 = arith.select %eq3A_2518, %slice3A_2519, %select_n3A_2537 : vector<160x160xi1>, vector<160x160xf32>
    %select_n3A_2539 = arith.select %eq3A_2514, %slice3A_2515, %select_n3A_2538 : vector<160x160xi1>, vector<160x160xf32>
    %ge3A_2540 = arith.constant 0.000000e+00 : f32
    %ge3A_2541 = vector.broadcast %ge3A_2540 : f32 to vector<160x160xf32>
    %ge3A_2542 = arith.cmpf oge, %select_n3A_2539, %ge3A_2541 : vector<160x160xf32>
    %mul3A_2543 = arith.constant 2.000000e-01 : f32
    %mul3A_2544 = vector.broadcast %mul3A_2543 : f32 to vector<160x160xf32>
    %mul3A_2545 = arith.mulf %mul3A_2544, %select_n3A_2539 : vector<160x160xf32>
    %select_n3A_2546 = arith.select %ge3A_2542, %select_n3A_2539, %mul3A_2545 : vector<160x160xi1>, vector<160x160xf32>
    %reduce_max3A_2547 = arith.constant dense<0xFF800000> : vector<160xf32>
    %reduce_max3A_2548 = vector.multi_reduction <maximumf>, %select_n3A_2546, %reduce_max3A_2547 [1] : vector<160x160xf32> to vector<160xf32>
    %broadcast_in_dim3A_2549 = vector.shape_cast %reduce_max3A_2548 : vector<160xf32> to vector<160x1xf32>
    %sub3A_2550 = vector.broadcast %broadcast_in_dim3A_2549 : vector<160x1xf32> to vector<160x160xf32>
    %sub3A_2551 = arith.subf %select_n3A_2546, %sub3A_2550 : vector<160x160xf32>
    %exp3A_2552 = math.exp %sub3A_2551 : vector<160x160xf32>
    %reduce_sum3A_2553 = arith.constant dense<0.000000e+00> : vector<160xf32>
    %reduce_sum3A_2554 = vector.multi_reduction <add>, %exp3A_2552, %reduce_sum3A_2553 [1] : vector<160x160xf32> to vector<160xf32>
    %broadcast_in_dim3A_2555 = vector.shape_cast %reduce_sum3A_2554 : vector<160xf32> to vector<160x1xf32>
    %div3A_2556 = vector.broadcast %broadcast_in_dim3A_2555 : vector<160x1xf32> to vector<160x160xf32>
    %div3A_2557 = arith.divf %exp3A_2552, %div3A_2556 : vector<160x160xf32>
    %dot_general3A_2558 = arith.constant dense<0.000000e+00> : vector<160x128xf32>
    %dot_general3A_2559 = tpu.matmul %div3A_2557, %reshape3A_850, %dot_general3A_2558 {dimension_numbers = #tpu.dot_dimension_numbers<[1], [0], [0], [1], [0, 0, 1, 1], [], []>, transpose_lhs_hint = false} : vector<160x160xf32>, vector<160x128xf32>, vector<160x128xf32> -> vector<160x128xf32>
    %reshape3A_2560 = vector.shape_cast %dot_general3A_2559 : vector<160x128xf32> to vector<20x8x128xf32>
    %swap3A_2561 = arith.constant 0 : index
    %swap3A_2562 = arith.constant 248 : index
    %swap3A_2563 = arith.constant 0 : index
    %swap3A_2564 = vector.load %arg10[%swap3A_2561, %swap3A_2562, %swap3A_2563] : memref<20x256x128xf32, #tpu.memory_space<vmem>>, vector<20x8x128xf32>
    tpu.vector_store %arg10[%swap3A_2561, %swap3A_2562, %swap3A_2563], %reshape3A_2560 {strides = array<i32>} : memref<20x256x128xf32, #tpu.memory_space<vmem>>, vector<20x8x128xf32>,
    %get3A_2565 = arith.constant 0 : index
    %get3A_2566 = arith.constant 0 : index
    %get3A_2567 = vector.load %arg5[%get3A_2565, %get3A_2566] : memref<256x20xi32, #tpu.memory_space<vmem>>, vector<256x20xi32>
    %convert_element_type3A_2568 = arith.sitofp %get3A_2567 : vector<256x20xi32> to vector<256x20xf32>
    %get3A_2569 = arith.constant 0 : index
    %get3A_2570 = arith.constant 0 : index
    %get3A_2571 = vector.load %arg4[%get3A_2569, %get3A_2570] : memref<256x128xf32, #tpu.memory_space<vmem>>, vector<256x128xf32>
    %reduce_sum3A_2572 = arith.constant dense<0.000000e+00> : vector<256xf32>
    %reduce_sum3A_2573 = vector.multi_reduction <add>, %convert_element_type3A_2568, %reduce_sum3A_2572 [1] : vector<256x20xf32> to vector<256xf32>
    %broadcast_in_dim3A_2574 = vector.shape_cast %reduce_sum3A_2573 : vector<256xf32> to vector<256x1xf32>
    %div3A_2575 = vector.broadcast %broadcast_in_dim3A_2574 : vector<256x1xf32> to vector<256x128xf32>
    %div3A_2576 = arith.divf %get3A_2571, %div3A_2575 : vector<256x128xf32>
    %get3A_2577 = arith.constant 0 : index
    %get3A_2578 = arith.constant 0 : index
    %get3A_2579 = vector.load %arg6[%get3A_2577, %get3A_2578] : memref<128x128xf32, #tpu.memory_space<vmem>>, vector<128x128xf32>
    %dot_general3A_2580 = arith.constant dense<0.000000e+00> : vector<256x128xf32>
    %dot_general3A_2581 = tpu.matmul %div3A_2576, %get3A_2579, %dot_general3A_2580 {dimension_numbers = #tpu.dot_dimension_numbers<[1], [0], [0], [1], [0, 0, 1, 1], [], []>, transpose_lhs_hint = false} : vector<256x128xf32>, vector<128x128xf32>, vector<256x128xf32> -> vector<256x128xf32>
    %get3A_2582 = arith.constant 0 : index
    %get3A_2583 = arith.constant 0 : index
    %get3A_2584 = vector.load %arg7[%get3A_2582, %get3A_2583] : memref<8x128xf32, #tpu.memory_space<vmem>>, vector<1x128xf32>
    %add3A_2585 = vector.broadcast %get3A_2584 : vector<1x128xf32> to vector<256x128xf32>
    %add3A_2586 = arith.addf %dot_general3A_2581, %add3A_2585 : vector<256x128xf32>
    %max3A = arith.constant 0.000000e+00 : f32
    %max3A_2587 = vector.broadcast %max3A : f32 to vector<256x128xf32>
    %max3A_2588 = arith.maximumf %add3A_2586, %max3A_2587 : vector<256x128xf32>
    %get3A_2589 = arith.constant 0 : index
    %get3A_2590 = arith.constant 0 : index
    %get3A_2591 = vector.load %arg8[%get3A_2589, %get3A_2590] : memref<128x128xf32, #tpu.memory_space<vmem>>, vector<128x128xf32>
    %dot_general3A_2592 = arith.constant dense<0.000000e+00> : vector<256x128xf32>
    %dot_general3A_2593 = tpu.matmul %max3A_2588, %get3A_2591, %dot_general3A_2592 {dimension_numbers = #tpu.dot_dimension_numbers<[1], [0], [0], [1], [0, 0, 1, 1], [], []>, transpose_lhs_hint = false} : vector<256x128xf32>, vector<128x128xf32>, vector<256x128xf32> -> vector<256x128xf32>
    %get3A_2594 = arith.constant 0 : index
    %get3A_2595 = arith.constant 0 : index
    %get3A_2596 = vector.load %arg9[%get3A_2594, %get3A_2595] : memref<8x128xf32, #tpu.memory_space<vmem>>, vector<1x128xf32>
    %add3A_2597 = vector.broadcast %get3A_2596 : vector<1x128xf32> to vector<256x128xf32>
    %add3A_2598 = arith.addf %dot_general3A_2593, %add3A_2597 : vector<256x128xf32>
    %swap3A_2599 = arith.constant 0 : index
    %swap3A_2600 = arith.constant 0 : index
    %swap3A_2601 = vector.load %arg11[%swap3A_2599, %swap3A_2600] : memref<256x128xf32, #tpu.memory_space<vmem>>, vector<256x128xf32>
    tpu.vector_store %arg11[%swap3A_2599, %swap3A_2600], %add3A_2598 {strides = array<i32>} : memref<256x128xf32, #tpu.memory_space<vmem>>, vector<256x128xf32>,
    return
  }
  func.func @transform_0(%arg0: i32) -> (i32, i32, i32) {
    %c0_i32 = arith.constant 0 : i32
    %c0_i32_0 = arith.constant 0 : i32
    %c0_i32_1 = arith.constant 0 : i32
    return %c0_i32, %arg0, %c0_i32_0 : i32, i32, i32
  }
  func.func @transform_1(%arg0: i32) -> (i32, i32, i32) {
    %c0_i32 = arith.constant 0 : i32
    %c0_i32_0 = arith.constant 0 : i32
    %c0_i32_1 = arith.constant 0 : i32
    return %c0_i32, %arg0, %c0_i32_0 : i32, i32, i32
  }
  func.func @transform_2(%arg0: i32) -> (i32, i32) {
    %c0_i32 = arith.constant 0 : i32
    %c0_i32_0 = arith.constant 0 : i32
    %c0_i32_1 = arith.constant 0 : i32
    return %c0_i32, %c0_i32_0 : i32, i32
  }
  func.func @transform_3(%arg0: i32) -> (i32, i32) {
    %c0_i32 = arith.constant 0 : i32
    %c0_i32_0 = arith.constant 0 : i32
    return %arg0, %c0_i32 : i32, i32
  }
  func.func @transform_4(%arg0: i32) -> (i32, i32) {
    %c0_i32 = arith.constant 0 : i32
    %c0_i32_0 = arith.constant 0 : i32
    return %arg0, %c0_i32 : i32, i32
  }
  func.func @transform_5(%arg0: i32) -> (i32, i32) {
    %c0_i32 = arith.constant 0 : i32
    %c0_i32_0 = arith.constant 0 : i32
    %c0_i32_1 = arith.constant 0 : i32
    return %c0_i32, %c0_i32_0 : i32, i32
  }
  func.func @transform_6(%arg0: i32) -> (i32, i32) {
    %c0_i32 = arith.constant 0 : i32
    %c0_i32_0 = arith.constant 0 : i32
    %c0_i32_1 = arith.constant 0 : i32
    return %c0_i32, %c0_i32_0 : i32, i32
  }
  func.func @transform_7(%arg0: i32) -> (i32, i32) {
    %c0_i32 = arith.constant 0 : i32
    %c0_i32_0 = arith.constant 0 : i32
    %c0_i32_1 = arith.constant 0 : i32
    return %c0_i32, %c0_i32_0 : i32, i32
  }
  func.func @transform_8(%arg0: i32) -> (i32, i32) {
    %c0_i32 = arith.constant 0 : i32
    %c0_i32_0 = arith.constant 0 : i32
    %c0_i32_1 = arith.constant 0 : i32
    return %c0_i32, %c0_i32_0 : i32, i32
  }
  func.func @transform_9(%arg0: i32) -> (i32, i32, i32) {
    %c0_i32 = arith.constant 0 : i32
    %c0_i32_0 = arith.constant 0 : i32
    %c0_i32_1 = arith.constant 0 : i32
    return %c0_i32, %arg0, %c0_i32_0 : i32, i32, i32
  }
  func.func @transform_10(%arg0: i32) -> (i32, i32) {
    %c0_i32 = arith.constant 0 : i32
    %c0_i32_0 = arith.constant 0 : i32
    return %arg0, %c0_i32 : i32, i32
  }
}

</mosaic_0001>

<sc_bundles>
// kernel: kernel.4.cloned.1.call-start
scs
__scs_entry_jumppad:
0x0: {  	(pc) =	sbr.rel $0x88, $3  }
0x1: {  	(tag) =	ssettag $0x0;
	lr =	simm.s32 $0x1  }
0x2: {  	[smem:$0x3F94] =	sst lr;
	_ =	strace $0xD0000000  }
0x3: {  	_ = 	snop  }
0x4: {  	_ = 	snop  }
0x5: {  	_ = 	snop  }
0x6: {  	_ = 	snop  }
0x7: {  	_ = 	snop  }
__scs_overlays_trampoline_lowered:
0x8: {  	[smem:$0x3FA3] =	sst s0  }
0x9: {  	[smem:$0x3FA4] =	sst s1  }
0xa: {  	[smem:$0x3FA5] =	sst s2  }
0xb: {  	[smem:$0x3FA6] =	sst s3  }
0xc: {  	[smem:$0x3FA7] =	sst s4  }
0xd: {  	[smem:$0x3FA8] =	sst s5  }
0xe: {  	[smem:$0x3FA9] =	sst s6  }
0xf: {  	[smem:$0x3FAA] =	sst s7  }
0x10: {  	[smem:$0x3FAB] =	sst s8  }
0x11: {  	[smem:$0x3FAC] =	sst s9;
	s0 =	simm.s32 @!p0 $0x0  }
0x12: {  	s1 =	sld [smem:$0x3F92];
	s0 =	simm.s32 @p0 $0x1  }
0x13: {  	[smem:$0x3FAD] =	sst s0;
	s0 =	simm.s32 @!p1 $0x0  }
0x14: {  	s2 =	sld [smem:$0x3F91];
	s0 =	simm.s32 @p1 $0x1  }
0x15: {  	[smem:$0x3FAE] =	sst s0;
	s0 =	simm.s32 @!p2 $0x0  }
0x16: {  	s3 =	sld [smem:$0x3FDB];
	s0 =	simm.s32 @p2 $0x1  }
0x17: {  	s4 =	simm.s32 $0x1BF5;
	[smem:$0x3FB0] =	sst s0  }
0x18: {  	s0 =	sld [smem:$0x3F93];
	_ =	swait.ge [sflag:s4], $0x0  }
0x19: {  	s7 =	sld [smem:$0x3F94]  }
0x1a: {  	s8 =	sadd.s32 $0xFFFFE003, lr  }
0x1b: {  	s9 =	sadd.s32 $0xFFFFFEF7, lr;
	s5 =	simm.s32 $0xFFFFFFFF;
	p2 =	slt.u32 s8, $0xFFFFF086  }
0x1c: {  	p1 =	slt.u32 s9, $0xF7A;
	s5 =	simm.s32 @!p2 $0x0  }
0x1d: {  	s5 =	simm.s32 @p1 $0x1;
	p0 =	seq.s32 s7, s2  }
0x1e: {  	s7 =	smul.u32 @!p0 $0xF7A, s2;
	p2 =	seq.s32 @!p0 s5, $0x0  }
0x1f: {  	s9 =	smul.u32 $0xF7A, s1;
	s8 =	simm.s32 @!p0 $0x1BF5;
	p2 =	por !p2, p0  }
0x20: {  	[sflag:s8] =	ssyncset.s32 @!p0 $0xFFFFF086;
	s6 =	sadd.s32 @!p0 s3, s7;
	s7 =	simm.s32 @!p0 $0x108  }
0x21: {  	s3 =	sadd.s32 s3, s9;
	s6 =	sadd.s32 @!p0 $0x88, s6;
	s7 =	simm.s32 @p2 $0x1082  }
0x22: {  	[simem:s7], [sflag:s8] =	dma.local @!p0 [hbm:s6], $0xF7A  }
0x23: {  	s9 =	sor.u32 $0xD0000000, s2;
	s6 =	simm.s32 $0x108;
	_ =	swait.ge @!p0 [sflag:s8], $0x0  }
0x24: {  	s3 =	sadd.s32 $0x88, s3;
	s6 =	simm.s32 @!p1 $0x1082;
	[sflag:s4] =	ssyncset.s32 $0xFFFFF086  }
0x25: {  	[simem:s6], [sflag:s4] =	dma.local [hbm:s3], $0xF7A  }
0x26: {  	[smem:$0x3F94] =	sst s1;
	(tag) =	ssettag s2;
	_ =	strace s9  }
0x27: {  	s1 =	sld [smem:$0x3FA4]  }
0x28: {  	s2 =	sld [smem:$0x3FA5]  }
0x29: {  	s4 =	sld [smem:$0x3FA7]  }
0x2a: {  	p0 =	seq.s32 s5, $0x0;
	s5 =	sld [smem:$0x3FA8]  }
0x2b: {  	s6 =	sld [smem:$0x3FA9]  }
0x2c: {  	s7 =	sld [smem:$0x3FAA]  }
0x2d: {  	s3 =	simm.s32 $0x108;
	s8 =	sld [smem:$0x3FAB]  }
0x2e: {  	s3 =	simm.s32 @!p0 $0x1082;
	s9 =	sld [smem:$0x3FAC]  }
0x2f: {  	lr =	sadd.s32 s0, s3;
	s0 =	sld [smem:$0x3FA3]  }
0x30: {  	s3 =	sld [smem:$0x3FA6]  }
0x31: {  	[smem:$0x3FAF] =	sst s10  }
0x32: {  	s10 =	sld [smem:$0x3FAD];
	_ =	sdelay $0x3  }
0x33: {  	p0 =	seq.s32 s10, $0x1;
	s10 =	sld [smem:$0x3FAF];
	_ =	sdelay $0x3  }
0x34: {  	[smem:$0x3FAF] =	sst s10  }
0x35: {  	s10 =	sld [smem:$0x3FAE];
	_ =	sdelay $0x3  }
0x36: {  	p1 =	seq.s32 s10, $0x1;
	s10 =	sld [smem:$0x3FAF];
	_ =	sdelay $0x3  }
0x37: {  	[smem:$0x3FAF] =	sst s10  }
0x38: {  	s10 =	sld [smem:$0x3FB0]  }
0x39: {  	_ = 	snop;
	(pc) =	sbr.ind lr, $3  }
0x3a: {  	_ = 	snop  }
0x3b: {  	_ = 	snop  }
0x3c: {  	p2 =	seq.s32 s10, $0x1;
	s10 =	sld [smem:$0x3FAF]  }
0x3d: {  	_ =	shalt  }
0x3e: {  	_ =	shalt  }
0x3f: {  	_ =	shalt  }
0x40: {  	_ =	shalt  }
0x41: {  	_ =	shalt  }
0x42: {  	_ =	shalt  }
0x43: {  	_ =	shalt  }
0x44: {  	_ =	shalt  }
0x45: {  	_ =	shalt  }
0x46: {  	_ =	shalt  }
0x47: {  	_ =	shalt  }
0x48: {  	_ =	shalt  }
0x49: {  	_ =	shalt  }
0x4a: {  	_ =	shalt  }
0x4b: {  	_ =	shalt  }
0x4c: {  	_ =	shalt  }
0x4d: {  	_ =	shalt  }
0x4e: {  	_ =	shalt  }
0x4f: {  	_ =	shalt  }
0x50: {  	_ =	shalt  }
0x51: {  	_ =	shalt  }
0x52: {  	_ =	shalt  }
0x53: {  	_ =	shalt  }
0x54: {  	_ =	shalt  }
0x55: {  	_ =	shalt  }
0x56: {  	_ =	shalt  }
0x57: {  	_ =	shalt  }
0x58: {  	_ =	shalt  }
0x59: {  	_ =	shalt  }
0x5a: {  	_ =	shalt  }
0x5b: {  	_ =	shalt  }
0x5c: {  	_ =	shalt  }
0x5d: {  	_ =	shalt  }
0x5e: {  	_ =	shalt  }
0x5f: {  	_ =	shalt  }
0x60: {  	_ =	shalt  }
0x61: {  	_ =	shalt  }
0x62: {  	_ =	shalt  }
0x63: {  	_ =	shalt  }
0x64: {  	_ =	shalt  }
0x65: {  	_ =	shalt  }
0x66: {  	_ =	shalt  }
0x67: {  	_ =	shalt  }
0x68: {  	_ =	shalt  }
0x69: {  	_ =	shalt  }
0x6a: {  	_ =	shalt  }
0x6b: {  	_ =	shalt  }
0x6c: {  	_ =	shalt  }
0x6d: {  	_ =	shalt  }
0x6e: {  	_ =	shalt  }
0x6f: {  	_ =	shalt  }
0x70: {  	_ =	shalt  }
0x71: {  	_ =	shalt  }
0x72: {  	_ =	shalt  }
0x73: {  	_ =	shalt  }
0x74: {  	_ =	shalt  }
0x75: {  	_ =	shalt  }
0x76: {  	_ =	shalt  }
0x77: {  	_ =	shalt  }
0x78: {  	_ =	shalt  }
0x79: {  	_ =	shalt  }
0x7a: {  	_ =	shalt  }
0x7b: {  	_ =	shalt  }
0x7c: {  	_ =	shalt  }
0x7d: {  	_ =	shalt  }
0x7e: {  	_ =	shalt  }
0x7f: {  	_ =	shalt  }
0x80: {  	_ =	shalt  }
0x81: {  	_ =	shalt  }
0x82: {  	_ =	shalt  }
0x83: {  	_ =	shalt  }
0x84: {  	_ =	shalt  }
0x85: {  	_ =	shalt  }
0x86: {  	_ =	shalt  }
0x87: {  	_ =	shalt  }
.Lfunc_end0:
.L_simem_size_0:
called_computation_lowered:
.L_overlay_start_0:
0x88: {  	s2 =	sld [smem:$0x3FD9]  }
0x89: {  	s3 =	sld [smem:$0x3FFE];
	_ =	sdelay $0x1  }
0x8a: {  	s1 =	srdreg.scid  }
0x8b: {  	s0 =	sand.u32 $0x1, s1  }
0x8c: {  	s14 =	sshll.u32 s0, $0xA;
	s2 =	sadd.s32 s3, s2  }
0x8d: {  	s2 =	sadd.s32 s2, s14  }
0x8e: {  	[smem:$0x3FBB] =	sst s2  }
0x8f: {  	_ = 	snop  }
0x90: {  	s2 =	sld [smem:$0x3FD0];
	_ =	sdelay $0x2  }
0x91: {  	s4 =	simm.s32 $0xA;
	s5 =	simm.s32 $0x10;
	s15 =	sld [smem:$0x3FC5]  }
0x92: {  	[smem:s5], [sflag:s4] =	dma.local [hbm:s2], $0x1  }
0x93: {  	_ =	swait.eq [sflag:s4], $0x1  }
0x94: {  	[sflag:s4] =	ssyncset.done $0x0  }
0x95: {  	s16 =	sld [smem:$0x10];
	[sflag:s4] =	ssyncadd.s32 $0xFFFFFFFF  }
0x96: {  	s17 =	sld [smem:$0x11];
	(tm) =	ssettm $0x1  }
0x97: {  	s18 =	sld [smem:$0x3FFB];
	_ =	sdelay $0x3  }
0x98: {  	_ =	strace s18  }
0x99: {  	s5 =	sld [smem:$0x3FFC];
	_ =	sdelay $0x3  }
0x9a: {  	_ =	strace s5  }
0x9b: {  	s5 =	sld [smem:$0x3FFD];
	_ =	sdelay $0x3  }
0x9c: {  	_ =	strace s5  }
0x9d: {  	_ =	strace $0x8FFFFFFF  }
0x9e: {  	s19 =	sld [smem:$0x3FDB];
	_ =	sdelay $0x1  }
0x9f: {  	s6 =	simm.s32 $_scs_section_size  }
0xa0: {  	s7 =	simm.s32 $_size__tile_overlayer_lowered;
	s8 =	simm.s32 $_tile_overlayer_lowered  }
0xa1: {  	s22 =	simm.s32 $0x1BFF;
	s21 =	sshll.u32 s8, $0x1;
	s5 =	sadd.s32 s6, s19  }
0xa2: {  	s9 =	simm.s32 $0x0;
	s20 =	sshll.u32 s7, $0x1;
	s7 =	sadd.s32 s21, s5  }
0xa3: {  	[timem:s9], [sflag:s22] =	dma.local [hbm:s7], s20  }
0xa4: {  	_ =	swait.ge [sflag:s22], s20  }
0xa5: {  	s6 =	ssub.s32 $0x0, s20;
	[sflag:s22] =	ssyncset.done $0x0  }
0xa6: {  	[sflag:s22] =	ssyncadd.s32 s6;
	_ =	sdelay $0x1  }
0xa7: {  	s23 =	simm.s32 $0x1B8B  }
0xa8: {  	_ =	swait.ge [sflag:s23], $0x1  }
0xa9: {  	[sflag:s23] =	ssyncset.done $0x0  }
0xaa: {  	s25 =	simm.s32 $0x1B8E;
	s24 =	sld [smem:$0x3FFE];
	[sflag:s23] =	ssyncadd.s32 $0xFFFFFFFF  }
0xab: {  	s26 =	simm.s32 $execute0_lowered;
	[smem:$0x3FD2] =	sst s25  }
0xac: {  	s7 =	sshll.u32 s26, $0x1;
	_ =	strace $0x80000046;
	[dreg:$0x1] =	wrdreg $0xFFFFFFFF  }
0xad: {  	s28 =	simm.s32 $_size_execute0_lowered;
	s5 =	sadd.s32 s5, s7;
	[dreg:$0x0] =	wrdreg $0x0  }
0xae: {  	s7 =	sshll.u32 s28, $0x1;
	[dreg:$0x2] =	wrdreg s5  }
0xaf: {  	[dreg:$0x3] =	wrdreg s7  }
0xb0: {  	[dreg:$0x4] =	wrdreg $0xC0  }
0xb1: {  	_ =	task [dreg:s9], $0x5FFFF  }
0xb2: {  	[dreg:$0x1] =	wrdreg $0xFFFFFFFF  }
0xb3: {  	[dreg:$0x0] =	wrdreg $0x60  }
0xb4: {  	[dreg:$0x2] =	wrdreg s15  }
0xb5: {  	[dreg:$0x3] =	wrdreg s24  }
0xb6: {  	[dreg:$0x4] =	wrdreg s17  }
0xb7: {  	[dreg:$0x5] =	wrdreg s16  }
0xb8: {  	[dreg:$0x6] =	wrdreg $0x9  }
0xb9: {  	_ =	task.clear_ibuf [dreg:s9], $0x7FFFF;
	_ =	strace $0x90000046  }
0xba: {  	s29 =	simm.s32 $0x9;
	_ =	strace $0x80000048  }
0xbb: {  	_ =	swait.ge [sflag:s29], $0x1  }
0xbc: {  	[sflag:s29] =	ssyncadd.s32 $0xFFFFFFFF  }
0xbd: {  	_ =	strace $0x90000048  }
0xbe: {  	_ =	sfence  }
0xbf: {  	s30 =	sld [smem:$0x0];
	_ =	sdelay $0x2  }
0xc0: {  	s31 =	sshll.u32 s1, $0xD;
	s1 =	sshrl.u32 s1, $0x2  }
0xc1: {  	s3 =	sand.u32 $0x4000, s31;
	s1 =	sadd.s32 s1, s30  }
0xc2: {  	s0 =	sor.u32 s3, s0;
	s1 =	sshll.u32 s1, $0x11  }
0xc3: {  	s0 =	sor.u32 s1, s0  }
0xc4: {  	s0 =	sadd.s32 $0x8F2B, s0  }
0xc5: {  	[sflag:s0] =	ssyncadd.remote.s32 $0x1  }
0xc6: {  	_ =	sfence.sel $0xFFFF  }
0xc7: {  	[dreg:$0x0] =	wrdreg $0xFFFFFFFF;
	(pc) =	sbr.abs _section_cstart, $3  }
0xc8: {  	[dreg:$0x1] =	wrdreg $0xFFFFFFFF  }
0xc9: {  	_ =	task.clear_ibuf [dreg:s9], $0x2FFFF;
	_ =	strace $0x9FFFFFFF  }
0xca: {  	(tm) =	ssettm $0x7FFFFFFF  }
0xcb: {  	_ =	shalt  }
tec
execute0_lowered:
.L_overlay_start_1:
0x0: {  	(tag) =	ssettag $0x1  }
0x1: {  	s1 =	rddreg [dreg:$0x0]  }
0x2: {  	s0 =	rddreg [dreg:$0x1];
	s2 =	srdreg.scid  }
0x3: {  	s3 =	stileid.u32;
	s6 =	rddreg [dreg:$0x2]  }
0x4: {  	s7 =	rddreg [dreg:$0x3];
	s14 =	simm.s32 $0x6;
	s15 =	simm.s32 $0x280  }
0x5: {  	s17 =	simm.s32 $0x80;
	s28 =	simm.s32 $0x500;
	s29 =	simm.s32 $0x1  }
0x6: {  	s30 =	simm.s32 $0x4500;
	s31 =	simm.s32 $0x2;
	s16 =	simm.s32 $0x5  }
0x7: {  	s18 =	simm.s32 $0x180;
	s19 =	simm.s32 $0x200;
	s20 =	simm.s32 $0x3  }
0x8: {  	s21 =	simm.s32 $0x1D500;
	s2 =	sand.u32 $0x1, s2;
	s3 =	sshll.u32 s3, $0x1  }
0x9: {  	s22 =	simm.s32 $0x0;
	s4 =	sor.u32 s2, s3;
	s3 =	simm.s32 $0x0  }
0xa: {  	s2 =	ssub.s32 $0x2, s2;
	s5 =	smul.u32 $0x280, s4;
	[smem:$0x7FF] =	sst s3  }
0xb: {  	s8 =	sshll.u32 s4, $0x9;
	s9 =	smul.u32 $0x14000, s4;
	s10 =	sshrl.u32 s2, $0x1  }
0xc: {  	s26 =	smul.u32 $0x2800, s4;
	_ =	strace $0x80000047;
	s2 =	ssub.s32 s2, s10  }
0xd: {  	s6 =	sadd.s32 s6, s8;
	s5 =	sshrl.u32 s5, $0x3;
	s9 =	sshrl.u32 s9, $0x3  }
0xe: {  	s13 =	smax.u32 s2, $0x1;
	s2 =	simm.s32 $0x4;
	s5 =	sadd.s32 s5, s0  }
0xf: {  	s0 =	sadd.s32 s8, s0;
	s11 =	sadd.s32 s7, s9;
	s7 =	sadd.s32 s7, s26  }
0x10: {  	s26 =	simm.s32 $0x18500;
	s4 =	sadd.s32 $0x2200, s5;
	s5 =	sadd.s32 $0x2C00, s5  }
0x11: {  	s8 =	sadd.s32 $0x800, s11;
	s9 =	sadd.s32 $0x1000, s11;
	s10 =	sadd.s32 $0x1800, s11  }
0x12: {  	s11 =	sadd.s32 $0x2000, s11;
	s12 =	sadd.s32 $0x3600, s0;
	s0 =	simm.s32 $0x100  }
.LBB2_1:
0x13: {  	[tilespmem:s3], [sflag:$0x6] =	stream.linear.gather [hbm4b:s4+s3], $0x280, $0x38;
	[tilespmem:$0x1E500] =	vst v63  }
0x14: {  	_ =	swait.ge [sflag:s14], $0x280  }
0x15: {  	[sflag:s14] =	ssyncset.done $0x0  }
0x16: {  	[sflag:s14] =	ssyncadd.s32 $0xFFFFFD80  }
0x17: {  	[tilespmem:s15], [sflag:$0x6] =	stream.linear.gather [hbm4b:s5+s3], $0x280, $0x38;
	[tilespmem:$0x1E500] =	vst v63  }
0x18: {  	_ =	swait.ge [sflag:s14], $0x280  }
0x19: {  	[sflag:s14] =	ssyncset.done $0x0  }
0x1a: {  	s23 =	simm.s32 $0x1C500;
	[sflag:s14] =	ssyncadd.s32 $0xFFFFFD80  }
0x1b: {  	[tilespmem:s23], [sflag:$0x6] =	stream.linear.gather [hbm4b:s6+s3], $0x1000, $0x38;
	[tilespmem:$0x1E500] =	vst v63  }
0x1c: {  	_ =	swait.ge [sflag:s14], $0x1000  }
0x1d: {  	[sflag:s14] =	ssyncset.done $0x0  }
0x1e: {  	s24 =	simm.s32 $0x8500;
	[sflag:s14] =	ssyncadd.s32 $0xFFFFF000  }
0x1f: {  	[tilespmem:s24], [sflag:$0x3] =	stream.indirect.gather [hbm4b:s1+s17], $0x80, s15, s17, $0xb8;
	[tilespmem:$0x1E500] =	vst v63  }
0x20: {  	s25 =	simm.s32 $0x300;
	s24 =	simm.s32 $0xC500  }
0x21: {  	[tilespmem:s24], [sflag:$0x3] =	stream.indirect.gather [hbm4b:s1+s17], $0x80, s25, s17, $0xb8;
	[tilespmem:$0x1E500] =	vst v63  }
0x22: {  	s24 =	simm.s32 $0x380;
	s25 =	simm.s32 $0x10500  }
0x23: {  	[tilespmem:s25], [sflag:$0x3] =	stream.indirect.gather [hbm4b:s1+s17], $0x80, s24, s17, $0xb8;
	[tilespmem:$0x1E500] =	vst v63  }
0x24: {  	s24 =	simm.s32 $0x400;
	s25 =	simm.s32 $0x14500  }
0x25: {  	[tilespmem:s25], [sflag:$0x3] =	stream.indirect.gather [hbm4b:s1+s17], $0x80, s24, s17, $0xb8;
	[tilespmem:$0x1E500] =	vst v63  }
0x26: {  	s25 =	simm.s32 $0x480  }
0x27: {  	[tilespmem:s26], [sflag:$0x3] =	stream.indirect.gather [hbm4b:s1+s17], $0x80, s25, s17, $0xb8;
	[tilespmem:$0x1E500] =	vst v63  }
0x28: {  	_ = 	snop  }
0x29: {  	[tilespmem:s28], [sflag:$0x1] =	stream.indirect.gather [hbm4b:s1+s17], $0x80, s3, s17, $0xb8;
	[tilespmem:$0x1E500] =	vst v63  }
0x2a: {  	_ =	swait.ge [sflag:s29], $0x4000  }
0x2b: {  	[sflag:s29] =	ssyncset.done $0x0  }
0x2c: {  	[sflag:s29] =	ssyncadd.s32 $0xFFFFC000  }
0x2d: {  	[hbm4b:s7+s3] =	stream.linear.scatter [tilespmem:s28], [sflag:$0x4], $0x4000, $0x38;
	[tilespmem:$0x1E500] =	vst v63  }
0x2e: {  	_ = 	snop  }
0x2f: {  	[tilespmem:s30], [sflag:$0x2] =	stream.indirect.gather [hbm4b:s1+s17], $0x80, s17, s17, $0xb8;
	[tilespmem:$0x1E500] =	vst v63  }
0x30: {  	_ =	swait.ge [sflag:s31], $0x4000  }
0x31: {  	[sflag:s31] =	ssyncset.done $0x0  }
0x32: {  	[sflag:s31] =	ssyncadd.s32 $0xFFFFC000  }
0x33: {  	[hbm4b:s8+s3] =	stream.linear.scatter [tilespmem:s30], [sflag:$0x5], $0x4000, $0x38;
	[tilespmem:$0x1E500] =	vst v63  }
0x34: {  	_ =	swait.ge [sflag:s2], $0x4000  }
0x35: {  	[sflag:s2] =	ssyncset.done $0x0  }
0x36: {  	[sflag:s2] =	ssyncadd.s32 $0xFFFFC000  }
0x37: {  	[tilespmem:s28], [sflag:$0x1] =	stream.indirect.gather [hbm4b:s1+s17], $0x80, s0, s17, $0xb8;
	[tilespmem:$0x1E500] =	vst v63  }
0x38: {  	_ =	swait.ge [sflag:s29], $0x4000  }
0x39: {  	[sflag:s29] =	ssyncset.done $0x0  }
0x3a: {  	[sflag:s29] =	ssyncadd.s32 $0xFFFFC000  }
0x3b: {  	[hbm4b:s9+s3] =	stream.linear.scatter [tilespmem:s28], [sflag:$0x4], $0x4000, $0x38;
	[tilespmem:$0x1E500] =	vst v63  }
0x3c: {  	_ =	swait.ge [sflag:s16], $0x4000  }
0x3d: {  	[sflag:s16] =	ssyncset.done $0x0  }
0x3e: {  	[sflag:s16] =	ssyncadd.s32 $0xFFFFC000  }
0x3f: {  	[tilespmem:s30], [sflag:$0x2] =	stream.indirect.gather [hbm4b:s1+s17], $0x80, s18, s17, $0xb8;
	[tilespmem:$0x1E500] =	vst v63  }
0x40: {  	_ =	swait.ge [sflag:s31], $0x4000  }
0x41: {  	[sflag:s31] =	ssyncset.done $0x0  }
0x42: {  	[sflag:s31] =	ssyncadd.s32 $0xFFFFC000  }
0x43: {  	[hbm4b:s10+s3] =	stream.linear.scatter [tilespmem:s30], [sflag:$0x5], $0x4000, $0x38;
	[tilespmem:$0x1E500] =	vst v63  }
0x44: {  	_ =	swait.ge [sflag:s2], $0x4000  }
0x45: {  	[sflag:s2] =	ssyncset.done $0x0  }
0x46: {  	[sflag:s2] =	ssyncadd.s32 $0xFFFFC000  }
0x47: {  	[tilespmem:s28], [sflag:$0x1] =	stream.indirect.gather [hbm4b:s1+s17], $0x80, s19, s17, $0xb8;
	[tilespmem:$0x1E500] =	vst v63  }
0x48: {  	_ =	swait.ge [sflag:s29], $0x4000  }
0x49: {  	[sflag:s29] =	ssyncset.done $0x0  }
0x4a: {  	[sflag:s29] =	ssyncadd.s32 $0xFFFFC000  }
0x4b: {  	[hbm4b:s11+s3] =	stream.linear.scatter [tilespmem:s28], [sflag:$0x4], $0x4000, $0x38;
	[tilespmem:$0x1E500] =	vst v63  }
0x4c: {  	_ =	swait.ge [sflag:s16], $0x4000  }
0x4d: {  	[sflag:s16] =	ssyncset.done $0x0  }
0x4e: {  	[sflag:s16] =	ssyncadd.s32 $0xFFFFC000  }
0x4f: {  	_ =	swait.ge [sflag:s2], $0x4000  }
0x50: {  	[sflag:s2] =	ssyncset.done $0x0  }
0x51: {  	[sflag:s2] =	ssyncadd.s32 $0xFFFFC000  }
0x52: {  	_ =	swait.ge [sflag:s20], $0x4000  }
0x53: {  	[sflag:s20] =	ssyncset.done $0x0  }
0x54: {  	[sflag:s20] =	ssyncadd.s32 $0xFFFFC000  }
0x55: {  	_ =	swait.ge [sflag:s20], $0x4000  }
0x56: {  	[sflag:s20] =	ssyncset.done $0x0  }
0x57: {  	[sflag:s20] =	ssyncadd.s32 $0xFFFFC000  }
0x58: {  	_ =	swait.ge [sflag:s20], $0x4000  }
0x59: {  	[sflag:s20] =	ssyncset.done $0x0  }
0x5a: {  	[sflag:s20] =	ssyncadd.s32 $0xFFFFC000  }
0x5b: {  	_ =	swait.ge [sflag:s20], $0x4000  }
0x5c: {  	[sflag:s20] =	ssyncset.done $0x0  }
0x5d: {  	[sflag:s20] =	ssyncadd.s32 $0xFFFFC000  }
0x5e: {  	_ =	swait.ge [sflag:s20], $0x4000  }
0x5f: {  	[sflag:s20] =	ssyncset.done $0x0  }
0x60: {  	s23 =	simm.s32 $0x8A00;
	s24 =	simm.s32 $0x0;
	[sflag:s20] =	ssyncadd.s32 $0xFFFFC000  }
.LBB2_2:
0x61: {  	v3 =	vld [tilespmem:s23+$0xFFFFFB00]  }
0x62: {  	v5 =	vld [tilespmem:s23+$0xFFFFFB10]  }
0x63: {  	v6 =	vld [tilespmem:s23+$0xFFFFFB20]  }
0x64: {  	v7 =	vld [tilespmem:s23+$0xFFFFFB30]  }
0x65: {  	v9 =	vld [tilespmem:s23+$0xFFFFFB40]  }
0x66: {  	v10 =	vld [tilespmem:s23+$0xFFFFFB50]  }
0x67: {  	v15 =	vld [tilespmem:s23+$0xFFFFFB60]  }
0x68: {  	v17 =	vld [tilespmem:s23+$0xFFFFFB70]  }
0x69: {  	v16 =	vld [tilespmem:s23+$0xFFFFFB80]  }
0x6a: {  	v18 =	vld [tilespmem:s23+$0xFFFFFB90]  }
0x6b: {  	v19 =	vld [tilespmem:s23+$0xFFFFFBA0]  }
0x6c: {  	v21 =	vld [tilespmem:s23+$0xFFFFFBB0]  }
0x6d: {  	v23 =	vld [tilespmem:s23+$0xFFFFFBC0]  }
0x6e: {  	v24 =	vld [tilespmem:s23+$0xFFFFFBD0]  }
0x6f: {  	v25 =	vld [tilespmem:s23+$0xFFFFFBE0]  }
0x70: {  	v26 =	vld [tilespmem:s23+$0xFFFFFBF0]  }
0x71: {  	v27 =	vld [tilespmem:s23+$0xFFFFFC00]  }
0x72: {  	v28 =	vld [tilespmem:s23+$0xFFFFFC10]  }
0x73: {  	v29 =	vld [tilespmem:s23+$0xFFFFFC20]  }
0x74: {  	v30 =	vld [tilespmem:s23+$0xFFFFFC30]  }
0x75: {  	v31 =	vld [tilespmem:s23+$0xFFFFFC40]  }
0x76: {  	v32 =	vld [tilespmem:s23+$0xFFFFFC50]  }
0x77: {  	v33 =	vld [tilespmem:s23+$0xFFFFFC60]  }
0x78: {  	v34 =	vld [tilespmem:s23+$0xFFFFFC70]  }
0x79: {  	v35 =	vld [tilespmem:s23+$0xFFFFFC80]  }
0x7a: {  	v36 =	vld [tilespmem:s23+$0xFFFFFC90]  }
0x7b: {  	v37 =	vld [tilespmem:s23+$0xFFFFFCA0]  }
0x7c: {  	v38 =	vld [tilespmem:s23+$0xFFFFFCB0]  }
0x7d: {  	v39 =	vld [tilespmem:s23+$0xFFFFFCC0]  }
0x7e: {  	v40 =	vld [tilespmem:s23+$0xFFFFFCD0]  }
0x7f: {  	v41 =	vld [tilespmem:s23+$0xFFFFFCE0]  }
0x80: {  	v42 =	vld [tilespmem:s23+$0xFFFFFCF0]  }
0x81: {  	v43 =	vld [tilespmem:s23+$0xFFFFFD00]  }
0x82: {  	v44 =	vld [tilespmem:s23+$0xFFFFFD10]  }
0x83: {  	v45 =	vld [tilespmem:s23+$0xFFFFFD20]  }
0x84: {  	v46 =	vld [tilespmem:s23+$0xFFFFFD30]  }
0x85: {  	v47 =	vld [tilespmem:s23+$0xFFFFFD40]  }
0x86: {  	v48 =	vld [tilespmem:s23+$0xFFFFFD50]  }
0x87: {  	v49 =	vld [tilespmem:s23+$0xFFFFFD60]  }
0x88: {  	v50 =	vld [tilespmem:s23+$0xFFFFFD70]  }
0x89: {  	v51 =	vld [tilespmem:s23+$0xFFFFFD80]  }
0x8a: {  	v52 =	vld [tilespmem:s23+$0xFFFFFD90]  }
0x8b: {  	v53 =	vld [tilespmem:s23+$0xFFFFFDA0]  }
0x8c: {  	v22 =	vld [tilespmem:s23+$0xFFFFFDB0]  }
0x8d: {  	v20 =	vld [tilespmem:s23+$0xFFFFFDC0]  }
0x8e: {  	s25 =	sshra.s32 s24, $0x2;
	v13 =	vld [tilespmem:s23+$0xFFFFFDD0]  }
0x8f: {  	v1 =	vld [tilespmem:s25+$0x1C500]  }
0x90: {  	v14 =	vld [tilespmem:s23+$0xFFFFFDE0]  }
0x91: {  	v11 =	vld [tilespmem:s23+$0xFFFFFDF0]  }
0x92: {  	v12 =	vld [tilespmem:s23+$0xFFFFFE00]  }
0x93: {  	v8 =	vld [tilespmem:s23+$0xFFFFFE10]  }
0x94: {  	v4 =	vld [tilespmem:s23+$0xFFFFFE20];
	v54 =	vbroadcast v1, $0x0  }
0x95: {  	v2 =	vld [tilespmem:s23+$0xFFFFFE30];
	v59 =	vbroadcast v1, $0x1  }
0x96: {  	v0 =	vld [tilespmem:s25+$0x1C510];
	v3 =	vmul.f32 v3, v54;
	v55 =	vmul.f32 v5, v54  }
0x97: {  	v5 =	vld [tilespmem:s23+$0xFFFFFE40];
	v56 =	vmul.f32 v6, v54;
	v57 =	vmul.f32 v7, v54  }
0x98: {  	v6 =	vld [tilespmem:s23+$0xFFFFFE50];
	v9 =	vmul.f32 v9, v54;
	v10 =	vmul.f32 v10, v54  }
0x99: {  	v7 =	vld [tilespmem:s23+$0xFFFFFE70];
	v16 =	vmul.f32 v16, v59;
	v62 =	vmul.f32 v15, v54  }
0x9a: {  	v18 =	vmul.f32 v18, v59;
	v15 =	vld [tilespmem:s23+$0xFFFFFEA0];
	v63 =	vmul.f32 v23, v59;
	v58 =	vadd.f32 $0.0e+00, v3  }
0x9b: {  	v23 =	vmul.f32 v17, v54;
	v17 =	vld [tilespmem:s23+$0xFFFFFEC0];
	v55 =	vadd.f32 $0.0e+00, v55;
	v56 =	vadd.f32 $0.0e+00, v56  }
0x9c: {  	v19 =	vmul.f32 v19, v59;
	v3 =	vld [tilespmem:s23+$0xFFFFFE60];
	v57 =	vadd.f32 $0.0e+00, v57;
	v60 =	vadd.f32 $0.0e+00, v9  }
0x9d: {  	v21 =	vmul.f32 v21, v59;
	v9 =	vld [tilespmem:s23+$0xFFFFFE80];
	v61 =	vadd.f32 $0.0e+00, v10;
	v62 =	vadd.f32 $0.0e+00, v62  }
0x9e: {  	v25 =	vmul.f32 v25, v59;
	v10 =	vld [tilespmem:s23+$0xFFFFFE90];
	v58 =	vadd.f32 v16, v58;
	v54 =	vadd.f32 v19, v56  }
0x9f: {  	v16 =	vld [tilespmem:s23+$0xFFFFFEB0];
	v56 =	vadd.f32 v21, v57;
	v57 =	vadd.f32 v63, v60;
	v60 =	vbroadcast v1, $0x2  }
0xa0: {  	v26 =	vmul.f32 v26, v59;
	v23 =	vadd.f32 $0.0e+00, v23;
	v55 =	vadd.f32 v18, v55;
	v18 =	vld [tilespmem:s23+$0xFFFFFED0]  }
0xa1: {  	v63 =	vmul.f32 v24, v59;
	v19 =	vld [tilespmem:s23+$0xFFFFFEE0];
	v25 =	vadd.f32 v25, v62;
	v27 =	vmul.f32 v27, v60  }
0xa2: {  	v21 =	vld [tilespmem:s23+$0xFFFFFEF0];
	v26 =	vadd.f32 v26, v23;
	v28 =	vmul.f32 v28, v60;
	v29 =	vmul.f32 v29, v60  }
0xa3: {  	v23 =	vld [tilespmem:s23+$0xFFFFFF00];
	v63 =	vadd.f32 v63, v61;
	v30 =	vmul.f32 v30, v60;
	v31 =	vmul.f32 v31, v60  }
0xa4: {  	v32 =	vmul.f32 v32, v60;
	v24 =	vmul.f32 v34, v60;
	v34 =	vld [tilespmem:s23+$0xFFFFFF60];
	v27 =	vadd.f32 v27, v58  }
0xa5: {  	v28 =	vadd.f32 v28, v55;
	v55 =	vld [tilespmem:s23+$0xFFFFFF10];
	v29 =	vadd.f32 v29, v54;
	v54 =	vbroadcast v1, $0x3  }
0xa6: {  	v33 =	vmul.f32 v33, v60;
	v58 =	vld [tilespmem:s23+$0xFFFFFF20];
	v30 =	vadd.f32 v30, v56;
	v31 =	vadd.f32 v31, v57  }
0xa7: {  	v56 =	vld [tilespmem:s23+$0xFFFFFF30];
	v32 =	vadd.f32 v32, v63;
	v57 =	vmul.f32 v35, v54;
	v60 =	vmul.f32 v36, v54  }
0xa8: {  	v25 =	vadd.f32 v33, v25;
	v35 =	vld [tilespmem:s23+$0xFFFFFF40];
	v61 =	vmul.f32 v37, v54;
	v62 =	vmul.f32 v38, v54  }
0xa9: {  	v24 =	vadd.f32 v24, v26;
	v36 =	vld [tilespmem:s23+$0xFFFFFF50];
	v63 =	vmul.f32 v39, v54;
	v39 =	vbroadcast v1, $0x4  }
0xaa: {  	v38 =	vld [tilespmem:s23+$0xFFFFFF70];
	v59 =	vmul.f32 v41, v54;
	v26 =	vadd.f32 v57, v27;
	v28 =	vadd.f32 v60, v28  }
0xab: {  	v37 =	vld [tilespmem:s23+$0xFFFFFF90];
	v27 =	vadd.f32 v61, v29;
	v57 =	vmul.f32 v40, v54;
	v30 =	vadd.f32 v62, v30  }
0xac: {  	v41 =	vld [tilespmem:s23+$0xFFFFFFC0];
	v31 =	vadd.f32 v63, v31;
	v60 =	vmul.f32 v42, v54;
	v61 =	vmul.f32 v43, v39  }
0xad: {  	v40 =	vld [tilespmem:s23+$0xFFFFFF80];
	v25 =	vadd.f32 v59, v25;
	v62 =	vmul.f32 v44, v39;
	v63 =	vmul.f32 v45, v39  }
0xae: {  	v42 =	vld [tilespmem:s23+$0xFFFFFFA0];
	v54 =	vmul.f32 v46, v39;
	v59 =	vmul.f32 v48, v39;
	v29 =	vadd.f32 v57, v32  }
0xaf: {  	v44 =	vld [tilespmem:s23+$0xFFFFFFB0];
	v24 =	vadd.f32 v60, v24;
	v26 =	vadd.f32 v61, v26;
	v57 =	vmul.f32 v47, v39  }
0xb0: {  	v43 =	vld [tilespmem:s23+$0xFFFFFFD0];
	v28 =	vadd.f32 v62, v28;
	v60 =	vbroadcast v1, $0x5;
	v61 =	vmul.f32 v49, v39  }
0xb1: {  	v46 =	vld [tilespmem:s23+$0xFFFFFFE0];
	v30 =	vadd.f32 v54, v30;
	v39 =	vmul.f32 v50, v39;
	v54 =	vbroadcast v1, $0x7  }
0xb2: {  	v48 =	vld [tilespmem:s23+$0x30];
	v27 =	vadd.f32 v63, v27;
	v62 =	vmul.f32 v51, v60;
	v63 =	vmul.f32 v52, v60  }
0xb3: {  	v47 =	vld [tilespmem:s23+$0xFFFFFFF0];
	v52 =	vmul.f32 v53, v60;
	v22 =	vmul.f32 v22, v60  }
0xb4: {  	v49 =	vld [tilespmem:s23+$0x0];
	v20 =	vmul.f32 v20, v60;
	v53 =	vbroadcast v1, $0x6  }
0xb5: {  	v32 =	vld [tilespmem:s23+$0x20];
	v31 =	vadd.f32 v57, v31;
	v13 =	vmul.f32 v13, v60;
	v14 =	vmul.f32 v14, v60  }
0xb6: {  	v24 =	vadd.f32 v39, v24;
	v39 =	vld [tilespmem:s23+$0x10];
	v11 =	vmul.f32 v11, v60;
	v9 =	vmul.f32 v9, v54  }
0xb7: {  	v29 =	vadd.f32 v59, v29;
	v10 =	vmul.f32 v10, v54;
	v57 =	vmul.f32 v15, v54;
	v15 =	vld [tilespmem:s23+$0xC0]  }
0xb8: {  	v25 =	vadd.f32 v61, v25;
	v59 =	vmul.f32 v16, v54;
	v60 =	vmul.f32 v17, v54;
	v17 =	vld [tilespmem:s23+$0xF0]  }
0xb9: {  	v61 =	vmul.f32 v18, v54;
	v18 =	vld [tilespmem:s23+$0x120];
	v26 =	vadd.f32 v62, v26;
	v28 =	vadd.f32 v63, v28  }
0xba: {  	v16 =	vld [tilespmem:s23+$0x180];
	v27 =	vadd.f32 v52, v27;
	v22 =	vadd.f32 v22, v30;
	v12 =	vmul.f32 v12, v53  }
0xbb: {  	v30 =	vld [tilespmem:s23+$0x40];
	v20 =	vadd.f32 v20, v31;
	v8 =	vmul.f32 v8, v53;
	v4 =	vmul.f32 v4, v53  }
0xbc: {  	v31 =	vld [tilespmem:s23+$0x50];
	v13 =	vadd.f32 v13, v29;
	v2 =	vmul.f32 v2, v53;
	v5 =	vmul.f32 v5, v53  }
0xbd: {  	v14 =	vadd.f32 v14, v25;
	v25 =	vld [tilespmem:s23+$0x60];
	v6 =	vmul.f32 v6, v53;
	v3 =	vmul.f32 v3, v53  }
0xbe: {  	v11 =	vadd.f32 v11, v24;
	v24 =	vld [tilespmem:s23+$0x70];
	v7 =	vmul.f32 v7, v53;
	v62 =	vbroadcast v1, $0x8  }
0xbf: {  	v63 =	vmul.f32 v19, v54;
	v29 =	vmul.f32 v21, v54;
	v19 =	vld [tilespmem:s23+$0x100];
	v12 =	vadd.f32 v12, v26  }
0xc0: {  	v21 =	vld [tilespmem:s23+$0x130];
	v53 =	vbroadcast v1, $0x9;
	v8 =	vadd.f32 v8, v28;
	v4 =	vadd.f32 v4, v27  }
0xc1: {  	v26 =	vld [tilespmem:s23+$0x80];
	v2 =	vadd.f32 v2, v22;
	v5 =	vadd.f32 v5, v20;
	v33 =	vmul.f32 v23, v62  }
0xc2: {  	v28 =	vld [tilespmem:s23+$0x90];
	v6 =	vadd.f32 v6, v13;
	v45 =	vmul.f32 v55, v62;
	v50 =	vmul.f32 v58, v62  }
0xc3: {  	v20 =	vld [tilespmem:s23+$0xA0];
	v3 =	vadd.f32 v3, v14;
	v51 =	vmul.f32 v56, v62;
	v52 =	vmul.f32 v35, v62  }
0xc4: {  	v13 =	vld [tilespmem:s23+$0xB0];
	v7 =	vadd.f32 v7, v11;
	v54 =	vmul.f32 v36, v62;
	v55 =	vmul.f32 v34, v62  }
0xc5: {  	v14 =	vld [tilespmem:s23+$0xE0];
	v56 =	vmul.f32 v38, v62;
	v9 =	vadd.f32 v9, v12;
	v8 =	vadd.f32 v10, v8  }
0xc6: {  	v22 =	vld [tilespmem:s23+$0x110];
	v58 =	vmul.f32 v37, v53;
	v4 =	vadd.f32 v57, v4;
	v2 =	vadd.f32 v59, v2  }
0xc7: {  	v27 =	vld [tilespmem:s23+$0x140];
	v62 =	vmul.f32 v43, v53;
	v5 =	vadd.f32 v60, v5;
	v6 =	vadd.f32 v61, v6  }
0xc8: {  	v34 =	vld [tilespmem:s23+$0x160];
	v3 =	vadd.f32 v63, v3;
	v57 =	vmul.f32 v40, v53;
	v59 =	vmul.f32 v42, v53  }
0xc9: {  	v36 =	vld [tilespmem:s23+$0x190];
	v7 =	vadd.f32 v29, v7;
	v60 =	vmul.f32 v44, v53;
	v61 =	vmul.f32 v41, v53  }
0xca: {  	v38 =	vld [tilespmem:s23+$0x1A0];
	v63 =	vbroadcast v1, $0xA;
	v44 =	vmul.f32 v46, v53;
	v9 =	vadd.f32 v33, v9  }
0xcb: {  	v35 =	vld [tilespmem:s23+$0x1B0];
	v42 =	vbroadcast v1, $0xD;
	v8 =	vadd.f32 v45, v8;
	v4 =	vadd.f32 v50, v4  }
0xcc: {  	v23 =	vld [tilespmem:s23+$0x1E0];
	v2 =	vadd.f32 v51, v2;
	v5 =	vadd.f32 v52, v5;
	v45 =	vmul.f32 v47, v53  }
0xcd: {  	v12 =	vld [tilespmem:s23+$0xD0];
	v6 =	vadd.f32 v54, v6;
	v46 =	vmul.f32 v49, v63;
	v47 =	vmul.f32 v39, v63  }
0xce: {  	v29 =	vld [tilespmem:s23+$0x170];
	v3 =	vadd.f32 v55, v3;
	v32 =	vmul.f32 v32, v63;
	v49 =	vmul.f32 v48, v63  }
0xcf: {  	v40 =	vld [tilespmem:s23+$0x1C0];
	v7 =	vadd.f32 v56, v7;
	v50 =	vmul.f32 v30, v63;
	v51 =	vmul.f32 v31, v63  }
0xd0: {  	v33 =	vld [tilespmem:s23+$0x150];
	v52 =	vbroadcast v1, $0xB;
	v53 =	vmul.f32 v25, v63;
	v9 =	vadd.f32 v57, v9  }
0xd1: {  	v39 =	vld [tilespmem:s23+$0x1D0];
	v24 =	vmul.f32 v24, v63;
	v8 =	vadd.f32 v58, v8;
	v4 =	vadd.f32 v59, v4  }
0xd2: {  	v30 =	vld [tilespmem:s23+$0x1F0];
	v48 =	vmul.f32 v36, v42;
	v2 =	vadd.f32 v60, v2;
	v5 =	vadd.f32 v61, v5  }
0xd3: {  	v25 =	vld [tilespmem:s23+$0x210];
	v6 =	vadd.f32 v62, v6;
	v54 =	vmul.f32 v26, v52;
	v55 =	vmul.f32 v28, v52  }
0xd4: {  	v36 =	vld [tilespmem:s23+$0x370];
	v3 =	vadd.f32 v44, v3;
	v56 =	vmul.f32 v20, v52;
	v57 =	vmul.f32 v13, v52  }
0xd5: {  	v7 =	vadd.f32 v45, v7;
	v28 =	vld [tilespmem:s23+$0x220];
	v58 =	vmul.f32 v15, v52;
	v59 =	vbroadcast v1, $0xC  }
0xd6: {  	v20 =	vld [tilespmem:s23+$0x230];
	v61 =	vmul.f32 v14, v52;
	v62 =	vmul.f32 v17, v52;
	v9 =	vadd.f32 v46, v9  }
0xd7: {  	v13 =	vld [tilespmem:s23+$0x240];
	v60 =	vmul.f32 v12, v52;
	v8 =	vadd.f32 v47, v8;
	v4 =	vadd.f32 v32, v4  }
0xd8: {  	v14 =	vld [tilespmem:s23+$0x260];
	v2 =	vadd.f32 v49, v2;
	v5 =	vadd.f32 v50, v5;
	v63 =	vmul.f32 v19, v59  }
0xd9: {  	v17 =	vld [tilespmem:s23+$0x290];
	v6 =	vadd.f32 v51, v6;
	v22 =	vmul.f32 v22, v59;
	v26 =	vmul.f32 v18, v59  }
0xda: {  	v44 =	vld [tilespmem:s23+$0x2C0];
	v3 =	vadd.f32 v53, v3;
	v31 =	vmul.f32 v21, v59;
	v37 =	vmul.f32 v27, v59  }
0xdb: {  	v12 =	vld [tilespmem:s23+$0x280];
	v7 =	vadd.f32 v24, v7;
	v43 =	vmul.f32 v34, v59;
	v45 =	vmul.f32 v29, v59  }
0xdc: {  	v52 =	vld [tilespmem:s23+$0x2F0];
	v46 =	vmul.f32 v16, v42;
	v49 =	vmul.f32 v38, v42;
	v9 =	vadd.f32 v54, v9  }
0xdd: {  	v32 =	vld [tilespmem:s23+$0x200];
	v51 =	vmul.f32 v35, v42;
	v8 =	vadd.f32 v55, v8;
	v4 =	vadd.f32 v56, v4  }
0xde: {  	v24 =	vld [tilespmem:s23+$0x250];
	v53 =	vmul.f32 v40, v42;
	v2 =	vadd.f32 v57, v2;
	v5 =	vadd.f32 v58, v5  }
0xdf: {  	v19 =	vld [tilespmem:s23+$0x270];
	v41 =	vmul.f32 v33, v59;
	v6 =	vadd.f32 v60, v6;
	v3 =	vadd.f32 v61, v3  }
0xe0: {  	v21 =	vld [tilespmem:s23+$0x2A0];
	v7 =	vadd.f32 v62, v7;
	v55 =	vmul.f32 v39, v42;
	v56 =	vbroadcast v1, $0xE  }
0xe1: {  	v47 =	vld [tilespmem:s23+$0x2D0];
	v58 =	vmul.f32 v23, v42;
	v9 =	vadd.f32 v63, v9;
	v8 =	vadd.f32 v22, v8  }
0xe2: {  	v50 =	vld [tilespmem:s23+$0x2E0];
	v1 =	vbroadcast v1, $0xF;
	v4 =	vadd.f32 v26, v4;
	v2 =	vadd.f32 v31, v2  }
0xe3: {  	v34 =	vld [tilespmem:s23+$0x360];
	v5 =	vadd.f32 v37, v5;
	v22 =	vmul.f32 v30, v42;
	v25 =	vmul.f32 v25, v56  }
0xe4: {  	v38 =	vld [tilespmem:s23+$0x380];
	v6 =	vadd.f32 v41, v6;
	v62 =	vmul.f32 v28, v56;
	v14 =	vmul.f32 v14, v56  }
0xe5: {  	v40 =	vld [tilespmem:s23+$0x390];
	v3 =	vadd.f32 v43, v3;
	v12 =	vmul.f32 v12, v1;
	v39 =	vmul.f32 v17, v1  }
0xe6: {  	v59 =	vld [tilespmem:s23+$0x320];
	v7 =	vadd.f32 v45, v7;
	v44 =	vmul.f32 v44, v1;
	v60 =	vmul.f32 v32, v56  }
0xe7: {  	v54 =	vld [tilespmem:s23+$0x300];
	v32 =	vmul.f32 v13, v56;
	v35 =	vmul.f32 v24, v56;
	v9 =	vadd.f32 v46, v9  }
0xe8: {  	v57 =	vld [tilespmem:s23+$0x310];
	v37 =	vmul.f32 v19, v56;
	v8 =	vadd.f32 v48, v8;
	v4 =	vadd.f32 v49, v4  }
0xe9: {  	v61 =	vld [tilespmem:s23+$0x330];
	v41 =	vmul.f32 v21, v1;
	v2 =	vadd.f32 v51, v2;
	v5 =	vadd.f32 v53, v5  }
0xea: {  	v26 =	vld [tilespmem:s23+$0x2B0];
	v6 =	vadd.f32 v55, v6;
	v3 =	vadd.f32 v58, v3;
	v46 =	vmul.f32 v47, v1  }
0xeb: {  	v63 =	vld [tilespmem:s23+$0x340];
	v7 =	vadd.f32 v22, v7;
	v47 =	vbroadcast v0, $0x0;
	v49 =	vmul.f32 v50, v1  }
0xec: {  	v28 =	vld [tilespmem:s23+$0x350];
	v9 =	vadd.f32 v60, v9;
	v8 =	vadd.f32 v25, v8;
	v25 =	vmul.f32 v20, v56  }
0xed: {  	v27 =	vld [tilespmem:s23+$0x430];
	v4 =	vadd.f32 v62, v4;
	v5 =	vadd.f32 v32, v5;
	v51 =	vmul.f32 v54, v47  }
0xee: {  	v29 =	vld [tilespmem:s23+$0x440];
	v6 =	vadd.f32 v35, v6;
	v53 =	vmul.f32 v57, v47;
	v23 =	vmul.f32 v59, v47  }
0xef: {  	v42 =	vld [tilespmem:s23+$0x3A0];
	v3 =	vadd.f32 v14, v3;
	v56 =	vmul.f32 v61, v47;
	v61 =	vbroadcast v0, $0x1  }
0xf0: {  	v45 =	vld [tilespmem:s23+$0x3B0];
	v7 =	vadd.f32 v37, v7;
	v43 =	vmul.f32 v26, v1;
	v1 =	vmul.f32 v52, v1  }
0xf1: {  	v33 =	vld [tilespmem:s23+$0x460];
	v58 =	vmul.f32 v63, v47;
	v60 =	vmul.f32 v28, v47;
	v2 =	vadd.f32 v25, v2  }
0xf2: {  	v48 =	vld [tilespmem:s23+$0x3C0];
	v63 =	vmul.f32 v34, v47;
	v9 =	vadd.f32 v12, v9;
	v8 =	vadd.f32 v39, v8  }
0xf3: {  	v50 =	vld [tilespmem:s23+$0x3D0];
	v26 =	vmul.f32 v36, v47;
	v4 =	vadd.f32 v41, v4;
	v5 =	vadd.f32 v44, v5  }
0xf4: {  	v31 =	vld [tilespmem:s23+$0x450];
	v6 =	vadd.f32 v46, v6;
	v28 =	vmul.f32 v38, v61;
	v14 =	vmul.f32 v40, v61  }
0xf5: {  	v54 =	vld [tilespmem:s23+$0x3F0];
	v3 =	vadd.f32 v49, v3;
	v30 =	vmul.f32 v42, v61;
	v32 =	vmul.f32 v45, v61  }
0xf6: {  	v57 =	vld [tilespmem:s23+$0x400];
	v38 =	vbroadcast v0, $0x2;
	v0 =	vbroadcast v0, $0x3;
	v1 =	vadd.f32 v1, v7  }
0xf7: {  	v59 =	vld [tilespmem:s23+$0x410];
	v34 =	vmul.f32 v48, v61;
	v2 =	vadd.f32 v43, v2;
	v55 =	vadd.f32 v51, v9  }
0xf8: {  	v62 =	vld [tilespmem:s23+$0x420];
	v35 =	vmul.f32 v50, v61;
	v8 =	vadd.f32 v53, v8;
	v4 =	vadd.f32 v23, v4  }
0xf9: {  	v52 =	vld [tilespmem:s23+$0x3E0];
	v5 =	vadd.f32 v58, v5;
	v6 =	vadd.f32 v60, v6;
	v47 =	vmul.f32 v27, v38  }
0xfa: {  	v36 =	vld [tilespmem:s23+$0x470];
	v3 =	vadd.f32 v63, v3;
	v49 =	vmul.f32 v29, v38;
	v58 =	vmul.f32 v33, v38  }
0xfb: {  	v39 =	vld [tilespmem:s23+$0x480];
	v1 =	vadd.f32 v26, v1;
	v40 =	vmul.f32 v54, v61;
	v42 =	vmul.f32 v57, v38  }
0xfc: {  	v41 =	vld [tilespmem:s23+$0x490];
	v43 =	vmul.f32 v59, v38;
	v2 =	vadd.f32 v56, v2;
	v7 =	vadd.f32 v28, v55  }
0xfd: {  	v44 =	vld [tilespmem:s23+$0x4A0];
	v45 =	vmul.f32 v62, v38;
	v8 =	vadd.f32 v14, v8;
	v4 =	vadd.f32 v30, v4  }
0xfe: {  	v48 =	vld [tilespmem:s23+$0x4C0];
	v37 =	vmul.f32 v52, v61;
	v5 =	vadd.f32 v34, v5;
	v6 =	vadd.f32 v35, v6  }
0xff: {  	v51 =	vld [tilespmem:s23+$0x4D0];
	v52 =	vmul.f32 v31, v38;
	v59 =	vmul.f32 v36, v38;
	v1 =	vadd.f32 v40, v1  }
0x100: {  	v46 =	vld [tilespmem:s23+$0x4B0];
	v50 =	vmul.f32 v39, v0;
	v2 =	vadd.f32 v32, v2;
	v7 =	vadd.f32 v42, v7  }
0x101: {  	v54 =	vld [tilespmem:s23+$0x4E0];
	v53 =	vmul.f32 v41, v0;
	v3 =	vadd.f32 v37, v3;
	v8 =	vadd.f32 v43, v8  }
0x102: {  	v56 =	vld [tilespmem:s23+$0x4F0];
	v55 =	vmul.f32 v44, v0;
	v4 =	vadd.f32 v45, v4;
	v7 =	vadd.f32 v50, v7  }
0x103: {  	v5 =	vadd.f32 v49, v5;
	v10 =	vmul.f32 v48, v0;
	v8 =	vadd.f32 v53, v8  }
0x104: {  	v6 =	vadd.f32 v52, v6;
	v60 =	vmul.f32 v51, v0;
	v4 =	vadd.f32 v55, v4;
	[tilespmem:s25+$0x1D500] =	vst v7  }
0x105: {  	v57 =	vmul.f32 v46, v0;
	v2 =	vadd.f32 v47, v2;
	v5 =	vadd.f32 v10, v5;
	[tilespmem:s25+$0x1D510] =	vst v8  }
0x106: {  	p0 =	sne.s32 s24, $0x3E00;
	v3 =	vadd.f32 v58, v3;
	v61 =	vmul.f32 v54, v0;
	v62 =	vadd.f32 v60, v6;
	[tilespmem:s25+$0x1D520] =	vst v4  }
.Ltmp0:
0x107: {  	v1 =	vadd.f32 v59, v1;
	v0 =	vmul.f32 v56, v0;
	v2 =	vadd.f32 v57, v2;
	[tilespmem:s25+$0x1D540] =	vst v5;
	(pc) =	sbr.rel @p0 .LBB2_2-.Ltmp0, $4  }
0x108: {  	v63 =	vadd.f32 v61, v3;
	[tilespmem:s25+$0x1D550] =	vst v62  }
0x109: {  	v0 =	vadd.f32 v0, v1;
	[tilespmem:s25+$0x1D530] =	vst v2  }
0x10a: {  	[tilespmem:s25+$0x1D560] =	vst v63  }
0x10b: {  	s24 =	sadd.s32 $0x200, s24;
	s23 =	sadd.s32 $0xA00, s23;
	[tilespmem:s25+$0x1D570] =	vst v0  }
0x10c: {  	s22 =	sadd.s32 $0x1, s22  }
0x10d: {  	p0 =	sne.s32 s22, s13  }
.Ltmp1:
0x10e: {  	_ = 	snop;
	(pc) =	sbr.rel @p0 .LBB2_1-.Ltmp1, $4  }
0x10f: {  	[hbm4b:s12+s3] =	stream.linear.scatter [tilespmem:s21], [sflag:$0x6], $0x1000, $0x38;
	[tilespmem:$0x1E500] =	vst v63  }
0x110: {  	_ =	swait.ge [sflag:s14], $0x1000  }
0x111: {  	[sflag:s14] =	ssyncset.done $0x0  }
0x112: {  	[sflag:s14] =	ssyncadd.s32 $0xFFFFF000  }
0x113: {  	_ =	sfence.sel $0x180000  }
0x114: {  	[bflag:$0x0] =	sbarrier.arrive $0xFFFF  }
0x115: {  	_ =	strace $0x90000047  }
0x116: {  	s0 =	stileid.u32;
	[bflag:$0x2] =	sbarrier.arrive $0xFFFF  }
0x117: {  	p0 =	sne.s32 s0, $0x0;
	s0 =	rddreg [dreg:$0x4]  }
0x118: {  	s0 =	sadd.s32 @!p0 $0x100000, s0  }
0x119: {  	[sflag:s0] =	ssyncadd.tile.s32 @!p0 $0x1;
	_ =	shalt  }
.Lfunc_end2:
_tile_overlayer_lowered:
.L_overlay_start_2:
0x11a: {  	(tag) =	ssettag $0x2  }
0x11b: {  	s0 =	rddreg [dreg:$0x0];
	s2 =	stileid.u32  }
0x11c: {  	s1 =	rddreg [dreg:$0x1];
	p0 =	sne.s32 s2, $0x0  }
0x11d: {  	s3 =	rddreg [dreg:$0x2];
	[bflag:$0x3] =	sbarrier.arrive $0xFFFF;
	s2 =	simm.s32 @!p0 $0x1C06  }
0x11e: {  	[timem:s3], [sflag:s2] =	dma.local @!p0 [hbm:s0], s1  }
0x11f: {  	s0 =	simm.s32 @!p0 $0x6  }
0x120: {  	_ =	swait.ge @!p0 [sflag:s0], s1  }
0x121: {  	s1 =	ssub.s32 @!p0 $0x0, s1;
	[sflag:s0] =	ssyncset.done @!p0 $0x0  }
0x122: {  	[sflag:s0] =	ssyncadd.s32 @!p0 s1  }
0x123: {  	[bflag:$0x3] =	sbarrier.arrive $0xFFFF  }
0x124: {  	_ =	shalt  }

</sc_bundles>
